<compile_context>
chip_gen: v7x
topology: tpu7x:2x2x1
jax: 0.10.2.dev20260603
libtpu: 0.0.44.dev20260713+nightly
codegen_flags: <defaults>
</compile_context>

<pallas_src>
import jax
import jax.numpy as jnp
from jax import lax
from jax.experimental import pallas as pl
from jax.experimental.pallas import tpu as pltpu
from jax.experimental.pallas import tpu_sc as plsc

B = 16384
D = 64
L = 16
NC, NS = 2, 16
NW = NC * NS
BPW = B // NW
CH = 16
NCHUNK = BPW // CH


def _user_body(uid_hbm, ut_hbm, uemb_hbm,
               idx_u, sub_u, rows_u, ebuf, sems):
    wid = lax.axis_index("s") * NC + lax.axis_index("c")
    base = wid * BPW

    pltpu.sync_copy(uid_hbm.at[pl.ds(base, BPW)], idx_u)

    def prep(j, carry):
        s = pl.ds(j * L, L)
        sub_u[s] = jnp.bitwise_and(idx_u[s], 7)
        return carry

    lax.fori_loop(0, BPW // L, prep, 0)

    lane = lax.iota(jnp.int32, L)
    ut3 = ut_hbm.reshape(ut_hbm.shape[0] // 8, 8, D)

    def issue(c, buf):
        tu_vec = lax.shift_right_logical(idx_u[pl.ds(c * CH, CH)], 3)
        for j in range(CH):
            pltpu.async_copy(ut3.at[pl.ds(tu_vec[j], 1)],
                             rows_u.at[buf, pl.ds(j, 1)], sems.at[buf])

    def drain(buf):
        def one(j, carry):
            pltpu.make_async_copy(ut3.at[pl.ds(0, 1)],
                                  rows_u.at[0, pl.ds(0, 1)],
                                  sems.at[buf]).wait()
            return carry
        lax.fori_loop(0, CH, one, 0)

    def chunk_body(c, carry):
        buf = jnp.bitwise_and(c, 1)
        nbuf = jnp.bitwise_and(c + 1, 1)

        @pl.when(c + 1 < NCHUNK)
        def _():
            issue(c + 1, nbuf)

        drain(buf)

        bufv = jnp.broadcast_to(buf, (L,))
        row = lane
        s = pl.ds(c * CH, L)
        su = sub_u[s]
        erow = c * CH + lane
        for d in range(D):
            dcol = jnp.bitwise_and(lane + d, D - 1)
            u = plsc.load_gather(rows_u, [bufv, row, su, dcol])
            plsc.store_scatter(ebuf, [erow * D + dcol], u)
        return carry

    issue(0, 0)
    lax.fori_loop(0, NCHUNK, chunk_body, 0)
    pltpu.sync_copy(ebuf, uemb_hbm.at[pl.ds(base * D, BPW * D)])


def _item_body(iid_hbm, it_hbm, uemb_hbm, out_hbm,
               idx_i, sub_i, rows_i, ubuf, out_v, sems, sem_u):
    wid = lax.axis_index("s") * NC + lax.axis_index("c")
    base = wid * BPW

    pltpu.sync_copy(iid_hbm.at[pl.ds(base, BPW)], idx_i)
    cu = pltpu.async_copy(uemb_hbm.at[pl.ds(base * D, BPW * D)], ubuf, sem_u)

    def prep(j, carry):
        s = pl.ds(j * L, L)
        sub_i[s] = jnp.bitwise_and(idx_i[s], 7)
        return carry

    lax.fori_loop(0, BPW // L, prep, 0)
    cu.wait()

    lane = lax.iota(jnp.int32, L)
    it3 = it_hbm.reshape(it_hbm.shape[0] // 8, 8, D)

    def issue(c, buf):
        ti_vec = lax.shift_right_logical(idx_i[pl.ds(c * CH, CH)], 3)
        for j in range(CH):
            pltpu.async_copy(it3.at[pl.ds(ti_vec[j], 1)],
                             rows_i.at[buf, pl.ds(j, 1)], sems.at[buf])

    def drain(buf):
        def one(j, carry):
            pltpu.make_async_copy(it3.at[pl.ds(0, 1)],
                                  rows_i.at[0, pl.ds(0, 1)],
                                  sems.at[buf]).wait()
            return carry
        lax.fori_loop(0, CH, one, 0)

    def chunk_body(c, carry):
        buf = jnp.bitwise_and(c, 1)
        nbuf = jnp.bitwise_and(c + 1, 1)

        @pl.when(c + 1 < NCHUNK)
        def _():
            issue(c + 1, nbuf)

        drain(buf)

        bufv = jnp.broadcast_to(buf, (L,))
        row = lane
        s = pl.ds(c * CH, L)
        si = sub_i[s]
        erow = c * CH + lane
        acc = jnp.zeros((L,), jnp.float32)
        for d in range(D):
            dcol = jnp.bitwise_and(lane + d, D - 1)
            v = plsc.load_gather(rows_i, [bufv, row, si, dcol])
            u = plsc.load_gather(ubuf, [erow * D + dcol])
            acc = acc + u * v
        out_v[s] = acc
        return carry

    issue(0, 0)
    lax.fori_loop(0, NCHUNK, chunk_body, 0)
    pltpu.sync_copy(out_v, out_hbm.at[pl.ds(base, BPW)])


@jax.jit
def kernel(user_ids, item_ids, user_table, item_table):
    mesh = plsc.VectorSubcoreMesh(core_axis_name="c", subcore_axis_name="s",
                                  num_cores=NC, num_subcores=NS)
    user_stage = pl.kernel(
        _user_body,
        out_type=jax.ShapeDtypeStruct((B * D,), jnp.float32),
        mesh=mesh,
        compiler_params=pltpu.CompilerParams(needs_layout_passes=False,
                                             use_tc_tiling_on_sc=True),
        scratch_types=[
            pltpu.VMEM((BPW,), jnp.int32),
            pltpu.VMEM((BPW,), jnp.int32),
            pltpu.VMEM((2, CH, 8, D), jnp.float32),
            pltpu.VMEM((BPW * D,), jnp.float32),
            pltpu.SemaphoreType.DMA((2,)),
        ],
    )
    dot_stage = pl.kernel(
        _item_body,
        out_type=jax.ShapeDtypeStruct((B,), jnp.float32),
        mesh=mesh,
        compiler_params=pltpu.CompilerParams(needs_layout_passes=False,
                                             use_tc_tiling_on_sc=True),
        scratch_types=[
            pltpu.VMEM((BPW,), jnp.int32),
            pltpu.VMEM((BPW,), jnp.int32),
            pltpu.VMEM((2, CH, 8, D), jnp.float32),
            pltpu.VMEM((BPW * D,), jnp.float32),
            pltpu.VMEM((BPW,), jnp.float32),
            pltpu.SemaphoreType.DMA((2,)),
            pltpu.SemaphoreType.DMA,
        ],
    )
    u_emb = user_stage(user_ids, user_table)
    return dot_stage(item_ids, item_table, u_emb)

# --- scband reference (transcript-rebuilt; emitter-appended) ---
"""Pipeline reference for scband-simple-recommender-72980084294217 (READ-ONLY COPY).

The authoritative reference and input builder live on the scoring server;
editing this copy changes nothing except your own understanding.
"""

import jax, jax.numpy as jnp
import numpy as np

N_USERS = 1000000
N_ITEMS = 1000000
EMBED_DIM = 64
BATCH = 16384


def setup_inputs(seed: int = 0) -> dict:
    key = jax.random.key(seed)
    k1, k2, k3, k4 = jax.random.split(key, 4)
    user_ids = jax.random.randint(k1, (BATCH,), 0, N_USERS, dtype=jnp.int64) if jax.config.jax_enable_x64 else jax.random.randint(k1, (BATCH,), 0, N_USERS, dtype=jnp.int32)
    item_ids = jax.random.randint(k2, (BATCH,), 0, N_ITEMS, dtype=jnp.int32)
    user_ids = jax.random.randint(k1, (BATCH,), 0, N_USERS, dtype=jnp.int32)
    user_table = jax.random.normal(k3, (N_USERS, EMBED_DIM), dtype=jnp.float32)
    item_table = jax.random.normal(k4, (N_ITEMS, EMBED_DIM), dtype=jnp.float32)
    return {"user_ids": user_ids, "item_ids": item_ids, "user_table": user_table, "item_table": item_table}


def reference(user_ids, item_ids, user_table, item_table):
    # nn.Embedding lookup -> gather rows from the tables
    user_emb = jnp.take(user_table, user_ids, axis=0)  # [B, D]
    item_emb = jnp.take(item_table, item_ids, axis=0)  # [B, D]
    # torch.sum(user_emb * item_emb, dim=1)
    return jnp.sum(user_emb * item_emb, axis=1)  # [B]

if __name__ == "__main__":
    import jax
    _d = setup_inputs()
    print(jax.jit(kernel)(*tuple(_d.values())))

</pallas_src>

<mosaic_0001>
#map = affine_map<(d0, d1) -> (0)>
#map1 = affine_map<(d0, d1) -> (0, 0)>
module attributes {stable_mosaic.version = 14 : i64} {
  func.func @_user_body(%arg0: i32, %arg1: i32, %arg2: memref<16384xi32, #tpu.memory_space<hbm>>, %arg3: memref<1000000x64xf32, #tpu.memory_space<hbm>>, %arg4: memref<1048576xf32, #tpu.memory_space<hbm>>, %arg5: memref<512xi32, #tpu.memory_space<vmem>>, %arg6: memref<512xi32, #tpu.memory_space<vmem>>, %arg7: memref<2x16x8x64xf32, #tpu.memory_space<vmem>>, %arg8: memref<32768xf32, #tpu.memory_space<vmem>>, %arg9: memref<2x!tpu.dma_semaphore, #tpu.memory_space<semaphore_mem>>) attributes {dimension_semantics = [#tpu.dimension_semantics<core_parallel>, #tpu.dimension_semantics<subcore_parallel>], iteration_bounds = array<i64: 2, 16>, scalar_prefetch = 0 : i64, scratch_operands = 5 : i64, tpu.core_type = #tpu.core_type<sc_vector_subcore>, window_params = [{transform_indices = #map}, {transform_indices = #map1}, {transform_indices = #map}]} {
    %mul3A = arith.constant 2 : i32
    %mul3A_0 = arith.muli %arg1, %mul3A : i32
    %add3A = arith.addi %mul3A_0, %arg0 : i32
    %mul3A_1 = arith.constant 512 : i32
    %mul3A_2 = arith.muli %add3A, %mul3A_1 : i32
    "tpu.region"() ({
      %run_scoped3A = tpu.sem_alloc : memref<!tpu.dma_semaphore, #tpu.memory_space<semaphore_mem>>
      %dma_start3A_400 = tpu.memref_slice %arg2[%mul3A_2] : memref<16384xi32, #tpu.memory_space<hbm>> -> memref<512xi32, #tpu.memory_space<hbm>>
      %dma_start3A_401 = tpu.memref_slice %arg2[%mul3A_2] : memref<16384xi32, #tpu.memory_space<hbm>> -> memref<512xi32, #tpu.memory_space<hbm>>
      tpu.enqueue_dma source(%dma_start3A_401 : memref<512xi32, #tpu.memory_space<hbm>>) target(%arg5 : memref<512xi32, #tpu.memory_space<vmem>>) target_semaphore(%run_scoped3A : memref<!tpu.dma_semaphore, #tpu.memory_space<semaphore_mem>>)
      %dma_wait3A = tpu.memref_slice %arg2[%mul3A_2] : memref<16384xi32, #tpu.memory_space<hbm>> -> memref<512xi32, #tpu.memory_space<hbm>>
      %dma_wait3A_402 = tpu.memref_slice %arg2[%mul3A_2] : memref<16384xi32, #tpu.memory_space<hbm>> -> memref<512xi32, #tpu.memory_space<hbm>>
      tpu.wait_dma2 semaphore(%run_scoped3A : memref<!tpu.dma_semaphore, #tpu.memory_space<semaphore_mem>>) src(%dma_wait3A_402 : memref<512xi32, #tpu.memory_space<hbm>>) dst(%arg5 : memref<512xi32, #tpu.memory_space<vmem>>)
      tpu.yield
    }) : () -> ()
    %scan3A = arith.constant 0 : i32
    %scan3A_3 = arith.constant 0 : i32
    %scan3A_4 = arith.constant 32 : i32
    %scan3A_5 = arith.addi %scan3A_3, %scan3A_4 : i32
    %scan3A_6 = arith.constant 1 : i32
    scf.for %scan3A_400 = %scan3A_3 to %scan3A_5 step %scan3A_6  : i32 {
      %mul3A_401 = arith.constant 16 : i32
      %mul3A_402 = arith.muli %scan3A_400, %mul3A_401 : i32
      %get3A_403 = arith.index_cast %mul3A_402 : i32 to index
      %get3A_404 = tpu.vector_load %arg5[%get3A_403] {strides = array<i32>} : memref<512xi32, #tpu.memory_space<vmem>>, vector<16xi32>,
      %and3A = arith.constant 7 : i32
      %and3A_405 = vector.broadcast %and3A : i32 to vector<16xi32>
      %and3A_406 = arith.andi %get3A_404, %and3A_405 : vector<16xi32>
      %swap3A = arith.index_cast %mul3A_402 : i32 to index
      %swap3A_407 = tpu.vector_load %arg6[%swap3A] {strides = array<i32>} : memref<512xi32, #tpu.memory_space<vmem>>, vector<16xi32>,
      tpu.vector_store %arg6[%swap3A], %and3A_406 {strides = array<i32>} : memref<512xi32, #tpu.memory_space<vmem>>, vector<16xi32>,
    }
    %scan3A_7 = arith.constant 32 : i32
    %iota3A = tpu.iota {dimensions = array<i32: 0>} : vector<16xi32>
    %get3A = arith.constant 0 : index
    %get3A_8 = tpu.vector_load %arg5[%get3A] {strides = array<i32>} : memref<512xi32, #tpu.memory_space<vmem>>, vector<16xi32>,
    %shift_right_logical3A = arith.constant 3 : i32
    %shift_right_logical3A_9 = vector.broadcast %shift_right_logical3A : i32 to vector<16xi32>
    %shift_right_logical3A_10 = arith.shrui %get3A_8, %shift_right_logical3A_9 : vector<16xi32>
    %slice3A = vector.extract_strided_slice %shift_right_logical3A_10 {offsets = [0], sizes = [1], strides = [1]} : vector<16xi32> to vector<1xi32>
    %squeeze3A = vector.extract %slice3A[0] : i32 from vector<1xi32>
    %dma_start3A = arith.constant 0 : i32
    %dma_start3A_11 = arith.constant 0 : i32
    %dma_start3A_12 = arith.constant 0 : i32
    %dma_start3A_13 = arith.constant 0 : i32
    %dma_start3A_14 = arith.constant 0 : i32
    %dma_start3A_15 = tpu.memref_slice %arg7[%dma_start3A, %dma_start3A_12, %dma_start3A_13, %dma_start3A_14] : memref<2x16x8x64xf32, #tpu.memory_space<vmem>> -> memref<1x1x8x64xf32, #tpu.memory_space<vmem>>
    %dma_start3A_16 = tpu.memref_squeeze %dma_start3A_15 : memref<1x1x8x64xf32, #tpu.memory_space<vmem>> -> memref<1x8x64xf32, #tpu.memory_space<vmem>>
    %dma_start3A_17 = tpu.memref_reshape %arg3 : memref<1000000x64xf32, #tpu.memory_space<hbm>> -> memref<125000x8x64xf32, #tpu.memory_space<hbm>>
    %dma_start3A_18 = arith.constant 0 : i32
    %dma_start3A_19 = arith.constant 0 : i32
    %dma_start3A_20 = tpu.memref_slice %dma_start3A_17[%squeeze3A, %dma_start3A_18, %dma_start3A_19] : memref<125000x8x64xf32, #tpu.memory_space<hbm>> -> memref<1x8x64xf32, #tpu.memory_space<hbm>>
    %dma_start3A_21 = tpu.memref_slice %arg9[%dma_start3A_11] : memref<2x!tpu.dma_semaphore, #tpu.memory_space<semaphore_mem>> -> memref<1x!tpu.dma_semaphore, #tpu.memory_space<semaphore_mem>>
    %dma_start3A_22 = tpu.memref_squeeze %dma_start3A_21 : memref<1x!tpu.dma_semaphore, #tpu.memory_space<semaphore_mem>> -> memref<!tpu.dma_semaphore, #tpu.memory_space<semaphore_mem>>
    %dma_start3A_23 = arith.constant 0 : i32
    %dma_start3A_24 = arith.constant 0 : i32
    %dma_start3A_25 = arith.constant 0 : i32
    %dma_start3A_26 = tpu.memref_slice %arg7[%dma_start3A, %dma_start3A_23, %dma_start3A_24, %dma_start3A_25] : memref<2x16x8x64xf32, #tpu.memory_space<vmem>> -> memref<1x1x8x64xf32, #tpu.memory_space<vmem>>
    %dma_start3A_27 = tpu.memref_squeeze %dma_start3A_26 : memref<1x1x8x64xf32, #tpu.memory_space<vmem>> -> memref<1x8x64xf32, #tpu.memory_space<vmem>>
    %dma_start3A_28 = tpu.memref_reshape %arg3 : memref<1000000x64xf32, #tpu.memory_space<hbm>> -> memref<125000x8x64xf32, #tpu.memory_space<hbm>>
    %dma_start3A_29 = arith.constant 0 : i32
    %dma_start3A_30 = arith.constant 0 : i32
    %dma_start3A_31 = tpu.memref_slice %dma_start3A_28[%squeeze3A, %dma_start3A_29, %dma_start3A_30] : memref<125000x8x64xf32, #tpu.memory_space<hbm>> -> memref<1x8x64xf32, #tpu.memory_space<hbm>>
    tpu.enqueue_dma source(%dma_start3A_31 : memref<1x8x64xf32, #tpu.memory_space<hbm>>) target(%dma_start3A_27 : memref<1x8x64xf32, #tpu.memory_space<vmem>>) target_semaphore(%dma_start3A_22 : memref<!tpu.dma_semaphore, #tpu.memory_space<semaphore_mem>>)
    %slice3A_32 = vector.extract_strided_slice %shift_right_logical3A_10 {offsets = [1], sizes = [1], strides = [1]} : vector<16xi32> to vector<1xi32>
    %squeeze3A_33 = vector.extract %slice3A_32[0] : i32 from vector<1xi32>
    %dma_start3A_34 = arith.constant 0 : i32
    %dma_start3A_35 = arith.constant 0 : i32
    %dma_start3A_36 = arith.constant 1 : i32
    %dma_start3A_37 = arith.constant 0 : i32
    %dma_start3A_38 = arith.constant 0 : i32
    %dma_start3A_39 = tpu.memref_slice %arg7[%dma_start3A_34, %dma_start3A_36, %dma_start3A_37, %dma_start3A_38] : memref<2x16x8x64xf32, #tpu.memory_space<vmem>> -> memref<1x1x8x64xf32, #tpu.memory_space<vmem>>
    %dma_start3A_40 = tpu.memref_squeeze %dma_start3A_39 : memref<1x1x8x64xf32, #tpu.memory_space<vmem>> -> memref<1x8x64xf32, #tpu.memory_space<vmem>>
    %dma_start3A_41 = tpu.memref_reshape %arg3 : memref<1000000x64xf32, #tpu.memory_space<hbm>> -> memref<125000x8x64xf32, #tpu.memory_space<hbm>>
    %dma_start3A_42 = arith.constant 0 : i32
    %dma_start3A_43 = arith.constant 0 : i32
    %dma_start3A_44 = tpu.memref_slice %dma_start3A_41[%squeeze3A_33, %dma_start3A_42, %dma_start3A_43] : memref<125000x8x64xf32, #tpu.memory_space<hbm>> -> memref<1x8x64xf32, #tpu.memory_space<hbm>>
    %dma_start3A_45 = tpu.memref_slice %arg9[%dma_start3A_35] : memref<2x!tpu.dma_semaphore, #tpu.memory_space<semaphore_mem>> -> memref<1x!tpu.dma_semaphore, #tpu.memory_space<semaphore_mem>>
    %dma_start3A_46 = tpu.memref_squeeze %dma_start3A_45 : memref<1x!tpu.dma_semaphore, #tpu.memory_space<semaphore_mem>> -> memref<!tpu.dma_semaphore, #tpu.memory_space<semaphore_mem>>
    %dma_start3A_47 = arith.constant 1 : i32
    %dma_start3A_48 = arith.constant 0 : i32
    %dma_start3A_49 = arith.constant 0 : i32
    %dma_start3A_50 = tpu.memref_slice %arg7[%dma_start3A_34, %dma_start3A_47, %dma_start3A_48, %dma_start3A_49] : memref<2x16x8x64xf32, #tpu.memory_space<vmem>> -> memref<1x1x8x64xf32, #tpu.memory_space<vmem>>
    %dma_start3A_51 = tpu.memref_squeeze %dma_start3A_50 : memref<1x1x8x64xf32, #tpu.memory_space<vmem>> -> memref<1x8x64xf32, #tpu.memory_space<vmem>>
    %dma_start3A_52 = tpu.memref_reshape %arg3 : memref<1000000x64xf32, #tpu.memory_space<hbm>> -> memref<125000x8x64xf32, #tpu.memory_space<hbm>>
    %dma_start3A_53 = arith.constant 0 : i32
    %dma_start3A_54 = arith.constant 0 : i32
    %dma_start3A_55 = tpu.memref_slice %dma_start3A_52[%squeeze3A_33, %dma_start3A_53, %dma_start3A_54] : memref<125000x8x64xf32, #tpu.memory_space<hbm>> -> memref<1x8x64xf32, #tpu.memory_space<hbm>>
    tpu.enqueue_dma source(%dma_start3A_55 : memref<1x8x64xf32, #tpu.memory_space<hbm>>) target(%dma_start3A_51 : memref<1x8x64xf32, #tpu.memory_space<vmem>>) target_semaphore(%dma_start3A_46 : memref<!tpu.dma_semaphore, #tpu.memory_space<semaphore_mem>>)
    %slice3A_56 = vector.extract_strided_slice %shift_right_logical3A_10 {offsets = [2], sizes = [1], strides = [1]} : vector<16xi32> to vector<1xi32>
    %squeeze3A_57 = vector.extract %slice3A_56[0] : i32 from vector<1xi32>
    %dma_start3A_58 = arith.constant 0 : i32
    %dma_start3A_59 = arith.constant 0 : i32
    %dma_start3A_60 = arith.constant 2 : i32
    %dma_start3A_61 = arith.constant 0 : i32
    %dma_start3A_62 = arith.constant 0 : i32
    %dma_start3A_63 = tpu.memref_slice %arg7[%dma_start3A_58, %dma_start3A_60, %dma_start3A_61, %dma_start3A_62] : memref<2x16x8x64xf32, #tpu.memory_space<vmem>> -> memref<1x1x8x64xf32, #tpu.memory_space<vmem>>
    %dma_start3A_64 = tpu.memref_squeeze %dma_start3A_63 : memref<1x1x8x64xf32, #tpu.memory_space<vmem>> -> memref<1x8x64xf32, #tpu.memory_space<vmem>>
    %dma_start3A_65 = tpu.memref_reshape %arg3 : memref<1000000x64xf32, #tpu.memory_space<hbm>> -> memref<125000x8x64xf32, #tpu.memory_space<hbm>>
    %dma_start3A_66 = arith.constant 0 : i32
    %dma_start3A_67 = arith.constant 0 : i32
    %dma_start3A_68 = tpu.memref_slice %dma_start3A_65[%squeeze3A_57, %dma_start3A_66, %dma_start3A_67] : memref<125000x8x64xf32, #tpu.memory_space<hbm>> -> memref<1x8x64xf32, #tpu.memory_space<hbm>>
    %dma_start3A_69 = tpu.memref_slice %arg9[%dma_start3A_59] : memref<2x!tpu.dma_semaphore, #tpu.memory_space<semaphore_mem>> -> memref<1x!tpu.dma_semaphore, #tpu.memory_space<semaphore_mem>>
    %dma_start3A_70 = tpu.memref_squeeze %dma_start3A_69 : memref<1x!tpu.dma_semaphore, #tpu.memory_space<semaphore_mem>> -> memref<!tpu.dma_semaphore, #tpu.memory_space<semaphore_mem>>
    %dma_start3A_71 = arith.constant 2 : i32
    %dma_start3A_72 = arith.constant 0 : i32
    %dma_start3A_73 = arith.constant 0 : i32
    %dma_start3A_74 = tpu.memref_slice %arg7[%dma_start3A_58, %dma_start3A_71, %dma_start3A_72, %dma_start3A_73] : memref<2x16x8x64xf32, #tpu.memory_space<vmem>> -> memref<1x1x8x64xf32, #tpu.memory_space<vmem>>
    %dma_start3A_75 = tpu.memref_squeeze %dma_start3A_74 : memref<1x1x8x64xf32, #tpu.memory_space<vmem>> -> memref<1x8x64xf32, #tpu.memory_space<vmem>>
    %dma_start3A_76 = tpu.memref_reshape %arg3 : memref<1000000x64xf32, #tpu.memory_space<hbm>> -> memref<125000x8x64xf32, #tpu.memory_space<hbm>>
    %dma_start3A_77 = arith.constant 0 : i32
    %dma_start3A_78 = arith.constant 0 : i32
    %dma_start3A_79 = tpu.memref_slice %dma_start3A_76[%squeeze3A_57, %dma_start3A_77, %dma_start3A_78] : memref<125000x8x64xf32, #tpu.memory_space<hbm>> -> memref<1x8x64xf32, #tpu.memory_space<hbm>>
    tpu.enqueue_dma source(%dma_start3A_79 : memref<1x8x64xf32, #tpu.memory_space<hbm>>) target(%dma_start3A_75 : memref<1x8x64xf32, #tpu.memory_space<vmem>>) target_semaphore(%dma_start3A_70 : memref<!tpu.dma_semaphore, #tpu.memory_space<semaphore_mem>>)
    %slice3A_80 = vector.extract_strided_slice %shift_right_logical3A_10 {offsets = [3], sizes = [1], strides = [1]} : vector<16xi32> to vector<1xi32>
    %squeeze3A_81 = vector.extract %slice3A_80[0] : i32 from vector<1xi32>
    %dma_start3A_82 = arith.constant 0 : i32
    %dma_start3A_83 = arith.constant 0 : i32
    %dma_start3A_84 = arith.constant 3 : i32
    %dma_start3A_85 = arith.constant 0 : i32
    %dma_start3A_86 = arith.constant 0 : i32
    %dma_start3A_87 = tpu.memref_slice %arg7[%dma_start3A_82, %dma_start3A_84, %dma_start3A_85, %dma_start3A_86] : memref<2x16x8x64xf32, #tpu.memory_space<vmem>> -> memref<1x1x8x64xf32, #tpu.memory_space<vmem>>
    %dma_start3A_88 = tpu.memref_squeeze %dma_start3A_87 : memref<1x1x8x64xf32, #tpu.memory_space<vmem>> -> memref<1x8x64xf32, #tpu.memory_space<vmem>>
    %dma_start3A_89 = tpu.memref_reshape %arg3 : memref<1000000x64xf32, #tpu.memory_space<hbm>> -> memref<125000x8x64xf32, #tpu.memory_space<hbm>>
    %dma_start3A_90 = arith.constant 0 : i32
    %dma_start3A_91 = arith.constant 0 : i32
    %dma_start3A_92 = tpu.memref_slice %dma_start3A_89[%squeeze3A_81, %dma_start3A_90, %dma_start3A_91] : memref<125000x8x64xf32, #tpu.memory_space<hbm>> -> memref<1x8x64xf32, #tpu.memory_space<hbm>>
    %dma_start3A_93 = tpu.memref_slice %arg9[%dma_start3A_83] : memref<2x!tpu.dma_semaphore, #tpu.memory_space<semaphore_mem>> -> memref<1x!tpu.dma_semaphore, #tpu.memory_space<semaphore_mem>>
    %dma_start3A_94 = tpu.memref_squeeze %dma_start3A_93 : memref<1x!tpu.dma_semaphore, #tpu.memory_space<semaphore_mem>> -> memref<!tpu.dma_semaphore, #tpu.memory_space<semaphore_mem>>
    %dma_start3A_95 = arith.constant 3 : i32
    %dma_start3A_96 = arith.constant 0 : i32
    %dma_start3A_97 = arith.constant 0 : i32
    %dma_start3A_98 = tpu.memref_slice %arg7[%dma_start3A_82, %dma_start3A_95, %dma_start3A_96, %dma_start3A_97] : memref<2x16x8x64xf32, #tpu.memory_space<vmem>> -> memref<1x1x8x64xf32, #tpu.memory_space<vmem>>
    %dma_start3A_99 = tpu.memref_squeeze %dma_start3A_98 : memref<1x1x8x64xf32, #tpu.memory_space<vmem>> -> memref<1x8x64xf32, #tpu.memory_space<vmem>>
    %dma_start3A_100 = tpu.memref_reshape %arg3 : memref<1000000x64xf32, #tpu.memory_space<hbm>> -> memref<125000x8x64xf32, #tpu.memory_space<hbm>>
    %dma_start3A_101 = arith.constant 0 : i32
    %dma_start3A_102 = arith.constant 0 : i32
    %dma_start3A_103 = tpu.memref_slice %dma_start3A_100[%squeeze3A_81, %dma_start3A_101, %dma_start3A_102] : memref<125000x8x64xf32, #tpu.memory_space<hbm>> -> memref<1x8x64xf32, #tpu.memory_space<hbm>>
    tpu.enqueue_dma source(%dma_start3A_103 : memref<1x8x64xf32, #tpu.memory_space<hbm>>) target(%dma_start3A_99 : memref<1x8x64xf32, #tpu.memory_space<vmem>>) target_semaphore(%dma_start3A_94 : memref<!tpu.dma_semaphore, #tpu.memory_space<semaphore_mem>>)
    %slice3A_104 = vector.extract_strided_slice %shift_right_logical3A_10 {offsets = [4], sizes = [1], strides = [1]} : vector<16xi32> to vector<1xi32>
    %squeeze3A_105 = vector.extract %slice3A_104[0] : i32 from vector<1xi32>
    %dma_start3A_106 = arith.constant 0 : i32
    %dma_start3A_107 = arith.constant 0 : i32
    %dma_start3A_108 = arith.constant 4 : i32
    %dma_start3A_109 = arith.constant 0 : i32
    %dma_start3A_110 = arith.constant 0 : i32
    %dma_start3A_111 = tpu.memref_slice %arg7[%dma_start3A_106, %dma_start3A_108, %dma_start3A_109, %dma_start3A_110] : memref<2x16x8x64xf32, #tpu.memory_space<vmem>> -> memref<1x1x8x64xf32, #tpu.memory_space<vmem>>
    %dma_start3A_112 = tpu.memref_squeeze %dma_start3A_111 : memref<1x1x8x64xf32, #tpu.memory_space<vmem>> -> memref<1x8x64xf32, #tpu.memory_space<vmem>>
    %dma_start3A_113 = tpu.memref_reshape %arg3 : memref<1000000x64xf32, #tpu.memory_space<hbm>> -> memref<125000x8x64xf32, #tpu.memory_space<hbm>>
    %dma_start3A_114 = arith.constant 0 : i32
    %dma_start3A_115 = arith.constant 0 : i32
    %dma_start3A_116 = tpu.memref_slice %dma_start3A_113[%squeeze3A_105, %dma_start3A_114, %dma_start3A_115] : memref<125000x8x64xf32, #tpu.memory_space<hbm>> -> memref<1x8x64xf32, #tpu.memory_space<hbm>>
    %dma_start3A_117 = tpu.memref_slice %arg9[%dma_start3A_107] : memref<2x!tpu.dma_semaphore, #tpu.memory_space<semaphore_mem>> -> memref<1x!tpu.dma_semaphore, #tpu.memory_space<semaphore_mem>>
    %dma_start3A_118 = tpu.memref_squeeze %dma_start3A_117 : memref<1x!tpu.dma_semaphore, #tpu.memory_space<semaphore_mem>> -> memref<!tpu.dma_semaphore, #tpu.memory_space<semaphore_mem>>
    %dma_start3A_119 = arith.constant 4 : i32
    %dma_start3A_120 = arith.constant 0 : i32
    %dma_start3A_121 = arith.constant 0 : i32
    %dma_start3A_122 = tpu.memref_slice %arg7[%dma_start3A_106, %dma_start3A_119, %dma_start3A_120, %dma_start3A_121] : memref<2x16x8x64xf32, #tpu.memory_space<vmem>> -> memref<1x1x8x64xf32, #tpu.memory_space<vmem>>
    %dma_start3A_123 = tpu.memref_squeeze %dma_start3A_122 : memref<1x1x8x64xf32, #tpu.memory_space<vmem>> -> memref<1x8x64xf32, #tpu.memory_space<vmem>>
    %dma_start3A_124 = tpu.memref_reshape %arg3 : memref<1000000x64xf32, #tpu.memory_space<hbm>> -> memref<125000x8x64xf32, #tpu.memory_space<hbm>>
    %dma_start3A_125 = arith.constant 0 : i32
    %dma_start3A_126 = arith.constant 0 : i32
    %dma_start3A_127 = tpu.memref_slice %dma_start3A_124[%squeeze3A_105, %dma_start3A_125, %dma_start3A_126] : memref<125000x8x64xf32, #tpu.memory_space<hbm>> -> memref<1x8x64xf32, #tpu.memory_space<hbm>>
    tpu.enqueue_dma source(%dma_start3A_127 : memref<1x8x64xf32, #tpu.memory_space<hbm>>) target(%dma_start3A_123 : memref<1x8x64xf32, #tpu.memory_space<vmem>>) target_semaphore(%dma_start3A_118 : memref<!tpu.dma_semaphore, #tpu.memory_space<semaphore_mem>>)
    %slice3A_128 = vector.extract_strided_slice %shift_right_logical3A_10 {offsets = [5], sizes = [1], strides = [1]} : vector<16xi32> to vector<1xi32>
    %squeeze3A_129 = vector.extract %slice3A_128[0] : i32 from vector<1xi32>
    %dma_start3A_130 = arith.constant 0 : i32
    %dma_start3A_131 = arith.constant 0 : i32
    %dma_start3A_132 = arith.constant 5 : i32
    %dma_start3A_133 = arith.constant 0 : i32
    %dma_start3A_134 = arith.constant 0 : i32
    %dma_start3A_135 = tpu.memref_slice %arg7[%dma_start3A_130, %dma_start3A_132, %dma_start3A_133, %dma_start3A_134] : memref<2x16x8x64xf32, #tpu.memory_space<vmem>> -> memref<1x1x8x64xf32, #tpu.memory_space<vmem>>
    %dma_start3A_136 = tpu.memref_squeeze %dma_start3A_135 : memref<1x1x8x64xf32, #tpu.memory_space<vmem>> -> memref<1x8x64xf32, #tpu.memory_space<vmem>>
    %dma_start3A_137 = tpu.memref_reshape %arg3 : memref<1000000x64xf32, #tpu.memory_space<hbm>> -> memref<125000x8x64xf32, #tpu.memory_space<hbm>>
    %dma_start3A_138 = arith.constant 0 : i32
    %dma_start3A_139 = arith.constant 0 : i32
    %dma_start3A_140 = tpu.memref_slice %dma_start3A_137[%squeeze3A_129, %dma_start3A_138, %dma_start3A_139] : memref<125000x8x64xf32, #tpu.memory_space<hbm>> -> memref<1x8x64xf32, #tpu.memory_space<hbm>>
    %dma_start3A_141 = tpu.memref_slice %arg9[%dma_start3A_131] : memref<2x!tpu.dma_semaphore, #tpu.memory_space<semaphore_mem>> -> memref<1x!tpu.dma_semaphore, #tpu.memory_space<semaphore_mem>>
    %dma_start3A_142 = tpu.memref_squeeze %dma_start3A_141 : memref<1x!tpu.dma_semaphore, #tpu.memory_space<semaphore_mem>> -> memref<!tpu.dma_semaphore, #tpu.memory_space<semaphore_mem>>
    %dma_start3A_143 = arith.constant 5 : i32
    %dma_start3A_144 = arith.constant 0 : i32
    %dma_start3A_145 = arith.constant 0 : i32
    %dma_start3A_146 = tpu.memref_slice %arg7[%dma_start3A_130, %dma_start3A_143, %dma_start3A_144, %dma_start3A_145] : memref<2x16x8x64xf32, #tpu.memory_space<vmem>> -> memref<1x1x8x64xf32, #tpu.memory_space<vmem>>
    %dma_start3A_147 = tpu.memref_squeeze %dma_start3A_146 : memref<1x1x8x64xf32, #tpu.memory_space<vmem>> -> memref<1x8x64xf32, #tpu.memory_space<vmem>>
    %dma_start3A_148 = tpu.memref_reshape %arg3 : memref<1000000x64xf32, #tpu.memory_space<hbm>> -> memref<125000x8x64xf32, #tpu.memory_space<hbm>>
    %dma_start3A_149 = arith.constant 0 : i32
    %dma_start3A_150 = arith.constant 0 : i32
    %dma_start3A_151 = tpu.memref_slice %dma_start3A_148[%squeeze3A_129, %dma_start3A_149, %dma_start3A_150] : memref<125000x8x64xf32, #tpu.memory_space<hbm>> -> memref<1x8x64xf32, #tpu.memory_space<hbm>>
    tpu.enqueue_dma source(%dma_start3A_151 : memref<1x8x64xf32, #tpu.memory_space<hbm>>) target(%dma_start3A_147 : memref<1x8x64xf32, #tpu.memory_space<vmem>>) target_semaphore(%dma_start3A_142 : memref<!tpu.dma_semaphore, #tpu.memory_space<semaphore_mem>>)
    %slice3A_152 = vector.extract_strided_slice %shift_right_logical3A_10 {offsets = [6], sizes = [1], strides = [1]} : vector<16xi32> to vector<1xi32>
    %squeeze3A_153 = vector.extract %slice3A_152[0] : i32 from vector<1xi32>
    %dma_start3A_154 = arith.constant 0 : i32
    %dma_start3A_155 = arith.constant 0 : i32
    %dma_start3A_156 = arith.constant 6 : i32
    %dma_start3A_157 = arith.constant 0 : i32
    %dma_start3A_158 = arith.constant 0 : i32
    %dma_start3A_159 = tpu.memref_slice %arg7[%dma_start3A_154, %dma_start3A_156, %dma_start3A_157, %dma_start3A_158] : memref<2x16x8x64xf32, #tpu.memory_space<vmem>> -> memref<1x1x8x64xf32, #tpu.memory_space<vmem>>
    %dma_start3A_160 = tpu.memref_squeeze %dma_start3A_159 : memref<1x1x8x64xf32, #tpu.memory_space<vmem>> -> memref<1x8x64xf32, #tpu.memory_space<vmem>>
    %dma_start3A_161 = tpu.memref_reshape %arg3 : memref<1000000x64xf32, #tpu.memory_space<hbm>> -> memref<125000x8x64xf32, #tpu.memory_space<hbm>>
    %dma_start3A_162 = arith.constant 0 : i32
    %dma_start3A_163 = arith.constant 0 : i32
    %dma_start3A_164 = tpu.memref_slice %dma_start3A_161[%squeeze3A_153, %dma_start3A_162, %dma_start3A_163] : memref<125000x8x64xf32, #tpu.memory_space<hbm>> -> memref<1x8x64xf32, #tpu.memory_space<hbm>>
    %dma_start3A_165 = tpu.memref_slice %arg9[%dma_start3A_155] : memref<2x!tpu.dma_semaphore, #tpu.memory_space<semaphore_mem>> -> memref<1x!tpu.dma_semaphore, #tpu.memory_space<semaphore_mem>>
    %dma_start3A_166 = tpu.memref_squeeze %dma_start3A_165 : memref<1x!tpu.dma_semaphore, #tpu.memory_space<semaphore_mem>> -> memref<!tpu.dma_semaphore, #tpu.memory_space<semaphore_mem>>
    %dma_start3A_167 = arith.constant 6 : i32
    %dma_start3A_168 = arith.constant 0 : i32
    %dma_start3A_169 = arith.constant 0 : i32
    %dma_start3A_170 = tpu.memref_slice %arg7[%dma_start3A_154, %dma_start3A_167, %dma_start3A_168, %dma_start3A_169] : memref<2x16x8x64xf32, #tpu.memory_space<vmem>> -> memref<1x1x8x64xf32, #tpu.memory_space<vmem>>
    %dma_start3A_171 = tpu.memref_squeeze %dma_start3A_170 : memref<1x1x8x64xf32, #tpu.memory_space<vmem>> -> memref<1x8x64xf32, #tpu.memory_space<vmem>>
    %dma_start3A_172 = tpu.memref_reshape %arg3 : memref<1000000x64xf32, #tpu.memory_space<hbm>> -> memref<125000x8x64xf32, #tpu.memory_space<hbm>>
    %dma_start3A_173 = arith.constant 0 : i32
    %dma_start3A_174 = arith.constant 0 : i32
    %dma_start3A_175 = tpu.memref_slice %dma_start3A_172[%squeeze3A_153, %dma_start3A_173, %dma_start3A_174] : memref<125000x8x64xf32, #tpu.memory_space<hbm>> -> memref<1x8x64xf32, #tpu.memory_space<hbm>>
    tpu.enqueue_dma source(%dma_start3A_175 : memref<1x8x64xf32, #tpu.memory_space<hbm>>) target(%dma_start3A_171 : memref<1x8x64xf32, #tpu.memory_space<vmem>>) target_semaphore(%dma_start3A_166 : memref<!tpu.dma_semaphore, #tpu.memory_space<semaphore_mem>>)
    %slice3A_176 = vector.extract_strided_slice %shift_right_logical3A_10 {offsets = [7], sizes = [1], strides = [1]} : vector<16xi32> to vector<1xi32>
    %squeeze3A_177 = vector.extract %slice3A_176[0] : i32 from vector<1xi32>
    %dma_start3A_178 = arith.constant 0 : i32
    %dma_start3A_179 = arith.constant 0 : i32
    %dma_start3A_180 = arith.constant 7 : i32
    %dma_start3A_181 = arith.constant 0 : i32
    %dma_start3A_182 = arith.constant 0 : i32
    %dma_start3A_183 = tpu.memref_slice %arg7[%dma_start3A_178, %dma_start3A_180, %dma_start3A_181, %dma_start3A_182] : memref<2x16x8x64xf32, #tpu.memory_space<vmem>> -> memref<1x1x8x64xf32, #tpu.memory_space<vmem>>
    %dma_start3A_184 = tpu.memref_squeeze %dma_start3A_183 : memref<1x1x8x64xf32, #tpu.memory_space<vmem>> -> memref<1x8x64xf32, #tpu.memory_space<vmem>>
    %dma_start3A_185 = tpu.memref_reshape %arg3 : memref<1000000x64xf32, #tpu.memory_space<hbm>> -> memref<125000x8x64xf32, #tpu.memory_space<hbm>>
    %dma_start3A_186 = arith.constant 0 : i32
    %dma_start3A_187 = arith.constant 0 : i32
    %dma_start3A_188 = tpu.memref_slice %dma_start3A_185[%squeeze3A_177, %dma_start3A_186, %dma_start3A_187] : memref<125000x8x64xf32, #tpu.memory_space<hbm>> -> memref<1x8x64xf32, #tpu.memory_space<hbm>>
    %dma_start3A_189 = tpu.memref_slice %arg9[%dma_start3A_179] : memref<2x!tpu.dma_semaphore, #tpu.memory_space<semaphore_mem>> -> memref<1x!tpu.dma_semaphore, #tpu.memory_space<semaphore_mem>>
    %dma_start3A_190 = tpu.memref_squeeze %dma_start3A_189 : memref<1x!tpu.dma_semaphore, #tpu.memory_space<semaphore_mem>> -> memref<!tpu.dma_semaphore, #tpu.memory_space<semaphore_mem>>
    %dma_start3A_191 = arith.constant 7 : i32
    %dma_start3A_192 = arith.constant 0 : i32
    %dma_start3A_193 = arith.constant 0 : i32
    %dma_start3A_194 = tpu.memref_slice %arg7[%dma_start3A_178, %dma_start3A_191, %dma_start3A_192, %dma_start3A_193] : memref<2x16x8x64xf32, #tpu.memory_space<vmem>> -> memref<1x1x8x64xf32, #tpu.memory_space<vmem>>
    %dma_start3A_195 = tpu.memref_squeeze %dma_start3A_194 : memref<1x1x8x64xf32, #tpu.memory_space<vmem>> -> memref<1x8x64xf32, #tpu.memory_space<vmem>>
    %dma_start3A_196 = tpu.memref_reshape %arg3 : memref<1000000x64xf32, #tpu.memory_space<hbm>> -> memref<125000x8x64xf32, #tpu.memory_space<hbm>>
    %dma_start3A_197 = arith.constant 0 : i32
    %dma_start3A_198 = arith.constant 0 : i32
    %dma_start3A_199 = tpu.memref_slice %dma_start3A_196[%squeeze3A_177, %dma_start3A_197, %dma_start3A_198] : memref<125000x8x64xf32, #tpu.memory_space<hbm>> -> memref<1x8x64xf32, #tpu.memory_space<hbm>>
    tpu.enqueue_dma source(%dma_start3A_199 : memref<1x8x64xf32, #tpu.memory_space<hbm>>) target(%dma_start3A_195 : memref<1x8x64xf32, #tpu.memory_space<vmem>>) target_semaphore(%dma_start3A_190 : memref<!tpu.dma_semaphore, #tpu.memory_space<semaphore_mem>>)
    %slice3A_200 = vector.extract_strided_slice %shift_right_logical3A_10 {offsets = [8], sizes = [1], strides = [1]} : vector<16xi32> to vector<1xi32>
    %squeeze3A_201 = vector.extract %slice3A_200[0] : i32 from vector<1xi32>
    %dma_start3A_202 = arith.constant 0 : i32
    %dma_start3A_203 = arith.constant 0 : i32
    %dma_start3A_204 = arith.constant 8 : i32
    %dma_start3A_205 = arith.constant 0 : i32
    %dma_start3A_206 = arith.constant 0 : i32
    %dma_start3A_207 = tpu.memref_slice %arg7[%dma_start3A_202, %dma_start3A_204, %dma_start3A_205, %dma_start3A_206] : memref<2x16x8x64xf32, #tpu.memory_space<vmem>> -> memref<1x1x8x64xf32, #tpu.memory_space<vmem>>
    %dma_start3A_208 = tpu.memref_squeeze %dma_start3A_207 : memref<1x1x8x64xf32, #tpu.memory_space<vmem>> -> memref<1x8x64xf32, #tpu.memory_space<vmem>>
    %dma_start3A_209 = tpu.memref_reshape %arg3 : memref<1000000x64xf32, #tpu.memory_space<hbm>> -> memref<125000x8x64xf32, #tpu.memory_space<hbm>>
    %dma_start3A_210 = arith.constant 0 : i32
    %dma_start3A_211 = arith.constant 0 : i32
    %dma_start3A_212 = tpu.memref_slice %dma_start3A_209[%squeeze3A_201, %dma_start3A_210, %dma_start3A_211] : memref<125000x8x64xf32, #tpu.memory_space<hbm>> -> memref<1x8x64xf32, #tpu.memory_space<hbm>>
    %dma_start3A_213 = tpu.memref_slice %arg9[%dma_start3A_203] : memref<2x!tpu.dma_semaphore, #tpu.memory_space<semaphore_mem>> -> memref<1x!tpu.dma_semaphore, #tpu.memory_space<semaphore_mem>>
    %dma_start3A_214 = tpu.memref_squeeze %dma_start3A_213 : memref<1x!tpu.dma_semaphore, #tpu.memory_space<semaphore_mem>> -> memref<!tpu.dma_semaphore, #tpu.memory_space<semaphore_mem>>
    %dma_start3A_215 = arith.constant 8 : i32
    %dma_start3A_216 = arith.constant 0 : i32
    %dma_start3A_217 = arith.constant 0 : i32
    %dma_start3A_218 = tpu.memref_slice %arg7[%dma_start3A_202, %dma_start3A_215, %dma_start3A_216, %dma_start3A_217] : memref<2x16x8x64xf32, #tpu.memory_space<vmem>> -> memref<1x1x8x64xf32, #tpu.memory_space<vmem>>
    %dma_start3A_219 = tpu.memref_squeeze %dma_start3A_218 : memref<1x1x8x64xf32, #tpu.memory_space<vmem>> -> memref<1x8x64xf32, #tpu.memory_space<vmem>>
    %dma_start3A_220 = tpu.memref_reshape %arg3 : memref<1000000x64xf32, #tpu.memory_space<hbm>> -> memref<125000x8x64xf32, #tpu.memory_space<hbm>>
    %dma_start3A_221 = arith.constant 0 : i32
    %dma_start3A_222 = arith.constant 0 : i32
    %dma_start3A_223 = tpu.memref_slice %dma_start3A_220[%squeeze3A_201, %dma_start3A_221, %dma_start3A_222] : memref<125000x8x64xf32, #tpu.memory_space<hbm>> -> memref<1x8x64xf32, #tpu.memory_space<hbm>>
    tpu.enqueue_dma source(%dma_start3A_223 : memref<1x8x64xf32, #tpu.memory_space<hbm>>) target(%dma_start3A_219 : memref<1x8x64xf32, #tpu.memory_space<vmem>>) target_semaphore(%dma_start3A_214 : memref<!tpu.dma_semaphore, #tpu.memory_space<semaphore_mem>>)
    %slice3A_224 = vector.extract_strided_slice %shift_right_logical3A_10 {offsets = [9], sizes = [1], strides = [1]} : vector<16xi32> to vector<1xi32>
    %squeeze3A_225 = vector.extract %slice3A_224[0] : i32 from vector<1xi32>
    %dma_start3A_226 = arith.constant 0 : i32
    %dma_start3A_227 = arith.constant 0 : i32
    %dma_start3A_228 = arith.constant 9 : i32
    %dma_start3A_229 = arith.constant 0 : i32
    %dma_start3A_230 = arith.constant 0 : i32
    %dma_start3A_231 = tpu.memref_slice %arg7[%dma_start3A_226, %dma_start3A_228, %dma_start3A_229, %dma_start3A_230] : memref<2x16x8x64xf32, #tpu.memory_space<vmem>> -> memref<1x1x8x64xf32, #tpu.memory_space<vmem>>
    %dma_start3A_232 = tpu.memref_squeeze %dma_start3A_231 : memref<1x1x8x64xf32, #tpu.memory_space<vmem>> -> memref<1x8x64xf32, #tpu.memory_space<vmem>>
    %dma_start3A_233 = tpu.memref_reshape %arg3 : memref<1000000x64xf32, #tpu.memory_space<hbm>> -> memref<125000x8x64xf32, #tpu.memory_space<hbm>>
    %dma_start3A_234 = arith.constant 0 : i32
    %dma_start3A_235 = arith.constant 0 : i32
    %dma_start3A_236 = tpu.memref_slice %dma_start3A_233[%squeeze3A_225, %dma_start3A_234, %dma_start3A_235] : memref<125000x8x64xf32, #tpu.memory_space<hbm>> -> memref<1x8x64xf32, #tpu.memory_space<hbm>>
    %dma_start3A_237 = tpu.memref_slice %arg9[%dma_start3A_227] : memref<2x!tpu.dma_semaphore, #tpu.memory_space<semaphore_mem>> -> memref<1x!tpu.dma_semaphore, #tpu.memory_space<semaphore_mem>>
    %dma_start3A_238 = tpu.memref_squeeze %dma_start3A_237 : memref<1x!tpu.dma_semaphore, #tpu.memory_space<semaphore_mem>> -> memref<!tpu.dma_semaphore, #tpu.memory_space<semaphore_mem>>
    %dma_start3A_239 = arith.constant 9 : i32
    %dma_start3A_240 = arith.constant 0 : i32
    %dma_start3A_241 = arith.constant 0 : i32
    %dma_start3A_242 = tpu.memref_slice %arg7[%dma_start3A_226, %dma_start3A_239, %dma_start3A_240, %dma_start3A_241] : memref<2x16x8x64xf32, #tpu.memory_space<vmem>> -> memref<1x1x8x64xf32, #tpu.memory_space<vmem>>
    %dma_start3A_243 = tpu.memref_squeeze %dma_start3A_242 : memref<1x1x8x64xf32, #tpu.memory_space<vmem>> -> memref<1x8x64xf32, #tpu.memory_space<vmem>>
    %dma_start3A_244 = tpu.memref_reshape %arg3 : memref<1000000x64xf32, #tpu.memory_space<hbm>> -> memref<125000x8x64xf32, #tpu.memory_space<hbm>>
    %dma_start3A_245 = arith.constant 0 : i32
    %dma_start3A_246 = arith.constant 0 : i32
    %dma_start3A_247 = tpu.memref_slice %dma_start3A_244[%squeeze3A_225, %dma_start3A_245, %dma_start3A_246] : memref<125000x8x64xf32, #tpu.memory_space<hbm>> -> memref<1x8x64xf32, #tpu.memory_space<hbm>>
    tpu.enqueue_dma source(%dma_start3A_247 : memref<1x8x64xf32, #tpu.memory_space<hbm>>) target(%dma_start3A_243 : memref<1x8x64xf32, #tpu.memory_space<vmem>>) target_semaphore(%dma_start3A_238 : memref<!tpu.dma_semaphore, #tpu.memory_space<semaphore_mem>>)
    %slice3A_248 = vector.extract_strided_slice %shift_right_logical3A_10 {offsets = [10], sizes = [1], strides = [1]} : vector<16xi32> to vector<1xi32>
    %squeeze3A_249 = vector.extract %slice3A_248[0] : i32 from vector<1xi32>
    %dma_start3A_250 = arith.constant 0 : i32
    %dma_start3A_251 = arith.constant 0 : i32
    %dma_start3A_252 = arith.constant 10 : i32
    %dma_start3A_253 = arith.constant 0 : i32
    %dma_start3A_254 = arith.constant 0 : i32
    %dma_start3A_255 = tpu.memref_slice %arg7[%dma_start3A_250, %dma_start3A_252, %dma_start3A_253, %dma_start3A_254] : memref<2x16x8x64xf32, #tpu.memory_space<vmem>> -> memref<1x1x8x64xf32, #tpu.memory_space<vmem>>
    %dma_start3A_256 = tpu.memref_squeeze %dma_start3A_255 : memref<1x1x8x64xf32, #tpu.memory_space<vmem>> -> memref<1x8x64xf32, #tpu.memory_space<vmem>>
    %dma_start3A_257 = tpu.memref_reshape %arg3 : memref<1000000x64xf32, #tpu.memory_space<hbm>> -> memref<125000x8x64xf32, #tpu.memory_space<hbm>>
    %dma_start3A_258 = arith.constant 0 : i32
    %dma_start3A_259 = arith.constant 0 : i32
    %dma_start3A_260 = tpu.memref_slice %dma_start3A_257[%squeeze3A_249, %dma_start3A_258, %dma_start3A_259] : memref<125000x8x64xf32, #tpu.memory_space<hbm>> -> memref<1x8x64xf32, #tpu.memory_space<hbm>>
    %dma_start3A_261 = tpu.memref_slice %arg9[%dma_start3A_251] : memref<2x!tpu.dma_semaphore, #tpu.memory_space<semaphore_mem>> -> memref<1x!tpu.dma_semaphore, #tpu.memory_space<semaphore_mem>>
    %dma_start3A_262 = tpu.memref_squeeze %dma_start3A_261 : memref<1x!tpu.dma_semaphore, #tpu.memory_space<semaphore_mem>> -> memref<!tpu.dma_semaphore, #tpu.memory_space<semaphore_mem>>
    %dma_start3A_263 = arith.constant 10 : i32
    %dma_start3A_264 = arith.constant 0 : i32
    %dma_start3A_265 = arith.constant 0 : i32
    %dma_start3A_266 = tpu.memref_slice %arg7[%dma_start3A_250, %dma_start3A_263, %dma_start3A_264, %dma_start3A_265] : memref<2x16x8x64xf32, #tpu.memory_space<vmem>> -> memref<1x1x8x64xf32, #tpu.memory_space<vmem>>
    %dma_start3A_267 = tpu.memref_squeeze %dma_start3A_266 : memref<1x1x8x64xf32, #tpu.memory_space<vmem>> -> memref<1x8x64xf32, #tpu.memory_space<vmem>>
    %dma_start3A_268 = tpu.memref_reshape %arg3 : memref<1000000x64xf32, #tpu.memory_space<hbm>> -> memref<125000x8x64xf32, #tpu.memory_space<hbm>>
    %dma_start3A_269 = arith.constant 0 : i32
    %dma_start3A_270 = arith.constant 0 : i32
    %dma_start3A_271 = tpu.memref_slice %dma_start3A_268[%squeeze3A_249, %dma_start3A_269, %dma_start3A_270] : memref<125000x8x64xf32, #tpu.memory_space<hbm>> -> memref<1x8x64xf32, #tpu.memory_space<hbm>>
    tpu.enqueue_dma source(%dma_start3A_271 : memref<1x8x64xf32, #tpu.memory_space<hbm>>) target(%dma_start3A_267 : memref<1x8x64xf32, #tpu.memory_space<vmem>>) target_semaphore(%dma_start3A_262 : memref<!tpu.dma_semaphore, #tpu.memory_space<semaphore_mem>>)
    %slice3A_272 = vector.extract_strided_slice %shift_right_logical3A_10 {offsets = [11], sizes = [1], strides = [1]} : vector<16xi32> to vector<1xi32>
    %squeeze3A_273 = vector.extract %slice3A_272[0] : i32 from vector<1xi32>
    %dma_start3A_274 = arith.constant 0 : i32
    %dma_start3A_275 = arith.constant 0 : i32
    %dma_start3A_276 = arith.constant 11 : i32
    %dma_start3A_277 = arith.constant 0 : i32
    %dma_start3A_278 = arith.constant 0 : i32
    %dma_start3A_279 = tpu.memref_slice %arg7[%dma_start3A_274, %dma_start3A_276, %dma_start3A_277, %dma_start3A_278] : memref<2x16x8x64xf32, #tpu.memory_space<vmem>> -> memref<1x1x8x64xf32, #tpu.memory_space<vmem>>
    %dma_start3A_280 = tpu.memref_squeeze %dma_start3A_279 : memref<1x1x8x64xf32, #tpu.memory_space<vmem>> -> memref<1x8x64xf32, #tpu.memory_space<vmem>>
    %dma_start3A_281 = tpu.memref_reshape %arg3 : memref<1000000x64xf32, #tpu.memory_space<hbm>> -> memref<125000x8x64xf32, #tpu.memory_space<hbm>>
    %dma_start3A_282 = arith.constant 0 : i32
    %dma_start3A_283 = arith.constant 0 : i32
    %dma_start3A_284 = tpu.memref_slice %dma_start3A_281[%squeeze3A_273, %dma_start3A_282, %dma_start3A_283] : memref<125000x8x64xf32, #tpu.memory_space<hbm>> -> memref<1x8x64xf32, #tpu.memory_space<hbm>>
    %dma_start3A_285 = tpu.memref_slice %arg9[%dma_start3A_275] : memref<2x!tpu.dma_semaphore, #tpu.memory_space<semaphore_mem>> -> memref<1x!tpu.dma_semaphore, #tpu.memory_space<semaphore_mem>>
    %dma_start3A_286 = tpu.memref_squeeze %dma_start3A_285 : memref<1x!tpu.dma_semaphore, #tpu.memory_space<semaphore_mem>> -> memref<!tpu.dma_semaphore, #tpu.memory_space<semaphore_mem>>
    %dma_start3A_287 = arith.constant 11 : i32
    %dma_start3A_288 = arith.constant 0 : i32
    %dma_start3A_289 = arith.constant 0 : i32
    %dma_start3A_290 = tpu.memref_slice %arg7[%dma_start3A_274, %dma_start3A_287, %dma_start3A_288, %dma_start3A_289] : memref<2x16x8x64xf32, #tpu.memory_space<vmem>> -> memref<1x1x8x64xf32, #tpu.memory_space<vmem>>
    %dma_start3A_291 = tpu.memref_squeeze %dma_start3A_290 : memref<1x1x8x64xf32, #tpu.memory_space<vmem>> -> memref<1x8x64xf32, #tpu.memory_space<vmem>>
    %dma_start3A_292 = tpu.memref_reshape %arg3 : memref<1000000x64xf32, #tpu.memory_space<hbm>> -> memref<125000x8x64xf32, #tpu.memory_space<hbm>>
    %dma_start3A_293 = arith.constant 0 : i32
    %dma_start3A_294 = arith.constant 0 : i32
    %dma_start3A_295 = tpu.memref_slice %dma_start3A_292[%squeeze3A_273, %dma_start3A_293, %dma_start3A_294] : memref<125000x8x64xf32, #tpu.memory_space<hbm>> -> memref<1x8x64xf32, #tpu.memory_space<hbm>>
    tpu.enqueue_dma source(%dma_start3A_295 : memref<1x8x64xf32, #tpu.memory_space<hbm>>) target(%dma_start3A_291 : memref<1x8x64xf32, #tpu.memory_space<vmem>>) target_semaphore(%dma_start3A_286 : memref<!tpu.dma_semaphore, #tpu.memory_space<semaphore_mem>>)
    %slice3A_296 = vector.extract_strided_slice %shift_right_logical3A_10 {offsets = [12], sizes = [1], strides = [1]} : vector<16xi32> to vector<1xi32>
    %squeeze3A_297 = vector.extract %slice3A_296[0] : i32 from vector<1xi32>
    %dma_start3A_298 = arith.constant 0 : i32
    %dma_start3A_299 = arith.constant 0 : i32
    %dma_start3A_300 = arith.constant 12 : i32
    %dma_start3A_301 = arith.constant 0 : i32
    %dma_start3A_302 = arith.constant 0 : i32
    %dma_start3A_303 = tpu.memref_slice %arg7[%dma_start3A_298, %dma_start3A_300, %dma_start3A_301, %dma_start3A_302] : memref<2x16x8x64xf32, #tpu.memory_space<vmem>> -> memref<1x1x8x64xf32, #tpu.memory_space<vmem>>
    %dma_start3A_304 = tpu.memref_squeeze %dma_start3A_303 : memref<1x1x8x64xf32, #tpu.memory_space<vmem>> -> memref<1x8x64xf32, #tpu.memory_space<vmem>>
    %dma_start3A_305 = tpu.memref_reshape %arg3 : memref<1000000x64xf32, #tpu.memory_space<hbm>> -> memref<125000x8x64xf32, #tpu.memory_space<hbm>>
    %dma_start3A_306 = arith.constant 0 : i32
    %dma_start3A_307 = arith.constant 0 : i32
    %dma_start3A_308 = tpu.memref_slice %dma_start3A_305[%squeeze3A_297, %dma_start3A_306, %dma_start3A_307] : memref<125000x8x64xf32, #tpu.memory_space<hbm>> -> memref<1x8x64xf32, #tpu.memory_space<hbm>>
    %dma_start3A_309 = tpu.memref_slice %arg9[%dma_start3A_299] : memref<2x!tpu.dma_semaphore, #tpu.memory_space<semaphore_mem>> -> memref<1x!tpu.dma_semaphore, #tpu.memory_space<semaphore_mem>>
    %dma_start3A_310 = tpu.memref_squeeze %dma_start3A_309 : memref<1x!tpu.dma_semaphore, #tpu.memory_space<semaphore_mem>> -> memref<!tpu.dma_semaphore, #tpu.memory_space<semaphore_mem>>
    %dma_start3A_311 = arith.constant 12 : i32
    %dma_start3A_312 = arith.constant 0 : i32
    %dma_start3A_313 = arith.constant 0 : i32
    %dma_start3A_314 = tpu.memref_slice %arg7[%dma_start3A_298, %dma_start3A_311, %dma_start3A_312, %dma_start3A_313] : memref<2x16x8x64xf32, #tpu.memory_space<vmem>> -> memref<1x1x8x64xf32, #tpu.memory_space<vmem>>
    %dma_start3A_315 = tpu.memref_squeeze %dma_start3A_314 : memref<1x1x8x64xf32, #tpu.memory_space<vmem>> -> memref<1x8x64xf32, #tpu.memory_space<vmem>>
    %dma_start3A_316 = tpu.memref_reshape %arg3 : memref<1000000x64xf32, #tpu.memory_space<hbm>> -> memref<125000x8x64xf32, #tpu.memory_space<hbm>>
    %dma_start3A_317 = arith.constant 0 : i32
    %dma_start3A_318 = arith.constant 0 : i32
    %dma_start3A_319 = tpu.memref_slice %dma_start3A_316[%squeeze3A_297, %dma_start3A_317, %dma_start3A_318] : memref<125000x8x64xf32, #tpu.memory_space<hbm>> -> memref<1x8x64xf32, #tpu.memory_space<hbm>>
    tpu.enqueue_dma source(%dma_start3A_319 : memref<1x8x64xf32, #tpu.memory_space<hbm>>) target(%dma_start3A_315 : memref<1x8x64xf32, #tpu.memory_space<vmem>>) target_semaphore(%dma_start3A_310 : memref<!tpu.dma_semaphore, #tpu.memory_space<semaphore_mem>>)
    %slice3A_320 = vector.extract_strided_slice %shift_right_logical3A_10 {offsets = [13], sizes = [1], strides = [1]} : vector<16xi32> to vector<1xi32>
    %squeeze3A_321 = vector.extract %slice3A_320[0] : i32 from vector<1xi32>
    %dma_start3A_322 = arith.constant 0 : i32
    %dma_start3A_323 = arith.constant 0 : i32
    %dma_start3A_324 = arith.constant 13 : i32
    %dma_start3A_325 = arith.constant 0 : i32
    %dma_start3A_326 = arith.constant 0 : i32
    %dma_start3A_327 = tpu.memref_slice %arg7[%dma_start3A_322, %dma_start3A_324, %dma_start3A_325, %dma_start3A_326] : memref<2x16x8x64xf32, #tpu.memory_space<vmem>> -> memref<1x1x8x64xf32, #tpu.memory_space<vmem>>
    %dma_start3A_328 = tpu.memref_squeeze %dma_start3A_327 : memref<1x1x8x64xf32, #tpu.memory_space<vmem>> -> memref<1x8x64xf32, #tpu.memory_space<vmem>>
    %dma_start3A_329 = tpu.memref_reshape %arg3 : memref<1000000x64xf32, #tpu.memory_space<hbm>> -> memref<125000x8x64xf32, #tpu.memory_space<hbm>>
    %dma_start3A_330 = arith.constant 0 : i32
    %dma_start3A_331 = arith.constant 0 : i32
    %dma_start3A_332 = tpu.memref_slice %dma_start3A_329[%squeeze3A_321, %dma_start3A_330, %dma_start3A_331] : memref<125000x8x64xf32, #tpu.memory_space<hbm>> -> memref<1x8x64xf32, #tpu.memory_space<hbm>>
    %dma_start3A_333 = tpu.memref_slice %arg9[%dma_start3A_323] : memref<2x!tpu.dma_semaphore, #tpu.memory_space<semaphore_mem>> -> memref<1x!tpu.dma_semaphore, #tpu.memory_space<semaphore_mem>>
    %dma_start3A_334 = tpu.memref_squeeze %dma_start3A_333 : memref<1x!tpu.dma_semaphore, #tpu.memory_space<semaphore_mem>> -> memref<!tpu.dma_semaphore, #tpu.memory_space<semaphore_mem>>
    %dma_start3A_335 = arith.constant 13 : i32
    %dma_start3A_336 = arith.constant 0 : i32
    %dma_start3A_337 = arith.constant 0 : i32
    %dma_start3A_338 = tpu.memref_slice %arg7[%dma_start3A_322, %dma_start3A_335, %dma_start3A_336, %dma_start3A_337] : memref<2x16x8x64xf32, #tpu.memory_space<vmem>> -> memref<1x1x8x64xf32, #tpu.memory_space<vmem>>
    %dma_start3A_339 = tpu.memref_squeeze %dma_start3A_338 : memref<1x1x8x64xf32, #tpu.memory_space<vmem>> -> memref<1x8x64xf32, #tpu.memory_space<vmem>>
    %dma_start3A_340 = tpu.memref_reshape %arg3 : memref<1000000x64xf32, #tpu.memory_space<hbm>> -> memref<125000x8x64xf32, #tpu.memory_space<hbm>>
    %dma_start3A_341 = arith.constant 0 : i32
    %dma_start3A_342 = arith.constant 0 : i32
    %dma_start3A_343 = tpu.memref_slice %dma_start3A_340[%squeeze3A_321, %dma_start3A_341, %dma_start3A_342] : memref<125000x8x64xf32, #tpu.memory_space<hbm>> -> memref<1x8x64xf32, #tpu.memory_space<hbm>>
    tpu.enqueue_dma source(%dma_start3A_343 : memref<1x8x64xf32, #tpu.memory_space<hbm>>) target(%dma_start3A_339 : memref<1x8x64xf32, #tpu.memory_space<vmem>>) target_semaphore(%dma_start3A_334 : memref<!tpu.dma_semaphore, #tpu.memory_space<semaphore_mem>>)
    %slice3A_344 = vector.extract_strided_slice %shift_right_logical3A_10 {offsets = [14], sizes = [1], strides = [1]} : vector<16xi32> to vector<1xi32>
    %squeeze3A_345 = vector.extract %slice3A_344[0] : i32 from vector<1xi32>
    %dma_start3A_346 = arith.constant 0 : i32
    %dma_start3A_347 = arith.constant 0 : i32
    %dma_start3A_348 = arith.constant 14 : i32
    %dma_start3A_349 = arith.constant 0 : i32
    %dma_start3A_350 = arith.constant 0 : i32
    %dma_start3A_351 = tpu.memref_slice %arg7[%dma_start3A_346, %dma_start3A_348, %dma_start3A_349, %dma_start3A_350] : memref<2x16x8x64xf32, #tpu.memory_space<vmem>> -> memref<1x1x8x64xf32, #tpu.memory_space<vmem>>
    %dma_start3A_352 = tpu.memref_squeeze %dma_start3A_351 : memref<1x1x8x64xf32, #tpu.memory_space<vmem>> -> memref<1x8x64xf32, #tpu.memory_space<vmem>>
    %dma_start3A_353 = tpu.memref_reshape %arg3 : memref<1000000x64xf32, #tpu.memory_space<hbm>> -> memref<125000x8x64xf32, #tpu.memory_space<hbm>>
    %dma_start3A_354 = arith.constant 0 : i32
    %dma_start3A_355 = arith.constant 0 : i32
    %dma_start3A_356 = tpu.memref_slice %dma_start3A_353[%squeeze3A_345, %dma_start3A_354, %dma_start3A_355] : memref<125000x8x64xf32, #tpu.memory_space<hbm>> -> memref<1x8x64xf32, #tpu.memory_space<hbm>>
    %dma_start3A_357 = tpu.memref_slice %arg9[%dma_start3A_347] : memref<2x!tpu.dma_semaphore, #tpu.memory_space<semaphore_mem>> -> memref<1x!tpu.dma_semaphore, #tpu.memory_space<semaphore_mem>>
    %dma_start3A_358 = tpu.memref_squeeze %dma_start3A_357 : memref<1x!tpu.dma_semaphore, #tpu.memory_space<semaphore_mem>> -> memref<!tpu.dma_semaphore, #tpu.memory_space<semaphore_mem>>
    %dma_start3A_359 = arith.constant 14 : i32
    %dma_start3A_360 = arith.constant 0 : i32
    %dma_start3A_361 = arith.constant 0 : i32
    %dma_start3A_362 = tpu.memref_slice %arg7[%dma_start3A_346, %dma_start3A_359, %dma_start3A_360, %dma_start3A_361] : memref<2x16x8x64xf32, #tpu.memory_space<vmem>> -> memref<1x1x8x64xf32, #tpu.memory_space<vmem>>
    %dma_start3A_363 = tpu.memref_squeeze %dma_start3A_362 : memref<1x1x8x64xf32, #tpu.memory_space<vmem>> -> memref<1x8x64xf32, #tpu.memory_space<vmem>>
    %dma_start3A_364 = tpu.memref_reshape %arg3 : memref<1000000x64xf32, #tpu.memory_space<hbm>> -> memref<125000x8x64xf32, #tpu.memory_space<hbm>>
    %dma_start3A_365 = arith.constant 0 : i32
    %dma_start3A_366 = arith.constant 0 : i32
    %dma_start3A_367 = tpu.memref_slice %dma_start3A_364[%squeeze3A_345, %dma_start3A_365, %dma_start3A_366] : memref<125000x8x64xf32, #tpu.memory_space<hbm>> -> memref<1x8x64xf32, #tpu.memory_space<hbm>>
    tpu.enqueue_dma source(%dma_start3A_367 : memref<1x8x64xf32, #tpu.memory_space<hbm>>) target(%dma_start3A_363 : memref<1x8x64xf32, #tpu.memory_space<vmem>>) target_semaphore(%dma_start3A_358 : memref<!tpu.dma_semaphore, #tpu.memory_space<semaphore_mem>>)
    %slice3A_368 = vector.extract_strided_slice %shift_right_logical3A_10 {offsets = [15], sizes = [1], strides = [1]} : vector<16xi32> to vector<1xi32>
    %squeeze3A_369 = vector.extract %slice3A_368[0] : i32 from vector<1xi32>
    %dma_start3A_370 = arith.constant 0 : i32
    %dma_start3A_371 = arith.constant 0 : i32
    %dma_start3A_372 = arith.constant 15 : i32
    %dma_start3A_373 = arith.constant 0 : i32
    %dma_start3A_374 = arith.constant 0 : i32
    %dma_start3A_375 = tpu.memref_slice %arg7[%dma_start3A_370, %dma_start3A_372, %dma_start3A_373, %dma_start3A_374] : memref<2x16x8x64xf32, #tpu.memory_space<vmem>> -> memref<1x1x8x64xf32, #tpu.memory_space<vmem>>
    %dma_start3A_376 = tpu.memref_squeeze %dma_start3A_375 : memref<1x1x8x64xf32, #tpu.memory_space<vmem>> -> memref<1x8x64xf32, #tpu.memory_space<vmem>>
    %dma_start3A_377 = tpu.memref_reshape %arg3 : memref<1000000x64xf32, #tpu.memory_space<hbm>> -> memref<125000x8x64xf32, #tpu.memory_space<hbm>>
    %dma_start3A_378 = arith.constant 0 : i32
    %dma_start3A_379 = arith.constant 0 : i32
    %dma_start3A_380 = tpu.memref_slice %dma_start3A_377[%squeeze3A_369, %dma_start3A_378, %dma_start3A_379] : memref<125000x8x64xf32, #tpu.memory_space<hbm>> -> memref<1x8x64xf32, #tpu.memory_space<hbm>>
    %dma_start3A_381 = tpu.memref_slice %arg9[%dma_start3A_371] : memref<2x!tpu.dma_semaphore, #tpu.memory_space<semaphore_mem>> -> memref<1x!tpu.dma_semaphore, #tpu.memory_space<semaphore_mem>>
    %dma_start3A_382 = tpu.memref_squeeze %dma_start3A_381 : memref<1x!tpu.dma_semaphore, #tpu.memory_space<semaphore_mem>> -> memref<!tpu.dma_semaphore, #tpu.memory_space<semaphore_mem>>
    %dma_start3A_383 = arith.constant 15 : i32
    %dma_start3A_384 = arith.constant 0 : i32
    %dma_start3A_385 = arith.constant 0 : i32
    %dma_start3A_386 = tpu.memref_slice %arg7[%dma_start3A_370, %dma_start3A_383, %dma_start3A_384, %dma_start3A_385] : memref<2x16x8x64xf32, #tpu.memory_space<vmem>> -> memref<1x1x8x64xf32, #tpu.memory_space<vmem>>
    %dma_start3A_387 = tpu.memref_squeeze %dma_start3A_386 : memref<1x1x8x64xf32, #tpu.memory_space<vmem>> -> memref<1x8x64xf32, #tpu.memory_space<vmem>>
    %dma_start3A_388 = tpu.memref_reshape %arg3 : memref<1000000x64xf32, #tpu.memory_space<hbm>> -> memref<125000x8x64xf32, #tpu.memory_space<hbm>>
    %dma_start3A_389 = arith.constant 0 : i32
    %dma_start3A_390 = arith.constant 0 : i32
    %dma_start3A_391 = tpu.memref_slice %dma_start3A_388[%squeeze3A_369, %dma_start3A_389, %dma_start3A_390] : memref<125000x8x64xf32, #tpu.memory_space<hbm>> -> memref<1x8x64xf32, #tpu.memory_space<hbm>>
    tpu.enqueue_dma source(%dma_start3A_391 : memref<1x8x64xf32, #tpu.memory_space<hbm>>) target(%dma_start3A_387 : memref<1x8x64xf32, #tpu.memory_space<vmem>>) target_semaphore(%dma_start3A_382 : memref<!tpu.dma_semaphore, #tpu.memory_space<semaphore_mem>>)
    %scan3A_392 = arith.constant 0 : i32
    %scan3A_393 = arith.constant 0 : i32
    %scan3A_394 = arith.constant 32 : i32
    %scan3A_395 = arith.addi %scan3A_393, %scan3A_394 : i32
    %scan3A_396 = arith.constant 1 : i32
    scf.for %scan3A_400 = %scan3A_393 to %scan3A_395 step %scan3A_396  : i32 {
      %and3A = arith.constant 1 : i32
      %and3A_401 = arith.andi %scan3A_400, %and3A : i32
      %add3A_402 = arith.constant 1 : i32
      %add3A_403 = arith.addi %scan3A_400, %add3A_402 : i32
      %and3A_404 = arith.constant 1 : i32
      %and3A_405 = arith.andi %add3A_403, %and3A_404 : i32
      %add3A_406 = arith.constant 1 : i32
      %add3A_407 = arith.addi %scan3A_400, %add3A_406 : i32
      %lt3A = arith.constant 32 : i32
      %lt3A_408 = arith.cmpi slt, %add3A_407, %lt3A : i32
      %convert_element_type3A = arith.extui %lt3A_408 : i1 to i32
      %cond3A = arith.constant 0 : i32
      %cond3A_409 = arith.cmpi ne, %convert_element_type3A, %cond3A : i32
      scf.if %cond3A_409 {
        %add3A_1127 = arith.constant 1 : i32
        %add3A_1128 = arith.addi %scan3A_400, %add3A_1127 : i32
        %mul3A_1129 = arith.constant 16 : i32
        %mul3A_1130 = arith.muli %add3A_1128, %mul3A_1129 : i32
        %get3A_1131 = arith.index_cast %mul3A_1130 : i32 to index
        %get3A_1132 = tpu.vector_load %arg5[%get3A_1131] {strides = array<i32>} : memref<512xi32, #tpu.memory_space<vmem>>, vector<16xi32>,
        %shift_right_logical3A_1133 = arith.constant 3 : i32
        %shift_right_logical3A_1134 = vector.broadcast %shift_right_logical3A_1133 : i32 to vector<16xi32>
        %shift_right_logical3A_1135 = arith.shrui %get3A_1132, %shift_right_logical3A_1134 : vector<16xi32>
        %slice3A_1136 = vector.extract_strided_slice %shift_right_logical3A_1135 {offsets = [0], sizes = [1], strides = [1]} : vector<16xi32> to vector<1xi32>
        %squeeze3A_1137 = vector.extract %slice3A_1136[0] : i32 from vector<1xi32>
        %dma_start3A_1138 = arith.constant 0 : i32
        %dma_start3A_1139 = arith.constant 0 : i32
        %dma_start3A_1140 = arith.constant 0 : i32
        %dma_start3A_1141 = tpu.memref_slice %arg7[%and3A_405, %dma_start3A_1138, %dma_start3A_1139, %dma_start3A_1140] : memref<2x16x8x64xf32, #tpu.memory_space<vmem>> -> memref<1x1x8x64xf32, #tpu.memory_space<vmem>>
        %dma_start3A_1142 = tpu.memref_squeeze %dma_start3A_1141 : memref<1x1x8x64xf32, #tpu.memory_space<vmem>> -> memref<1x8x64xf32, #tpu.memory_space<vmem>>
        %dma_start3A_1143 = tpu.memref_reshape %arg3 : memref<1000000x64xf32, #tpu.memory_space<hbm>> -> memref<125000x8x64xf32, #tpu.memory_space<hbm>>
        %dma_start3A_1144 = arith.constant 0 : i32
        %dma_start3A_1145 = arith.constant 0 : i32
        %dma_start3A_1146 = tpu.memref_slice %dma_start3A_1143[%squeeze3A_1137, %dma_start3A_1144, %dma_start3A_1145] : memref<125000x8x64xf32, #tpu.memory_space<hbm>> -> memref<1x8x64xf32, #tpu.memory_space<hbm>>
        %dma_start3A_1147 = tpu.memref_slice %arg9[%and3A_405] : memref<2x!tpu.dma_semaphore, #tpu.memory_space<semaphore_mem>> -> memref<1x!tpu.dma_semaphore, #tpu.memory_space<semaphore_mem>>
        %dma_start3A_1148 = tpu.memref_squeeze %dma_start3A_1147 : memref<1x!tpu.dma_semaphore, #tpu.memory_space<semaphore_mem>> -> memref<!tpu.dma_semaphore, #tpu.memory_space<semaphore_mem>>
        %dma_start3A_1149 = arith.constant 0 : i32
        %dma_start3A_1150 = arith.constant 0 : i32
        %dma_start3A_1151 = arith.constant 0 : i32
        %dma_start3A_1152 = tpu.memref_slice %arg7[%and3A_405, %dma_start3A_1149, %dma_start3A_1150, %dma_start3A_1151] : memref<2x16x8x64xf32, #tpu.memory_space<vmem>> -> memref<1x1x8x64xf32, #tpu.memory_space<vmem>>
        %dma_start3A_1153 = tpu.memref_squeeze %dma_start3A_1152 : memref<1x1x8x64xf32, #tpu.memory_space<vmem>> -> memref<1x8x64xf32, #tpu.memory_space<vmem>>
        %dma_start3A_1154 = tpu.memref_reshape %arg3 : memref<1000000x64xf32, #tpu.memory_space<hbm>> -> memref<125000x8x64xf32, #tpu.memory_space<hbm>>
        %dma_start3A_1155 = arith.constant 0 : i32
        %dma_start3A_1156 = arith.constant 0 : i32
        %dma_start3A_1157 = tpu.memref_slice %dma_start3A_1154[%squeeze3A_1137, %dma_start3A_1155, %dma_start3A_1156] : memref<125000x8x64xf32, #tpu.memory_space<hbm>> -> memref<1x8x64xf32, #tpu.memory_space<hbm>>
        tpu.enqueue_dma source(%dma_start3A_1157 : memref<1x8x64xf32, #tpu.memory_space<hbm>>) target(%dma_start3A_1153 : memref<1x8x64xf32, #tpu.memory_space<vmem>>) target_semaphore(%dma_start3A_1148 : memref<!tpu.dma_semaphore, #tpu.memory_space<semaphore_mem>>)
        %slice3A_1158 = vector.extract_strided_slice %shift_right_logical3A_1135 {offsets = [1], sizes = [1], strides = [1]} : vector<16xi32> to vector<1xi32>
        %squeeze3A_1159 = vector.extract %slice3A_1158[0] : i32 from vector<1xi32>
        %dma_start3A_1160 = arith.constant 1 : i32
        %dma_start3A_1161 = arith.constant 0 : i32
        %dma_start3A_1162 = arith.constant 0 : i32
        %dma_start3A_1163 = tpu.memref_slice %arg7[%and3A_405, %dma_start3A_1160, %dma_start3A_1161, %dma_start3A_1162] : memref<2x16x8x64xf32, #tpu.memory_space<vmem>> -> memref<1x1x8x64xf32, #tpu.memory_space<vmem>>
        %dma_start3A_1164 = tpu.memref_squeeze %dma_start3A_1163 : memref<1x1x8x64xf32, #tpu.memory_space<vmem>> -> memref<1x8x64xf32, #tpu.memory_space<vmem>>
        %dma_start3A_1165 = tpu.memref_reshape %arg3 : memref<1000000x64xf32, #tpu.memory_space<hbm>> -> memref<125000x8x64xf32, #tpu.memory_space<hbm>>
        %dma_start3A_1166 = arith.constant 0 : i32
        %dma_start3A_1167 = arith.constant 0 : i32
        %dma_start3A_1168 = tpu.memref_slice %dma_start3A_1165[%squeeze3A_1159, %dma_start3A_1166, %dma_start3A_1167] : memref<125000x8x64xf32, #tpu.memory_space<hbm>> -> memref<1x8x64xf32, #tpu.memory_space<hbm>>
        %dma_start3A_1169 = tpu.memref_slice %arg9[%and3A_405] : memref<2x!tpu.dma_semaphore, #tpu.memory_space<semaphore_mem>> -> memref<1x!tpu.dma_semaphore, #tpu.memory_space<semaphore_mem>>
        %dma_start3A_1170 = tpu.memref_squeeze %dma_start3A_1169 : memref<1x!tpu.dma_semaphore, #tpu.memory_space<semaphore_mem>> -> memref<!tpu.dma_semaphore, #tpu.memory_space<semaphore_mem>>
        %dma_start3A_1171 = arith.constant 1 : i32
        %dma_start3A_1172 = arith.constant 0 : i32
        %dma_start3A_1173 = arith.constant 0 : i32
        %dma_start3A_1174 = tpu.memref_slice %arg7[%and3A_405, %dma_start3A_1171, %dma_start3A_1172, %dma_start3A_1173] : memref<2x16x8x64xf32, #tpu.memory_space<vmem>> -> memref<1x1x8x64xf32, #tpu.memory_space<vmem>>
        %dma_start3A_1175 = tpu.memref_squeeze %dma_start3A_1174 : memref<1x1x8x64xf32, #tpu.memory_space<vmem>> -> memref<1x8x64xf32, #tpu.memory_space<vmem>>
        %dma_start3A_1176 = tpu.memref_reshape %arg3 : memref<1000000x64xf32, #tpu.memory_space<hbm>> -> memref<125000x8x64xf32, #tpu.memory_space<hbm>>
        %dma_start3A_1177 = arith.constant 0 : i32
        %dma_start3A_1178 = arith.constant 0 : i32
        %dma_start3A_1179 = tpu.memref_slice %dma_start3A_1176[%squeeze3A_1159, %dma_start3A_1177, %dma_start3A_1178] : memref<125000x8x64xf32, #tpu.memory_space<hbm>> -> memref<1x8x64xf32, #tpu.memory_space<hbm>>
        tpu.enqueue_dma source(%dma_start3A_1179 : memref<1x8x64xf32, #tpu.memory_space<hbm>>) target(%dma_start3A_1175 : memref<1x8x64xf32, #tpu.memory_space<vmem>>) target_semaphore(%dma_start3A_1170 : memref<!tpu.dma_semaphore, #tpu.memory_space<semaphore_mem>>)
        %slice3A_1180 = vector.extract_strided_slice %shift_right_logical3A_1135 {offsets = [2], sizes = [1], strides = [1]} : vector<16xi32> to vector<1xi32>
        %squeeze3A_1181 = vector.extract %slice3A_1180[0] : i32 from vector<1xi32>
        %dma_start3A_1182 = arith.constant 2 : i32
        %dma_start3A_1183 = arith.constant 0 : i32
        %dma_start3A_1184 = arith.constant 0 : i32
        %dma_start3A_1185 = tpu.memref_slice %arg7[%and3A_405, %dma_start3A_1182, %dma_start3A_1183, %dma_start3A_1184] : memref<2x16x8x64xf32, #tpu.memory_space<vmem>> -> memref<1x1x8x64xf32, #tpu.memory_space<vmem>>
        %dma_start3A_1186 = tpu.memref_squeeze %dma_start3A_1185 : memref<1x1x8x64xf32, #tpu.memory_space<vmem>> -> memref<1x8x64xf32, #tpu.memory_space<vmem>>
        %dma_start3A_1187 = tpu.memref_reshape %arg3 : memref<1000000x64xf32, #tpu.memory_space<hbm>> -> memref<125000x8x64xf32, #tpu.memory_space<hbm>>
        %dma_start3A_1188 = arith.constant 0 : i32
        %dma_start3A_1189 = arith.constant 0 : i32
        %dma_start3A_1190 = tpu.memref_slice %dma_start3A_1187[%squeeze3A_1181, %dma_start3A_1188, %dma_start3A_1189] : memref<125000x8x64xf32, #tpu.memory_space<hbm>> -> memref<1x8x64xf32, #tpu.memory_space<hbm>>
        %dma_start3A_1191 = tpu.memref_slice %arg9[%and3A_405] : memref<2x!tpu.dma_semaphore, #tpu.memory_space<semaphore_mem>> -> memref<1x!tpu.dma_semaphore, #tpu.memory_space<semaphore_mem>>
        %dma_start3A_1192 = tpu.memref_squeeze %dma_start3A_1191 : memref<1x!tpu.dma_semaphore, #tpu.memory_space<semaphore_mem>> -> memref<!tpu.dma_semaphore, #tpu.memory_space<semaphore_mem>>
        %dma_start3A_1193 = arith.constant 2 : i32
        %dma_start3A_1194 = arith.constant 0 : i32
        %dma_start3A_1195 = arith.constant 0 : i32
        %dma_start3A_1196 = tpu.memref_slice %arg7[%and3A_405, %dma_start3A_1193, %dma_start3A_1194, %dma_start3A_1195] : memref<2x16x8x64xf32, #tpu.memory_space<vmem>> -> memref<1x1x8x64xf32, #tpu.memory_space<vmem>>
        %dma_start3A_1197 = tpu.memref_squeeze %dma_start3A_1196 : memref<1x1x8x64xf32, #tpu.memory_space<vmem>> -> memref<1x8x64xf32, #tpu.memory_space<vmem>>
        %dma_start3A_1198 = tpu.memref_reshape %arg3 : memref<1000000x64xf32, #tpu.memory_space<hbm>> -> memref<125000x8x64xf32, #tpu.memory_space<hbm>>
        %dma_start3A_1199 = arith.constant 0 : i32
        %dma_start3A_1200 = arith.constant 0 : i32
        %dma_start3A_1201 = tpu.memref_slice %dma_start3A_1198[%squeeze3A_1181, %dma_start3A_1199, %dma_start3A_1200] : memref<125000x8x64xf32, #tpu.memory_space<hbm>> -> memref<1x8x64xf32, #tpu.memory_space<hbm>>
        tpu.enqueue_dma source(%dma_start3A_1201 : memref<1x8x64xf32, #tpu.memory_space<hbm>>) target(%dma_start3A_1197 : memref<1x8x64xf32, #tpu.memory_space<vmem>>) target_semaphore(%dma_start3A_1192 : memref<!tpu.dma_semaphore, #tpu.memory_space<semaphore_mem>>)
        %slice3A_1202 = vector.extract_strided_slice %shift_right_logical3A_1135 {offsets = [3], sizes = [1], strides = [1]} : vector<16xi32> to vector<1xi32>
        %squeeze3A_1203 = vector.extract %slice3A_1202[0] : i32 from vector<1xi32>
        %dma_start3A_1204 = arith.constant 3 : i32
        %dma_start3A_1205 = arith.constant 0 : i32
        %dma_start3A_1206 = arith.constant 0 : i32
        %dma_start3A_1207 = tpu.memref_slice %arg7[%and3A_405, %dma_start3A_1204, %dma_start3A_1205, %dma_start3A_1206] : memref<2x16x8x64xf32, #tpu.memory_space<vmem>> -> memref<1x1x8x64xf32, #tpu.memory_space<vmem>>
        %dma_start3A_1208 = tpu.memref_squeeze %dma_start3A_1207 : memref<1x1x8x64xf32, #tpu.memory_space<vmem>> -> memref<1x8x64xf32, #tpu.memory_space<vmem>>
        %dma_start3A_1209 = tpu.memref_reshape %arg3 : memref<1000000x64xf32, #tpu.memory_space<hbm>> -> memref<125000x8x64xf32, #tpu.memory_space<hbm>>
        %dma_start3A_1210 = arith.constant 0 : i32
        %dma_start3A_1211 = arith.constant 0 : i32
        %dma_start3A_1212 = tpu.memref_slice %dma_start3A_1209[%squeeze3A_1203, %dma_start3A_1210, %dma_start3A_1211] : memref<125000x8x64xf32, #tpu.memory_space<hbm>> -> memref<1x8x64xf32, #tpu.memory_space<hbm>>
        %dma_start3A_1213 = tpu.memref_slice %arg9[%and3A_405] : memref<2x!tpu.dma_semaphore, #tpu.memory_space<semaphore_mem>> -> memref<1x!tpu.dma_semaphore, #tpu.memory_space<semaphore_mem>>
        %dma_start3A_1214 = tpu.memref_squeeze %dma_start3A_1213 : memref<1x!tpu.dma_semaphore, #tpu.memory_space<semaphore_mem>> -> memref<!tpu.dma_semaphore, #tpu.memory_space<semaphore_mem>>
        %dma_start3A_1215 = arith.constant 3 : i32
        %dma_start3A_1216 = arith.constant 0 : i32
        %dma_start3A_1217 = arith.constant 0 : i32
        %dma_start3A_1218 = tpu.memref_slice %arg7[%and3A_405, %dma_start3A_1215, %dma_start3A_1216, %dma_start3A_1217] : memref<2x16x8x64xf32, #tpu.memory_space<vmem>> -> memref<1x1x8x64xf32, #tpu.memory_space<vmem>>
        %dma_start3A_1219 = tpu.memref_squeeze %dma_start3A_1218 : memref<1x1x8x64xf32, #tpu.memory_space<vmem>> -> memref<1x8x64xf32, #tpu.memory_space<vmem>>
        %dma_start3A_1220 = tpu.memref_reshape %arg3 : memref<1000000x64xf32, #tpu.memory_space<hbm>> -> memref<125000x8x64xf32, #tpu.memory_space<hbm>>
        %dma_start3A_1221 = arith.constant 0 : i32
        %dma_start3A_1222 = arith.constant 0 : i32
        %dma_start3A_1223 = tpu.memref_slice %dma_start3A_1220[%squeeze3A_1203, %dma_start3A_1221, %dma_start3A_1222] : memref<125000x8x64xf32, #tpu.memory_space<hbm>> -> memref<1x8x64xf32, #tpu.memory_space<hbm>>
        tpu.enqueue_dma source(%dma_start3A_1223 : memref<1x8x64xf32, #tpu.memory_space<hbm>>) target(%dma_start3A_1219 : memref<1x8x64xf32, #tpu.memory_space<vmem>>) target_semaphore(%dma_start3A_1214 : memref<!tpu.dma_semaphore, #tpu.memory_space<semaphore_mem>>)
        %slice3A_1224 = vector.extract_strided_slice %shift_right_logical3A_1135 {offsets = [4], sizes = [1], strides = [1]} : vector<16xi32> to vector<1xi32>
        %squeeze3A_1225 = vector.extract %slice3A_1224[0] : i32 from vector<1xi32>
        %dma_start3A_1226 = arith.constant 4 : i32
        %dma_start3A_1227 = arith.constant 0 : i32
        %dma_start3A_1228 = arith.constant 0 : i32
        %dma_start3A_1229 = tpu.memref_slice %arg7[%and3A_405, %dma_start3A_1226, %dma_start3A_1227, %dma_start3A_1228] : memref<2x16x8x64xf32, #tpu.memory_space<vmem>> -> memref<1x1x8x64xf32, #tpu.memory_space<vmem>>
        %dma_start3A_1230 = tpu.memref_squeeze %dma_start3A_1229 : memref<1x1x8x64xf32, #tpu.memory_space<vmem>> -> memref<1x8x64xf32, #tpu.memory_space<vmem>>
        %dma_start3A_1231 = tpu.memref_reshape %arg3 : memref<1000000x64xf32, #tpu.memory_space<hbm>> -> memref<125000x8x64xf32, #tpu.memory_space<hbm>>
        %dma_start3A_1232 = arith.constant 0 : i32
        %dma_start3A_1233 = arith.constant 0 : i32
        %dma_start3A_1234 = tpu.memref_slice %dma_start3A_1231[%squeeze3A_1225, %dma_start3A_1232, %dma_start3A_1233] : memref<125000x8x64xf32, #tpu.memory_space<hbm>> -> memref<1x8x64xf32, #tpu.memory_space<hbm>>
        %dma_start3A_1235 = tpu.memref_slice %arg9[%and3A_405] : memref<2x!tpu.dma_semaphore, #tpu.memory_space<semaphore_mem>> -> memref<1x!tpu.dma_semaphore, #tpu.memory_space<semaphore_mem>>
        %dma_start3A_1236 = tpu.memref_squeeze %dma_start3A_1235 : memref<1x!tpu.dma_semaphore, #tpu.memory_space<semaphore_mem>> -> memref<!tpu.dma_semaphore, #tpu.memory_space<semaphore_mem>>
        %dma_start3A_1237 = arith.constant 4 : i32
        %dma_start3A_1238 = arith.constant 0 : i32
        %dma_start3A_1239 = arith.constant 0 : i32
        %dma_start3A_1240 = tpu.memref_slice %arg7[%and3A_405, %dma_start3A_1237, %dma_start3A_1238, %dma_start3A_1239] : memref<2x16x8x64xf32, #tpu.memory_space<vmem>> -> memref<1x1x8x64xf32, #tpu.memory_space<vmem>>
        %dma_start3A_1241 = tpu.memref_squeeze %dma_start3A_1240 : memref<1x1x8x64xf32, #tpu.memory_space<vmem>> -> memref<1x8x64xf32, #tpu.memory_space<vmem>>
        %dma_start3A_1242 = tpu.memref_reshape %arg3 : memref<1000000x64xf32, #tpu.memory_space<hbm>> -> memref<125000x8x64xf32, #tpu.memory_space<hbm>>
        %dma_start3A_1243 = arith.constant 0 : i32
        %dma_start3A_1244 = arith.constant 0 : i32
        %dma_start3A_1245 = tpu.memref_slice %dma_start3A_1242[%squeeze3A_1225, %dma_start3A_1243, %dma_start3A_1244] : memref<125000x8x64xf32, #tpu.memory_space<hbm>> -> memref<1x8x64xf32, #tpu.memory_space<hbm>>
        tpu.enqueue_dma source(%dma_start3A_1245 : memref<1x8x64xf32, #tpu.memory_space<hbm>>) target(%dma_start3A_1241 : memref<1x8x64xf32, #tpu.memory_space<vmem>>) target_semaphore(%dma_start3A_1236 : memref<!tpu.dma_semaphore, #tpu.memory_space<semaphore_mem>>)
        %slice3A_1246 = vector.extract_strided_slice %shift_right_logical3A_1135 {offsets = [5], sizes = [1], strides = [1]} : vector<16xi32> to vector<1xi32>
        %squeeze3A_1247 = vector.extract %slice3A_1246[0] : i32 from vector<1xi32>
        %dma_start3A_1248 = arith.constant 5 : i32
        %dma_start3A_1249 = arith.constant 0 : i32
        %dma_start3A_1250 = arith.constant 0 : i32
        %dma_start3A_1251 = tpu.memref_slice %arg7[%and3A_405, %dma_start3A_1248, %dma_start3A_1249, %dma_start3A_1250] : memref<2x16x8x64xf32, #tpu.memory_space<vmem>> -> memref<1x1x8x64xf32, #tpu.memory_space<vmem>>
        %dma_start3A_1252 = tpu.memref_squeeze %dma_start3A_1251 : memref<1x1x8x64xf32, #tpu.memory_space<vmem>> -> memref<1x8x64xf32, #tpu.memory_space<vmem>>
        %dma_start3A_1253 = tpu.memref_reshape %arg3 : memref<1000000x64xf32, #tpu.memory_space<hbm>> -> memref<125000x8x64xf32, #tpu.memory_space<hbm>>
        %dma_start3A_1254 = arith.constant 0 : i32
        %dma_start3A_1255 = arith.constant 0 : i32
        %dma_start3A_1256 = tpu.memref_slice %dma_start3A_1253[%squeeze3A_1247, %dma_start3A_1254, %dma_start3A_1255] : memref<125000x8x64xf32, #tpu.memory_space<hbm>> -> memref<1x8x64xf32, #tpu.memory_space<hbm>>
        %dma_start3A_1257 = tpu.memref_slice %arg9[%and3A_405] : memref<2x!tpu.dma_semaphore, #tpu.memory_space<semaphore_mem>> -> memref<1x!tpu.dma_semaphore, #tpu.memory_space<semaphore_mem>>
        %dma_start3A_1258 = tpu.memref_squeeze %dma_start3A_1257 : memref<1x!tpu.dma_semaphore, #tpu.memory_space<semaphore_mem>> -> memref<!tpu.dma_semaphore, #tpu.memory_space<semaphore_mem>>
        %dma_start3A_1259 = arith.constant 5 : i32
        %dma_start3A_1260 = arith.constant 0 : i32
        %dma_start3A_1261 = arith.constant 0 : i32
        %dma_start3A_1262 = tpu.memref_slice %arg7[%and3A_405, %dma_start3A_1259, %dma_start3A_1260, %dma_start3A_1261] : memref<2x16x8x64xf32, #tpu.memory_space<vmem>> -> memref<1x1x8x64xf32, #tpu.memory_space<vmem>>
        %dma_start3A_1263 = tpu.memref_squeeze %dma_start3A_1262 : memref<1x1x8x64xf32, #tpu.memory_space<vmem>> -> memref<1x8x64xf32, #tpu.memory_space<vmem>>
        %dma_start3A_1264 = tpu.memref_reshape %arg3 : memref<1000000x64xf32, #tpu.memory_space<hbm>> -> memref<125000x8x64xf32, #tpu.memory_space<hbm>>
        %dma_start3A_1265 = arith.constant 0 : i32
        %dma_start3A_1266 = arith.constant 0 : i32
        %dma_start3A_1267 = tpu.memref_slice %dma_start3A_1264[%squeeze3A_1247, %dma_start3A_1265, %dma_start3A_1266] : memref<125000x8x64xf32, #tpu.memory_space<hbm>> -> memref<1x8x64xf32, #tpu.memory_space<hbm>>
        tpu.enqueue_dma source(%dma_start3A_1267 : memref<1x8x64xf32, #tpu.memory_space<hbm>>) target(%dma_start3A_1263 : memref<1x8x64xf32, #tpu.memory_space<vmem>>) target_semaphore(%dma_start3A_1258 : memref<!tpu.dma_semaphore, #tpu.memory_space<semaphore_mem>>)
        %slice3A_1268 = vector.extract_strided_slice %shift_right_logical3A_1135 {offsets = [6], sizes = [1], strides = [1]} : vector<16xi32> to vector<1xi32>
        %squeeze3A_1269 = vector.extract %slice3A_1268[0] : i32 from vector<1xi32>
        %dma_start3A_1270 = arith.constant 6 : i32
        %dma_start3A_1271 = arith.constant 0 : i32
        %dma_start3A_1272 = arith.constant 0 : i32
        %dma_start3A_1273 = tpu.memref_slice %arg7[%and3A_405, %dma_start3A_1270, %dma_start3A_1271, %dma_start3A_1272] : memref<2x16x8x64xf32, #tpu.memory_space<vmem>> -> memref<1x1x8x64xf32, #tpu.memory_space<vmem>>
        %dma_start3A_1274 = tpu.memref_squeeze %dma_start3A_1273 : memref<1x1x8x64xf32, #tpu.memory_space<vmem>> -> memref<1x8x64xf32, #tpu.memory_space<vmem>>
        %dma_start3A_1275 = tpu.memref_reshape %arg3 : memref<1000000x64xf32, #tpu.memory_space<hbm>> -> memref<125000x8x64xf32, #tpu.memory_space<hbm>>
        %dma_start3A_1276 = arith.constant 0 : i32
        %dma_start3A_1277 = arith.constant 0 : i32
        %dma_start3A_1278 = tpu.memref_slice %dma_start3A_1275[%squeeze3A_1269, %dma_start3A_1276, %dma_start3A_1277] : memref<125000x8x64xf32, #tpu.memory_space<hbm>> -> memref<1x8x64xf32, #tpu.memory_space<hbm>>
        %dma_start3A_1279 = tpu.memref_slice %arg9[%and3A_405] : memref<2x!tpu.dma_semaphore, #tpu.memory_space<semaphore_mem>> -> memref<1x!tpu.dma_semaphore, #tpu.memory_space<semaphore_mem>>
        %dma_start3A_1280 = tpu.memref_squeeze %dma_start3A_1279 : memref<1x!tpu.dma_semaphore, #tpu.memory_space<semaphore_mem>> -> memref<!tpu.dma_semaphore, #tpu.memory_space<semaphore_mem>>
        %dma_start3A_1281 = arith.constant 6 : i32
        %dma_start3A_1282 = arith.constant 0 : i32
        %dma_start3A_1283 = arith.constant 0 : i32
        %dma_start3A_1284 = tpu.memref_slice %arg7[%and3A_405, %dma_start3A_1281, %dma_start3A_1282, %dma_start3A_1283] : memref<2x16x8x64xf32, #tpu.memory_space<vmem>> -> memref<1x1x8x64xf32, #tpu.memory_space<vmem>>
        %dma_start3A_1285 = tpu.memref_squeeze %dma_start3A_1284 : memref<1x1x8x64xf32, #tpu.memory_space<vmem>> -> memref<1x8x64xf32, #tpu.memory_space<vmem>>
        %dma_start3A_1286 = tpu.memref_reshape %arg3 : memref<1000000x64xf32, #tpu.memory_space<hbm>> -> memref<125000x8x64xf32, #tpu.memory_space<hbm>>
        %dma_start3A_1287 = arith.constant 0 : i32
        %dma_start3A_1288 = arith.constant 0 : i32
        %dma_start3A_1289 = tpu.memref_slice %dma_start3A_1286[%squeeze3A_1269, %dma_start3A_1287, %dma_start3A_1288] : memref<125000x8x64xf32, #tpu.memory_space<hbm>> -> memref<1x8x64xf32, #tpu.memory_space<hbm>>
        tpu.enqueue_dma source(%dma_start3A_1289 : memref<1x8x64xf32, #tpu.memory_space<hbm>>) target(%dma_start3A_1285 : memref<1x8x64xf32, #tpu.memory_space<vmem>>) target_semaphore(%dma_start3A_1280 : memref<!tpu.dma_semaphore, #tpu.memory_space<semaphore_mem>>)
        %slice3A_1290 = vector.extract_strided_slice %shift_right_logical3A_1135 {offsets = [7], sizes = [1], strides = [1]} : vector<16xi32> to vector<1xi32>
        %squeeze3A_1291 = vector.extract %slice3A_1290[0] : i32 from vector<1xi32>
        %dma_start3A_1292 = arith.constant 7 : i32
        %dma_start3A_1293 = arith.constant 0 : i32
        %dma_start3A_1294 = arith.constant 0 : i32
        %dma_start3A_1295 = tpu.memref_slice %arg7[%and3A_405, %dma_start3A_1292, %dma_start3A_1293, %dma_start3A_1294] : memref<2x16x8x64xf32, #tpu.memory_space<vmem>> -> memref<1x1x8x64xf32, #tpu.memory_space<vmem>>
        %dma_start3A_1296 = tpu.memref_squeeze %dma_start3A_1295 : memref<1x1x8x64xf32, #tpu.memory_space<vmem>> -> memref<1x8x64xf32, #tpu.memory_space<vmem>>
        %dma_start3A_1297 = tpu.memref_reshape %arg3 : memref<1000000x64xf32, #tpu.memory_space<hbm>> -> memref<125000x8x64xf32, #tpu.memory_space<hbm>>
        %dma_start3A_1298 = arith.constant 0 : i32
        %dma_start3A_1299 = arith.constant 0 : i32
        %dma_start3A_1300 = tpu.memref_slice %dma_start3A_1297[%squeeze3A_1291, %dma_start3A_1298, %dma_start3A_1299] : memref<125000x8x64xf32, #tpu.memory_space<hbm>> -> memref<1x8x64xf32, #tpu.memory_space<hbm>>
        %dma_start3A_1301 = tpu.memref_slice %arg9[%and3A_405] : memref<2x!tpu.dma_semaphore, #tpu.memory_space<semaphore_mem>> -> memref<1x!tpu.dma_semaphore, #tpu.memory_space<semaphore_mem>>
        %dma_start3A_1302 = tpu.memref_squeeze %dma_start3A_1301 : memref<1x!tpu.dma_semaphore, #tpu.memory_space<semaphore_mem>> -> memref<!tpu.dma_semaphore, #tpu.memory_space<semaphore_mem>>
        %dma_start3A_1303 = arith.constant 7 : i32
        %dma_start3A_1304 = arith.constant 0 : i32
        %dma_start3A_1305 = arith.constant 0 : i32
        %dma_start3A_1306 = tpu.memref_slice %arg7[%and3A_405, %dma_start3A_1303, %dma_start3A_1304, %dma_start3A_1305] : memref<2x16x8x64xf32, #tpu.memory_space<vmem>> -> memref<1x1x8x64xf32, #tpu.memory_space<vmem>>
        %dma_start3A_1307 = tpu.memref_squeeze %dma_start3A_1306 : memref<1x1x8x64xf32, #tpu.memory_space<vmem>> -> memref<1x8x64xf32, #tpu.memory_space<vmem>>
        %dma_start3A_1308 = tpu.memref_reshape %arg3 : memref<1000000x64xf32, #tpu.memory_space<hbm>> -> memref<125000x8x64xf32, #tpu.memory_space<hbm>>
        %dma_start3A_1309 = arith.constant 0 : i32
        %dma_start3A_1310 = arith.constant 0 : i32
        %dma_start3A_1311 = tpu.memref_slice %dma_start3A_1308[%squeeze3A_1291, %dma_start3A_1309, %dma_start3A_1310] : memref<125000x8x64xf32, #tpu.memory_space<hbm>> -> memref<1x8x64xf32, #tpu.memory_space<hbm>>
        tpu.enqueue_dma source(%dma_start3A_1311 : memref<1x8x64xf32, #tpu.memory_space<hbm>>) target(%dma_start3A_1307 : memref<1x8x64xf32, #tpu.memory_space<vmem>>) target_semaphore(%dma_start3A_1302 : memref<!tpu.dma_semaphore, #tpu.memory_space<semaphore_mem>>)
        %slice3A_1312 = vector.extract_strided_slice %shift_right_logical3A_1135 {offsets = [8], sizes = [1], strides = [1]} : vector<16xi32> to vector<1xi32>
        %squeeze3A_1313 = vector.extract %slice3A_1312[0] : i32 from vector<1xi32>
        %dma_start3A_1314 = arith.constant 8 : i32
        %dma_start3A_1315 = arith.constant 0 : i32
        %dma_start3A_1316 = arith.constant 0 : i32
        %dma_start3A_1317 = tpu.memref_slice %arg7[%and3A_405, %dma_start3A_1314, %dma_start3A_1315, %dma_start3A_1316] : memref<2x16x8x64xf32, #tpu.memory_space<vmem>> -> memref<1x1x8x64xf32, #tpu.memory_space<vmem>>
        %dma_start3A_1318 = tpu.memref_squeeze %dma_start3A_1317 : memref<1x1x8x64xf32, #tpu.memory_space<vmem>> -> memref<1x8x64xf32, #tpu.memory_space<vmem>>
        %dma_start3A_1319 = tpu.memref_reshape %arg3 : memref<1000000x64xf32, #tpu.memory_space<hbm>> -> memref<125000x8x64xf32, #tpu.memory_space<hbm>>
        %dma_start3A_1320 = arith.constant 0 : i32
        %dma_start3A_1321 = arith.constant 0 : i32
        %dma_start3A_1322 = tpu.memref_slice %dma_start3A_1319[%squeeze3A_1313, %dma_start3A_1320, %dma_start3A_1321] : memref<125000x8x64xf32, #tpu.memory_space<hbm>> -> memref<1x8x64xf32, #tpu.memory_space<hbm>>
        %dma_start3A_1323 = tpu.memref_slice %arg9[%and3A_405] : memref<2x!tpu.dma_semaphore, #tpu.memory_space<semaphore_mem>> -> memref<1x!tpu.dma_semaphore, #tpu.memory_space<semaphore_mem>>
        %dma_start3A_1324 = tpu.memref_squeeze %dma_start3A_1323 : memref<1x!tpu.dma_semaphore, #tpu.memory_space<semaphore_mem>> -> memref<!tpu.dma_semaphore, #tpu.memory_space<semaphore_mem>>
        %dma_start3A_1325 = arith.constant 8 : i32
        %dma_start3A_1326 = arith.constant 0 : i32
        %dma_start3A_1327 = arith.constant 0 : i32
        %dma_start3A_1328 = tpu.memref_slice %arg7[%and3A_405, %dma_start3A_1325, %dma_start3A_1326, %dma_start3A_1327] : memref<2x16x8x64xf32, #tpu.memory_space<vmem>> -> memref<1x1x8x64xf32, #tpu.memory_space<vmem>>
        %dma_start3A_1329 = tpu.memref_squeeze %dma_start3A_1328 : memref<1x1x8x64xf32, #tpu.memory_space<vmem>> -> memref<1x8x64xf32, #tpu.memory_space<vmem>>
        %dma_start3A_1330 = tpu.memref_reshape %arg3 : memref<1000000x64xf32, #tpu.memory_space<hbm>> -> memref<125000x8x64xf32, #tpu.memory_space<hbm>>
        %dma_start3A_1331 = arith.constant 0 : i32
        %dma_start3A_1332 = arith.constant 0 : i32
        %dma_start3A_1333 = tpu.memref_slice %dma_start3A_1330[%squeeze3A_1313, %dma_start3A_1331, %dma_start3A_1332] : memref<125000x8x64xf32, #tpu.memory_space<hbm>> -> memref<1x8x64xf32, #tpu.memory_space<hbm>>
        tpu.enqueue_dma source(%dma_start3A_1333 : memref<1x8x64xf32, #tpu.memory_space<hbm>>) target(%dma_start3A_1329 : memref<1x8x64xf32, #tpu.memory_space<vmem>>) target_semaphore(%dma_start3A_1324 : memref<!tpu.dma_semaphore, #tpu.memory_space<semaphore_mem>>)
        %slice3A_1334 = vector.extract_strided_slice %shift_right_logical3A_1135 {offsets = [9], sizes = [1], strides = [1]} : vector<16xi32> to vector<1xi32>
        %squeeze3A_1335 = vector.extract %slice3A_1334[0] : i32 from vector<1xi32>
        %dma_start3A_1336 = arith.constant 9 : i32
        %dma_start3A_1337 = arith.constant 0 : i32
        %dma_start3A_1338 = arith.constant 0 : i32
        %dma_start3A_1339 = tpu.memref_slice %arg7[%and3A_405, %dma_start3A_1336, %dma_start3A_1337, %dma_start3A_1338] : memref<2x16x8x64xf32, #tpu.memory_space<vmem>> -> memref<1x1x8x64xf32, #tpu.memory_space<vmem>>
        %dma_start3A_1340 = tpu.memref_squeeze %dma_start3A_1339 : memref<1x1x8x64xf32, #tpu.memory_space<vmem>> -> memref<1x8x64xf32, #tpu.memory_space<vmem>>
        %dma_start3A_1341 = tpu.memref_reshape %arg3 : memref<1000000x64xf32, #tpu.memory_space<hbm>> -> memref<125000x8x64xf32, #tpu.memory_space<hbm>>
        %dma_start3A_1342 = arith.constant 0 : i32
        %dma_start3A_1343 = arith.constant 0 : i32
        %dma_start3A_1344 = tpu.memref_slice %dma_start3A_1341[%squeeze3A_1335, %dma_start3A_1342, %dma_start3A_1343] : memref<125000x8x64xf32, #tpu.memory_space<hbm>> -> memref<1x8x64xf32, #tpu.memory_space<hbm>>
        %dma_start3A_1345 = tpu.memref_slice %arg9[%and3A_405] : memref<2x!tpu.dma_semaphore, #tpu.memory_space<semaphore_mem>> -> memref<1x!tpu.dma_semaphore, #tpu.memory_space<semaphore_mem>>
        %dma_start3A_1346 = tpu.memref_squeeze %dma_start3A_1345 : memref<1x!tpu.dma_semaphore, #tpu.memory_space<semaphore_mem>> -> memref<!tpu.dma_semaphore, #tpu.memory_space<semaphore_mem>>
        %dma_start3A_1347 = arith.constant 9 : i32
        %dma_start3A_1348 = arith.constant 0 : i32
        %dma_start3A_1349 = arith.constant 0 : i32
        %dma_start3A_1350 = tpu.memref_slice %arg7[%and3A_405, %dma_start3A_1347, %dma_start3A_1348, %dma_start3A_1349] : memref<2x16x8x64xf32, #tpu.memory_space<vmem>> -> memref<1x1x8x64xf32, #tpu.memory_space<vmem>>
        %dma_start3A_1351 = tpu.memref_squeeze %dma_start3A_1350 : memref<1x1x8x64xf32, #tpu.memory_space<vmem>> -> memref<1x8x64xf32, #tpu.memory_space<vmem>>
        %dma_start3A_1352 = tpu.memref_reshape %arg3 : memref<1000000x64xf32, #tpu.memory_space<hbm>> -> memref<125000x8x64xf32, #tpu.memory_space<hbm>>
        %dma_start3A_1353 = arith.constant 0 : i32
        %dma_start3A_1354 = arith.constant 0 : i32
        %dma_start3A_1355 = tpu.memref_slice %dma_start3A_1352[%squeeze3A_1335, %dma_start3A_1353, %dma_start3A_1354] : memref<125000x8x64xf32, #tpu.memory_space<hbm>> -> memref<1x8x64xf32, #tpu.memory_space<hbm>>
        tpu.enqueue_dma source(%dma_start3A_1355 : memref<1x8x64xf32, #tpu.memory_space<hbm>>) target(%dma_start3A_1351 : memref<1x8x64xf32, #tpu.memory_space<vmem>>) target_semaphore(%dma_start3A_1346 : memref<!tpu.dma_semaphore, #tpu.memory_space<semaphore_mem>>)
        %slice3A_1356 = vector.extract_strided_slice %shift_right_logical3A_1135 {offsets = [10], sizes = [1], strides = [1]} : vector<16xi32> to vector<1xi32>
        %squeeze3A_1357 = vector.extract %slice3A_1356[0] : i32 from vector<1xi32>
        %dma_start3A_1358 = arith.constant 10 : i32
        %dma_start3A_1359 = arith.constant 0 : i32
        %dma_start3A_1360 = arith.constant 0 : i32
        %dma_start3A_1361 = tpu.memref_slice %arg7[%and3A_405, %dma_start3A_1358, %dma_start3A_1359, %dma_start3A_1360] : memref<2x16x8x64xf32, #tpu.memory_space<vmem>> -> memref<1x1x8x64xf32, #tpu.memory_space<vmem>>
        %dma_start3A_1362 = tpu.memref_squeeze %dma_start3A_1361 : memref<1x1x8x64xf32, #tpu.memory_space<vmem>> -> memref<1x8x64xf32, #tpu.memory_space<vmem>>
        %dma_start3A_1363 = tpu.memref_reshape %arg3 : memref<1000000x64xf32, #tpu.memory_space<hbm>> -> memref<125000x8x64xf32, #tpu.memory_space<hbm>>
        %dma_start3A_1364 = arith.constant 0 : i32
        %dma_start3A_1365 = arith.constant 0 : i32
        %dma_start3A_1366 = tpu.memref_slice %dma_start3A_1363[%squeeze3A_1357, %dma_start3A_1364, %dma_start3A_1365] : memref<125000x8x64xf32, #tpu.memory_space<hbm>> -> memref<1x8x64xf32, #tpu.memory_space<hbm>>
        %dma_start3A_1367 = tpu.memref_slice %arg9[%and3A_405] : memref<2x!tpu.dma_semaphore, #tpu.memory_space<semaphore_mem>> -> memref<1x!tpu.dma_semaphore, #tpu.memory_space<semaphore_mem>>
        %dma_start3A_1368 = tpu.memref_squeeze %dma_start3A_1367 : memref<1x!tpu.dma_semaphore, #tpu.memory_space<semaphore_mem>> -> memref<!tpu.dma_semaphore, #tpu.memory_space<semaphore_mem>>
        %dma_start3A_1369 = arith.constant 10 : i32
        %dma_start3A_1370 = arith.constant 0 : i32
        %dma_start3A_1371 = arith.constant 0 : i32
        %dma_start3A_1372 = tpu.memref_slice %arg7[%and3A_405, %dma_start3A_1369, %dma_start3A_1370, %dma_start3A_1371] : memref<2x16x8x64xf32, #tpu.memory_space<vmem>> -> memref<1x1x8x64xf32, #tpu.memory_space<vmem>>
        %dma_start3A_1373 = tpu.memref_squeeze %dma_start3A_1372 : memref<1x1x8x64xf32, #tpu.memory_space<vmem>> -> memref<1x8x64xf32, #tpu.memory_space<vmem>>
        %dma_start3A_1374 = tpu.memref_reshape %arg3 : memref<1000000x64xf32, #tpu.memory_space<hbm>> -> memref<125000x8x64xf32, #tpu.memory_space<hbm>>
        %dma_start3A_1375 = arith.constant 0 : i32
        %dma_start3A_1376 = arith.constant 0 : i32
        %dma_start3A_1377 = tpu.memref_slice %dma_start3A_1374[%squeeze3A_1357, %dma_start3A_1375, %dma_start3A_1376] : memref<125000x8x64xf32, #tpu.memory_space<hbm>> -> memref<1x8x64xf32, #tpu.memory_space<hbm>>
        tpu.enqueue_dma source(%dma_start3A_1377 : memref<1x8x64xf32, #tpu.memory_space<hbm>>) target(%dma_start3A_1373 : memref<1x8x64xf32, #tpu.memory_space<vmem>>) target_semaphore(%dma_start3A_1368 : memref<!tpu.dma_semaphore, #tpu.memory_space<semaphore_mem>>)
        %slice3A_1378 = vector.extract_strided_slice %shift_right_logical3A_1135 {offsets = [11], sizes = [1], strides = [1]} : vector<16xi32> to vector<1xi32>
        %squeeze3A_1379 = vector.extract %slice3A_1378[0] : i32 from vector<1xi32>
        %dma_start3A_1380 = arith.constant 11 : i32
        %dma_start3A_1381 = arith.constant 0 : i32
        %dma_start3A_1382 = arith.constant 0 : i32
        %dma_start3A_1383 = tpu.memref_slice %arg7[%and3A_405, %dma_start3A_1380, %dma_start3A_1381, %dma_start3A_1382] : memref<2x16x8x64xf32, #tpu.memory_space<vmem>> -> memref<1x1x8x64xf32, #tpu.memory_space<vmem>>
        %dma_start3A_1384 = tpu.memref_squeeze %dma_start3A_1383 : memref<1x1x8x64xf32, #tpu.memory_space<vmem>> -> memref<1x8x64xf32, #tpu.memory_space<vmem>>
        %dma_start3A_1385 = tpu.memref_reshape %arg3 : memref<1000000x64xf32, #tpu.memory_space<hbm>> -> memref<125000x8x64xf32, #tpu.memory_space<hbm>>
        %dma_start3A_1386 = arith.constant 0 : i32
        %dma_start3A_1387 = arith.constant 0 : i32
        %dma_start3A_1388 = tpu.memref_slice %dma_start3A_1385[%squeeze3A_1379, %dma_start3A_1386, %dma_start3A_1387] : memref<125000x8x64xf32, #tpu.memory_space<hbm>> -> memref<1x8x64xf32, #tpu.memory_space<hbm>>
        %dma_start3A_1389 = tpu.memref_slice %arg9[%and3A_405] : memref<2x!tpu.dma_semaphore, #tpu.memory_space<semaphore_mem>> -> memref<1x!tpu.dma_semaphore, #tpu.memory_space<semaphore_mem>>
        %dma_start3A_1390 = tpu.memref_squeeze %dma_start3A_1389 : memref<1x!tpu.dma_semaphore, #tpu.memory_space<semaphore_mem>> -> memref<!tpu.dma_semaphore, #tpu.memory_space<semaphore_mem>>
        %dma_start3A_1391 = arith.constant 11 : i32
        %dma_start3A_1392 = arith.constant 0 : i32
        %dma_start3A_1393 = arith.constant 0 : i32
        %dma_start3A_1394 = tpu.memref_slice %arg7[%and3A_405, %dma_start3A_1391, %dma_start3A_1392, %dma_start3A_1393] : memref<2x16x8x64xf32, #tpu.memory_space<vmem>> -> memref<1x1x8x64xf32, #tpu.memory_space<vmem>>
        %dma_start3A_1395 = tpu.memref_squeeze %dma_start3A_1394 : memref<1x1x8x64xf32, #tpu.memory_space<vmem>> -> memref<1x8x64xf32, #tpu.memory_space<vmem>>
        %dma_start3A_1396 = tpu.memref_reshape %arg3 : memref<1000000x64xf32, #tpu.memory_space<hbm>> -> memref<125000x8x64xf32, #tpu.memory_space<hbm>>
        %dma_start3A_1397 = arith.constant 0 : i32
        %dma_start3A_1398 = arith.constant 0 : i32
        %dma_start3A_1399 = tpu.memref_slice %dma_start3A_1396[%squeeze3A_1379, %dma_start3A_1397, %dma_start3A_1398] : memref<125000x8x64xf32, #tpu.memory_space<hbm>> -> memref<1x8x64xf32, #tpu.memory_space<hbm>>
        tpu.enqueue_dma source(%dma_start3A_1399 : memref<1x8x64xf32, #tpu.memory_space<hbm>>) target(%dma_start3A_1395 : memref<1x8x64xf32, #tpu.memory_space<vmem>>) target_semaphore(%dma_start3A_1390 : memref<!tpu.dma_semaphore, #tpu.memory_space<semaphore_mem>>)
        %slice3A_1400 = vector.extract_strided_slice %shift_right_logical3A_1135 {offsets = [12], sizes = [1], strides = [1]} : vector<16xi32> to vector<1xi32>
        %squeeze3A_1401 = vector.extract %slice3A_1400[0] : i32 from vector<1xi32>
        %dma_start3A_1402 = arith.constant 12 : i32
        %dma_start3A_1403 = arith.constant 0 : i32
        %dma_start3A_1404 = arith.constant 0 : i32
        %dma_start3A_1405 = tpu.memref_slice %arg7[%and3A_405, %dma_start3A_1402, %dma_start3A_1403, %dma_start3A_1404] : memref<2x16x8x64xf32, #tpu.memory_space<vmem>> -> memref<1x1x8x64xf32, #tpu.memory_space<vmem>>
        %dma_start3A_1406 = tpu.memref_squeeze %dma_start3A_1405 : memref<1x1x8x64xf32, #tpu.memory_space<vmem>> -> memref<1x8x64xf32, #tpu.memory_space<vmem>>
        %dma_start3A_1407 = tpu.memref_reshape %arg3 : memref<1000000x64xf32, #tpu.memory_space<hbm>> -> memref<125000x8x64xf32, #tpu.memory_space<hbm>>
        %dma_start3A_1408 = arith.constant 0 : i32
        %dma_start3A_1409 = arith.constant 0 : i32
        %dma_start3A_1410 = tpu.memref_slice %dma_start3A_1407[%squeeze3A_1401, %dma_start3A_1408, %dma_start3A_1409] : memref<125000x8x64xf32, #tpu.memory_space<hbm>> -> memref<1x8x64xf32, #tpu.memory_space<hbm>>
        %dma_start3A_1411 = tpu.memref_slice %arg9[%and3A_405] : memref<2x!tpu.dma_semaphore, #tpu.memory_space<semaphore_mem>> -> memref<1x!tpu.dma_semaphore, #tpu.memory_space<semaphore_mem>>
        %dma_start3A_1412 = tpu.memref_squeeze %dma_start3A_1411 : memref<1x!tpu.dma_semaphore, #tpu.memory_space<semaphore_mem>> -> memref<!tpu.dma_semaphore, #tpu.memory_space<semaphore_mem>>
        %dma_start3A_1413 = arith.constant 12 : i32
        %dma_start3A_1414 = arith.constant 0 : i32
        %dma_start3A_1415 = arith.constant 0 : i32
        %dma_start3A_1416 = tpu.memref_slice %arg7[%and3A_405, %dma_start3A_1413, %dma_start3A_1414, %dma_start3A_1415] : memref<2x16x8x64xf32, #tpu.memory_space<vmem>> -> memref<1x1x8x64xf32, #tpu.memory_space<vmem>>
        %dma_start3A_1417 = tpu.memref_squeeze %dma_start3A_1416 : memref<1x1x8x64xf32, #tpu.memory_space<vmem>> -> memref<1x8x64xf32, #tpu.memory_space<vmem>>
        %dma_start3A_1418 = tpu.memref_reshape %arg3 : memref<1000000x64xf32, #tpu.memory_space<hbm>> -> memref<125000x8x64xf32, #tpu.memory_space<hbm>>
        %dma_start3A_1419 = arith.constant 0 : i32
        %dma_start3A_1420 = arith.constant 0 : i32
        %dma_start3A_1421 = tpu.memref_slice %dma_start3A_1418[%squeeze3A_1401, %dma_start3A_1419, %dma_start3A_1420] : memref<125000x8x64xf32, #tpu.memory_space<hbm>> -> memref<1x8x64xf32, #tpu.memory_space<hbm>>
        tpu.enqueue_dma source(%dma_start3A_1421 : memref<1x8x64xf32, #tpu.memory_space<hbm>>) target(%dma_start3A_1417 : memref<1x8x64xf32, #tpu.memory_space<vmem>>) target_semaphore(%dma_start3A_1412 : memref<!tpu.dma_semaphore, #tpu.memory_space<semaphore_mem>>)
        %slice3A_1422 = vector.extract_strided_slice %shift_right_logical3A_1135 {offsets = [13], sizes = [1], strides = [1]} : vector<16xi32> to vector<1xi32>
        %squeeze3A_1423 = vector.extract %slice3A_1422[0] : i32 from vector<1xi32>
        %dma_start3A_1424 = arith.constant 13 : i32
        %dma_start3A_1425 = arith.constant 0 : i32
        %dma_start3A_1426 = arith.constant 0 : i32
        %dma_start3A_1427 = tpu.memref_slice %arg7[%and3A_405, %dma_start3A_1424, %dma_start3A_1425, %dma_start3A_1426] : memref<2x16x8x64xf32, #tpu.memory_space<vmem>> -> memref<1x1x8x64xf32, #tpu.memory_space<vmem>>
        %dma_start3A_1428 = tpu.memref_squeeze %dma_start3A_1427 : memref<1x1x8x64xf32, #tpu.memory_space<vmem>> -> memref<1x8x64xf32, #tpu.memory_space<vmem>>
        %dma_start3A_1429 = tpu.memref_reshape %arg3 : memref<1000000x64xf32, #tpu.memory_space<hbm>> -> memref<125000x8x64xf32, #tpu.memory_space<hbm>>
        %dma_start3A_1430 = arith.constant 0 : i32
        %dma_start3A_1431 = arith.constant 0 : i32
        %dma_start3A_1432 = tpu.memref_slice %dma_start3A_1429[%squeeze3A_1423, %dma_start3A_1430, %dma_start3A_1431] : memref<125000x8x64xf32, #tpu.memory_space<hbm>> -> memref<1x8x64xf32, #tpu.memory_space<hbm>>
        %dma_start3A_1433 = tpu.memref_slice %arg9[%and3A_405] : memref<2x!tpu.dma_semaphore, #tpu.memory_space<semaphore_mem>> -> memref<1x!tpu.dma_semaphore, #tpu.memory_space<semaphore_mem>>
        %dma_start3A_1434 = tpu.memref_squeeze %dma_start3A_1433 : memref<1x!tpu.dma_semaphore, #tpu.memory_space<semaphore_mem>> -> memref<!tpu.dma_semaphore, #tpu.memory_space<semaphore_mem>>
        %dma_start3A_1435 = arith.constant 13 : i32
        %dma_start3A_1436 = arith.constant 0 : i32
        %dma_start3A_1437 = arith.constant 0 : i32
        %dma_start3A_1438 = tpu.memref_slice %arg7[%and3A_405, %dma_start3A_1435, %dma_start3A_1436, %dma_start3A_1437] : memref<2x16x8x64xf32, #tpu.memory_space<vmem>> -> memref<1x1x8x64xf32, #tpu.memory_space<vmem>>
        %dma_start3A_1439 = tpu.memref_squeeze %dma_start3A_1438 : memref<1x1x8x64xf32, #tpu.memory_space<vmem>> -> memref<1x8x64xf32, #tpu.memory_space<vmem>>
        %dma_start3A_1440 = tpu.memref_reshape %arg3 : memref<1000000x64xf32, #tpu.memory_space<hbm>> -> memref<125000x8x64xf32, #tpu.memory_space<hbm>>
        %dma_start3A_1441 = arith.constant 0 : i32
        %dma_start3A_1442 = arith.constant 0 : i32
        %dma_start3A_1443 = tpu.memref_slice %dma_start3A_1440[%squeeze3A_1423, %dma_start3A_1441, %dma_start3A_1442] : memref<125000x8x64xf32, #tpu.memory_space<hbm>> -> memref<1x8x64xf32, #tpu.memory_space<hbm>>
        tpu.enqueue_dma source(%dma_start3A_1443 : memref<1x8x64xf32, #tpu.memory_space<hbm>>) target(%dma_start3A_1439 : memref<1x8x64xf32, #tpu.memory_space<vmem>>) target_semaphore(%dma_start3A_1434 : memref<!tpu.dma_semaphore, #tpu.memory_space<semaphore_mem>>)
        %slice3A_1444 = vector.extract_strided_slice %shift_right_logical3A_1135 {offsets = [14], sizes = [1], strides = [1]} : vector<16xi32> to vector<1xi32>
        %squeeze3A_1445 = vector.extract %slice3A_1444[0] : i32 from vector<1xi32>
        %dma_start3A_1446 = arith.constant 14 : i32
        %dma_start3A_1447 = arith.constant 0 : i32
        %dma_start3A_1448 = arith.constant 0 : i32
        %dma_start3A_1449 = tpu.memref_slice %arg7[%and3A_405, %dma_start3A_1446, %dma_start3A_1447, %dma_start3A_1448] : memref<2x16x8x64xf32, #tpu.memory_space<vmem>> -> memref<1x1x8x64xf32, #tpu.memory_space<vmem>>
        %dma_start3A_1450 = tpu.memref_squeeze %dma_start3A_1449 : memref<1x1x8x64xf32, #tpu.memory_space<vmem>> -> memref<1x8x64xf32, #tpu.memory_space<vmem>>
        %dma_start3A_1451 = tpu.memref_reshape %arg3 : memref<1000000x64xf32, #tpu.memory_space<hbm>> -> memref<125000x8x64xf32, #tpu.memory_space<hbm>>
        %dma_start3A_1452 = arith.constant 0 : i32
        %dma_start3A_1453 = arith.constant 0 : i32
        %dma_start3A_1454 = tpu.memref_slice %dma_start3A_1451[%squeeze3A_1445, %dma_start3A_1452, %dma_start3A_1453] : memref<125000x8x64xf32, #tpu.memory_space<hbm>> -> memref<1x8x64xf32, #tpu.memory_space<hbm>>
        %dma_start3A_1455 = tpu.memref_slice %arg9[%and3A_405] : memref<2x!tpu.dma_semaphore, #tpu.memory_space<semaphore_mem>> -> memref<1x!tpu.dma_semaphore, #tpu.memory_space<semaphore_mem>>
        %dma_start3A_1456 = tpu.memref_squeeze %dma_start3A_1455 : memref<1x!tpu.dma_semaphore, #tpu.memory_space<semaphore_mem>> -> memref<!tpu.dma_semaphore, #tpu.memory_space<semaphore_mem>>
        %dma_start3A_1457 = arith.constant 14 : i32
        %dma_start3A_1458 = arith.constant 0 : i32
        %dma_start3A_1459 = arith.constant 0 : i32
        %dma_start3A_1460 = tpu.memref_slice %arg7[%and3A_405, %dma_start3A_1457, %dma_start3A_1458, %dma_start3A_1459] : memref<2x16x8x64xf32, #tpu.memory_space<vmem>> -> memref<1x1x8x64xf32, #tpu.memory_space<vmem>>
        %dma_start3A_1461 = tpu.memref_squeeze %dma_start3A_1460 : memref<1x1x8x64xf32, #tpu.memory_space<vmem>> -> memref<1x8x64xf32, #tpu.memory_space<vmem>>
        %dma_start3A_1462 = tpu.memref_reshape %arg3 : memref<1000000x64xf32, #tpu.memory_space<hbm>> -> memref<125000x8x64xf32, #tpu.memory_space<hbm>>
        %dma_start3A_1463 = arith.constant 0 : i32
        %dma_start3A_1464 = arith.constant 0 : i32
        %dma_start3A_1465 = tpu.memref_slice %dma_start3A_1462[%squeeze3A_1445, %dma_start3A_1463, %dma_start3A_1464] : memref<125000x8x64xf32, #tpu.memory_space<hbm>> -> memref<1x8x64xf32, #tpu.memory_space<hbm>>
        tpu.enqueue_dma source(%dma_start3A_1465 : memref<1x8x64xf32, #tpu.memory_space<hbm>>) target(%dma_start3A_1461 : memref<1x8x64xf32, #tpu.memory_space<vmem>>) target_semaphore(%dma_start3A_1456 : memref<!tpu.dma_semaphore, #tpu.memory_space<semaphore_mem>>)
        %slice3A_1466 = vector.extract_strided_slice %shift_right_logical3A_1135 {offsets = [15], sizes = [1], strides = [1]} : vector<16xi32> to vector<1xi32>
        %squeeze3A_1467 = vector.extract %slice3A_1466[0] : i32 from vector<1xi32>
        %dma_start3A_1468 = arith.constant 15 : i32
        %dma_start3A_1469 = arith.constant 0 : i32
        %dma_start3A_1470 = arith.constant 0 : i32
        %dma_start3A_1471 = tpu.memref_slice %arg7[%and3A_405, %dma_start3A_1468, %dma_start3A_1469, %dma_start3A_1470] : memref<2x16x8x64xf32, #tpu.memory_space<vmem>> -> memref<1x1x8x64xf32, #tpu.memory_space<vmem>>
        %dma_start3A_1472 = tpu.memref_squeeze %dma_start3A_1471 : memref<1x1x8x64xf32, #tpu.memory_space<vmem>> -> memref<1x8x64xf32, #tpu.memory_space<vmem>>
        %dma_start3A_1473 = tpu.memref_reshape %arg3 : memref<1000000x64xf32, #tpu.memory_space<hbm>> -> memref<125000x8x64xf32, #tpu.memory_space<hbm>>
        %dma_start3A_1474 = arith.constant 0 : i32
        %dma_start3A_1475 = arith.constant 0 : i32
        %dma_start3A_1476 = tpu.memref_slice %dma_start3A_1473[%squeeze3A_1467, %dma_start3A_1474, %dma_start3A_1475] : memref<125000x8x64xf32, #tpu.memory_space<hbm>> -> memref<1x8x64xf32, #tpu.memory_space<hbm>>
        %dma_start3A_1477 = tpu.memref_slice %arg9[%and3A_405] : memref<2x!tpu.dma_semaphore, #tpu.memory_space<semaphore_mem>> -> memref<1x!tpu.dma_semaphore, #tpu.memory_space<semaphore_mem>>
        %dma_start3A_1478 = tpu.memref_squeeze %dma_start3A_1477 : memref<1x!tpu.dma_semaphore, #tpu.memory_space<semaphore_mem>> -> memref<!tpu.dma_semaphore, #tpu.memory_space<semaphore_mem>>
        %dma_start3A_1479 = arith.constant 15 : i32
        %dma_start3A_1480 = arith.constant 0 : i32
        %dma_start3A_1481 = arith.constant 0 : i32
        %dma_start3A_1482 = tpu.memref_slice %arg7[%and3A_405, %dma_start3A_1479, %dma_start3A_1480, %dma_start3A_1481] : memref<2x16x8x64xf32, #tpu.memory_space<vmem>> -> memref<1x1x8x64xf32, #tpu.memory_space<vmem>>
        %dma_start3A_1483 = tpu.memref_squeeze %dma_start3A_1482 : memref<1x1x8x64xf32, #tpu.memory_space<vmem>> -> memref<1x8x64xf32, #tpu.memory_space<vmem>>
        %dma_start3A_1484 = tpu.memref_reshape %arg3 : memref<1000000x64xf32, #tpu.memory_space<hbm>> -> memref<125000x8x64xf32, #tpu.memory_space<hbm>>
        %dma_start3A_1485 = arith.constant 0 : i32
        %dma_start3A_1486 = arith.constant 0 : i32
        %dma_start3A_1487 = tpu.memref_slice %dma_start3A_1484[%squeeze3A_1467, %dma_start3A_1485, %dma_start3A_1486] : memref<125000x8x64xf32, #tpu.memory_space<hbm>> -> memref<1x8x64xf32, #tpu.memory_space<hbm>>
        tpu.enqueue_dma source(%dma_start3A_1487 : memref<1x8x64xf32, #tpu.memory_space<hbm>>) target(%dma_start3A_1483 : memref<1x8x64xf32, #tpu.memory_space<vmem>>) target_semaphore(%dma_start3A_1478 : memref<!tpu.dma_semaphore, #tpu.memory_space<semaphore_mem>>)
      } else {
      }
      %scan3A_410 = arith.constant 0 : i32
      %scan3A_411 = arith.constant 0 : i32
      %scan3A_412 = arith.constant 16 : i32
      %scan3A_413 = arith.addi %scan3A_411, %scan3A_412 : i32
      %scan3A_414 = arith.constant 1 : i32
      scf.for %scan3A_1127 = %scan3A_411 to %scan3A_413 step %scan3A_414  : i32 {
        %dma_wait3A = arith.constant 0 : i32
        %dma_wait3A_1128 = arith.constant 0 : i32
        %dma_wait3A_1129 = arith.constant 0 : i32
        %dma_wait3A_1130 = arith.constant 0 : i32
        %dma_wait3A_1131 = tpu.memref_slice %arg7[%dma_wait3A, %dma_wait3A_1128, %dma_wait3A_1129, %dma_wait3A_1130] : memref<2x16x8x64xf32, #tpu.memory_space<vmem>> -> memref<1x1x8x64xf32, #tpu.memory_space<vmem>>
        %dma_wait3A_1132 = tpu.memref_squeeze %dma_wait3A_1131 : memref<1x1x8x64xf32, #tpu.memory_space<vmem>> -> memref<1x8x64xf32, #tpu.memory_space<vmem>>
        %dma_wait3A_1133 = tpu.memref_reshape %arg3 : memref<1000000x64xf32, #tpu.memory_space<hbm>> -> memref<125000x8x64xf32, #tpu.memory_space<hbm>>
        %dma_wait3A_1134 = arith.constant 0 : i32
        %dma_wait3A_1135 = arith.constant 0 : i32
        %dma_wait3A_1136 = arith.constant 0 : i32
        %dma_wait3A_1137 = tpu.memref_slice %dma_wait3A_1133[%dma_wait3A_1134, %dma_wait3A_1135, %dma_wait3A_1136] : memref<125000x8x64xf32, #tpu.memory_space<hbm>> -> memref<1x8x64xf32, #tpu.memory_space<hbm>>
        %dma_wait3A_1138 = tpu.memref_slice %arg9[%and3A_401] : memref<2x!tpu.dma_semaphore, #tpu.memory_space<semaphore_mem>> -> memref<1x!tpu.dma_semaphore, #tpu.memory_space<semaphore_mem>>
        %dma_wait3A_1139 = tpu.memref_squeeze %dma_wait3A_1138 : memref<1x!tpu.dma_semaphore, #tpu.memory_space<semaphore_mem>> -> memref<!tpu.dma_semaphore, #tpu.memory_space<semaphore_mem>>
        %dma_wait3A_1140 = arith.constant 0 : i32
        %dma_wait3A_1141 = arith.constant 0 : i32
        %dma_wait3A_1142 = arith.constant 0 : i32
        %dma_wait3A_1143 = tpu.memref_slice %arg7[%dma_wait3A, %dma_wait3A_1140, %dma_wait3A_1141, %dma_wait3A_1142] : memref<2x16x8x64xf32, #tpu.memory_space<vmem>> -> memref<1x1x8x64xf32, #tpu.memory_space<vmem>>
        %dma_wait3A_1144 = tpu.memref_squeeze %dma_wait3A_1143 : memref<1x1x8x64xf32, #tpu.memory_space<vmem>> -> memref<1x8x64xf32, #tpu.memory_space<vmem>>
        %dma_wait3A_1145 = tpu.memref_reshape %arg3 : memref<1000000x64xf32, #tpu.memory_space<hbm>> -> memref<125000x8x64xf32, #tpu.memory_space<hbm>>
        %dma_wait3A_1146 = arith.constant 0 : i32
        %dma_wait3A_1147 = arith.constant 0 : i32
        %dma_wait3A_1148 = arith.constant 0 : i32
        %dma_wait3A_1149 = tpu.memref_slice %dma_wait3A_1145[%dma_wait3A_1146, %dma_wait3A_1147, %dma_wait3A_1148] : memref<125000x8x64xf32, #tpu.memory_space<hbm>> -> memref<1x8x64xf32, #tpu.memory_space<hbm>>
        tpu.wait_dma2 semaphore(%dma_wait3A_1139 : memref<!tpu.dma_semaphore, #tpu.memory_space<semaphore_mem>>) src(%dma_wait3A_1149 : memref<1x8x64xf32, #tpu.memory_space<hbm>>) dst(%dma_wait3A_1144 : memref<1x8x64xf32, #tpu.memory_space<vmem>>)
      }
      %scan3A_415 = arith.constant 16 : i32
      %broadcast_in_dim3A = vector.broadcast %and3A_401 : i32 to vector<16xi32>
      %mul3A_416 = arith.constant 16 : i32
      %mul3A_417 = arith.muli %scan3A_400, %mul3A_416 : i32
      %get3A_418 = arith.index_cast %mul3A_417 : i32 to index
      %get3A_419 = tpu.vector_load %arg6[%get3A_418] {strides = array<i32>} : memref<512xi32, #tpu.memory_space<vmem>>, vector<16xi32>,
      %mul3A_420 = arith.constant 16 : i32
      %mul3A_421 = arith.muli %scan3A_400, %mul3A_420 : i32
      %add3A_422 = vector.broadcast %mul3A_421 : i32 to vector<16xi32>
      %add3A_423 = arith.addi %add3A_422, %iota3A : vector<16xi32>
      %add3A_424 = arith.constant 0 : i32
      %add3A_425 = vector.broadcast %add3A_424 : i32 to vector<16xi32>
      %add3A_426 = arith.addi %iota3A, %add3A_425 : vector<16xi32>
      %and3A_427 = arith.constant 63 : i32
      %and3A_428 = vector.broadcast %and3A_427 : i32 to vector<16xi32>
      %and3A_429 = arith.andi %add3A_426, %and3A_428 : vector<16xi32>
      %gather3A = tpu.vector_load_idx %arg7[%broadcast_in_dim3A, %iota3A, %get3A_419, %and3A_429] : memref<2x16x8x64xf32, #tpu.memory_space<vmem>>[vector<16xi32>, vector<16xi32>, vector<16xi32>, vector<16xi32>], vector<16xf32>,
      %mul3A_430 = arith.constant 64 : i32
      %mul3A_431 = vector.broadcast %mul3A_430 : i32 to vector<16xi32>
      %mul3A_432 = arith.muli %add3A_423, %mul3A_431 : vector<16xi32>
      %add3A_433 = arith.addi %mul3A_432, %and3A_429 : vector<16xi32>
      tpu.vector_store_idx %arg8[%add3A_433], %gather3A : memref<32768xf32, #tpu.memory_space<vmem>>[vector<16xi32>], vector<16xf32>,
      %add3A_434 = arith.constant 1 : i32
      %add3A_435 = vector.broadcast %add3A_434 : i32 to vector<16xi32>
      %add3A_436 = arith.addi %iota3A, %add3A_435 : vector<16xi32>
      %and3A_437 = arith.constant 63 : i32
      %and3A_438 = vector.broadcast %and3A_437 : i32 to vector<16xi32>
      %and3A_439 = arith.andi %add3A_436, %and3A_438 : vector<16xi32>
      %gather3A_440 = tpu.vector_load_idx %arg7[%broadcast_in_dim3A, %iota3A, %get3A_419, %and3A_439] : memref<2x16x8x64xf32, #tpu.memory_space<vmem>>[vector<16xi32>, vector<16xi32>, vector<16xi32>, vector<16xi32>], vector<16xf32>,
      %mul3A_441 = arith.constant 64 : i32
      %mul3A_442 = vector.broadcast %mul3A_441 : i32 to vector<16xi32>
      %mul3A_443 = arith.muli %add3A_423, %mul3A_442 : vector<16xi32>
      %add3A_444 = arith.addi %mul3A_443, %and3A_439 : vector<16xi32>
      tpu.vector_store_idx %arg8[%add3A_444], %gather3A_440 : memref<32768xf32, #tpu.memory_space<vmem>>[vector<16xi32>], vector<16xf32>,
      %add3A_445 = arith.constant 2 : i32
      %add3A_446 = vector.broadcast %add3A_445 : i32 to vector<16xi32>
      %add3A_447 = arith.addi %iota3A, %add3A_446 : vector<16xi32>
      %and3A_448 = arith.constant 63 : i32
      %and3A_449 = vector.broadcast %and3A_448 : i32 to vector<16xi32>
      %and3A_450 = arith.andi %add3A_447, %and3A_449 : vector<16xi32>
      %gather3A_451 = tpu.vector_load_idx %arg7[%broadcast_in_dim3A, %iota3A, %get3A_419, %and3A_450] : memref<2x16x8x64xf32, #tpu.memory_space<vmem>>[vector<16xi32>, vector<16xi32>, vector<16xi32>, vector<16xi32>], vector<16xf32>,
      %mul3A_452 = arith.constant 64 : i32
      %mul3A_453 = vector.broadcast %mul3A_452 : i32 to vector<16xi32>
      %mul3A_454 = arith.muli %add3A_423, %mul3A_453 : vector<16xi32>
      %add3A_455 = arith.addi %mul3A_454, %and3A_450 : vector<16xi32>
      tpu.vector_store_idx %arg8[%add3A_455], %gather3A_451 : memref<32768xf32, #tpu.memory_space<vmem>>[vector<16xi32>], vector<16xf32>,
      %add3A_456 = arith.constant 3 : i32
      %add3A_457 = vector.broadcast %add3A_456 : i32 to vector<16xi32>
      %add3A_458 = arith.addi %iota3A, %add3A_457 : vector<16xi32>
      %and3A_459 = arith.constant 63 : i32
      %and3A_460 = vector.broadcast %and3A_459 : i32 to vector<16xi32>
      %and3A_461 = arith.andi %add3A_458, %and3A_460 : vector<16xi32>
      %gather3A_462 = tpu.vector_load_idx %arg7[%broadcast_in_dim3A, %iota3A, %get3A_419, %and3A_461] : memref<2x16x8x64xf32, #tpu.memory_space<vmem>>[vector<16xi32>, vector<16xi32>, vector<16xi32>, vector<16xi32>], vector<16xf32>,
      %mul3A_463 = arith.constant 64 : i32
      %mul3A_464 = vector.broadcast %mul3A_463 : i32 to vector<16xi32>
      %mul3A_465 = arith.muli %add3A_423, %mul3A_464 : vector<16xi32>
      %add3A_466 = arith.addi %mul3A_465, %and3A_461 : vector<16xi32>
      tpu.vector_store_idx %arg8[%add3A_466], %gather3A_462 : memref<32768xf32, #tpu.memory_space<vmem>>[vector<16xi32>], vector<16xf32>,
      %add3A_467 = arith.constant 4 : i32
      %add3A_468 = vector.broadcast %add3A_467 : i32 to vector<16xi32>
      %add3A_469 = arith.addi %iota3A, %add3A_468 : vector<16xi32>
      %and3A_470 = arith.constant 63 : i32
      %and3A_471 = vector.broadcast %and3A_470 : i32 to vector<16xi32>
      %and3A_472 = arith.andi %add3A_469, %and3A_471 : vector<16xi32>
      %gather3A_473 = tpu.vector_load_idx %arg7[%broadcast_in_dim3A, %iota3A, %get3A_419, %and3A_472] : memref<2x16x8x64xf32, #tpu.memory_space<vmem>>[vector<16xi32>, vector<16xi32>, vector<16xi32>, vector<16xi32>], vector<16xf32>,
      %mul3A_474 = arith.constant 64 : i32
      %mul3A_475 = vector.broadcast %mul3A_474 : i32 to vector<16xi32>
      %mul3A_476 = arith.muli %add3A_423, %mul3A_475 : vector<16xi32>
      %add3A_477 = arith.addi %mul3A_476, %and3A_472 : vector<16xi32>
      tpu.vector_store_idx %arg8[%add3A_477], %gather3A_473 : memref<32768xf32, #tpu.memory_space<vmem>>[vector<16xi32>], vector<16xf32>,
      %add3A_478 = arith.constant 5 : i32
      %add3A_479 = vector.broadcast %add3A_478 : i32 to vector<16xi32>
      %add3A_480 = arith.addi %iota3A, %add3A_479 : vector<16xi32>
      %and3A_481 = arith.constant 63 : i32
      %and3A_482 = vector.broadcast %and3A_481 : i32 to vector<16xi32>
      %and3A_483 = arith.andi %add3A_480, %and3A_482 : vector<16xi32>
      %gather3A_484 = tpu.vector_load_idx %arg7[%broadcast_in_dim3A, %iota3A, %get3A_419, %and3A_483] : memref<2x16x8x64xf32, #tpu.memory_space<vmem>>[vector<16xi32>, vector<16xi32>, vector<16xi32>, vector<16xi32>], vector<16xf32>,
      %mul3A_485 = arith.constant 64 : i32
      %mul3A_486 = vector.broadcast %mul3A_485 : i32 to vector<16xi32>
      %mul3A_487 = arith.muli %add3A_423, %mul3A_486 : vector<16xi32>
      %add3A_488 = arith.addi %mul3A_487, %and3A_483 : vector<16xi32>
      tpu.vector_store_idx %arg8[%add3A_488], %gather3A_484 : memref<32768xf32, #tpu.memory_space<vmem>>[vector<16xi32>], vector<16xf32>,
      %add3A_489 = arith.constant 6 : i32
      %add3A_490 = vector.broadcast %add3A_489 : i32 to vector<16xi32>
      %add3A_491 = arith.addi %iota3A, %add3A_490 : vector<16xi32>
      %and3A_492 = arith.constant 63 : i32
      %and3A_493 = vector.broadcast %and3A_492 : i32 to vector<16xi32>
      %and3A_494 = arith.andi %add3A_491, %and3A_493 : vector<16xi32>
      %gather3A_495 = tpu.vector_load_idx %arg7[%broadcast_in_dim3A, %iota3A, %get3A_419, %and3A_494] : memref<2x16x8x64xf32, #tpu.memory_space<vmem>>[vector<16xi32>, vector<16xi32>, vector<16xi32>, vector<16xi32>], vector<16xf32>,
      %mul3A_496 = arith.constant 64 : i32
      %mul3A_497 = vector.broadcast %mul3A_496 : i32 to vector<16xi32>
      %mul3A_498 = arith.muli %add3A_423, %mul3A_497 : vector<16xi32>
      %add3A_499 = arith.addi %mul3A_498, %and3A_494 : vector<16xi32>
      tpu.vector_store_idx %arg8[%add3A_499], %gather3A_495 : memref<32768xf32, #tpu.memory_space<vmem>>[vector<16xi32>], vector<16xf32>,
      %add3A_500 = arith.constant 7 : i32
      %add3A_501 = vector.broadcast %add3A_500 : i32 to vector<16xi32>
      %add3A_502 = arith.addi %iota3A, %add3A_501 : vector<16xi32>
      %and3A_503 = arith.constant 63 : i32
      %and3A_504 = vector.broadcast %and3A_503 : i32 to vector<16xi32>
      %and3A_505 = arith.andi %add3A_502, %and3A_504 : vector<16xi32>
      %gather3A_506 = tpu.vector_load_idx %arg7[%broadcast_in_dim3A, %iota3A, %get3A_419, %and3A_505] : memref<2x16x8x64xf32, #tpu.memory_space<vmem>>[vector<16xi32>, vector<16xi32>, vector<16xi32>, vector<16xi32>], vector<16xf32>,
      %mul3A_507 = arith.constant 64 : i32
      %mul3A_508 = vector.broadcast %mul3A_507 : i32 to vector<16xi32>
      %mul3A_509 = arith.muli %add3A_423, %mul3A_508 : vector<16xi32>
      %add3A_510 = arith.addi %mul3A_509, %and3A_505 : vector<16xi32>
      tpu.vector_store_idx %arg8[%add3A_510], %gather3A_506 : memref<32768xf32, #tpu.memory_space<vmem>>[vector<16xi32>], vector<16xf32>,
      %add3A_511 = arith.constant 8 : i32
      %add3A_512 = vector.broadcast %add3A_511 : i32 to vector<16xi32>
      %add3A_513 = arith.addi %iota3A, %add3A_512 : vector<16xi32>
      %and3A_514 = arith.constant 63 : i32
      %and3A_515 = vector.broadcast %and3A_514 : i32 to vector<16xi32>
      %and3A_516 = arith.andi %add3A_513, %and3A_515 : vector<16xi32>
      %gather3A_517 = tpu.vector_load_idx %arg7[%broadcast_in_dim3A, %iota3A, %get3A_419, %and3A_516] : memref<2x16x8x64xf32, #tpu.memory_space<vmem>>[vector<16xi32>, vector<16xi32>, vector<16xi32>, vector<16xi32>], vector<16xf32>,
      %mul3A_518 = arith.constant 64 : i32
      %mul3A_519 = vector.broadcast %mul3A_518 : i32 to vector<16xi32>
      %mul3A_520 = arith.muli %add3A_423, %mul3A_519 : vector<16xi32>
      %add3A_521 = arith.addi %mul3A_520, %and3A_516 : vector<16xi32>
      tpu.vector_store_idx %arg8[%add3A_521], %gather3A_517 : memref<32768xf32, #tpu.memory_space<vmem>>[vector<16xi32>], vector<16xf32>,
      %add3A_522 = arith.constant 9 : i32
      %add3A_523 = vector.broadcast %add3A_522 : i32 to vector<16xi32>
      %add3A_524 = arith.addi %iota3A, %add3A_523 : vector<16xi32>
      %and3A_525 = arith.constant 63 : i32
      %and3A_526 = vector.broadcast %and3A_525 : i32 to vector<16xi32>
      %and3A_527 = arith.andi %add3A_524, %and3A_526 : vector<16xi32>
      %gather3A_528 = tpu.vector_load_idx %arg7[%broadcast_in_dim3A, %iota3A, %get3A_419, %and3A_527] : memref<2x16x8x64xf32, #tpu.memory_space<vmem>>[vector<16xi32>, vector<16xi32>, vector<16xi32>, vector<16xi32>], vector<16xf32>,
      %mul3A_529 = arith.constant 64 : i32
      %mul3A_530 = vector.broadcast %mul3A_529 : i32 to vector<16xi32>
      %mul3A_531 = arith.muli %add3A_423, %mul3A_530 : vector<16xi32>
      %add3A_532 = arith.addi %mul3A_531, %and3A_527 : vector<16xi32>
      tpu.vector_store_idx %arg8[%add3A_532], %gather3A_528 : memref<32768xf32, #tpu.memory_space<vmem>>[vector<16xi32>], vector<16xf32>,
      %add3A_533 = arith.constant 10 : i32
      %add3A_534 = vector.broadcast %add3A_533 : i32 to vector<16xi32>
      %add3A_535 = arith.addi %iota3A, %add3A_534 : vector<16xi32>
      %and3A_536 = arith.constant 63 : i32
      %and3A_537 = vector.broadcast %and3A_536 : i32 to vector<16xi32>
      %and3A_538 = arith.andi %add3A_535, %and3A_537 : vector<16xi32>
      %gather3A_539 = tpu.vector_load_idx %arg7[%broadcast_in_dim3A, %iota3A, %get3A_419, %and3A_538] : memref<2x16x8x64xf32, #tpu.memory_space<vmem>>[vector<16xi32>, vector<16xi32>, vector<16xi32>, vector<16xi32>], vector<16xf32>,
      %mul3A_540 = arith.constant 64 : i32
      %mul3A_541 = vector.broadcast %mul3A_540 : i32 to vector<16xi32>
      %mul3A_542 = arith.muli %add3A_423, %mul3A_541 : vector<16xi32>
      %add3A_543 = arith.addi %mul3A_542, %and3A_538 : vector<16xi32>
      tpu.vector_store_idx %arg8[%add3A_543], %gather3A_539 : memref<32768xf32, #tpu.memory_space<vmem>>[vector<16xi32>], vector<16xf32>,
      %add3A_544 = arith.constant 11 : i32
      %add3A_545 = vector.broadcast %add3A_544 : i32 to vector<16xi32>
      %add3A_546 = arith.addi %iota3A, %add3A_545 : vector<16xi32>
      %and3A_547 = arith.constant 63 : i32
      %and3A_548 = vector.broadcast %and3A_547 : i32 to vector<16xi32>
      %and3A_549 = arith.andi %add3A_546, %and3A_548 : vector<16xi32>
      %gather3A_550 = tpu.vector_load_idx %arg7[%broadcast_in_dim3A, %iota3A, %get3A_419, %and3A_549] : memref<2x16x8x64xf32, #tpu.memory_space<vmem>>[vector<16xi32>, vector<16xi32>, vector<16xi32>, vector<16xi32>], vector<16xf32>,
      %mul3A_551 = arith.constant 64 : i32
      %mul3A_552 = vector.broadcast %mul3A_551 : i32 to vector<16xi32>
      %mul3A_553 = arith.muli %add3A_423, %mul3A_552 : vector<16xi32>
      %add3A_554 = arith.addi %mul3A_553, %and3A_549 : vector<16xi32>
      tpu.vector_store_idx %arg8[%add3A_554], %gather3A_550 : memref<32768xf32, #tpu.memory_space<vmem>>[vector<16xi32>], vector<16xf32>,
      %add3A_555 = arith.constant 12 : i32
      %add3A_556 = vector.broadcast %add3A_555 : i32 to vector<16xi32>
      %add3A_557 = arith.addi %iota3A, %add3A_556 : vector<16xi32>
      %and3A_558 = arith.constant 63 : i32
      %and3A_559 = vector.broadcast %and3A_558 : i32 to vector<16xi32>
      %and3A_560 = arith.andi %add3A_557, %and3A_559 : vector<16xi32>
      %gather3A_561 = tpu.vector_load_idx %arg7[%broadcast_in_dim3A, %iota3A, %get3A_419, %and3A_560] : memref<2x16x8x64xf32, #tpu.memory_space<vmem>>[vector<16xi32>, vector<16xi32>, vector<16xi32>, vector<16xi32>], vector<16xf32>,
      %mul3A_562 = arith.constant 64 : i32
      %mul3A_563 = vector.broadcast %mul3A_562 : i32 to vector<16xi32>
      %mul3A_564 = arith.muli %add3A_423, %mul3A_563 : vector<16xi32>
      %add3A_565 = arith.addi %mul3A_564, %and3A_560 : vector<16xi32>
      tpu.vector_store_idx %arg8[%add3A_565], %gather3A_561 : memref<32768xf32, #tpu.memory_space<vmem>>[vector<16xi32>], vector<16xf32>,
      %add3A_566 = arith.constant 13 : i32
      %add3A_567 = vector.broadcast %add3A_566 : i32 to vector<16xi32>
      %add3A_568 = arith.addi %iota3A, %add3A_567 : vector<16xi32>
      %and3A_569 = arith.constant 63 : i32
      %and3A_570 = vector.broadcast %and3A_569 : i32 to vector<16xi32>
      %and3A_571 = arith.andi %add3A_568, %and3A_570 : vector<16xi32>
      %gather3A_572 = tpu.vector_load_idx %arg7[%broadcast_in_dim3A, %iota3A, %get3A_419, %and3A_571] : memref<2x16x8x64xf32, #tpu.memory_space<vmem>>[vector<16xi32>, vector<16xi32>, vector<16xi32>, vector<16xi32>], vector<16xf32>,
      %mul3A_573 = arith.constant 64 : i32
      %mul3A_574 = vector.broadcast %mul3A_573 : i32 to vector<16xi32>
      %mul3A_575 = arith.muli %add3A_423, %mul3A_574 : vector<16xi32>
      %add3A_576 = arith.addi %mul3A_575, %and3A_571 : vector<16xi32>
      tpu.vector_store_idx %arg8[%add3A_576], %gather3A_572 : memref<32768xf32, #tpu.memory_space<vmem>>[vector<16xi32>], vector<16xf32>,
      %add3A_577 = arith.constant 14 : i32
      %add3A_578 = vector.broadcast %add3A_577 : i32 to vector<16xi32>
      %add3A_579 = arith.addi %iota3A, %add3A_578 : vector<16xi32>
      %and3A_580 = arith.constant 63 : i32
      %and3A_581 = vector.broadcast %and3A_580 : i32 to vector<16xi32>
      %and3A_582 = arith.andi %add3A_579, %and3A_581 : vector<16xi32>
      %gather3A_583 = tpu.vector_load_idx %arg7[%broadcast_in_dim3A, %iota3A, %get3A_419, %and3A_582] : memref<2x16x8x64xf32, #tpu.memory_space<vmem>>[vector<16xi32>, vector<16xi32>, vector<16xi32>, vector<16xi32>], vector<16xf32>,
      %mul3A_584 = arith.constant 64 : i32
      %mul3A_585 = vector.broadcast %mul3A_584 : i32 to vector<16xi32>
      %mul3A_586 = arith.muli %add3A_423, %mul3A_585 : vector<16xi32>
      %add3A_587 = arith.addi %mul3A_586, %and3A_582 : vector<16xi32>
      tpu.vector_store_idx %arg8[%add3A_587], %gather3A_583 : memref<32768xf32, #tpu.memory_space<vmem>>[vector<16xi32>], vector<16xf32>,
      %add3A_588 = arith.constant 15 : i32
      %add3A_589 = vector.broadcast %add3A_588 : i32 to vector<16xi32>
      %add3A_590 = arith.addi %iota3A, %add3A_589 : vector<16xi32>
      %and3A_591 = arith.constant 63 : i32
      %and3A_592 = vector.broadcast %and3A_591 : i32 to vector<16xi32>
      %and3A_593 = arith.andi %add3A_590, %and3A_592 : vector<16xi32>
      %gather3A_594 = tpu.vector_load_idx %arg7[%broadcast_in_dim3A, %iota3A, %get3A_419, %and3A_593] : memref<2x16x8x64xf32, #tpu.memory_space<vmem>>[vector<16xi32>, vector<16xi32>, vector<16xi32>, vector<16xi32>], vector<16xf32>,
      %mul3A_595 = arith.constant 64 : i32
      %mul3A_596 = vector.broadcast %mul3A_595 : i32 to vector<16xi32>
      %mul3A_597 = arith.muli %add3A_423, %mul3A_596 : vector<16xi32>
      %add3A_598 = arith.addi %mul3A_597, %and3A_593 : vector<16xi32>
      tpu.vector_store_idx %arg8[%add3A_598], %gather3A_594 : memref<32768xf32, #tpu.memory_space<vmem>>[vector<16xi32>], vector<16xf32>,
      %add3A_599 = arith.constant 16 : i32
      %add3A_600 = vector.broadcast %add3A_599 : i32 to vector<16xi32>
      %add3A_601 = arith.addi %iota3A, %add3A_600 : vector<16xi32>
      %and3A_602 = arith.constant 63 : i32
      %and3A_603 = vector.broadcast %and3A_602 : i32 to vector<16xi32>
      %and3A_604 = arith.andi %add3A_601, %and3A_603 : vector<16xi32>
      %gather3A_605 = tpu.vector_load_idx %arg7[%broadcast_in_dim3A, %iota3A, %get3A_419, %and3A_604] : memref<2x16x8x64xf32, #tpu.memory_space<vmem>>[vector<16xi32>, vector<16xi32>, vector<16xi32>, vector<16xi32>], vector<16xf32>,
      %mul3A_606 = arith.constant 64 : i32
      %mul3A_607 = vector.broadcast %mul3A_606 : i32 to vector<16xi32>
      %mul3A_608 = arith.muli %add3A_423, %mul3A_607 : vector<16xi32>
      %add3A_609 = arith.addi %mul3A_608, %and3A_604 : vector<16xi32>
      tpu.vector_store_idx %arg8[%add3A_609], %gather3A_605 : memref<32768xf32, #tpu.memory_space<vmem>>[vector<16xi32>], vector<16xf32>,
      %add3A_610 = arith.constant 17 : i32
      %add3A_611 = vector.broadcast %add3A_610 : i32 to vector<16xi32>
      %add3A_612 = arith.addi %iota3A, %add3A_611 : vector<16xi32>
      %and3A_613 = arith.constant 63 : i32
      %and3A_614 = vector.broadcast %and3A_613 : i32 to vector<16xi32>
      %and3A_615 = arith.andi %add3A_612, %and3A_614 : vector<16xi32>
      %gather3A_616 = tpu.vector_load_idx %arg7[%broadcast_in_dim3A, %iota3A, %get3A_419, %and3A_615] : memref<2x16x8x64xf32, #tpu.memory_space<vmem>>[vector<16xi32>, vector<16xi32>, vector<16xi32>, vector<16xi32>], vector<16xf32>,
      %mul3A_617 = arith.constant 64 : i32
      %mul3A_618 = vector.broadcast %mul3A_617 : i32 to vector<16xi32>
      %mul3A_619 = arith.muli %add3A_423, %mul3A_618 : vector<16xi32>
      %add3A_620 = arith.addi %mul3A_619, %and3A_615 : vector<16xi32>
      tpu.vector_store_idx %arg8[%add3A_620], %gather3A_616 : memref<32768xf32, #tpu.memory_space<vmem>>[vector<16xi32>], vector<16xf32>,
      %add3A_621 = arith.constant 18 : i32
      %add3A_622 = vector.broadcast %add3A_621 : i32 to vector<16xi32>
      %add3A_623 = arith.addi %iota3A, %add3A_622 : vector<16xi32>
      %and3A_624 = arith.constant 63 : i32
      %and3A_625 = vector.broadcast %and3A_624 : i32 to vector<16xi32>
      %and3A_626 = arith.andi %add3A_623, %and3A_625 : vector<16xi32>
      %gather3A_627 = tpu.vector_load_idx %arg7[%broadcast_in_dim3A, %iota3A, %get3A_419, %and3A_626] : memref<2x16x8x64xf32, #tpu.memory_space<vmem>>[vector<16xi32>, vector<16xi32>, vector<16xi32>, vector<16xi32>], vector<16xf32>,
      %mul3A_628 = arith.constant 64 : i32
      %mul3A_629 = vector.broadcast %mul3A_628 : i32 to vector<16xi32>
      %mul3A_630 = arith.muli %add3A_423, %mul3A_629 : vector<16xi32>
      %add3A_631 = arith.addi %mul3A_630, %and3A_626 : vector<16xi32>
      tpu.vector_store_idx %arg8[%add3A_631], %gather3A_627 : memref<32768xf32, #tpu.memory_space<vmem>>[vector<16xi32>], vector<16xf32>,
      %add3A_632 = arith.constant 19 : i32
      %add3A_633 = vector.broadcast %add3A_632 : i32 to vector<16xi32>
      %add3A_634 = arith.addi %iota3A, %add3A_633 : vector<16xi32>
      %and3A_635 = arith.constant 63 : i32
      %and3A_636 = vector.broadcast %and3A_635 : i32 to vector<16xi32>
      %and3A_637 = arith.andi %add3A_634, %and3A_636 : vector<16xi32>
      %gather3A_638 = tpu.vector_load_idx %arg7[%broadcast_in_dim3A, %iota3A, %get3A_419, %and3A_637] : memref<2x16x8x64xf32, #tpu.memory_space<vmem>>[vector<16xi32>, vector<16xi32>, vector<16xi32>, vector<16xi32>], vector<16xf32>,
      %mul3A_639 = arith.constant 64 : i32
      %mul3A_640 = vector.broadcast %mul3A_639 : i32 to vector<16xi32>
      %mul3A_641 = arith.muli %add3A_423, %mul3A_640 : vector<16xi32>
      %add3A_642 = arith.addi %mul3A_641, %and3A_637 : vector<16xi32>
      tpu.vector_store_idx %arg8[%add3A_642], %gather3A_638 : memref<32768xf32, #tpu.memory_space<vmem>>[vector<16xi32>], vector<16xf32>,
      %add3A_643 = arith.constant 20 : i32
      %add3A_644 = vector.broadcast %add3A_643 : i32 to vector<16xi32>
      %add3A_645 = arith.addi %iota3A, %add3A_644 : vector<16xi32>
      %and3A_646 = arith.constant 63 : i32
      %and3A_647 = vector.broadcast %and3A_646 : i32 to vector<16xi32>
      %and3A_648 = arith.andi %add3A_645, %and3A_647 : vector<16xi32>
      %gather3A_649 = tpu.vector_load_idx %arg7[%broadcast_in_dim3A, %iota3A, %get3A_419, %and3A_648] : memref<2x16x8x64xf32, #tpu.memory_space<vmem>>[vector<16xi32>, vector<16xi32>, vector<16xi32>, vector<16xi32>], vector<16xf32>,
      %mul3A_650 = arith.constant 64 : i32
      %mul3A_651 = vector.broadcast %mul3A_650 : i32 to vector<16xi32>
      %mul3A_652 = arith.muli %add3A_423, %mul3A_651 : vector<16xi32>
      %add3A_653 = arith.addi %mul3A_652, %and3A_648 : vector<16xi32>
      tpu.vector_store_idx %arg8[%add3A_653], %gather3A_649 : memref<32768xf32, #tpu.memory_space<vmem>>[vector<16xi32>], vector<16xf32>,
      %add3A_654 = arith.constant 21 : i32
      %add3A_655 = vector.broadcast %add3A_654 : i32 to vector<16xi32>
      %add3A_656 = arith.addi %iota3A, %add3A_655 : vector<16xi32>
      %and3A_657 = arith.constant 63 : i32
      %and3A_658 = vector.broadcast %and3A_657 : i32 to vector<16xi32>
      %and3A_659 = arith.andi %add3A_656, %and3A_658 : vector<16xi32>
      %gather3A_660 = tpu.vector_load_idx %arg7[%broadcast_in_dim3A, %iota3A, %get3A_419, %and3A_659] : memref<2x16x8x64xf32, #tpu.memory_space<vmem>>[vector<16xi32>, vector<16xi32>, vector<16xi32>, vector<16xi32>], vector<16xf32>,
      %mul3A_661 = arith.constant 64 : i32
      %mul3A_662 = vector.broadcast %mul3A_661 : i32 to vector<16xi32>
      %mul3A_663 = arith.muli %add3A_423, %mul3A_662 : vector<16xi32>
      %add3A_664 = arith.addi %mul3A_663, %and3A_659 : vector<16xi32>
      tpu.vector_store_idx %arg8[%add3A_664], %gather3A_660 : memref<32768xf32, #tpu.memory_space<vmem>>[vector<16xi32>], vector<16xf32>,
      %add3A_665 = arith.constant 22 : i32
      %add3A_666 = vector.broadcast %add3A_665 : i32 to vector<16xi32>
      %add3A_667 = arith.addi %iota3A, %add3A_666 : vector<16xi32>
      %and3A_668 = arith.constant 63 : i32
      %and3A_669 = vector.broadcast %and3A_668 : i32 to vector<16xi32>
      %and3A_670 = arith.andi %add3A_667, %and3A_669 : vector<16xi32>
      %gather3A_671 = tpu.vector_load_idx %arg7[%broadcast_in_dim3A, %iota3A, %get3A_419, %and3A_670] : memref<2x16x8x64xf32, #tpu.memory_space<vmem>>[vector<16xi32>, vector<16xi32>, vector<16xi32>, vector<16xi32>], vector<16xf32>,
      %mul3A_672 = arith.constant 64 : i32
      %mul3A_673 = vector.broadcast %mul3A_672 : i32 to vector<16xi32>
      %mul3A_674 = arith.muli %add3A_423, %mul3A_673 : vector<16xi32>
      %add3A_675 = arith.addi %mul3A_674, %and3A_670 : vector<16xi32>
      tpu.vector_store_idx %arg8[%add3A_675], %gather3A_671 : memref<32768xf32, #tpu.memory_space<vmem>>[vector<16xi32>], vector<16xf32>,
      %add3A_676 = arith.constant 23 : i32
      %add3A_677 = vector.broadcast %add3A_676 : i32 to vector<16xi32>
      %add3A_678 = arith.addi %iota3A, %add3A_677 : vector<16xi32>
      %and3A_679 = arith.constant 63 : i32
      %and3A_680 = vector.broadcast %and3A_679 : i32 to vector<16xi32>
      %and3A_681 = arith.andi %add3A_678, %and3A_680 : vector<16xi32>
      %gather3A_682 = tpu.vector_load_idx %arg7[%broadcast_in_dim3A, %iota3A, %get3A_419, %and3A_681] : memref<2x16x8x64xf32, #tpu.memory_space<vmem>>[vector<16xi32>, vector<16xi32>, vector<16xi32>, vector<16xi32>], vector<16xf32>,
      %mul3A_683 = arith.constant 64 : i32
      %mul3A_684 = vector.broadcast %mul3A_683 : i32 to vector<16xi32>
      %mul3A_685 = arith.muli %add3A_423, %mul3A_684 : vector<16xi32>
      %add3A_686 = arith.addi %mul3A_685, %and3A_681 : vector<16xi32>
      tpu.vector_store_idx %arg8[%add3A_686], %gather3A_682 : memref<32768xf32, #tpu.memory_space<vmem>>[vector<16xi32>], vector<16xf32>,
      %add3A_687 = arith.constant 24 : i32
      %add3A_688 = vector.broadcast %add3A_687 : i32 to vector<16xi32>
      %add3A_689 = arith.addi %iota3A, %add3A_688 : vector<16xi32>
      %and3A_690 = arith.constant 63 : i32
      %and3A_691 = vector.broadcast %and3A_690 : i32 to vector<16xi32>
      %and3A_692 = arith.andi %add3A_689, %and3A_691 : vector<16xi32>
      %gather3A_693 = tpu.vector_load_idx %arg7[%broadcast_in_dim3A, %iota3A, %get3A_419, %and3A_692] : memref<2x16x8x64xf32, #tpu.memory_space<vmem>>[vector<16xi32>, vector<16xi32>, vector<16xi32>, vector<16xi32>], vector<16xf32>,
      %mul3A_694 = arith.constant 64 : i32
      %mul3A_695 = vector.broadcast %mul3A_694 : i32 to vector<16xi32>
      %mul3A_696 = arith.muli %add3A_423, %mul3A_695 : vector<16xi32>
      %add3A_697 = arith.addi %mul3A_696, %and3A_692 : vector<16xi32>
      tpu.vector_store_idx %arg8[%add3A_697], %gather3A_693 : memref<32768xf32, #tpu.memory_space<vmem>>[vector<16xi32>], vector<16xf32>,
      %add3A_698 = arith.constant 25 : i32
      %add3A_699 = vector.broadcast %add3A_698 : i32 to vector<16xi32>
      %add3A_700 = arith.addi %iota3A, %add3A_699 : vector<16xi32>
      %and3A_701 = arith.constant 63 : i32
      %and3A_702 = vector.broadcast %and3A_701 : i32 to vector<16xi32>
      %and3A_703 = arith.andi %add3A_700, %and3A_702 : vector<16xi32>
      %gather3A_704 = tpu.vector_load_idx %arg7[%broadcast_in_dim3A, %iota3A, %get3A_419, %and3A_703] : memref<2x16x8x64xf32, #tpu.memory_space<vmem>>[vector<16xi32>, vector<16xi32>, vector<16xi32>, vector<16xi32>], vector<16xf32>,
      %mul3A_705 = arith.constant 64 : i32
      %mul3A_706 = vector.broadcast %mul3A_705 : i32 to vector<16xi32>
      %mul3A_707 = arith.muli %add3A_423, %mul3A_706 : vector<16xi32>
      %add3A_708 = arith.addi %mul3A_707, %and3A_703 : vector<16xi32>
      tpu.vector_store_idx %arg8[%add3A_708], %gather3A_704 : memref<32768xf32, #tpu.memory_space<vmem>>[vector<16xi32>], vector<16xf32>,
      %add3A_709 = arith.constant 26 : i32
      %add3A_710 = vector.broadcast %add3A_709 : i32 to vector<16xi32>
      %add3A_711 = arith.addi %iota3A, %add3A_710 : vector<16xi32>
      %and3A_712 = arith.constant 63 : i32
      %and3A_713 = vector.broadcast %and3A_712 : i32 to vector<16xi32>
      %and3A_714 = arith.andi %add3A_711, %and3A_713 : vector<16xi32>
      %gather3A_715 = tpu.vector_load_idx %arg7[%broadcast_in_dim3A, %iota3A, %get3A_419, %and3A_714] : memref<2x16x8x64xf32, #tpu.memory_space<vmem>>[vector<16xi32>, vector<16xi32>, vector<16xi32>, vector<16xi32>], vector<16xf32>,
      %mul3A_716 = arith.constant 64 : i32
      %mul3A_717 = vector.broadcast %mul3A_716 : i32 to vector<16xi32>
      %mul3A_718 = arith.muli %add3A_423, %mul3A_717 : vector<16xi32>
      %add3A_719 = arith.addi %mul3A_718, %and3A_714 : vector<16xi32>
      tpu.vector_store_idx %arg8[%add3A_719], %gather3A_715 : memref<32768xf32, #tpu.memory_space<vmem>>[vector<16xi32>], vector<16xf32>,
      %add3A_720 = arith.constant 27 : i32
      %add3A_721 = vector.broadcast %add3A_720 : i32 to vector<16xi32>
      %add3A_722 = arith.addi %iota3A, %add3A_721 : vector<16xi32>
      %and3A_723 = arith.constant 63 : i32
      %and3A_724 = vector.broadcast %and3A_723 : i32 to vector<16xi32>
      %and3A_725 = arith.andi %add3A_722, %and3A_724 : vector<16xi32>
      %gather3A_726 = tpu.vector_load_idx %arg7[%broadcast_in_dim3A, %iota3A, %get3A_419, %and3A_725] : memref<2x16x8x64xf32, #tpu.memory_space<vmem>>[vector<16xi32>, vector<16xi32>, vector<16xi32>, vector<16xi32>], vector<16xf32>,
      %mul3A_727 = arith.constant 64 : i32
      %mul3A_728 = vector.broadcast %mul3A_727 : i32 to vector<16xi32>
      %mul3A_729 = arith.muli %add3A_423, %mul3A_728 : vector<16xi32>
      %add3A_730 = arith.addi %mul3A_729, %and3A_725 : vector<16xi32>
      tpu.vector_store_idx %arg8[%add3A_730], %gather3A_726 : memref<32768xf32, #tpu.memory_space<vmem>>[vector<16xi32>], vector<16xf32>,
      %add3A_731 = arith.constant 28 : i32
      %add3A_732 = vector.broadcast %add3A_731 : i32 to vector<16xi32>
      %add3A_733 = arith.addi %iota3A, %add3A_732 : vector<16xi32>
      %and3A_734 = arith.constant 63 : i32
      %and3A_735 = vector.broadcast %and3A_734 : i32 to vector<16xi32>
      %and3A_736 = arith.andi %add3A_733, %and3A_735 : vector<16xi32>
      %gather3A_737 = tpu.vector_load_idx %arg7[%broadcast_in_dim3A, %iota3A, %get3A_419, %and3A_736] : memref<2x16x8x64xf32, #tpu.memory_space<vmem>>[vector<16xi32>, vector<16xi32>, vector<16xi32>, vector<16xi32>], vector<16xf32>,
      %mul3A_738 = arith.constant 64 : i32
      %mul3A_739 = vector.broadcast %mul3A_738 : i32 to vector<16xi32>
      %mul3A_740 = arith.muli %add3A_423, %mul3A_739 : vector<16xi32>
      %add3A_741 = arith.addi %mul3A_740, %and3A_736 : vector<16xi32>
      tpu.vector_store_idx %arg8[%add3A_741], %gather3A_737 : memref<32768xf32, #tpu.memory_space<vmem>>[vector<16xi32>], vector<16xf32>,
      %add3A_742 = arith.constant 29 : i32
      %add3A_743 = vector.broadcast %add3A_742 : i32 to vector<16xi32>
      %add3A_744 = arith.addi %iota3A, %add3A_743 : vector<16xi32>
      %and3A_745 = arith.constant 63 : i32
      %and3A_746 = vector.broadcast %and3A_745 : i32 to vector<16xi32>
      %and3A_747 = arith.andi %add3A_744, %and3A_746 : vector<16xi32>
      %gather3A_748 = tpu.vector_load_idx %arg7[%broadcast_in_dim3A, %iota3A, %get3A_419, %and3A_747] : memref<2x16x8x64xf32, #tpu.memory_space<vmem>>[vector<16xi32>, vector<16xi32>, vector<16xi32>, vector<16xi32>], vector<16xf32>,
      %mul3A_749 = arith.constant 64 : i32
      %mul3A_750 = vector.broadcast %mul3A_749 : i32 to vector<16xi32>
      %mul3A_751 = arith.muli %add3A_423, %mul3A_750 : vector<16xi32>
      %add3A_752 = arith.addi %mul3A_751, %and3A_747 : vector<16xi32>
      tpu.vector_store_idx %arg8[%add3A_752], %gather3A_748 : memref<32768xf32, #tpu.memory_space<vmem>>[vector<16xi32>], vector<16xf32>,
      %add3A_753 = arith.constant 30 : i32
      %add3A_754 = vector.broadcast %add3A_753 : i32 to vector<16xi32>
      %add3A_755 = arith.addi %iota3A, %add3A_754 : vector<16xi32>
      %and3A_756 = arith.constant 63 : i32
      %and3A_757 = vector.broadcast %and3A_756 : i32 to vector<16xi32>
      %and3A_758 = arith.andi %add3A_755, %and3A_757 : vector<16xi32>
      %gather3A_759 = tpu.vector_load_idx %arg7[%broadcast_in_dim3A, %iota3A, %get3A_419, %and3A_758] : memref<2x16x8x64xf32, #tpu.memory_space<vmem>>[vector<16xi32>, vector<16xi32>, vector<16xi32>, vector<16xi32>], vector<16xf32>,
      %mul3A_760 = arith.constant 64 : i32
      %mul3A_761 = vector.broadcast %mul3A_760 : i32 to vector<16xi32>
      %mul3A_762 = arith.muli %add3A_423, %mul3A_761 : vector<16xi32>
      %add3A_763 = arith.addi %mul3A_762, %and3A_758 : vector<16xi32>
      tpu.vector_store_idx %arg8[%add3A_763], %gather3A_759 : memref<32768xf32, #tpu.memory_space<vmem>>[vector<16xi32>], vector<16xf32>,
      %add3A_764 = arith.constant 31 : i32
      %add3A_765 = vector.broadcast %add3A_764 : i32 to vector<16xi32>
      %add3A_766 = arith.addi %iota3A, %add3A_765 : vector<16xi32>
      %and3A_767 = arith.constant 63 : i32
      %and3A_768 = vector.broadcast %and3A_767 : i32 to vector<16xi32>
      %and3A_769 = arith.andi %add3A_766, %and3A_768 : vector<16xi32>
      %gather3A_770 = tpu.vector_load_idx %arg7[%broadcast_in_dim3A, %iota3A, %get3A_419, %and3A_769] : memref<2x16x8x64xf32, #tpu.memory_space<vmem>>[vector<16xi32>, vector<16xi32>, vector<16xi32>, vector<16xi32>], vector<16xf32>,
      %mul3A_771 = arith.constant 64 : i32
      %mul3A_772 = vector.broadcast %mul3A_771 : i32 to vector<16xi32>
      %mul3A_773 = arith.muli %add3A_423, %mul3A_772 : vector<16xi32>
      %add3A_774 = arith.addi %mul3A_773, %and3A_769 : vector<16xi32>
      tpu.vector_store_idx %arg8[%add3A_774], %gather3A_770 : memref<32768xf32, #tpu.memory_space<vmem>>[vector<16xi32>], vector<16xf32>,
      %add3A_775 = arith.constant 32 : i32
      %add3A_776 = vector.broadcast %add3A_775 : i32 to vector<16xi32>
      %add3A_777 = arith.addi %iota3A, %add3A_776 : vector<16xi32>
      %and3A_778 = arith.constant 63 : i32
      %and3A_779 = vector.broadcast %and3A_778 : i32 to vector<16xi32>
      %and3A_780 = arith.andi %add3A_777, %and3A_779 : vector<16xi32>
      %gather3A_781 = tpu.vector_load_idx %arg7[%broadcast_in_dim3A, %iota3A, %get3A_419, %and3A_780] : memref<2x16x8x64xf32, #tpu.memory_space<vmem>>[vector<16xi32>, vector<16xi32>, vector<16xi32>, vector<16xi32>], vector<16xf32>,
      %mul3A_782 = arith.constant 64 : i32
      %mul3A_783 = vector.broadcast %mul3A_782 : i32 to vector<16xi32>
      %mul3A_784 = arith.muli %add3A_423, %mul3A_783 : vector<16xi32>
      %add3A_785 = arith.addi %mul3A_784, %and3A_780 : vector<16xi32>
      tpu.vector_store_idx %arg8[%add3A_785], %gather3A_781 : memref<32768xf32, #tpu.memory_space<vmem>>[vector<16xi32>], vector<16xf32>,
      %add3A_786 = arith.constant 33 : i32
      %add3A_787 = vector.broadcast %add3A_786 : i32 to vector<16xi32>
      %add3A_788 = arith.addi %iota3A, %add3A_787 : vector<16xi32>
      %and3A_789 = arith.constant 63 : i32
      %and3A_790 = vector.broadcast %and3A_789 : i32 to vector<16xi32>
      %and3A_791 = arith.andi %add3A_788, %and3A_790 : vector<16xi32>
      %gather3A_792 = tpu.vector_load_idx %arg7[%broadcast_in_dim3A, %iota3A, %get3A_419, %and3A_791] : memref<2x16x8x64xf32, #tpu.memory_space<vmem>>[vector<16xi32>, vector<16xi32>, vector<16xi32>, vector<16xi32>], vector<16xf32>,
      %mul3A_793 = arith.constant 64 : i32
      %mul3A_794 = vector.broadcast %mul3A_793 : i32 to vector<16xi32>
      %mul3A_795 = arith.muli %add3A_423, %mul3A_794 : vector<16xi32>
      %add3A_796 = arith.addi %mul3A_795, %and3A_791 : vector<16xi32>
      tpu.vector_store_idx %arg8[%add3A_796], %gather3A_792 : memref<32768xf32, #tpu.memory_space<vmem>>[vector<16xi32>], vector<16xf32>,
      %add3A_797 = arith.constant 34 : i32
      %add3A_798 = vector.broadcast %add3A_797 : i32 to vector<16xi32>
      %add3A_799 = arith.addi %iota3A, %add3A_798 : vector<16xi32>
      %and3A_800 = arith.constant 63 : i32
      %and3A_801 = vector.broadcast %and3A_800 : i32 to vector<16xi32>
      %and3A_802 = arith.andi %add3A_799, %and3A_801 : vector<16xi32>
      %gather3A_803 = tpu.vector_load_idx %arg7[%broadcast_in_dim3A, %iota3A, %get3A_419, %and3A_802] : memref<2x16x8x64xf32, #tpu.memory_space<vmem>>[vector<16xi32>, vector<16xi32>, vector<16xi32>, vector<16xi32>], vector<16xf32>,
      %mul3A_804 = arith.constant 64 : i32
      %mul3A_805 = vector.broadcast %mul3A_804 : i32 to vector<16xi32>
      %mul3A_806 = arith.muli %add3A_423, %mul3A_805 : vector<16xi32>
      %add3A_807 = arith.addi %mul3A_806, %and3A_802 : vector<16xi32>
      tpu.vector_store_idx %arg8[%add3A_807], %gather3A_803 : memref<32768xf32, #tpu.memory_space<vmem>>[vector<16xi32>], vector<16xf32>,
      %add3A_808 = arith.constant 35 : i32
      %add3A_809 = vector.broadcast %add3A_808 : i32 to vector<16xi32>
      %add3A_810 = arith.addi %iota3A, %add3A_809 : vector<16xi32>
      %and3A_811 = arith.constant 63 : i32
      %and3A_812 = vector.broadcast %and3A_811 : i32 to vector<16xi32>
      %and3A_813 = arith.andi %add3A_810, %and3A_812 : vector<16xi32>
      %gather3A_814 = tpu.vector_load_idx %arg7[%broadcast_in_dim3A, %iota3A, %get3A_419, %and3A_813] : memref<2x16x8x64xf32, #tpu.memory_space<vmem>>[vector<16xi32>, vector<16xi32>, vector<16xi32>, vector<16xi32>], vector<16xf32>,
      %mul3A_815 = arith.constant 64 : i32
      %mul3A_816 = vector.broadcast %mul3A_815 : i32 to vector<16xi32>
      %mul3A_817 = arith.muli %add3A_423, %mul3A_816 : vector<16xi32>
      %add3A_818 = arith.addi %mul3A_817, %and3A_813 : vector<16xi32>
      tpu.vector_store_idx %arg8[%add3A_818], %gather3A_814 : memref<32768xf32, #tpu.memory_space<vmem>>[vector<16xi32>], vector<16xf32>,
      %add3A_819 = arith.constant 36 : i32
      %add3A_820 = vector.broadcast %add3A_819 : i32 to vector<16xi32>
      %add3A_821 = arith.addi %iota3A, %add3A_820 : vector<16xi32>
      %and3A_822 = arith.constant 63 : i32
      %and3A_823 = vector.broadcast %and3A_822 : i32 to vector<16xi32>
      %and3A_824 = arith.andi %add3A_821, %and3A_823 : vector<16xi32>
      %gather3A_825 = tpu.vector_load_idx %arg7[%broadcast_in_dim3A, %iota3A, %get3A_419, %and3A_824] : memref<2x16x8x64xf32, #tpu.memory_space<vmem>>[vector<16xi32>, vector<16xi32>, vector<16xi32>, vector<16xi32>], vector<16xf32>,
      %mul3A_826 = arith.constant 64 : i32
      %mul3A_827 = vector.broadcast %mul3A_826 : i32 to vector<16xi32>
      %mul3A_828 = arith.muli %add3A_423, %mul3A_827 : vector<16xi32>
      %add3A_829 = arith.addi %mul3A_828, %and3A_824 : vector<16xi32>
      tpu.vector_store_idx %arg8[%add3A_829], %gather3A_825 : memref<32768xf32, #tpu.memory_space<vmem>>[vector<16xi32>], vector<16xf32>,
      %add3A_830 = arith.constant 37 : i32
      %add3A_831 = vector.broadcast %add3A_830 : i32 to vector<16xi32>
      %add3A_832 = arith.addi %iota3A, %add3A_831 : vector<16xi32>
      %and3A_833 = arith.constant 63 : i32
      %and3A_834 = vector.broadcast %and3A_833 : i32 to vector<16xi32>
      %and3A_835 = arith.andi %add3A_832, %and3A_834 : vector<16xi32>
      %gather3A_836 = tpu.vector_load_idx %arg7[%broadcast_in_dim3A, %iota3A, %get3A_419, %and3A_835] : memref<2x16x8x64xf32, #tpu.memory_space<vmem>>[vector<16xi32>, vector<16xi32>, vector<16xi32>, vector<16xi32>], vector<16xf32>,
      %mul3A_837 = arith.constant 64 : i32
      %mul3A_838 = vector.broadcast %mul3A_837 : i32 to vector<16xi32>
      %mul3A_839 = arith.muli %add3A_423, %mul3A_838 : vector<16xi32>
      %add3A_840 = arith.addi %mul3A_839, %and3A_835 : vector<16xi32>
      tpu.vector_store_idx %arg8[%add3A_840], %gather3A_836 : memref<32768xf32, #tpu.memory_space<vmem>>[vector<16xi32>], vector<16xf32>,
      %add3A_841 = arith.constant 38 : i32
      %add3A_842 = vector.broadcast %add3A_841 : i32 to vector<16xi32>
      %add3A_843 = arith.addi %iota3A, %add3A_842 : vector<16xi32>
      %and3A_844 = arith.constant 63 : i32
      %and3A_845 = vector.broadcast %and3A_844 : i32 to vector<16xi32>
      %and3A_846 = arith.andi %add3A_843, %and3A_845 : vector<16xi32>
      %gather3A_847 = tpu.vector_load_idx %arg7[%broadcast_in_dim3A, %iota3A, %get3A_419, %and3A_846] : memref<2x16x8x64xf32, #tpu.memory_space<vmem>>[vector<16xi32>, vector<16xi32>, vector<16xi32>, vector<16xi32>], vector<16xf32>,
      %mul3A_848 = arith.constant 64 : i32
      %mul3A_849 = vector.broadcast %mul3A_848 : i32 to vector<16xi32>
      %mul3A_850 = arith.muli %add3A_423, %mul3A_849 : vector<16xi32>
      %add3A_851 = arith.addi %mul3A_850, %and3A_846 : vector<16xi32>
      tpu.vector_store_idx %arg8[%add3A_851], %gather3A_847 : memref<32768xf32, #tpu.memory_space<vmem>>[vector<16xi32>], vector<16xf32>,
      %add3A_852 = arith.constant 39 : i32
      %add3A_853 = vector.broadcast %add3A_852 : i32 to vector<16xi32>
      %add3A_854 = arith.addi %iota3A, %add3A_853 : vector<16xi32>
      %and3A_855 = arith.constant 63 : i32
      %and3A_856 = vector.broadcast %and3A_855 : i32 to vector<16xi32>
      %and3A_857 = arith.andi %add3A_854, %and3A_856 : vector<16xi32>
      %gather3A_858 = tpu.vector_load_idx %arg7[%broadcast_in_dim3A, %iota3A, %get3A_419, %and3A_857] : memref<2x16x8x64xf32, #tpu.memory_space<vmem>>[vector<16xi32>, vector<16xi32>, vector<16xi32>, vector<16xi32>], vector<16xf32>,
      %mul3A_859 = arith.constant 64 : i32
      %mul3A_860 = vector.broadcast %mul3A_859 : i32 to vector<16xi32>
      %mul3A_861 = arith.muli %add3A_423, %mul3A_860 : vector<16xi32>
      %add3A_862 = arith.addi %mul3A_861, %and3A_857 : vector<16xi32>
      tpu.vector_store_idx %arg8[%add3A_862], %gather3A_858 : memref<32768xf32, #tpu.memory_space<vmem>>[vector<16xi32>], vector<16xf32>,
      %add3A_863 = arith.constant 40 : i32
      %add3A_864 = vector.broadcast %add3A_863 : i32 to vector<16xi32>
      %add3A_865 = arith.addi %iota3A, %add3A_864 : vector<16xi32>
      %and3A_866 = arith.constant 63 : i32
      %and3A_867 = vector.broadcast %and3A_866 : i32 to vector<16xi32>
      %and3A_868 = arith.andi %add3A_865, %and3A_867 : vector<16xi32>
      %gather3A_869 = tpu.vector_load_idx %arg7[%broadcast_in_dim3A, %iota3A, %get3A_419, %and3A_868] : memref<2x16x8x64xf32, #tpu.memory_space<vmem>>[vector<16xi32>, vector<16xi32>, vector<16xi32>, vector<16xi32>], vector<16xf32>,
      %mul3A_870 = arith.constant 64 : i32
      %mul3A_871 = vector.broadcast %mul3A_870 : i32 to vector<16xi32>
      %mul3A_872 = arith.muli %add3A_423, %mul3A_871 : vector<16xi32>
      %add3A_873 = arith.addi %mul3A_872, %and3A_868 : vector<16xi32>
      tpu.vector_store_idx %arg8[%add3A_873], %gather3A_869 : memref<32768xf32, #tpu.memory_space<vmem>>[vector<16xi32>], vector<16xf32>,
      %add3A_874 = arith.constant 41 : i32
      %add3A_875 = vector.broadcast %add3A_874 : i32 to vector<16xi32>
      %add3A_876 = arith.addi %iota3A, %add3A_875 : vector<16xi32>
      %and3A_877 = arith.constant 63 : i32
      %and3A_878 = vector.broadcast %and3A_877 : i32 to vector<16xi32>
      %and3A_879 = arith.andi %add3A_876, %and3A_878 : vector<16xi32>
      %gather3A_880 = tpu.vector_load_idx %arg7[%broadcast_in_dim3A, %iota3A, %get3A_419, %and3A_879] : memref<2x16x8x64xf32, #tpu.memory_space<vmem>>[vector<16xi32>, vector<16xi32>, vector<16xi32>, vector<16xi32>], vector<16xf32>,
      %mul3A_881 = arith.constant 64 : i32
      %mul3A_882 = vector.broadcast %mul3A_881 : i32 to vector<16xi32>
      %mul3A_883 = arith.muli %add3A_423, %mul3A_882 : vector<16xi32>
      %add3A_884 = arith.addi %mul3A_883, %and3A_879 : vector<16xi32>
      tpu.vector_store_idx %arg8[%add3A_884], %gather3A_880 : memref<32768xf32, #tpu.memory_space<vmem>>[vector<16xi32>], vector<16xf32>,
      %add3A_885 = arith.constant 42 : i32
      %add3A_886 = vector.broadcast %add3A_885 : i32 to vector<16xi32>
      %add3A_887 = arith.addi %iota3A, %add3A_886 : vector<16xi32>
      %and3A_888 = arith.constant 63 : i32
      %and3A_889 = vector.broadcast %and3A_888 : i32 to vector<16xi32>
      %and3A_890 = arith.andi %add3A_887, %and3A_889 : vector<16xi32>
      %gather3A_891 = tpu.vector_load_idx %arg7[%broadcast_in_dim3A, %iota3A, %get3A_419, %and3A_890] : memref<2x16x8x64xf32, #tpu.memory_space<vmem>>[vector<16xi32>, vector<16xi32>, vector<16xi32>, vector<16xi32>], vector<16xf32>,
      %mul3A_892 = arith.constant 64 : i32
      %mul3A_893 = vector.broadcast %mul3A_892 : i32 to vector<16xi32>
      %mul3A_894 = arith.muli %add3A_423, %mul3A_893 : vector<16xi32>
      %add3A_895 = arith.addi %mul3A_894, %and3A_890 : vector<16xi32>
      tpu.vector_store_idx %arg8[%add3A_895], %gather3A_891 : memref<32768xf32, #tpu.memory_space<vmem>>[vector<16xi32>], vector<16xf32>,
      %add3A_896 = arith.constant 43 : i32
      %add3A_897 = vector.broadcast %add3A_896 : i32 to vector<16xi32>
      %add3A_898 = arith.addi %iota3A, %add3A_897 : vector<16xi32>
      %and3A_899 = arith.constant 63 : i32
      %and3A_900 = vector.broadcast %and3A_899 : i32 to vector<16xi32>
      %and3A_901 = arith.andi %add3A_898, %and3A_900 : vector<16xi32>
      %gather3A_902 = tpu.vector_load_idx %arg7[%broadcast_in_dim3A, %iota3A, %get3A_419, %and3A_901] : memref<2x16x8x64xf32, #tpu.memory_space<vmem>>[vector<16xi32>, vector<16xi32>, vector<16xi32>, vector<16xi32>], vector<16xf32>,
      %mul3A_903 = arith.constant 64 : i32
      %mul3A_904 = vector.broadcast %mul3A_903 : i32 to vector<16xi32>
      %mul3A_905 = arith.muli %add3A_423, %mul3A_904 : vector<16xi32>
      %add3A_906 = arith.addi %mul3A_905, %and3A_901 : vector<16xi32>
      tpu.vector_store_idx %arg8[%add3A_906], %gather3A_902 : memref<32768xf32, #tpu.memory_space<vmem>>[vector<16xi32>], vector<16xf32>,
      %add3A_907 = arith.constant 44 : i32
      %add3A_908 = vector.broadcast %add3A_907 : i32 to vector<16xi32>
      %add3A_909 = arith.addi %iota3A, %add3A_908 : vector<16xi32>
      %and3A_910 = arith.constant 63 : i32
      %and3A_911 = vector.broadcast %and3A_910 : i32 to vector<16xi32>
      %and3A_912 = arith.andi %add3A_909, %and3A_911 : vector<16xi32>
      %gather3A_913 = tpu.vector_load_idx %arg7[%broadcast_in_dim3A, %iota3A, %get3A_419, %and3A_912] : memref<2x16x8x64xf32, #tpu.memory_space<vmem>>[vector<16xi32>, vector<16xi32>, vector<16xi32>, vector<16xi32>], vector<16xf32>,
      %mul3A_914 = arith.constant 64 : i32
      %mul3A_915 = vector.broadcast %mul3A_914 : i32 to vector<16xi32>
      %mul3A_916 = arith.muli %add3A_423, %mul3A_915 : vector<16xi32>
      %add3A_917 = arith.addi %mul3A_916, %and3A_912 : vector<16xi32>
      tpu.vector_store_idx %arg8[%add3A_917], %gather3A_913 : memref<32768xf32, #tpu.memory_space<vmem>>[vector<16xi32>], vector<16xf32>,
      %add3A_918 = arith.constant 45 : i32
      %add3A_919 = vector.broadcast %add3A_918 : i32 to vector<16xi32>
      %add3A_920 = arith.addi %iota3A, %add3A_919 : vector<16xi32>
      %and3A_921 = arith.constant 63 : i32
      %and3A_922 = vector.broadcast %and3A_921 : i32 to vector<16xi32>
      %and3A_923 = arith.andi %add3A_920, %and3A_922 : vector<16xi32>
      %gather3A_924 = tpu.vector_load_idx %arg7[%broadcast_in_dim3A, %iota3A, %get3A_419, %and3A_923] : memref<2x16x8x64xf32, #tpu.memory_space<vmem>>[vector<16xi32>, vector<16xi32>, vector<16xi32>, vector<16xi32>], vector<16xf32>,
      %mul3A_925 = arith.constant 64 : i32
      %mul3A_926 = vector.broadcast %mul3A_925 : i32 to vector<16xi32>
      %mul3A_927 = arith.muli %add3A_423, %mul3A_926 : vector<16xi32>
      %add3A_928 = arith.addi %mul3A_927, %and3A_923 : vector<16xi32>
      tpu.vector_store_idx %arg8[%add3A_928], %gather3A_924 : memref<32768xf32, #tpu.memory_space<vmem>>[vector<16xi32>], vector<16xf32>,
      %add3A_929 = arith.constant 46 : i32
      %add3A_930 = vector.broadcast %add3A_929 : i32 to vector<16xi32>
      %add3A_931 = arith.addi %iota3A, %add3A_930 : vector<16xi32>
      %and3A_932 = arith.constant 63 : i32
      %and3A_933 = vector.broadcast %and3A_932 : i32 to vector<16xi32>
      %and3A_934 = arith.andi %add3A_931, %and3A_933 : vector<16xi32>
      %gather3A_935 = tpu.vector_load_idx %arg7[%broadcast_in_dim3A, %iota3A, %get3A_419, %and3A_934] : memref<2x16x8x64xf32, #tpu.memory_space<vmem>>[vector<16xi32>, vector<16xi32>, vector<16xi32>, vector<16xi32>], vector<16xf32>,
      %mul3A_936 = arith.constant 64 : i32
      %mul3A_937 = vector.broadcast %mul3A_936 : i32 to vector<16xi32>
      %mul3A_938 = arith.muli %add3A_423, %mul3A_937 : vector<16xi32>
      %add3A_939 = arith.addi %mul3A_938, %and3A_934 : vector<16xi32>
      tpu.vector_store_idx %arg8[%add3A_939], %gather3A_935 : memref<32768xf32, #tpu.memory_space<vmem>>[vector<16xi32>], vector<16xf32>,
      %add3A_940 = arith.constant 47 : i32
      %add3A_941 = vector.broadcast %add3A_940 : i32 to vector<16xi32>
      %add3A_942 = arith.addi %iota3A, %add3A_941 : vector<16xi32>
      %and3A_943 = arith.constant 63 : i32
      %and3A_944 = vector.broadcast %and3A_943 : i32 to vector<16xi32>
      %and3A_945 = arith.andi %add3A_942, %and3A_944 : vector<16xi32>
      %gather3A_946 = tpu.vector_load_idx %arg7[%broadcast_in_dim3A, %iota3A, %get3A_419, %and3A_945] : memref<2x16x8x64xf32, #tpu.memory_space<vmem>>[vector<16xi32>, vector<16xi32>, vector<16xi32>, vector<16xi32>], vector<16xf32>,
      %mul3A_947 = arith.constant 64 : i32
      %mul3A_948 = vector.broadcast %mul3A_947 : i32 to vector<16xi32>
      %mul3A_949 = arith.muli %add3A_423, %mul3A_948 : vector<16xi32>
      %add3A_950 = arith.addi %mul3A_949, %and3A_945 : vector<16xi32>
      tpu.vector_store_idx %arg8[%add3A_950], %gather3A_946 : memref<32768xf32, #tpu.memory_space<vmem>>[vector<16xi32>], vector<16xf32>,
      %add3A_951 = arith.constant 48 : i32
      %add3A_952 = vector.broadcast %add3A_951 : i32 to vector<16xi32>
      %add3A_953 = arith.addi %iota3A, %add3A_952 : vector<16xi32>
      %and3A_954 = arith.constant 63 : i32
      %and3A_955 = vector.broadcast %and3A_954 : i32 to vector<16xi32>
      %and3A_956 = arith.andi %add3A_953, %and3A_955 : vector<16xi32>
      %gather3A_957 = tpu.vector_load_idx %arg7[%broadcast_in_dim3A, %iota3A, %get3A_419, %and3A_956] : memref<2x16x8x64xf32, #tpu.memory_space<vmem>>[vector<16xi32>, vector<16xi32>, vector<16xi32>, vector<16xi32>], vector<16xf32>,
      %mul3A_958 = arith.constant 64 : i32
      %mul3A_959 = vector.broadcast %mul3A_958 : i32 to vector<16xi32>
      %mul3A_960 = arith.muli %add3A_423, %mul3A_959 : vector<16xi32>
      %add3A_961 = arith.addi %mul3A_960, %and3A_956 : vector<16xi32>
      tpu.vector_store_idx %arg8[%add3A_961], %gather3A_957 : memref<32768xf32, #tpu.memory_space<vmem>>[vector<16xi32>], vector<16xf32>,
      %add3A_962 = arith.constant 49 : i32
      %add3A_963 = vector.broadcast %add3A_962 : i32 to vector<16xi32>
      %add3A_964 = arith.addi %iota3A, %add3A_963 : vector<16xi32>
      %and3A_965 = arith.constant 63 : i32
      %and3A_966 = vector.broadcast %and3A_965 : i32 to vector<16xi32>
      %and3A_967 = arith.andi %add3A_964, %and3A_966 : vector<16xi32>
      %gather3A_968 = tpu.vector_load_idx %arg7[%broadcast_in_dim3A, %iota3A, %get3A_419, %and3A_967] : memref<2x16x8x64xf32, #tpu.memory_space<vmem>>[vector<16xi32>, vector<16xi32>, vector<16xi32>, vector<16xi32>], vector<16xf32>,
      %mul3A_969 = arith.constant 64 : i32
      %mul3A_970 = vector.broadcast %mul3A_969 : i32 to vector<16xi32>
      %mul3A_971 = arith.muli %add3A_423, %mul3A_970 : vector<16xi32>
      %add3A_972 = arith.addi %mul3A_971, %and3A_967 : vector<16xi32>
      tpu.vector_store_idx %arg8[%add3A_972], %gather3A_968 : memref<32768xf32, #tpu.memory_space<vmem>>[vector<16xi32>], vector<16xf32>,
      %add3A_973 = arith.constant 50 : i32
      %add3A_974 = vector.broadcast %add3A_973 : i32 to vector<16xi32>
      %add3A_975 = arith.addi %iota3A, %add3A_974 : vector<16xi32>
      %and3A_976 = arith.constant 63 : i32
      %and3A_977 = vector.broadcast %and3A_976 : i32 to vector<16xi32>
      %and3A_978 = arith.andi %add3A_975, %and3A_977 : vector<16xi32>
      %gather3A_979 = tpu.vector_load_idx %arg7[%broadcast_in_dim3A, %iota3A, %get3A_419, %and3A_978] : memref<2x16x8x64xf32, #tpu.memory_space<vmem>>[vector<16xi32>, vector<16xi32>, vector<16xi32>, vector<16xi32>], vector<16xf32>,
      %mul3A_980 = arith.constant 64 : i32
      %mul3A_981 = vector.broadcast %mul3A_980 : i32 to vector<16xi32>
      %mul3A_982 = arith.muli %add3A_423, %mul3A_981 : vector<16xi32>
      %add3A_983 = arith.addi %mul3A_982, %and3A_978 : vector<16xi32>
      tpu.vector_store_idx %arg8[%add3A_983], %gather3A_979 : memref<32768xf32, #tpu.memory_space<vmem>>[vector<16xi32>], vector<16xf32>,
      %add3A_984 = arith.constant 51 : i32
      %add3A_985 = vector.broadcast %add3A_984 : i32 to vector<16xi32>
      %add3A_986 = arith.addi %iota3A, %add3A_985 : vector<16xi32>
      %and3A_987 = arith.constant 63 : i32
      %and3A_988 = vector.broadcast %and3A_987 : i32 to vector<16xi32>
      %and3A_989 = arith.andi %add3A_986, %and3A_988 : vector<16xi32>
      %gather3A_990 = tpu.vector_load_idx %arg7[%broadcast_in_dim3A, %iota3A, %get3A_419, %and3A_989] : memref<2x16x8x64xf32, #tpu.memory_space<vmem>>[vector<16xi32>, vector<16xi32>, vector<16xi32>, vector<16xi32>], vector<16xf32>,
      %mul3A_991 = arith.constant 64 : i32
      %mul3A_992 = vector.broadcast %mul3A_991 : i32 to vector<16xi32>
      %mul3A_993 = arith.muli %add3A_423, %mul3A_992 : vector<16xi32>
      %add3A_994 = arith.addi %mul3A_993, %and3A_989 : vector<16xi32>
      tpu.vector_store_idx %arg8[%add3A_994], %gather3A_990 : memref<32768xf32, #tpu.memory_space<vmem>>[vector<16xi32>], vector<16xf32>,
      %add3A_995 = arith.constant 52 : i32
      %add3A_996 = vector.broadcast %add3A_995 : i32 to vector<16xi32>
      %add3A_997 = arith.addi %iota3A, %add3A_996 : vector<16xi32>
      %and3A_998 = arith.constant 63 : i32
      %and3A_999 = vector.broadcast %and3A_998 : i32 to vector<16xi32>
      %and3A_1000 = arith.andi %add3A_997, %and3A_999 : vector<16xi32>
      %gather3A_1001 = tpu.vector_load_idx %arg7[%broadcast_in_dim3A, %iota3A, %get3A_419, %and3A_1000] : memref<2x16x8x64xf32, #tpu.memory_space<vmem>>[vector<16xi32>, vector<16xi32>, vector<16xi32>, vector<16xi32>], vector<16xf32>,
      %mul3A_1002 = arith.constant 64 : i32
      %mul3A_1003 = vector.broadcast %mul3A_1002 : i32 to vector<16xi32>
      %mul3A_1004 = arith.muli %add3A_423, %mul3A_1003 : vector<16xi32>
      %add3A_1005 = arith.addi %mul3A_1004, %and3A_1000 : vector<16xi32>
      tpu.vector_store_idx %arg8[%add3A_1005], %gather3A_1001 : memref<32768xf32, #tpu.memory_space<vmem>>[vector<16xi32>], vector<16xf32>,
      %add3A_1006 = arith.constant 53 : i32
      %add3A_1007 = vector.broadcast %add3A_1006 : i32 to vector<16xi32>
      %add3A_1008 = arith.addi %iota3A, %add3A_1007 : vector<16xi32>
      %and3A_1009 = arith.constant 63 : i32
      %and3A_1010 = vector.broadcast %and3A_1009 : i32 to vector<16xi32>
      %and3A_1011 = arith.andi %add3A_1008, %and3A_1010 : vector<16xi32>
      %gather3A_1012 = tpu.vector_load_idx %arg7[%broadcast_in_dim3A, %iota3A, %get3A_419, %and3A_1011] : memref<2x16x8x64xf32, #tpu.memory_space<vmem>>[vector<16xi32>, vector<16xi32>, vector<16xi32>, vector<16xi32>], vector<16xf32>,
      %mul3A_1013 = arith.constant 64 : i32
      %mul3A_1014 = vector.broadcast %mul3A_1013 : i32 to vector<16xi32>
      %mul3A_1015 = arith.muli %add3A_423, %mul3A_1014 : vector<16xi32>
      %add3A_1016 = arith.addi %mul3A_1015, %and3A_1011 : vector<16xi32>
      tpu.vector_store_idx %arg8[%add3A_1016], %gather3A_1012 : memref<32768xf32, #tpu.memory_space<vmem>>[vector<16xi32>], vector<16xf32>,
      %add3A_1017 = arith.constant 54 : i32
      %add3A_1018 = vector.broadcast %add3A_1017 : i32 to vector<16xi32>
      %add3A_1019 = arith.addi %iota3A, %add3A_1018 : vector<16xi32>
      %and3A_1020 = arith.constant 63 : i32
      %and3A_1021 = vector.broadcast %and3A_1020 : i32 to vector<16xi32>
      %and3A_1022 = arith.andi %add3A_1019, %and3A_1021 : vector<16xi32>
      %gather3A_1023 = tpu.vector_load_idx %arg7[%broadcast_in_dim3A, %iota3A, %get3A_419, %and3A_1022] : memref<2x16x8x64xf32, #tpu.memory_space<vmem>>[vector<16xi32>, vector<16xi32>, vector<16xi32>, vector<16xi32>], vector<16xf32>,
      %mul3A_1024 = arith.constant 64 : i32
      %mul3A_1025 = vector.broadcast %mul3A_1024 : i32 to vector<16xi32>
      %mul3A_1026 = arith.muli %add3A_423, %mul3A_1025 : vector<16xi32>
      %add3A_1027 = arith.addi %mul3A_1026, %and3A_1022 : vector<16xi32>
      tpu.vector_store_idx %arg8[%add3A_1027], %gather3A_1023 : memref<32768xf32, #tpu.memory_space<vmem>>[vector<16xi32>], vector<16xf32>,
      %add3A_1028 = arith.constant 55 : i32
      %add3A_1029 = vector.broadcast %add3A_1028 : i32 to vector<16xi32>
      %add3A_1030 = arith.addi %iota3A, %add3A_1029 : vector<16xi32>
      %and3A_1031 = arith.constant 63 : i32
      %and3A_1032 = vector.broadcast %and3A_1031 : i32 to vector<16xi32>
      %and3A_1033 = arith.andi %add3A_1030, %and3A_1032 : vector<16xi32>
      %gather3A_1034 = tpu.vector_load_idx %arg7[%broadcast_in_dim3A, %iota3A, %get3A_419, %and3A_1033] : memref<2x16x8x64xf32, #tpu.memory_space<vmem>>[vector<16xi32>, vector<16xi32>, vector<16xi32>, vector<16xi32>], vector<16xf32>,
      %mul3A_1035 = arith.constant 64 : i32
      %mul3A_1036 = vector.broadcast %mul3A_1035 : i32 to vector<16xi32>
      %mul3A_1037 = arith.muli %add3A_423, %mul3A_1036 : vector<16xi32>
      %add3A_1038 = arith.addi %mul3A_1037, %and3A_1033 : vector<16xi32>
      tpu.vector_store_idx %arg8[%add3A_1038], %gather3A_1034 : memref<32768xf32, #tpu.memory_space<vmem>>[vector<16xi32>], vector<16xf32>,
      %add3A_1039 = arith.constant 56 : i32
      %add3A_1040 = vector.broadcast %add3A_1039 : i32 to vector<16xi32>
      %add3A_1041 = arith.addi %iota3A, %add3A_1040 : vector<16xi32>
      %and3A_1042 = arith.constant 63 : i32
      %and3A_1043 = vector.broadcast %and3A_1042 : i32 to vector<16xi32>
      %and3A_1044 = arith.andi %add3A_1041, %and3A_1043 : vector<16xi32>
      %gather3A_1045 = tpu.vector_load_idx %arg7[%broadcast_in_dim3A, %iota3A, %get3A_419, %and3A_1044] : memref<2x16x8x64xf32, #tpu.memory_space<vmem>>[vector<16xi32>, vector<16xi32>, vector<16xi32>, vector<16xi32>], vector<16xf32>,
      %mul3A_1046 = arith.constant 64 : i32
      %mul3A_1047 = vector.broadcast %mul3A_1046 : i32 to vector<16xi32>
      %mul3A_1048 = arith.muli %add3A_423, %mul3A_1047 : vector<16xi32>
      %add3A_1049 = arith.addi %mul3A_1048, %and3A_1044 : vector<16xi32>
      tpu.vector_store_idx %arg8[%add3A_1049], %gather3A_1045 : memref<32768xf32, #tpu.memory_space<vmem>>[vector<16xi32>], vector<16xf32>,
      %add3A_1050 = arith.constant 57 : i32
      %add3A_1051 = vector.broadcast %add3A_1050 : i32 to vector<16xi32>
      %add3A_1052 = arith.addi %iota3A, %add3A_1051 : vector<16xi32>
      %and3A_1053 = arith.constant 63 : i32
      %and3A_1054 = vector.broadcast %and3A_1053 : i32 to vector<16xi32>
      %and3A_1055 = arith.andi %add3A_1052, %and3A_1054 : vector<16xi32>
      %gather3A_1056 = tpu.vector_load_idx %arg7[%broadcast_in_dim3A, %iota3A, %get3A_419, %and3A_1055] : memref<2x16x8x64xf32, #tpu.memory_space<vmem>>[vector<16xi32>, vector<16xi32>, vector<16xi32>, vector<16xi32>], vector<16xf32>,
      %mul3A_1057 = arith.constant 64 : i32
      %mul3A_1058 = vector.broadcast %mul3A_1057 : i32 to vector<16xi32>
      %mul3A_1059 = arith.muli %add3A_423, %mul3A_1058 : vector<16xi32>
      %add3A_1060 = arith.addi %mul3A_1059, %and3A_1055 : vector<16xi32>
      tpu.vector_store_idx %arg8[%add3A_1060], %gather3A_1056 : memref<32768xf32, #tpu.memory_space<vmem>>[vector<16xi32>], vector<16xf32>,
      %add3A_1061 = arith.constant 58 : i32
      %add3A_1062 = vector.broadcast %add3A_1061 : i32 to vector<16xi32>
      %add3A_1063 = arith.addi %iota3A, %add3A_1062 : vector<16xi32>
      %and3A_1064 = arith.constant 63 : i32
      %and3A_1065 = vector.broadcast %and3A_1064 : i32 to vector<16xi32>
      %and3A_1066 = arith.andi %add3A_1063, %and3A_1065 : vector<16xi32>
      %gather3A_1067 = tpu.vector_load_idx %arg7[%broadcast_in_dim3A, %iota3A, %get3A_419, %and3A_1066] : memref<2x16x8x64xf32, #tpu.memory_space<vmem>>[vector<16xi32>, vector<16xi32>, vector<16xi32>, vector<16xi32>], vector<16xf32>,
      %mul3A_1068 = arith.constant 64 : i32
      %mul3A_1069 = vector.broadcast %mul3A_1068 : i32 to vector<16xi32>
      %mul3A_1070 = arith.muli %add3A_423, %mul3A_1069 : vector<16xi32>
      %add3A_1071 = arith.addi %mul3A_1070, %and3A_1066 : vector<16xi32>
      tpu.vector_store_idx %arg8[%add3A_1071], %gather3A_1067 : memref<32768xf32, #tpu.memory_space<vmem>>[vector<16xi32>], vector<16xf32>,
      %add3A_1072 = arith.constant 59 : i32
      %add3A_1073 = vector.broadcast %add3A_1072 : i32 to vector<16xi32>
      %add3A_1074 = arith.addi %iota3A, %add3A_1073 : vector<16xi32>
      %and3A_1075 = arith.constant 63 : i32
      %and3A_1076 = vector.broadcast %and3A_1075 : i32 to vector<16xi32>
      %and3A_1077 = arith.andi %add3A_1074, %and3A_1076 : vector<16xi32>
      %gather3A_1078 = tpu.vector_load_idx %arg7[%broadcast_in_dim3A, %iota3A, %get3A_419, %and3A_1077] : memref<2x16x8x64xf32, #tpu.memory_space<vmem>>[vector<16xi32>, vector<16xi32>, vector<16xi32>, vector<16xi32>], vector<16xf32>,
      %mul3A_1079 = arith.constant 64 : i32
      %mul3A_1080 = vector.broadcast %mul3A_1079 : i32 to vector<16xi32>
      %mul3A_1081 = arith.muli %add3A_423, %mul3A_1080 : vector<16xi32>
      %add3A_1082 = arith.addi %mul3A_1081, %and3A_1077 : vector<16xi32>
      tpu.vector_store_idx %arg8[%add3A_1082], %gather3A_1078 : memref<32768xf32, #tpu.memory_space<vmem>>[vector<16xi32>], vector<16xf32>,
      %add3A_1083 = arith.constant 60 : i32
      %add3A_1084 = vector.broadcast %add3A_1083 : i32 to vector<16xi32>
      %add3A_1085 = arith.addi %iota3A, %add3A_1084 : vector<16xi32>
      %and3A_1086 = arith.constant 63 : i32
      %and3A_1087 = vector.broadcast %and3A_1086 : i32 to vector<16xi32>
      %and3A_1088 = arith.andi %add3A_1085, %and3A_1087 : vector<16xi32>
      %gather3A_1089 = tpu.vector_load_idx %arg7[%broadcast_in_dim3A, %iota3A, %get3A_419, %and3A_1088] : memref<2x16x8x64xf32, #tpu.memory_space<vmem>>[vector<16xi32>, vector<16xi32>, vector<16xi32>, vector<16xi32>], vector<16xf32>,
      %mul3A_1090 = arith.constant 64 : i32
      %mul3A_1091 = vector.broadcast %mul3A_1090 : i32 to vector<16xi32>
      %mul3A_1092 = arith.muli %add3A_423, %mul3A_1091 : vector<16xi32>
      %add3A_1093 = arith.addi %mul3A_1092, %and3A_1088 : vector<16xi32>
      tpu.vector_store_idx %arg8[%add3A_1093], %gather3A_1089 : memref<32768xf32, #tpu.memory_space<vmem>>[vector<16xi32>], vector<16xf32>,
      %add3A_1094 = arith.constant 61 : i32
      %add3A_1095 = vector.broadcast %add3A_1094 : i32 to vector<16xi32>
      %add3A_1096 = arith.addi %iota3A, %add3A_1095 : vector<16xi32>
      %and3A_1097 = arith.constant 63 : i32
      %and3A_1098 = vector.broadcast %and3A_1097 : i32 to vector<16xi32>
      %and3A_1099 = arith.andi %add3A_1096, %and3A_1098 : vector<16xi32>
      %gather3A_1100 = tpu.vector_load_idx %arg7[%broadcast_in_dim3A, %iota3A, %get3A_419, %and3A_1099] : memref<2x16x8x64xf32, #tpu.memory_space<vmem>>[vector<16xi32>, vector<16xi32>, vector<16xi32>, vector<16xi32>], vector<16xf32>,
      %mul3A_1101 = arith.constant 64 : i32
      %mul3A_1102 = vector.broadcast %mul3A_1101 : i32 to vector<16xi32>
      %mul3A_1103 = arith.muli %add3A_423, %mul3A_1102 : vector<16xi32>
      %add3A_1104 = arith.addi %mul3A_1103, %and3A_1099 : vector<16xi32>
      tpu.vector_store_idx %arg8[%add3A_1104], %gather3A_1100 : memref<32768xf32, #tpu.memory_space<vmem>>[vector<16xi32>], vector<16xf32>,
      %add3A_1105 = arith.constant 62 : i32
      %add3A_1106 = vector.broadcast %add3A_1105 : i32 to vector<16xi32>
      %add3A_1107 = arith.addi %iota3A, %add3A_1106 : vector<16xi32>
      %and3A_1108 = arith.constant 63 : i32
      %and3A_1109 = vector.broadcast %and3A_1108 : i32 to vector<16xi32>
      %and3A_1110 = arith.andi %add3A_1107, %and3A_1109 : vector<16xi32>
      %gather3A_1111 = tpu.vector_load_idx %arg7[%broadcast_in_dim3A, %iota3A, %get3A_419, %and3A_1110] : memref<2x16x8x64xf32, #tpu.memory_space<vmem>>[vector<16xi32>, vector<16xi32>, vector<16xi32>, vector<16xi32>], vector<16xf32>,
      %mul3A_1112 = arith.constant 64 : i32
      %mul3A_1113 = vector.broadcast %mul3A_1112 : i32 to vector<16xi32>
      %mul3A_1114 = arith.muli %add3A_423, %mul3A_1113 : vector<16xi32>
      %add3A_1115 = arith.addi %mul3A_1114, %and3A_1110 : vector<16xi32>
      tpu.vector_store_idx %arg8[%add3A_1115], %gather3A_1111 : memref<32768xf32, #tpu.memory_space<vmem>>[vector<16xi32>], vector<16xf32>,
      %add3A_1116 = arith.constant 63 : i32
      %add3A_1117 = vector.broadcast %add3A_1116 : i32 to vector<16xi32>
      %add3A_1118 = arith.addi %iota3A, %add3A_1117 : vector<16xi32>
      %and3A_1119 = arith.constant 63 : i32
      %and3A_1120 = vector.broadcast %and3A_1119 : i32 to vector<16xi32>
      %and3A_1121 = arith.andi %add3A_1118, %and3A_1120 : vector<16xi32>
      %gather3A_1122 = tpu.vector_load_idx %arg7[%broadcast_in_dim3A, %iota3A, %get3A_419, %and3A_1121] : memref<2x16x8x64xf32, #tpu.memory_space<vmem>>[vector<16xi32>, vector<16xi32>, vector<16xi32>, vector<16xi32>], vector<16xf32>,
      %mul3A_1123 = arith.constant 64 : i32
      %mul3A_1124 = vector.broadcast %mul3A_1123 : i32 to vector<16xi32>
      %mul3A_1125 = arith.muli %add3A_423, %mul3A_1124 : vector<16xi32>
      %add3A_1126 = arith.addi %mul3A_1125, %and3A_1121 : vector<16xi32>
      tpu.vector_store_idx %arg8[%add3A_1126], %gather3A_1122 : memref<32768xf32, #tpu.memory_space<vmem>>[vector<16xi32>], vector<16xf32>,
    }
    %scan3A_397 = arith.constant 32 : i32
    %mul3A_398 = arith.constant 64 : i32
    %mul3A_399 = arith.muli %mul3A_2, %mul3A_398 : i32
    "tpu.region"() ({
      %run_scoped3A = tpu.sem_alloc : memref<!tpu.dma_semaphore, #tpu.memory_space<semaphore_mem>>
      %dma_start3A_400 = tpu.memref_slice %arg4[%mul3A_399] : memref<1048576xf32, #tpu.memory_space<hbm>> -> memref<32768xf32, #tpu.memory_space<hbm>>
      %dma_start3A_401 = tpu.memref_slice %arg4[%mul3A_399] : memref<1048576xf32, #tpu.memory_space<hbm>> -> memref<32768xf32, #tpu.memory_space<hbm>>
      tpu.enqueue_dma source(%arg8 : memref<32768xf32, #tpu.memory_space<vmem>>) target(%dma_start3A_401 : memref<32768xf32, #tpu.memory_space<hbm>>) target_semaphore(%run_scoped3A : memref<!tpu.dma_semaphore, #tpu.memory_space<semaphore_mem>>)
      %dma_wait3A = tpu.memref_slice %arg4[%mul3A_399] : memref<1048576xf32, #tpu.memory_space<hbm>> -> memref<32768xf32, #tpu.memory_space<hbm>>
      %dma_wait3A_402 = tpu.memref_slice %arg4[%mul3A_399] : memref<1048576xf32, #tpu.memory_space<hbm>> -> memref<32768xf32, #tpu.memory_space<hbm>>
      tpu.wait_dma2 semaphore(%run_scoped3A : memref<!tpu.dma_semaphore, #tpu.memory_space<semaphore_mem>>) src(%arg8 : memref<32768xf32, #tpu.memory_space<vmem>>) dst(%dma_wait3A_402 : memref<32768xf32, #tpu.memory_space<hbm>>)
      tpu.yield
    }) : () -> ()
    return
  }
}

#map = affine_map<(d0, d1) -> (0)>
#map1 = affine_map<(d0, d1) -> (0, 0)>
module attributes {stable_mosaic.version = 14 : i64} {
  func.func @_item_body(%arg0: i32, %arg1: i32, %arg2: memref<16384xi32, #tpu.memory_space<hbm>>, %arg3: memref<1000000x64xf32, #tpu.memory_space<hbm>>, %arg4: memref<1048576xf32, #tpu.memory_space<hbm>>, %arg5: memref<16384xf32, #tpu.memory_space<hbm>>, %arg6: memref<512xi32, #tpu.memory_space<vmem>>, %arg7: memref<512xi32, #tpu.memory_space<vmem>>, %arg8: memref<2x16x8x64xf32, #tpu.memory_space<vmem>>, %arg9: memref<32768xf32, #tpu.memory_space<vmem>>, %arg10: memref<512xf32, #tpu.memory_space<vmem>>, %arg11: memref<2x!tpu.dma_semaphore, #tpu.memory_space<semaphore_mem>>, %arg12: memref<!tpu.dma_semaphore, #tpu.memory_space<semaphore_mem>>) attributes {dimension_semantics = [#tpu.dimension_semantics<core_parallel>, #tpu.dimension_semantics<subcore_parallel>], iteration_bounds = array<i64: 2, 16>, scalar_prefetch = 0 : i64, scratch_operands = 7 : i64, tpu.core_type = #tpu.core_type<sc_vector_subcore>, window_params = [{transform_indices = #map}, {transform_indices = #map1}, {transform_indices = #map}, {transform_indices = #map}]} {
    %mul3A = arith.constant 2 : i32
    %mul3A_0 = arith.muli %arg1, %mul3A : i32
    %add3A = arith.addi %mul3A_0, %arg0 : i32
    %mul3A_1 = arith.constant 512 : i32
    %mul3A_2 = arith.muli %add3A, %mul3A_1 : i32
    "tpu.region"() ({
      %run_scoped3A = tpu.sem_alloc : memref<!tpu.dma_semaphore, #tpu.memory_space<semaphore_mem>>
      %dma_start3A_403 = tpu.memref_slice %arg2[%mul3A_2] : memref<16384xi32, #tpu.memory_space<hbm>> -> memref<512xi32, #tpu.memory_space<hbm>>
      %dma_start3A_404 = tpu.memref_slice %arg2[%mul3A_2] : memref<16384xi32, #tpu.memory_space<hbm>> -> memref<512xi32, #tpu.memory_space<hbm>>
      tpu.enqueue_dma source(%dma_start3A_404 : memref<512xi32, #tpu.memory_space<hbm>>) target(%arg6 : memref<512xi32, #tpu.memory_space<vmem>>) target_semaphore(%run_scoped3A : memref<!tpu.dma_semaphore, #tpu.memory_space<semaphore_mem>>)
      %dma_wait3A_405 = tpu.memref_slice %arg2[%mul3A_2] : memref<16384xi32, #tpu.memory_space<hbm>> -> memref<512xi32, #tpu.memory_space<hbm>>
      %dma_wait3A_406 = tpu.memref_slice %arg2[%mul3A_2] : memref<16384xi32, #tpu.memory_space<hbm>> -> memref<512xi32, #tpu.memory_space<hbm>>
      tpu.wait_dma2 semaphore(%run_scoped3A : memref<!tpu.dma_semaphore, #tpu.memory_space<semaphore_mem>>) src(%dma_wait3A_406 : memref<512xi32, #tpu.memory_space<hbm>>) dst(%arg6 : memref<512xi32, #tpu.memory_space<vmem>>)
      tpu.yield
    }) : () -> ()
    %mul3A_3 = arith.constant 64 : i32
    %mul3A_4 = arith.muli %mul3A_2, %mul3A_3 : i32
    %dma_start3A = tpu.memref_slice %arg4[%mul3A_4] : memref<1048576xf32, #tpu.memory_space<hbm>> -> memref<32768xf32, #tpu.memory_space<hbm>>
    %dma_start3A_5 = tpu.memref_slice %arg4[%mul3A_4] : memref<1048576xf32, #tpu.memory_space<hbm>> -> memref<32768xf32, #tpu.memory_space<hbm>>
    tpu.enqueue_dma source(%dma_start3A_5 : memref<32768xf32, #tpu.memory_space<hbm>>) target(%arg9 : memref<32768xf32, #tpu.memory_space<vmem>>) target_semaphore(%arg12 : memref<!tpu.dma_semaphore, #tpu.memory_space<semaphore_mem>>)
    %scan3A = arith.constant 0 : i32
    %scan3A_6 = arith.constant 0 : i32
    %scan3A_7 = arith.constant 32 : i32
    %scan3A_8 = arith.addi %scan3A_6, %scan3A_7 : i32
    %scan3A_9 = arith.constant 1 : i32
    scf.for %scan3A_403 = %scan3A_6 to %scan3A_8 step %scan3A_9  : i32 {
      %mul3A_404 = arith.constant 16 : i32
      %mul3A_405 = arith.muli %scan3A_403, %mul3A_404 : i32
      %get3A_406 = arith.index_cast %mul3A_405 : i32 to index
      %get3A_407 = tpu.vector_load %arg6[%get3A_406] {strides = array<i32>} : memref<512xi32, #tpu.memory_space<vmem>>, vector<16xi32>,
      %and3A = arith.constant 7 : i32
      %and3A_408 = vector.broadcast %and3A : i32 to vector<16xi32>
      %and3A_409 = arith.andi %get3A_407, %and3A_408 : vector<16xi32>
      %swap3A = arith.index_cast %mul3A_405 : i32 to index
      %swap3A_410 = tpu.vector_load %arg7[%swap3A] {strides = array<i32>} : memref<512xi32, #tpu.memory_space<vmem>>, vector<16xi32>,
      tpu.vector_store %arg7[%swap3A], %and3A_409 {strides = array<i32>} : memref<512xi32, #tpu.memory_space<vmem>>, vector<16xi32>,
    }
    %scan3A_10 = arith.constant 32 : i32
    %dma_wait3A = tpu.memref_slice %arg4[%mul3A_4] : memref<1048576xf32, #tpu.memory_space<hbm>> -> memref<32768xf32, #tpu.memory_space<hbm>>
    %dma_wait3A_11 = tpu.memref_slice %arg4[%mul3A_4] : memref<1048576xf32, #tpu.memory_space<hbm>> -> memref<32768xf32, #tpu.memory_space<hbm>>
    tpu.wait_dma2 semaphore(%arg12 : memref<!tpu.dma_semaphore, #tpu.memory_space<semaphore_mem>>) src(%dma_wait3A_11 : memref<32768xf32, #tpu.memory_space<hbm>>) dst(%arg9 : memref<32768xf32, #tpu.memory_space<vmem>>)
    %iota3A = tpu.iota {dimensions = array<i32: 0>} : vector<16xi32>
    %get3A = arith.constant 0 : index
    %get3A_12 = tpu.vector_load %arg6[%get3A] {strides = array<i32>} : memref<512xi32, #tpu.memory_space<vmem>>, vector<16xi32>,
    %shift_right_logical3A = arith.constant 3 : i32
    %shift_right_logical3A_13 = vector.broadcast %shift_right_logical3A : i32 to vector<16xi32>
    %shift_right_logical3A_14 = arith.shrui %get3A_12, %shift_right_logical3A_13 : vector<16xi32>
    %slice3A = vector.extract_strided_slice %shift_right_logical3A_14 {offsets = [0], sizes = [1], strides = [1]} : vector<16xi32> to vector<1xi32>
    %squeeze3A = vector.extract %slice3A[0] : i32 from vector<1xi32>
    %dma_start3A_15 = arith.constant 0 : i32
    %dma_start3A_16 = arith.constant 0 : i32
    %dma_start3A_17 = arith.constant 0 : i32
    %dma_start3A_18 = arith.constant 0 : i32
    %dma_start3A_19 = arith.constant 0 : i32
    %dma_start3A_20 = tpu.memref_slice %arg8[%dma_start3A_15, %dma_start3A_17, %dma_start3A_18, %dma_start3A_19] : memref<2x16x8x64xf32, #tpu.memory_space<vmem>> -> memref<1x1x8x64xf32, #tpu.memory_space<vmem>>
    %dma_start3A_21 = tpu.memref_squeeze %dma_start3A_20 : memref<1x1x8x64xf32, #tpu.memory_space<vmem>> -> memref<1x8x64xf32, #tpu.memory_space<vmem>>
    %dma_start3A_22 = tpu.memref_reshape %arg3 : memref<1000000x64xf32, #tpu.memory_space<hbm>> -> memref<125000x8x64xf32, #tpu.memory_space<hbm>>
    %dma_start3A_23 = arith.constant 0 : i32
    %dma_start3A_24 = arith.constant 0 : i32
    %dma_start3A_25 = tpu.memref_slice %dma_start3A_22[%squeeze3A, %dma_start3A_23, %dma_start3A_24] : memref<125000x8x64xf32, #tpu.memory_space<hbm>> -> memref<1x8x64xf32, #tpu.memory_space<hbm>>
    %dma_start3A_26 = tpu.memref_slice %arg11[%dma_start3A_16] : memref<2x!tpu.dma_semaphore, #tpu.memory_space<semaphore_mem>> -> memref<1x!tpu.dma_semaphore, #tpu.memory_space<semaphore_mem>>
    %dma_start3A_27 = tpu.memref_squeeze %dma_start3A_26 : memref<1x!tpu.dma_semaphore, #tpu.memory_space<semaphore_mem>> -> memref<!tpu.dma_semaphore, #tpu.memory_space<semaphore_mem>>
    %dma_start3A_28 = arith.constant 0 : i32
    %dma_start3A_29 = arith.constant 0 : i32
    %dma_start3A_30 = arith.constant 0 : i32
    %dma_start3A_31 = tpu.memref_slice %arg8[%dma_start3A_15, %dma_start3A_28, %dma_start3A_29, %dma_start3A_30] : memref<2x16x8x64xf32, #tpu.memory_space<vmem>> -> memref<1x1x8x64xf32, #tpu.memory_space<vmem>>
    %dma_start3A_32 = tpu.memref_squeeze %dma_start3A_31 : memref<1x1x8x64xf32, #tpu.memory_space<vmem>> -> memref<1x8x64xf32, #tpu.memory_space<vmem>>
    %dma_start3A_33 = tpu.memref_reshape %arg3 : memref<1000000x64xf32, #tpu.memory_space<hbm>> -> memref<125000x8x64xf32, #tpu.memory_space<hbm>>
    %dma_start3A_34 = arith.constant 0 : i32
    %dma_start3A_35 = arith.constant 0 : i32
    %dma_start3A_36 = tpu.memref_slice %dma_start3A_33[%squeeze3A, %dma_start3A_34, %dma_start3A_35] : memref<125000x8x64xf32, #tpu.memory_space<hbm>> -> memref<1x8x64xf32, #tpu.memory_space<hbm>>
    tpu.enqueue_dma source(%dma_start3A_36 : memref<1x8x64xf32, #tpu.memory_space<hbm>>) target(%dma_start3A_32 : memref<1x8x64xf32, #tpu.memory_space<vmem>>) target_semaphore(%dma_start3A_27 : memref<!tpu.dma_semaphore, #tpu.memory_space<semaphore_mem>>)
    %slice3A_37 = vector.extract_strided_slice %shift_right_logical3A_14 {offsets = [1], sizes = [1], strides = [1]} : vector<16xi32> to vector<1xi32>
    %squeeze3A_38 = vector.extract %slice3A_37[0] : i32 from vector<1xi32>
    %dma_start3A_39 = arith.constant 0 : i32
    %dma_start3A_40 = arith.constant 0 : i32
    %dma_start3A_41 = arith.constant 1 : i32
    %dma_start3A_42 = arith.constant 0 : i32
    %dma_start3A_43 = arith.constant 0 : i32
    %dma_start3A_44 = tpu.memref_slice %arg8[%dma_start3A_39, %dma_start3A_41, %dma_start3A_42, %dma_start3A_43] : memref<2x16x8x64xf32, #tpu.memory_space<vmem>> -> memref<1x1x8x64xf32, #tpu.memory_space<vmem>>
    %dma_start3A_45 = tpu.memref_squeeze %dma_start3A_44 : memref<1x1x8x64xf32, #tpu.memory_space<vmem>> -> memref<1x8x64xf32, #tpu.memory_space<vmem>>
    %dma_start3A_46 = tpu.memref_reshape %arg3 : memref<1000000x64xf32, #tpu.memory_space<hbm>> -> memref<125000x8x64xf32, #tpu.memory_space<hbm>>
    %dma_start3A_47 = arith.constant 0 : i32
    %dma_start3A_48 = arith.constant 0 : i32
    %dma_start3A_49 = tpu.memref_slice %dma_start3A_46[%squeeze3A_38, %dma_start3A_47, %dma_start3A_48] : memref<125000x8x64xf32, #tpu.memory_space<hbm>> -> memref<1x8x64xf32, #tpu.memory_space<hbm>>
    %dma_start3A_50 = tpu.memref_slice %arg11[%dma_start3A_40] : memref<2x!tpu.dma_semaphore, #tpu.memory_space<semaphore_mem>> -> memref<1x!tpu.dma_semaphore, #tpu.memory_space<semaphore_mem>>
    %dma_start3A_51 = tpu.memref_squeeze %dma_start3A_50 : memref<1x!tpu.dma_semaphore, #tpu.memory_space<semaphore_mem>> -> memref<!tpu.dma_semaphore, #tpu.memory_space<semaphore_mem>>
    %dma_start3A_52 = arith.constant 1 : i32
    %dma_start3A_53 = arith.constant 0 : i32
    %dma_start3A_54 = arith.constant 0 : i32
    %dma_start3A_55 = tpu.memref_slice %arg8[%dma_start3A_39, %dma_start3A_52, %dma_start3A_53, %dma_start3A_54] : memref<2x16x8x64xf32, #tpu.memory_space<vmem>> -> memref<1x1x8x64xf32, #tpu.memory_space<vmem>>
    %dma_start3A_56 = tpu.memref_squeeze %dma_start3A_55 : memref<1x1x8x64xf32, #tpu.memory_space<vmem>> -> memref<1x8x64xf32, #tpu.memory_space<vmem>>
    %dma_start3A_57 = tpu.memref_reshape %arg3 : memref<1000000x64xf32, #tpu.memory_space<hbm>> -> memref<125000x8x64xf32, #tpu.memory_space<hbm>>
    %dma_start3A_58 = arith.constant 0 : i32
    %dma_start3A_59 = arith.constant 0 : i32
    %dma_start3A_60 = tpu.memref_slice %dma_start3A_57[%squeeze3A_38, %dma_start3A_58, %dma_start3A_59] : memref<125000x8x64xf32, #tpu.memory_space<hbm>> -> memref<1x8x64xf32, #tpu.memory_space<hbm>>
    tpu.enqueue_dma source(%dma_start3A_60 : memref<1x8x64xf32, #tpu.memory_space<hbm>>) target(%dma_start3A_56 : memref<1x8x64xf32, #tpu.memory_space<vmem>>) target_semaphore(%dma_start3A_51 : memref<!tpu.dma_semaphore, #tpu.memory_space<semaphore_mem>>)
    %slice3A_61 = vector.extract_strided_slice %shift_right_logical3A_14 {offsets = [2], sizes = [1], strides = [1]} : vector<16xi32> to vector<1xi32>
    %squeeze3A_62 = vector.extract %slice3A_61[0] : i32 from vector<1xi32>
    %dma_start3A_63 = arith.constant 0 : i32
    %dma_start3A_64 = arith.constant 0 : i32
    %dma_start3A_65 = arith.constant 2 : i32
    %dma_start3A_66 = arith.constant 0 : i32
    %dma_start3A_67 = arith.constant 0 : i32
    %dma_start3A_68 = tpu.memref_slice %arg8[%dma_start3A_63, %dma_start3A_65, %dma_start3A_66, %dma_start3A_67] : memref<2x16x8x64xf32, #tpu.memory_space<vmem>> -> memref<1x1x8x64xf32, #tpu.memory_space<vmem>>
    %dma_start3A_69 = tpu.memref_squeeze %dma_start3A_68 : memref<1x1x8x64xf32, #tpu.memory_space<vmem>> -> memref<1x8x64xf32, #tpu.memory_space<vmem>>
    %dma_start3A_70 = tpu.memref_reshape %arg3 : memref<1000000x64xf32, #tpu.memory_space<hbm>> -> memref<125000x8x64xf32, #tpu.memory_space<hbm>>
    %dma_start3A_71 = arith.constant 0 : i32
    %dma_start3A_72 = arith.constant 0 : i32
    %dma_start3A_73 = tpu.memref_slice %dma_start3A_70[%squeeze3A_62, %dma_start3A_71, %dma_start3A_72] : memref<125000x8x64xf32, #tpu.memory_space<hbm>> -> memref<1x8x64xf32, #tpu.memory_space<hbm>>
    %dma_start3A_74 = tpu.memref_slice %arg11[%dma_start3A_64] : memref<2x!tpu.dma_semaphore, #tpu.memory_space<semaphore_mem>> -> memref<1x!tpu.dma_semaphore, #tpu.memory_space<semaphore_mem>>
    %dma_start3A_75 = tpu.memref_squeeze %dma_start3A_74 : memref<1x!tpu.dma_semaphore, #tpu.memory_space<semaphore_mem>> -> memref<!tpu.dma_semaphore, #tpu.memory_space<semaphore_mem>>
    %dma_start3A_76 = arith.constant 2 : i32
    %dma_start3A_77 = arith.constant 0 : i32
    %dma_start3A_78 = arith.constant 0 : i32
    %dma_start3A_79 = tpu.memref_slice %arg8[%dma_start3A_63, %dma_start3A_76, %dma_start3A_77, %dma_start3A_78] : memref<2x16x8x64xf32, #tpu.memory_space<vmem>> -> memref<1x1x8x64xf32, #tpu.memory_space<vmem>>
    %dma_start3A_80 = tpu.memref_squeeze %dma_start3A_79 : memref<1x1x8x64xf32, #tpu.memory_space<vmem>> -> memref<1x8x64xf32, #tpu.memory_space<vmem>>
    %dma_start3A_81 = tpu.memref_reshape %arg3 : memref<1000000x64xf32, #tpu.memory_space<hbm>> -> memref<125000x8x64xf32, #tpu.memory_space<hbm>>
    %dma_start3A_82 = arith.constant 0 : i32
    %dma_start3A_83 = arith.constant 0 : i32
    %dma_start3A_84 = tpu.memref_slice %dma_start3A_81[%squeeze3A_62, %dma_start3A_82, %dma_start3A_83] : memref<125000x8x64xf32, #tpu.memory_space<hbm>> -> memref<1x8x64xf32, #tpu.memory_space<hbm>>
    tpu.enqueue_dma source(%dma_start3A_84 : memref<1x8x64xf32, #tpu.memory_space<hbm>>) target(%dma_start3A_80 : memref<1x8x64xf32, #tpu.memory_space<vmem>>) target_semaphore(%dma_start3A_75 : memref<!tpu.dma_semaphore, #tpu.memory_space<semaphore_mem>>)
    %slice3A_85 = vector.extract_strided_slice %shift_right_logical3A_14 {offsets = [3], sizes = [1], strides = [1]} : vector<16xi32> to vector<1xi32>
    %squeeze3A_86 = vector.extract %slice3A_85[0] : i32 from vector<1xi32>
    %dma_start3A_87 = arith.constant 0 : i32
    %dma_start3A_88 = arith.constant 0 : i32
    %dma_start3A_89 = arith.constant 3 : i32
    %dma_start3A_90 = arith.constant 0 : i32
    %dma_start3A_91 = arith.constant 0 : i32
    %dma_start3A_92 = tpu.memref_slice %arg8[%dma_start3A_87, %dma_start3A_89, %dma_start3A_90, %dma_start3A_91] : memref<2x16x8x64xf32, #tpu.memory_space<vmem>> -> memref<1x1x8x64xf32, #tpu.memory_space<vmem>>
    %dma_start3A_93 = tpu.memref_squeeze %dma_start3A_92 : memref<1x1x8x64xf32, #tpu.memory_space<vmem>> -> memref<1x8x64xf32, #tpu.memory_space<vmem>>
    %dma_start3A_94 = tpu.memref_reshape %arg3 : memref<1000000x64xf32, #tpu.memory_space<hbm>> -> memref<125000x8x64xf32, #tpu.memory_space<hbm>>
    %dma_start3A_95 = arith.constant 0 : i32
    %dma_start3A_96 = arith.constant 0 : i32
    %dma_start3A_97 = tpu.memref_slice %dma_start3A_94[%squeeze3A_86, %dma_start3A_95, %dma_start3A_96] : memref<125000x8x64xf32, #tpu.memory_space<hbm>> -> memref<1x8x64xf32, #tpu.memory_space<hbm>>
    %dma_start3A_98 = tpu.memref_slice %arg11[%dma_start3A_88] : memref<2x!tpu.dma_semaphore, #tpu.memory_space<semaphore_mem>> -> memref<1x!tpu.dma_semaphore, #tpu.memory_space<semaphore_mem>>
    %dma_start3A_99 = tpu.memref_squeeze %dma_start3A_98 : memref<1x!tpu.dma_semaphore, #tpu.memory_space<semaphore_mem>> -> memref<!tpu.dma_semaphore, #tpu.memory_space<semaphore_mem>>
    %dma_start3A_100 = arith.constant 3 : i32
    %dma_start3A_101 = arith.constant 0 : i32
    %dma_start3A_102 = arith.constant 0 : i32
    %dma_start3A_103 = tpu.memref_slice %arg8[%dma_start3A_87, %dma_start3A_100, %dma_start3A_101, %dma_start3A_102] : memref<2x16x8x64xf32, #tpu.memory_space<vmem>> -> memref<1x1x8x64xf32, #tpu.memory_space<vmem>>
    %dma_start3A_104 = tpu.memref_squeeze %dma_start3A_103 : memref<1x1x8x64xf32, #tpu.memory_space<vmem>> -> memref<1x8x64xf32, #tpu.memory_space<vmem>>
    %dma_start3A_105 = tpu.memref_reshape %arg3 : memref<1000000x64xf32, #tpu.memory_space<hbm>> -> memref<125000x8x64xf32, #tpu.memory_space<hbm>>
    %dma_start3A_106 = arith.constant 0 : i32
    %dma_start3A_107 = arith.constant 0 : i32
    %dma_start3A_108 = tpu.memref_slice %dma_start3A_105[%squeeze3A_86, %dma_start3A_106, %dma_start3A_107] : memref<125000x8x64xf32, #tpu.memory_space<hbm>> -> memref<1x8x64xf32, #tpu.memory_space<hbm>>
    tpu.enqueue_dma source(%dma_start3A_108 : memref<1x8x64xf32, #tpu.memory_space<hbm>>) target(%dma_start3A_104 : memref<1x8x64xf32, #tpu.memory_space<vmem>>) target_semaphore(%dma_start3A_99 : memref<!tpu.dma_semaphore, #tpu.memory_space<semaphore_mem>>)
    %slice3A_109 = vector.extract_strided_slice %shift_right_logical3A_14 {offsets = [4], sizes = [1], strides = [1]} : vector<16xi32> to vector<1xi32>
    %squeeze3A_110 = vector.extract %slice3A_109[0] : i32 from vector<1xi32>
    %dma_start3A_111 = arith.constant 0 : i32
    %dma_start3A_112 = arith.constant 0 : i32
    %dma_start3A_113 = arith.constant 4 : i32
    %dma_start3A_114 = arith.constant 0 : i32
    %dma_start3A_115 = arith.constant 0 : i32
    %dma_start3A_116 = tpu.memref_slice %arg8[%dma_start3A_111, %dma_start3A_113, %dma_start3A_114, %dma_start3A_115] : memref<2x16x8x64xf32, #tpu.memory_space<vmem>> -> memref<1x1x8x64xf32, #tpu.memory_space<vmem>>
    %dma_start3A_117 = tpu.memref_squeeze %dma_start3A_116 : memref<1x1x8x64xf32, #tpu.memory_space<vmem>> -> memref<1x8x64xf32, #tpu.memory_space<vmem>>
    %dma_start3A_118 = tpu.memref_reshape %arg3 : memref<1000000x64xf32, #tpu.memory_space<hbm>> -> memref<125000x8x64xf32, #tpu.memory_space<hbm>>
    %dma_start3A_119 = arith.constant 0 : i32
    %dma_start3A_120 = arith.constant 0 : i32
    %dma_start3A_121 = tpu.memref_slice %dma_start3A_118[%squeeze3A_110, %dma_start3A_119, %dma_start3A_120] : memref<125000x8x64xf32, #tpu.memory_space<hbm>> -> memref<1x8x64xf32, #tpu.memory_space<hbm>>
    %dma_start3A_122 = tpu.memref_slice %arg11[%dma_start3A_112] : memref<2x!tpu.dma_semaphore, #tpu.memory_space<semaphore_mem>> -> memref<1x!tpu.dma_semaphore, #tpu.memory_space<semaphore_mem>>
    %dma_start3A_123 = tpu.memref_squeeze %dma_start3A_122 : memref<1x!tpu.dma_semaphore, #tpu.memory_space<semaphore_mem>> -> memref<!tpu.dma_semaphore, #tpu.memory_space<semaphore_mem>>
    %dma_start3A_124 = arith.constant 4 : i32
    %dma_start3A_125 = arith.constant 0 : i32
    %dma_start3A_126 = arith.constant 0 : i32
    %dma_start3A_127 = tpu.memref_slice %arg8[%dma_start3A_111, %dma_start3A_124, %dma_start3A_125, %dma_start3A_126] : memref<2x16x8x64xf32, #tpu.memory_space<vmem>> -> memref<1x1x8x64xf32, #tpu.memory_space<vmem>>
    %dma_start3A_128 = tpu.memref_squeeze %dma_start3A_127 : memref<1x1x8x64xf32, #tpu.memory_space<vmem>> -> memref<1x8x64xf32, #tpu.memory_space<vmem>>
    %dma_start3A_129 = tpu.memref_reshape %arg3 : memref<1000000x64xf32, #tpu.memory_space<hbm>> -> memref<125000x8x64xf32, #tpu.memory_space<hbm>>
    %dma_start3A_130 = arith.constant 0 : i32
    %dma_start3A_131 = arith.constant 0 : i32
    %dma_start3A_132 = tpu.memref_slice %dma_start3A_129[%squeeze3A_110, %dma_start3A_130, %dma_start3A_131] : memref<125000x8x64xf32, #tpu.memory_space<hbm>> -> memref<1x8x64xf32, #tpu.memory_space<hbm>>
    tpu.enqueue_dma source(%dma_start3A_132 : memref<1x8x64xf32, #tpu.memory_space<hbm>>) target(%dma_start3A_128 : memref<1x8x64xf32, #tpu.memory_space<vmem>>) target_semaphore(%dma_start3A_123 : memref<!tpu.dma_semaphore, #tpu.memory_space<semaphore_mem>>)
    %slice3A_133 = vector.extract_strided_slice %shift_right_logical3A_14 {offsets = [5], sizes = [1], strides = [1]} : vector<16xi32> to vector<1xi32>
    %squeeze3A_134 = vector.extract %slice3A_133[0] : i32 from vector<1xi32>
    %dma_start3A_135 = arith.constant 0 : i32
    %dma_start3A_136 = arith.constant 0 : i32
    %dma_start3A_137 = arith.constant 5 : i32
    %dma_start3A_138 = arith.constant 0 : i32
    %dma_start3A_139 = arith.constant 0 : i32
    %dma_start3A_140 = tpu.memref_slice %arg8[%dma_start3A_135, %dma_start3A_137, %dma_start3A_138, %dma_start3A_139] : memref<2x16x8x64xf32, #tpu.memory_space<vmem>> -> memref<1x1x8x64xf32, #tpu.memory_space<vmem>>
    %dma_start3A_141 = tpu.memref_squeeze %dma_start3A_140 : memref<1x1x8x64xf32, #tpu.memory_space<vmem>> -> memref<1x8x64xf32, #tpu.memory_space<vmem>>
    %dma_start3A_142 = tpu.memref_reshape %arg3 : memref<1000000x64xf32, #tpu.memory_space<hbm>> -> memref<125000x8x64xf32, #tpu.memory_space<hbm>>
    %dma_start3A_143 = arith.constant 0 : i32
    %dma_start3A_144 = arith.constant 0 : i32
    %dma_start3A_145 = tpu.memref_slice %dma_start3A_142[%squeeze3A_134, %dma_start3A_143, %dma_start3A_144] : memref<125000x8x64xf32, #tpu.memory_space<hbm>> -> memref<1x8x64xf32, #tpu.memory_space<hbm>>
    %dma_start3A_146 = tpu.memref_slice %arg11[%dma_start3A_136] : memref<2x!tpu.dma_semaphore, #tpu.memory_space<semaphore_mem>> -> memref<1x!tpu.dma_semaphore, #tpu.memory_space<semaphore_mem>>
    %dma_start3A_147 = tpu.memref_squeeze %dma_start3A_146 : memref<1x!tpu.dma_semaphore, #tpu.memory_space<semaphore_mem>> -> memref<!tpu.dma_semaphore, #tpu.memory_space<semaphore_mem>>
    %dma_start3A_148 = arith.constant 5 : i32
    %dma_start3A_149 = arith.constant 0 : i32
    %dma_start3A_150 = arith.constant 0 : i32
    %dma_start3A_151 = tpu.memref_slice %arg8[%dma_start3A_135, %dma_start3A_148, %dma_start3A_149, %dma_start3A_150] : memref<2x16x8x64xf32, #tpu.memory_space<vmem>> -> memref<1x1x8x64xf32, #tpu.memory_space<vmem>>
    %dma_start3A_152 = tpu.memref_squeeze %dma_start3A_151 : memref<1x1x8x64xf32, #tpu.memory_space<vmem>> -> memref<1x8x64xf32, #tpu.memory_space<vmem>>
    %dma_start3A_153 = tpu.memref_reshape %arg3 : memref<1000000x64xf32, #tpu.memory_space<hbm>> -> memref<125000x8x64xf32, #tpu.memory_space<hbm>>
    %dma_start3A_154 = arith.constant 0 : i32
    %dma_start3A_155 = arith.constant 0 : i32
    %dma_start3A_156 = tpu.memref_slice %dma_start3A_153[%squeeze3A_134, %dma_start3A_154, %dma_start3A_155] : memref<125000x8x64xf32, #tpu.memory_space<hbm>> -> memref<1x8x64xf32, #tpu.memory_space<hbm>>
    tpu.enqueue_dma source(%dma_start3A_156 : memref<1x8x64xf32, #tpu.memory_space<hbm>>) target(%dma_start3A_152 : memref<1x8x64xf32, #tpu.memory_space<vmem>>) target_semaphore(%dma_start3A_147 : memref<!tpu.dma_semaphore, #tpu.memory_space<semaphore_mem>>)
    %slice3A_157 = vector.extract_strided_slice %shift_right_logical3A_14 {offsets = [6], sizes = [1], strides = [1]} : vector<16xi32> to vector<1xi32>
    %squeeze3A_158 = vector.extract %slice3A_157[0] : i32 from vector<1xi32>
    %dma_start3A_159 = arith.constant 0 : i32
    %dma_start3A_160 = arith.constant 0 : i32
    %dma_start3A_161 = arith.constant 6 : i32
    %dma_start3A_162 = arith.constant 0 : i32
    %dma_start3A_163 = arith.constant 0 : i32
    %dma_start3A_164 = tpu.memref_slice %arg8[%dma_start3A_159, %dma_start3A_161, %dma_start3A_162, %dma_start3A_163] : memref<2x16x8x64xf32, #tpu.memory_space<vmem>> -> memref<1x1x8x64xf32, #tpu.memory_space<vmem>>
    %dma_start3A_165 = tpu.memref_squeeze %dma_start3A_164 : memref<1x1x8x64xf32, #tpu.memory_space<vmem>> -> memref<1x8x64xf32, #tpu.memory_space<vmem>>
    %dma_start3A_166 = tpu.memref_reshape %arg3 : memref<1000000x64xf32, #tpu.memory_space<hbm>> -> memref<125000x8x64xf32, #tpu.memory_space<hbm>>
    %dma_start3A_167 = arith.constant 0 : i32
    %dma_start3A_168 = arith.constant 0 : i32
    %dma_start3A_169 = tpu.memref_slice %dma_start3A_166[%squeeze3A_158, %dma_start3A_167, %dma_start3A_168] : memref<125000x8x64xf32, #tpu.memory_space<hbm>> -> memref<1x8x64xf32, #tpu.memory_space<hbm>>
    %dma_start3A_170 = tpu.memref_slice %arg11[%dma_start3A_160] : memref<2x!tpu.dma_semaphore, #tpu.memory_space<semaphore_mem>> -> memref<1x!tpu.dma_semaphore, #tpu.memory_space<semaphore_mem>>
    %dma_start3A_171 = tpu.memref_squeeze %dma_start3A_170 : memref<1x!tpu.dma_semaphore, #tpu.memory_space<semaphore_mem>> -> memref<!tpu.dma_semaphore, #tpu.memory_space<semaphore_mem>>
    %dma_start3A_172 = arith.constant 6 : i32
    %dma_start3A_173 = arith.constant 0 : i32
    %dma_start3A_174 = arith.constant 0 : i32
    %dma_start3A_175 = tpu.memref_slice %arg8[%dma_start3A_159, %dma_start3A_172, %dma_start3A_173, %dma_start3A_174] : memref<2x16x8x64xf32, #tpu.memory_space<vmem>> -> memref<1x1x8x64xf32, #tpu.memory_space<vmem>>
    %dma_start3A_176 = tpu.memref_squeeze %dma_start3A_175 : memref<1x1x8x64xf32, #tpu.memory_space<vmem>> -> memref<1x8x64xf32, #tpu.memory_space<vmem>>
    %dma_start3A_177 = tpu.memref_reshape %arg3 : memref<1000000x64xf32, #tpu.memory_space<hbm>> -> memref<125000x8x64xf32, #tpu.memory_space<hbm>>
    %dma_start3A_178 = arith.constant 0 : i32
    %dma_start3A_179 = arith.constant 0 : i32
    %dma_start3A_180 = tpu.memref_slice %dma_start3A_177[%squeeze3A_158, %dma_start3A_178, %dma_start3A_179] : memref<125000x8x64xf32, #tpu.memory_space<hbm>> -> memref<1x8x64xf32, #tpu.memory_space<hbm>>
    tpu.enqueue_dma source(%dma_start3A_180 : memref<1x8x64xf32, #tpu.memory_space<hbm>>) target(%dma_start3A_176 : memref<1x8x64xf32, #tpu.memory_space<vmem>>) target_semaphore(%dma_start3A_171 : memref<!tpu.dma_semaphore, #tpu.memory_space<semaphore_mem>>)
    %slice3A_181 = vector.extract_strided_slice %shift_right_logical3A_14 {offsets = [7], sizes = [1], strides = [1]} : vector<16xi32> to vector<1xi32>
    %squeeze3A_182 = vector.extract %slice3A_181[0] : i32 from vector<1xi32>
    %dma_start3A_183 = arith.constant 0 : i32
    %dma_start3A_184 = arith.constant 0 : i32
    %dma_start3A_185 = arith.constant 7 : i32
    %dma_start3A_186 = arith.constant 0 : i32
    %dma_start3A_187 = arith.constant 0 : i32
    %dma_start3A_188 = tpu.memref_slice %arg8[%dma_start3A_183, %dma_start3A_185, %dma_start3A_186, %dma_start3A_187] : memref<2x16x8x64xf32, #tpu.memory_space<vmem>> -> memref<1x1x8x64xf32, #tpu.memory_space<vmem>>
    %dma_start3A_189 = tpu.memref_squeeze %dma_start3A_188 : memref<1x1x8x64xf32, #tpu.memory_space<vmem>> -> memref<1x8x64xf32, #tpu.memory_space<vmem>>
    %dma_start3A_190 = tpu.memref_reshape %arg3 : memref<1000000x64xf32, #tpu.memory_space<hbm>> -> memref<125000x8x64xf32, #tpu.memory_space<hbm>>
    %dma_start3A_191 = arith.constant 0 : i32
    %dma_start3A_192 = arith.constant 0 : i32
    %dma_start3A_193 = tpu.memref_slice %dma_start3A_190[%squeeze3A_182, %dma_start3A_191, %dma_start3A_192] : memref<125000x8x64xf32, #tpu.memory_space<hbm>> -> memref<1x8x64xf32, #tpu.memory_space<hbm>>
    %dma_start3A_194 = tpu.memref_slice %arg11[%dma_start3A_184] : memref<2x!tpu.dma_semaphore, #tpu.memory_space<semaphore_mem>> -> memref<1x!tpu.dma_semaphore, #tpu.memory_space<semaphore_mem>>
    %dma_start3A_195 = tpu.memref_squeeze %dma_start3A_194 : memref<1x!tpu.dma_semaphore, #tpu.memory_space<semaphore_mem>> -> memref<!tpu.dma_semaphore, #tpu.memory_space<semaphore_mem>>
    %dma_start3A_196 = arith.constant 7 : i32
    %dma_start3A_197 = arith.constant 0 : i32
    %dma_start3A_198 = arith.constant 0 : i32
    %dma_start3A_199 = tpu.memref_slice %arg8[%dma_start3A_183, %dma_start3A_196, %dma_start3A_197, %dma_start3A_198] : memref<2x16x8x64xf32, #tpu.memory_space<vmem>> -> memref<1x1x8x64xf32, #tpu.memory_space<vmem>>
    %dma_start3A_200 = tpu.memref_squeeze %dma_start3A_199 : memref<1x1x8x64xf32, #tpu.memory_space<vmem>> -> memref<1x8x64xf32, #tpu.memory_space<vmem>>
    %dma_start3A_201 = tpu.memref_reshape %arg3 : memref<1000000x64xf32, #tpu.memory_space<hbm>> -> memref<125000x8x64xf32, #tpu.memory_space<hbm>>
    %dma_start3A_202 = arith.constant 0 : i32
    %dma_start3A_203 = arith.constant 0 : i32
    %dma_start3A_204 = tpu.memref_slice %dma_start3A_201[%squeeze3A_182, %dma_start3A_202, %dma_start3A_203] : memref<125000x8x64xf32, #tpu.memory_space<hbm>> -> memref<1x8x64xf32, #tpu.memory_space<hbm>>
    tpu.enqueue_dma source(%dma_start3A_204 : memref<1x8x64xf32, #tpu.memory_space<hbm>>) target(%dma_start3A_200 : memref<1x8x64xf32, #tpu.memory_space<vmem>>) target_semaphore(%dma_start3A_195 : memref<!tpu.dma_semaphore, #tpu.memory_space<semaphore_mem>>)
    %slice3A_205 = vector.extract_strided_slice %shift_right_logical3A_14 {offsets = [8], sizes = [1], strides = [1]} : vector<16xi32> to vector<1xi32>
    %squeeze3A_206 = vector.extract %slice3A_205[0] : i32 from vector<1xi32>
    %dma_start3A_207 = arith.constant 0 : i32
    %dma_start3A_208 = arith.constant 0 : i32
    %dma_start3A_209 = arith.constant 8 : i32
    %dma_start3A_210 = arith.constant 0 : i32
    %dma_start3A_211 = arith.constant 0 : i32
    %dma_start3A_212 = tpu.memref_slice %arg8[%dma_start3A_207, %dma_start3A_209, %dma_start3A_210, %dma_start3A_211] : memref<2x16x8x64xf32, #tpu.memory_space<vmem>> -> memref<1x1x8x64xf32, #tpu.memory_space<vmem>>
    %dma_start3A_213 = tpu.memref_squeeze %dma_start3A_212 : memref<1x1x8x64xf32, #tpu.memory_space<vmem>> -> memref<1x8x64xf32, #tpu.memory_space<vmem>>
    %dma_start3A_214 = tpu.memref_reshape %arg3 : memref<1000000x64xf32, #tpu.memory_space<hbm>> -> memref<125000x8x64xf32, #tpu.memory_space<hbm>>
    %dma_start3A_215 = arith.constant 0 : i32
    %dma_start3A_216 = arith.constant 0 : i32
    %dma_start3A_217 = tpu.memref_slice %dma_start3A_214[%squeeze3A_206, %dma_start3A_215, %dma_start3A_216] : memref<125000x8x64xf32, #tpu.memory_space<hbm>> -> memref<1x8x64xf32, #tpu.memory_space<hbm>>
    %dma_start3A_218 = tpu.memref_slice %arg11[%dma_start3A_208] : memref<2x!tpu.dma_semaphore, #tpu.memory_space<semaphore_mem>> -> memref<1x!tpu.dma_semaphore, #tpu.memory_space<semaphore_mem>>
    %dma_start3A_219 = tpu.memref_squeeze %dma_start3A_218 : memref<1x!tpu.dma_semaphore, #tpu.memory_space<semaphore_mem>> -> memref<!tpu.dma_semaphore, #tpu.memory_space<semaphore_mem>>
    %dma_start3A_220 = arith.constant 8 : i32
    %dma_start3A_221 = arith.constant 0 : i32
    %dma_start3A_222 = arith.constant 0 : i32
    %dma_start3A_223 = tpu.memref_slice %arg8[%dma_start3A_207, %dma_start3A_220, %dma_start3A_221, %dma_start3A_222] : memref<2x16x8x64xf32, #tpu.memory_space<vmem>> -> memref<1x1x8x64xf32, #tpu.memory_space<vmem>>
    %dma_start3A_224 = tpu.memref_squeeze %dma_start3A_223 : memref<1x1x8x64xf32, #tpu.memory_space<vmem>> -> memref<1x8x64xf32, #tpu.memory_space<vmem>>
    %dma_start3A_225 = tpu.memref_reshape %arg3 : memref<1000000x64xf32, #tpu.memory_space<hbm>> -> memref<125000x8x64xf32, #tpu.memory_space<hbm>>
    %dma_start3A_226 = arith.constant 0 : i32
    %dma_start3A_227 = arith.constant 0 : i32
    %dma_start3A_228 = tpu.memref_slice %dma_start3A_225[%squeeze3A_206, %dma_start3A_226, %dma_start3A_227] : memref<125000x8x64xf32, #tpu.memory_space<hbm>> -> memref<1x8x64xf32, #tpu.memory_space<hbm>>
    tpu.enqueue_dma source(%dma_start3A_228 : memref<1x8x64xf32, #tpu.memory_space<hbm>>) target(%dma_start3A_224 : memref<1x8x64xf32, #tpu.memory_space<vmem>>) target_semaphore(%dma_start3A_219 : memref<!tpu.dma_semaphore, #tpu.memory_space<semaphore_mem>>)
    %slice3A_229 = vector.extract_strided_slice %shift_right_logical3A_14 {offsets = [9], sizes = [1], strides = [1]} : vector<16xi32> to vector<1xi32>
    %squeeze3A_230 = vector.extract %slice3A_229[0] : i32 from vector<1xi32>
    %dma_start3A_231 = arith.constant 0 : i32
    %dma_start3A_232 = arith.constant 0 : i32
    %dma_start3A_233 = arith.constant 9 : i32
    %dma_start3A_234 = arith.constant 0 : i32
    %dma_start3A_235 = arith.constant 0 : i32
    %dma_start3A_236 = tpu.memref_slice %arg8[%dma_start3A_231, %dma_start3A_233, %dma_start3A_234, %dma_start3A_235] : memref<2x16x8x64xf32, #tpu.memory_space<vmem>> -> memref<1x1x8x64xf32, #tpu.memory_space<vmem>>
    %dma_start3A_237 = tpu.memref_squeeze %dma_start3A_236 : memref<1x1x8x64xf32, #tpu.memory_space<vmem>> -> memref<1x8x64xf32, #tpu.memory_space<vmem>>
    %dma_start3A_238 = tpu.memref_reshape %arg3 : memref<1000000x64xf32, #tpu.memory_space<hbm>> -> memref<125000x8x64xf32, #tpu.memory_space<hbm>>
    %dma_start3A_239 = arith.constant 0 : i32
    %dma_start3A_240 = arith.constant 0 : i32
    %dma_start3A_241 = tpu.memref_slice %dma_start3A_238[%squeeze3A_230, %dma_start3A_239, %dma_start3A_240] : memref<125000x8x64xf32, #tpu.memory_space<hbm>> -> memref<1x8x64xf32, #tpu.memory_space<hbm>>
    %dma_start3A_242 = tpu.memref_slice %arg11[%dma_start3A_232] : memref<2x!tpu.dma_semaphore, #tpu.memory_space<semaphore_mem>> -> memref<1x!tpu.dma_semaphore, #tpu.memory_space<semaphore_mem>>
    %dma_start3A_243 = tpu.memref_squeeze %dma_start3A_242 : memref<1x!tpu.dma_semaphore, #tpu.memory_space<semaphore_mem>> -> memref<!tpu.dma_semaphore, #tpu.memory_space<semaphore_mem>>
    %dma_start3A_244 = arith.constant 9 : i32
    %dma_start3A_245 = arith.constant 0 : i32
    %dma_start3A_246 = arith.constant 0 : i32
    %dma_start3A_247 = tpu.memref_slice %arg8[%dma_start3A_231, %dma_start3A_244, %dma_start3A_245, %dma_start3A_246] : memref<2x16x8x64xf32, #tpu.memory_space<vmem>> -> memref<1x1x8x64xf32, #tpu.memory_space<vmem>>
    %dma_start3A_248 = tpu.memref_squeeze %dma_start3A_247 : memref<1x1x8x64xf32, #tpu.memory_space<vmem>> -> memref<1x8x64xf32, #tpu.memory_space<vmem>>
    %dma_start3A_249 = tpu.memref_reshape %arg3 : memref<1000000x64xf32, #tpu.memory_space<hbm>> -> memref<125000x8x64xf32, #tpu.memory_space<hbm>>
    %dma_start3A_250 = arith.constant 0 : i32
    %dma_start3A_251 = arith.constant 0 : i32
    %dma_start3A_252 = tpu.memref_slice %dma_start3A_249[%squeeze3A_230, %dma_start3A_250, %dma_start3A_251] : memref<125000x8x64xf32, #tpu.memory_space<hbm>> -> memref<1x8x64xf32, #tpu.memory_space<hbm>>
    tpu.enqueue_dma source(%dma_start3A_252 : memref<1x8x64xf32, #tpu.memory_space<hbm>>) target(%dma_start3A_248 : memref<1x8x64xf32, #tpu.memory_space<vmem>>) target_semaphore(%dma_start3A_243 : memref<!tpu.dma_semaphore, #tpu.memory_space<semaphore_mem>>)
    %slice3A_253 = vector.extract_strided_slice %shift_right_logical3A_14 {offsets = [10], sizes = [1], strides = [1]} : vector<16xi32> to vector<1xi32>
    %squeeze3A_254 = vector.extract %slice3A_253[0] : i32 from vector<1xi32>
    %dma_start3A_255 = arith.constant 0 : i32
    %dma_start3A_256 = arith.constant 0 : i32
    %dma_start3A_257 = arith.constant 10 : i32
    %dma_start3A_258 = arith.constant 0 : i32
    %dma_start3A_259 = arith.constant 0 : i32
    %dma_start3A_260 = tpu.memref_slice %arg8[%dma_start3A_255, %dma_start3A_257, %dma_start3A_258, %dma_start3A_259] : memref<2x16x8x64xf32, #tpu.memory_space<vmem>> -> memref<1x1x8x64xf32, #tpu.memory_space<vmem>>
    %dma_start3A_261 = tpu.memref_squeeze %dma_start3A_260 : memref<1x1x8x64xf32, #tpu.memory_space<vmem>> -> memref<1x8x64xf32, #tpu.memory_space<vmem>>
    %dma_start3A_262 = tpu.memref_reshape %arg3 : memref<1000000x64xf32, #tpu.memory_space<hbm>> -> memref<125000x8x64xf32, #tpu.memory_space<hbm>>
    %dma_start3A_263 = arith.constant 0 : i32
    %dma_start3A_264 = arith.constant 0 : i32
    %dma_start3A_265 = tpu.memref_slice %dma_start3A_262[%squeeze3A_254, %dma_start3A_263, %dma_start3A_264] : memref<125000x8x64xf32, #tpu.memory_space<hbm>> -> memref<1x8x64xf32, #tpu.memory_space<hbm>>
    %dma_start3A_266 = tpu.memref_slice %arg11[%dma_start3A_256] : memref<2x!tpu.dma_semaphore, #tpu.memory_space<semaphore_mem>> -> memref<1x!tpu.dma_semaphore, #tpu.memory_space<semaphore_mem>>
    %dma_start3A_267 = tpu.memref_squeeze %dma_start3A_266 : memref<1x!tpu.dma_semaphore, #tpu.memory_space<semaphore_mem>> -> memref<!tpu.dma_semaphore, #tpu.memory_space<semaphore_mem>>
    %dma_start3A_268 = arith.constant 10 : i32
    %dma_start3A_269 = arith.constant 0 : i32
    %dma_start3A_270 = arith.constant 0 : i32
    %dma_start3A_271 = tpu.memref_slice %arg8[%dma_start3A_255, %dma_start3A_268, %dma_start3A_269, %dma_start3A_270] : memref<2x16x8x64xf32, #tpu.memory_space<vmem>> -> memref<1x1x8x64xf32, #tpu.memory_space<vmem>>
    %dma_start3A_272 = tpu.memref_squeeze %dma_start3A_271 : memref<1x1x8x64xf32, #tpu.memory_space<vmem>> -> memref<1x8x64xf32, #tpu.memory_space<vmem>>
    %dma_start3A_273 = tpu.memref_reshape %arg3 : memref<1000000x64xf32, #tpu.memory_space<hbm>> -> memref<125000x8x64xf32, #tpu.memory_space<hbm>>
    %dma_start3A_274 = arith.constant 0 : i32
    %dma_start3A_275 = arith.constant 0 : i32
    %dma_start3A_276 = tpu.memref_slice %dma_start3A_273[%squeeze3A_254, %dma_start3A_274, %dma_start3A_275] : memref<125000x8x64xf32, #tpu.memory_space<hbm>> -> memref<1x8x64xf32, #tpu.memory_space<hbm>>
    tpu.enqueue_dma source(%dma_start3A_276 : memref<1x8x64xf32, #tpu.memory_space<hbm>>) target(%dma_start3A_272 : memref<1x8x64xf32, #tpu.memory_space<vmem>>) target_semaphore(%dma_start3A_267 : memref<!tpu.dma_semaphore, #tpu.memory_space<semaphore_mem>>)
    %slice3A_277 = vector.extract_strided_slice %shift_right_logical3A_14 {offsets = [11], sizes = [1], strides = [1]} : vector<16xi32> to vector<1xi32>
    %squeeze3A_278 = vector.extract %slice3A_277[0] : i32 from vector<1xi32>
    %dma_start3A_279 = arith.constant 0 : i32
    %dma_start3A_280 = arith.constant 0 : i32
    %dma_start3A_281 = arith.constant 11 : i32
    %dma_start3A_282 = arith.constant 0 : i32
    %dma_start3A_283 = arith.constant 0 : i32
    %dma_start3A_284 = tpu.memref_slice %arg8[%dma_start3A_279, %dma_start3A_281, %dma_start3A_282, %dma_start3A_283] : memref<2x16x8x64xf32, #tpu.memory_space<vmem>> -> memref<1x1x8x64xf32, #tpu.memory_space<vmem>>
    %dma_start3A_285 = tpu.memref_squeeze %dma_start3A_284 : memref<1x1x8x64xf32, #tpu.memory_space<vmem>> -> memref<1x8x64xf32, #tpu.memory_space<vmem>>
    %dma_start3A_286 = tpu.memref_reshape %arg3 : memref<1000000x64xf32, #tpu.memory_space<hbm>> -> memref<125000x8x64xf32, #tpu.memory_space<hbm>>
    %dma_start3A_287 = arith.constant 0 : i32
    %dma_start3A_288 = arith.constant 0 : i32
    %dma_start3A_289 = tpu.memref_slice %dma_start3A_286[%squeeze3A_278, %dma_start3A_287, %dma_start3A_288] : memref<125000x8x64xf32, #tpu.memory_space<hbm>> -> memref<1x8x64xf32, #tpu.memory_space<hbm>>
    %dma_start3A_290 = tpu.memref_slice %arg11[%dma_start3A_280] : memref<2x!tpu.dma_semaphore, #tpu.memory_space<semaphore_mem>> -> memref<1x!tpu.dma_semaphore, #tpu.memory_space<semaphore_mem>>
    %dma_start3A_291 = tpu.memref_squeeze %dma_start3A_290 : memref<1x!tpu.dma_semaphore, #tpu.memory_space<semaphore_mem>> -> memref<!tpu.dma_semaphore, #tpu.memory_space<semaphore_mem>>
    %dma_start3A_292 = arith.constant 11 : i32
    %dma_start3A_293 = arith.constant 0 : i32
    %dma_start3A_294 = arith.constant 0 : i32
    %dma_start3A_295 = tpu.memref_slice %arg8[%dma_start3A_279, %dma_start3A_292, %dma_start3A_293, %dma_start3A_294] : memref<2x16x8x64xf32, #tpu.memory_space<vmem>> -> memref<1x1x8x64xf32, #tpu.memory_space<vmem>>
    %dma_start3A_296 = tpu.memref_squeeze %dma_start3A_295 : memref<1x1x8x64xf32, #tpu.memory_space<vmem>> -> memref<1x8x64xf32, #tpu.memory_space<vmem>>
    %dma_start3A_297 = tpu.memref_reshape %arg3 : memref<1000000x64xf32, #tpu.memory_space<hbm>> -> memref<125000x8x64xf32, #tpu.memory_space<hbm>>
    %dma_start3A_298 = arith.constant 0 : i32
    %dma_start3A_299 = arith.constant 0 : i32
    %dma_start3A_300 = tpu.memref_slice %dma_start3A_297[%squeeze3A_278, %dma_start3A_298, %dma_start3A_299] : memref<125000x8x64xf32, #tpu.memory_space<hbm>> -> memref<1x8x64xf32, #tpu.memory_space<hbm>>
    tpu.enqueue_dma source(%dma_start3A_300 : memref<1x8x64xf32, #tpu.memory_space<hbm>>) target(%dma_start3A_296 : memref<1x8x64xf32, #tpu.memory_space<vmem>>) target_semaphore(%dma_start3A_291 : memref<!tpu.dma_semaphore, #tpu.memory_space<semaphore_mem>>)
    %slice3A_301 = vector.extract_strided_slice %shift_right_logical3A_14 {offsets = [12], sizes = [1], strides = [1]} : vector<16xi32> to vector<1xi32>
    %squeeze3A_302 = vector.extract %slice3A_301[0] : i32 from vector<1xi32>
    %dma_start3A_303 = arith.constant 0 : i32
    %dma_start3A_304 = arith.constant 0 : i32
    %dma_start3A_305 = arith.constant 12 : i32
    %dma_start3A_306 = arith.constant 0 : i32
    %dma_start3A_307 = arith.constant 0 : i32
    %dma_start3A_308 = tpu.memref_slice %arg8[%dma_start3A_303, %dma_start3A_305, %dma_start3A_306, %dma_start3A_307] : memref<2x16x8x64xf32, #tpu.memory_space<vmem>> -> memref<1x1x8x64xf32, #tpu.memory_space<vmem>>
    %dma_start3A_309 = tpu.memref_squeeze %dma_start3A_308 : memref<1x1x8x64xf32, #tpu.memory_space<vmem>> -> memref<1x8x64xf32, #tpu.memory_space<vmem>>
    %dma_start3A_310 = tpu.memref_reshape %arg3 : memref<1000000x64xf32, #tpu.memory_space<hbm>> -> memref<125000x8x64xf32, #tpu.memory_space<hbm>>
    %dma_start3A_311 = arith.constant 0 : i32
    %dma_start3A_312 = arith.constant 0 : i32
    %dma_start3A_313 = tpu.memref_slice %dma_start3A_310[%squeeze3A_302, %dma_start3A_311, %dma_start3A_312] : memref<125000x8x64xf32, #tpu.memory_space<hbm>> -> memref<1x8x64xf32, #tpu.memory_space<hbm>>
    %dma_start3A_314 = tpu.memref_slice %arg11[%dma_start3A_304] : memref<2x!tpu.dma_semaphore, #tpu.memory_space<semaphore_mem>> -> memref<1x!tpu.dma_semaphore, #tpu.memory_space<semaphore_mem>>
    %dma_start3A_315 = tpu.memref_squeeze %dma_start3A_314 : memref<1x!tpu.dma_semaphore, #tpu.memory_space<semaphore_mem>> -> memref<!tpu.dma_semaphore, #tpu.memory_space<semaphore_mem>>
    %dma_start3A_316 = arith.constant 12 : i32
    %dma_start3A_317 = arith.constant 0 : i32
    %dma_start3A_318 = arith.constant 0 : i32
    %dma_start3A_319 = tpu.memref_slice %arg8[%dma_start3A_303, %dma_start3A_316, %dma_start3A_317, %dma_start3A_318] : memref<2x16x8x64xf32, #tpu.memory_space<vmem>> -> memref<1x1x8x64xf32, #tpu.memory_space<vmem>>
    %dma_start3A_320 = tpu.memref_squeeze %dma_start3A_319 : memref<1x1x8x64xf32, #tpu.memory_space<vmem>> -> memref<1x8x64xf32, #tpu.memory_space<vmem>>
    %dma_start3A_321 = tpu.memref_reshape %arg3 : memref<1000000x64xf32, #tpu.memory_space<hbm>> -> memref<125000x8x64xf32, #tpu.memory_space<hbm>>
    %dma_start3A_322 = arith.constant 0 : i32
    %dma_start3A_323 = arith.constant 0 : i32
    %dma_start3A_324 = tpu.memref_slice %dma_start3A_321[%squeeze3A_302, %dma_start3A_322, %dma_start3A_323] : memref<125000x8x64xf32, #tpu.memory_space<hbm>> -> memref<1x8x64xf32, #tpu.memory_space<hbm>>
    tpu.enqueue_dma source(%dma_start3A_324 : memref<1x8x64xf32, #tpu.memory_space<hbm>>) target(%dma_start3A_320 : memref<1x8x64xf32, #tpu.memory_space<vmem>>) target_semaphore(%dma_start3A_315 : memref<!tpu.dma_semaphore, #tpu.memory_space<semaphore_mem>>)
    %slice3A_325 = vector.extract_strided_slice %shift_right_logical3A_14 {offsets = [13], sizes = [1], strides = [1]} : vector<16xi32> to vector<1xi32>
    %squeeze3A_326 = vector.extract %slice3A_325[0] : i32 from vector<1xi32>
    %dma_start3A_327 = arith.constant 0 : i32
    %dma_start3A_328 = arith.constant 0 : i32
    %dma_start3A_329 = arith.constant 13 : i32
    %dma_start3A_330 = arith.constant 0 : i32
    %dma_start3A_331 = arith.constant 0 : i32
    %dma_start3A_332 = tpu.memref_slice %arg8[%dma_start3A_327, %dma_start3A_329, %dma_start3A_330, %dma_start3A_331] : memref<2x16x8x64xf32, #tpu.memory_space<vmem>> -> memref<1x1x8x64xf32, #tpu.memory_space<vmem>>
    %dma_start3A_333 = tpu.memref_squeeze %dma_start3A_332 : memref<1x1x8x64xf32, #tpu.memory_space<vmem>> -> memref<1x8x64xf32, #tpu.memory_space<vmem>>
    %dma_start3A_334 = tpu.memref_reshape %arg3 : memref<1000000x64xf32, #tpu.memory_space<hbm>> -> memref<125000x8x64xf32, #tpu.memory_space<hbm>>
    %dma_start3A_335 = arith.constant 0 : i32
    %dma_start3A_336 = arith.constant 0 : i32
    %dma_start3A_337 = tpu.memref_slice %dma_start3A_334[%squeeze3A_326, %dma_start3A_335, %dma_start3A_336] : memref<125000x8x64xf32, #tpu.memory_space<hbm>> -> memref<1x8x64xf32, #tpu.memory_space<hbm>>
    %dma_start3A_338 = tpu.memref_slice %arg11[%dma_start3A_328] : memref<2x!tpu.dma_semaphore, #tpu.memory_space<semaphore_mem>> -> memref<1x!tpu.dma_semaphore, #tpu.memory_space<semaphore_mem>>
    %dma_start3A_339 = tpu.memref_squeeze %dma_start3A_338 : memref<1x!tpu.dma_semaphore, #tpu.memory_space<semaphore_mem>> -> memref<!tpu.dma_semaphore, #tpu.memory_space<semaphore_mem>>
    %dma_start3A_340 = arith.constant 13 : i32
    %dma_start3A_341 = arith.constant 0 : i32
    %dma_start3A_342 = arith.constant 0 : i32
    %dma_start3A_343 = tpu.memref_slice %arg8[%dma_start3A_327, %dma_start3A_340, %dma_start3A_341, %dma_start3A_342] : memref<2x16x8x64xf32, #tpu.memory_space<vmem>> -> memref<1x1x8x64xf32, #tpu.memory_space<vmem>>
    %dma_start3A_344 = tpu.memref_squeeze %dma_start3A_343 : memref<1x1x8x64xf32, #tpu.memory_space<vmem>> -> memref<1x8x64xf32, #tpu.memory_space<vmem>>
    %dma_start3A_345 = tpu.memref_reshape %arg3 : memref<1000000x64xf32, #tpu.memory_space<hbm>> -> memref<125000x8x64xf32, #tpu.memory_space<hbm>>
    %dma_start3A_346 = arith.constant 0 : i32
    %dma_start3A_347 = arith.constant 0 : i32
    %dma_start3A_348 = tpu.memref_slice %dma_start3A_345[%squeeze3A_326, %dma_start3A_346, %dma_start3A_347] : memref<125000x8x64xf32, #tpu.memory_space<hbm>> -> memref<1x8x64xf32, #tpu.memory_space<hbm>>
    tpu.enqueue_dma source(%dma_start3A_348 : memref<1x8x64xf32, #tpu.memory_space<hbm>>) target(%dma_start3A_344 : memref<1x8x64xf32, #tpu.memory_space<vmem>>) target_semaphore(%dma_start3A_339 : memref<!tpu.dma_semaphore, #tpu.memory_space<semaphore_mem>>)
    %slice3A_349 = vector.extract_strided_slice %shift_right_logical3A_14 {offsets = [14], sizes = [1], strides = [1]} : vector<16xi32> to vector<1xi32>
    %squeeze3A_350 = vector.extract %slice3A_349[0] : i32 from vector<1xi32>
    %dma_start3A_351 = arith.constant 0 : i32
    %dma_start3A_352 = arith.constant 0 : i32
    %dma_start3A_353 = arith.constant 14 : i32
    %dma_start3A_354 = arith.constant 0 : i32
    %dma_start3A_355 = arith.constant 0 : i32
    %dma_start3A_356 = tpu.memref_slice %arg8[%dma_start3A_351, %dma_start3A_353, %dma_start3A_354, %dma_start3A_355] : memref<2x16x8x64xf32, #tpu.memory_space<vmem>> -> memref<1x1x8x64xf32, #tpu.memory_space<vmem>>
    %dma_start3A_357 = tpu.memref_squeeze %dma_start3A_356 : memref<1x1x8x64xf32, #tpu.memory_space<vmem>> -> memref<1x8x64xf32, #tpu.memory_space<vmem>>
    %dma_start3A_358 = tpu.memref_reshape %arg3 : memref<1000000x64xf32, #tpu.memory_space<hbm>> -> memref<125000x8x64xf32, #tpu.memory_space<hbm>>
    %dma_start3A_359 = arith.constant 0 : i32
    %dma_start3A_360 = arith.constant 0 : i32
    %dma_start3A_361 = tpu.memref_slice %dma_start3A_358[%squeeze3A_350, %dma_start3A_359, %dma_start3A_360] : memref<125000x8x64xf32, #tpu.memory_space<hbm>> -> memref<1x8x64xf32, #tpu.memory_space<hbm>>
    %dma_start3A_362 = tpu.memref_slice %arg11[%dma_start3A_352] : memref<2x!tpu.dma_semaphore, #tpu.memory_space<semaphore_mem>> -> memref<1x!tpu.dma_semaphore, #tpu.memory_space<semaphore_mem>>
    %dma_start3A_363 = tpu.memref_squeeze %dma_start3A_362 : memref<1x!tpu.dma_semaphore, #tpu.memory_space<semaphore_mem>> -> memref<!tpu.dma_semaphore, #tpu.memory_space<semaphore_mem>>
    %dma_start3A_364 = arith.constant 14 : i32
    %dma_start3A_365 = arith.constant 0 : i32
    %dma_start3A_366 = arith.constant 0 : i32
    %dma_start3A_367 = tpu.memref_slice %arg8[%dma_start3A_351, %dma_start3A_364, %dma_start3A_365, %dma_start3A_366] : memref<2x16x8x64xf32, #tpu.memory_space<vmem>> -> memref<1x1x8x64xf32, #tpu.memory_space<vmem>>
    %dma_start3A_368 = tpu.memref_squeeze %dma_start3A_367 : memref<1x1x8x64xf32, #tpu.memory_space<vmem>> -> memref<1x8x64xf32, #tpu.memory_space<vmem>>
    %dma_start3A_369 = tpu.memref_reshape %arg3 : memref<1000000x64xf32, #tpu.memory_space<hbm>> -> memref<125000x8x64xf32, #tpu.memory_space<hbm>>
    %dma_start3A_370 = arith.constant 0 : i32
    %dma_start3A_371 = arith.constant 0 : i32
    %dma_start3A_372 = tpu.memref_slice %dma_start3A_369[%squeeze3A_350, %dma_start3A_370, %dma_start3A_371] : memref<125000x8x64xf32, #tpu.memory_space<hbm>> -> memref<1x8x64xf32, #tpu.memory_space<hbm>>
    tpu.enqueue_dma source(%dma_start3A_372 : memref<1x8x64xf32, #tpu.memory_space<hbm>>) target(%dma_start3A_368 : memref<1x8x64xf32, #tpu.memory_space<vmem>>) target_semaphore(%dma_start3A_363 : memref<!tpu.dma_semaphore, #tpu.memory_space<semaphore_mem>>)
    %slice3A_373 = vector.extract_strided_slice %shift_right_logical3A_14 {offsets = [15], sizes = [1], strides = [1]} : vector<16xi32> to vector<1xi32>
    %squeeze3A_374 = vector.extract %slice3A_373[0] : i32 from vector<1xi32>
    %dma_start3A_375 = arith.constant 0 : i32
    %dma_start3A_376 = arith.constant 0 : i32
    %dma_start3A_377 = arith.constant 15 : i32
    %dma_start3A_378 = arith.constant 0 : i32
    %dma_start3A_379 = arith.constant 0 : i32
    %dma_start3A_380 = tpu.memref_slice %arg8[%dma_start3A_375, %dma_start3A_377, %dma_start3A_378, %dma_start3A_379] : memref<2x16x8x64xf32, #tpu.memory_space<vmem>> -> memref<1x1x8x64xf32, #tpu.memory_space<vmem>>
    %dma_start3A_381 = tpu.memref_squeeze %dma_start3A_380 : memref<1x1x8x64xf32, #tpu.memory_space<vmem>> -> memref<1x8x64xf32, #tpu.memory_space<vmem>>
    %dma_start3A_382 = tpu.memref_reshape %arg3 : memref<1000000x64xf32, #tpu.memory_space<hbm>> -> memref<125000x8x64xf32, #tpu.memory_space<hbm>>
    %dma_start3A_383 = arith.constant 0 : i32
    %dma_start3A_384 = arith.constant 0 : i32
    %dma_start3A_385 = tpu.memref_slice %dma_start3A_382[%squeeze3A_374, %dma_start3A_383, %dma_start3A_384] : memref<125000x8x64xf32, #tpu.memory_space<hbm>> -> memref<1x8x64xf32, #tpu.memory_space<hbm>>
    %dma_start3A_386 = tpu.memref_slice %arg11[%dma_start3A_376] : memref<2x!tpu.dma_semaphore, #tpu.memory_space<semaphore_mem>> -> memref<1x!tpu.dma_semaphore, #tpu.memory_space<semaphore_mem>>
    %dma_start3A_387 = tpu.memref_squeeze %dma_start3A_386 : memref<1x!tpu.dma_semaphore, #tpu.memory_space<semaphore_mem>> -> memref<!tpu.dma_semaphore, #tpu.memory_space<semaphore_mem>>
    %dma_start3A_388 = arith.constant 15 : i32
    %dma_start3A_389 = arith.constant 0 : i32
    %dma_start3A_390 = arith.constant 0 : i32
    %dma_start3A_391 = tpu.memref_slice %arg8[%dma_start3A_375, %dma_start3A_388, %dma_start3A_389, %dma_start3A_390] : memref<2x16x8x64xf32, #tpu.memory_space<vmem>> -> memref<1x1x8x64xf32, #tpu.memory_space<vmem>>
    %dma_start3A_392 = tpu.memref_squeeze %dma_start3A_391 : memref<1x1x8x64xf32, #tpu.memory_space<vmem>> -> memref<1x8x64xf32, #tpu.memory_space<vmem>>
    %dma_start3A_393 = tpu.memref_reshape %arg3 : memref<1000000x64xf32, #tpu.memory_space<hbm>> -> memref<125000x8x64xf32, #tpu.memory_space<hbm>>
    %dma_start3A_394 = arith.constant 0 : i32
    %dma_start3A_395 = arith.constant 0 : i32
    %dma_start3A_396 = tpu.memref_slice %dma_start3A_393[%squeeze3A_374, %dma_start3A_394, %dma_start3A_395] : memref<125000x8x64xf32, #tpu.memory_space<hbm>> -> memref<1x8x64xf32, #tpu.memory_space<hbm>>
    tpu.enqueue_dma source(%dma_start3A_396 : memref<1x8x64xf32, #tpu.memory_space<hbm>>) target(%dma_start3A_392 : memref<1x8x64xf32, #tpu.memory_space<vmem>>) target_semaphore(%dma_start3A_387 : memref<!tpu.dma_semaphore, #tpu.memory_space<semaphore_mem>>)
    %scan3A_397 = arith.constant 0 : i32
    %scan3A_398 = arith.constant 0 : i32
    %scan3A_399 = arith.constant 32 : i32
    %scan3A_400 = arith.addi %scan3A_398, %scan3A_399 : i32
    %scan3A_401 = arith.constant 1 : i32
    scf.for %scan3A_403 = %scan3A_398 to %scan3A_400 step %scan3A_401  : i32 {
      %and3A = arith.constant 1 : i32
      %and3A_404 = arith.andi %scan3A_403, %and3A : i32
      %add3A_405 = arith.constant 1 : i32
      %add3A_406 = arith.addi %scan3A_403, %add3A_405 : i32
      %and3A_407 = arith.constant 1 : i32
      %and3A_408 = arith.andi %add3A_406, %and3A_407 : i32
      %add3A_409 = arith.constant 1 : i32
      %add3A_410 = arith.addi %scan3A_403, %add3A_409 : i32
      %lt3A = arith.constant 32 : i32
      %lt3A_411 = arith.cmpi slt, %add3A_410, %lt3A : i32
      %convert_element_type3A = arith.extui %lt3A_411 : i1 to i32
      %cond3A = arith.constant 0 : i32
      %cond3A_412 = arith.cmpi ne, %convert_element_type3A, %cond3A : i32
      scf.if %cond3A_412 {
        %add3A_1325 = arith.constant 1 : i32
        %add3A_1326 = arith.addi %scan3A_403, %add3A_1325 : i32
        %mul3A_1327 = arith.constant 16 : i32
        %mul3A_1328 = arith.muli %add3A_1326, %mul3A_1327 : i32
        %get3A_1329 = arith.index_cast %mul3A_1328 : i32 to index
        %get3A_1330 = tpu.vector_load %arg6[%get3A_1329] {strides = array<i32>} : memref<512xi32, #tpu.memory_space<vmem>>, vector<16xi32>,
        %shift_right_logical3A_1331 = arith.constant 3 : i32
        %shift_right_logical3A_1332 = vector.broadcast %shift_right_logical3A_1331 : i32 to vector<16xi32>
        %shift_right_logical3A_1333 = arith.shrui %get3A_1330, %shift_right_logical3A_1332 : vector<16xi32>
        %slice3A_1334 = vector.extract_strided_slice %shift_right_logical3A_1333 {offsets = [0], sizes = [1], strides = [1]} : vector<16xi32> to vector<1xi32>
        %squeeze3A_1335 = vector.extract %slice3A_1334[0] : i32 from vector<1xi32>
        %dma_start3A_1336 = arith.constant 0 : i32
        %dma_start3A_1337 = arith.constant 0 : i32
        %dma_start3A_1338 = arith.constant 0 : i32
        %dma_start3A_1339 = tpu.memref_slice %arg8[%and3A_408, %dma_start3A_1336, %dma_start3A_1337, %dma_start3A_1338] : memref<2x16x8x64xf32, #tpu.memory_space<vmem>> -> memref<1x1x8x64xf32, #tpu.memory_space<vmem>>
        %dma_start3A_1340 = tpu.memref_squeeze %dma_start3A_1339 : memref<1x1x8x64xf32, #tpu.memory_space<vmem>> -> memref<1x8x64xf32, #tpu.memory_space<vmem>>
        %dma_start3A_1341 = tpu.memref_reshape %arg3 : memref<1000000x64xf32, #tpu.memory_space<hbm>> -> memref<125000x8x64xf32, #tpu.memory_space<hbm>>
        %dma_start3A_1342 = arith.constant 0 : i32
        %dma_start3A_1343 = arith.constant 0 : i32
        %dma_start3A_1344 = tpu.memref_slice %dma_start3A_1341[%squeeze3A_1335, %dma_start3A_1342, %dma_start3A_1343] : memref<125000x8x64xf32, #tpu.memory_space<hbm>> -> memref<1x8x64xf32, #tpu.memory_space<hbm>>
        %dma_start3A_1345 = tpu.memref_slice %arg11[%and3A_408] : memref<2x!tpu.dma_semaphore, #tpu.memory_space<semaphore_mem>> -> memref<1x!tpu.dma_semaphore, #tpu.memory_space<semaphore_mem>>
        %dma_start3A_1346 = tpu.memref_squeeze %dma_start3A_1345 : memref<1x!tpu.dma_semaphore, #tpu.memory_space<semaphore_mem>> -> memref<!tpu.dma_semaphore, #tpu.memory_space<semaphore_mem>>
        %dma_start3A_1347 = arith.constant 0 : i32
        %dma_start3A_1348 = arith.constant 0 : i32
        %dma_start3A_1349 = arith.constant 0 : i32
        %dma_start3A_1350 = tpu.memref_slice %arg8[%and3A_408, %dma_start3A_1347, %dma_start3A_1348, %dma_start3A_1349] : memref<2x16x8x64xf32, #tpu.memory_space<vmem>> -> memref<1x1x8x64xf32, #tpu.memory_space<vmem>>
        %dma_start3A_1351 = tpu.memref_squeeze %dma_start3A_1350 : memref<1x1x8x64xf32, #tpu.memory_space<vmem>> -> memref<1x8x64xf32, #tpu.memory_space<vmem>>
        %dma_start3A_1352 = tpu.memref_reshape %arg3 : memref<1000000x64xf32, #tpu.memory_space<hbm>> -> memref<125000x8x64xf32, #tpu.memory_space<hbm>>
        %dma_start3A_1353 = arith.constant 0 : i32
        %dma_start3A_1354 = arith.constant 0 : i32
        %dma_start3A_1355 = tpu.memref_slice %dma_start3A_1352[%squeeze3A_1335, %dma_start3A_1353, %dma_start3A_1354] : memref<125000x8x64xf32, #tpu.memory_space<hbm>> -> memref<1x8x64xf32, #tpu.memory_space<hbm>>
        tpu.enqueue_dma source(%dma_start3A_1355 : memref<1x8x64xf32, #tpu.memory_space<hbm>>) target(%dma_start3A_1351 : memref<1x8x64xf32, #tpu.memory_space<vmem>>) target_semaphore(%dma_start3A_1346 : memref<!tpu.dma_semaphore, #tpu.memory_space<semaphore_mem>>)
        %slice3A_1356 = vector.extract_strided_slice %shift_right_logical3A_1333 {offsets = [1], sizes = [1], strides = [1]} : vector<16xi32> to vector<1xi32>
        %squeeze3A_1357 = vector.extract %slice3A_1356[0] : i32 from vector<1xi32>
        %dma_start3A_1358 = arith.constant 1 : i32
        %dma_start3A_1359 = arith.constant 0 : i32
        %dma_start3A_1360 = arith.constant 0 : i32
        %dma_start3A_1361 = tpu.memref_slice %arg8[%and3A_408, %dma_start3A_1358, %dma_start3A_1359, %dma_start3A_1360] : memref<2x16x8x64xf32, #tpu.memory_space<vmem>> -> memref<1x1x8x64xf32, #tpu.memory_space<vmem>>
        %dma_start3A_1362 = tpu.memref_squeeze %dma_start3A_1361 : memref<1x1x8x64xf32, #tpu.memory_space<vmem>> -> memref<1x8x64xf32, #tpu.memory_space<vmem>>
        %dma_start3A_1363 = tpu.memref_reshape %arg3 : memref<1000000x64xf32, #tpu.memory_space<hbm>> -> memref<125000x8x64xf32, #tpu.memory_space<hbm>>
        %dma_start3A_1364 = arith.constant 0 : i32
        %dma_start3A_1365 = arith.constant 0 : i32
        %dma_start3A_1366 = tpu.memref_slice %dma_start3A_1363[%squeeze3A_1357, %dma_start3A_1364, %dma_start3A_1365] : memref<125000x8x64xf32, #tpu.memory_space<hbm>> -> memref<1x8x64xf32, #tpu.memory_space<hbm>>
        %dma_start3A_1367 = tpu.memref_slice %arg11[%and3A_408] : memref<2x!tpu.dma_semaphore, #tpu.memory_space<semaphore_mem>> -> memref<1x!tpu.dma_semaphore, #tpu.memory_space<semaphore_mem>>
        %dma_start3A_1368 = tpu.memref_squeeze %dma_start3A_1367 : memref<1x!tpu.dma_semaphore, #tpu.memory_space<semaphore_mem>> -> memref<!tpu.dma_semaphore, #tpu.memory_space<semaphore_mem>>
        %dma_start3A_1369 = arith.constant 1 : i32
        %dma_start3A_1370 = arith.constant 0 : i32
        %dma_start3A_1371 = arith.constant 0 : i32
        %dma_start3A_1372 = tpu.memref_slice %arg8[%and3A_408, %dma_start3A_1369, %dma_start3A_1370, %dma_start3A_1371] : memref<2x16x8x64xf32, #tpu.memory_space<vmem>> -> memref<1x1x8x64xf32, #tpu.memory_space<vmem>>
        %dma_start3A_1373 = tpu.memref_squeeze %dma_start3A_1372 : memref<1x1x8x64xf32, #tpu.memory_space<vmem>> -> memref<1x8x64xf32, #tpu.memory_space<vmem>>
        %dma_start3A_1374 = tpu.memref_reshape %arg3 : memref<1000000x64xf32, #tpu.memory_space<hbm>> -> memref<125000x8x64xf32, #tpu.memory_space<hbm>>
        %dma_start3A_1375 = arith.constant 0 : i32
        %dma_start3A_1376 = arith.constant 0 : i32
        %dma_start3A_1377 = tpu.memref_slice %dma_start3A_1374[%squeeze3A_1357, %dma_start3A_1375, %dma_start3A_1376] : memref<125000x8x64xf32, #tpu.memory_space<hbm>> -> memref<1x8x64xf32, #tpu.memory_space<hbm>>
        tpu.enqueue_dma source(%dma_start3A_1377 : memref<1x8x64xf32, #tpu.memory_space<hbm>>) target(%dma_start3A_1373 : memref<1x8x64xf32, #tpu.memory_space<vmem>>) target_semaphore(%dma_start3A_1368 : memref<!tpu.dma_semaphore, #tpu.memory_space<semaphore_mem>>)
        %slice3A_1378 = vector.extract_strided_slice %shift_right_logical3A_1333 {offsets = [2], sizes = [1], strides = [1]} : vector<16xi32> to vector<1xi32>
        %squeeze3A_1379 = vector.extract %slice3A_1378[0] : i32 from vector<1xi32>
        %dma_start3A_1380 = arith.constant 2 : i32
        %dma_start3A_1381 = arith.constant 0 : i32
        %dma_start3A_1382 = arith.constant 0 : i32
        %dma_start3A_1383 = tpu.memref_slice %arg8[%and3A_408, %dma_start3A_1380, %dma_start3A_1381, %dma_start3A_1382] : memref<2x16x8x64xf32, #tpu.memory_space<vmem>> -> memref<1x1x8x64xf32, #tpu.memory_space<vmem>>
        %dma_start3A_1384 = tpu.memref_squeeze %dma_start3A_1383 : memref<1x1x8x64xf32, #tpu.memory_space<vmem>> -> memref<1x8x64xf32, #tpu.memory_space<vmem>>
        %dma_start3A_1385 = tpu.memref_reshape %arg3 : memref<1000000x64xf32, #tpu.memory_space<hbm>> -> memref<125000x8x64xf32, #tpu.memory_space<hbm>>
        %dma_start3A_1386 = arith.constant 0 : i32
        %dma_start3A_1387 = arith.constant 0 : i32
        %dma_start3A_1388 = tpu.memref_slice %dma_start3A_1385[%squeeze3A_1379, %dma_start3A_1386, %dma_start3A_1387] : memref<125000x8x64xf32, #tpu.memory_space<hbm>> -> memref<1x8x64xf32, #tpu.memory_space<hbm>>
        %dma_start3A_1389 = tpu.memref_slice %arg11[%and3A_408] : memref<2x!tpu.dma_semaphore, #tpu.memory_space<semaphore_mem>> -> memref<1x!tpu.dma_semaphore, #tpu.memory_space<semaphore_mem>>
        %dma_start3A_1390 = tpu.memref_squeeze %dma_start3A_1389 : memref<1x!tpu.dma_semaphore, #tpu.memory_space<semaphore_mem>> -> memref<!tpu.dma_semaphore, #tpu.memory_space<semaphore_mem>>
        %dma_start3A_1391 = arith.constant 2 : i32
        %dma_start3A_1392 = arith.constant 0 : i32
        %dma_start3A_1393 = arith.constant 0 : i32
        %dma_start3A_1394 = tpu.memref_slice %arg8[%and3A_408, %dma_start3A_1391, %dma_start3A_1392, %dma_start3A_1393] : memref<2x16x8x64xf32, #tpu.memory_space<vmem>> -> memref<1x1x8x64xf32, #tpu.memory_space<vmem>>
        %dma_start3A_1395 = tpu.memref_squeeze %dma_start3A_1394 : memref<1x1x8x64xf32, #tpu.memory_space<vmem>> -> memref<1x8x64xf32, #tpu.memory_space<vmem>>
        %dma_start3A_1396 = tpu.memref_reshape %arg3 : memref<1000000x64xf32, #tpu.memory_space<hbm>> -> memref<125000x8x64xf32, #tpu.memory_space<hbm>>
        %dma_start3A_1397 = arith.constant 0 : i32
        %dma_start3A_1398 = arith.constant 0 : i32
        %dma_start3A_1399 = tpu.memref_slice %dma_start3A_1396[%squeeze3A_1379, %dma_start3A_1397, %dma_start3A_1398] : memref<125000x8x64xf32, #tpu.memory_space<hbm>> -> memref<1x8x64xf32, #tpu.memory_space<hbm>>
        tpu.enqueue_dma source(%dma_start3A_1399 : memref<1x8x64xf32, #tpu.memory_space<hbm>>) target(%dma_start3A_1395 : memref<1x8x64xf32, #tpu.memory_space<vmem>>) target_semaphore(%dma_start3A_1390 : memref<!tpu.dma_semaphore, #tpu.memory_space<semaphore_mem>>)
        %slice3A_1400 = vector.extract_strided_slice %shift_right_logical3A_1333 {offsets = [3], sizes = [1], strides = [1]} : vector<16xi32> to vector<1xi32>
        %squeeze3A_1401 = vector.extract %slice3A_1400[0] : i32 from vector<1xi32>
        %dma_start3A_1402 = arith.constant 3 : i32
        %dma_start3A_1403 = arith.constant 0 : i32
        %dma_start3A_1404 = arith.constant 0 : i32
        %dma_start3A_1405 = tpu.memref_slice %arg8[%and3A_408, %dma_start3A_1402, %dma_start3A_1403, %dma_start3A_1404] : memref<2x16x8x64xf32, #tpu.memory_space<vmem>> -> memref<1x1x8x64xf32, #tpu.memory_space<vmem>>
        %dma_start3A_1406 = tpu.memref_squeeze %dma_start3A_1405 : memref<1x1x8x64xf32, #tpu.memory_space<vmem>> -> memref<1x8x64xf32, #tpu.memory_space<vmem>>
        %dma_start3A_1407 = tpu.memref_reshape %arg3 : memref<1000000x64xf32, #tpu.memory_space<hbm>> -> memref<125000x8x64xf32, #tpu.memory_space<hbm>>
        %dma_start3A_1408 = arith.constant 0 : i32
        %dma_start3A_1409 = arith.constant 0 : i32
        %dma_start3A_1410 = tpu.memref_slice %dma_start3A_1407[%squeeze3A_1401, %dma_start3A_1408, %dma_start3A_1409] : memref<125000x8x64xf32, #tpu.memory_space<hbm>> -> memref<1x8x64xf32, #tpu.memory_space<hbm>>
        %dma_start3A_1411 = tpu.memref_slice %arg11[%and3A_408] : memref<2x!tpu.dma_semaphore, #tpu.memory_space<semaphore_mem>> -> memref<1x!tpu.dma_semaphore, #tpu.memory_space<semaphore_mem>>
        %dma_start3A_1412 = tpu.memref_squeeze %dma_start3A_1411 : memref<1x!tpu.dma_semaphore, #tpu.memory_space<semaphore_mem>> -> memref<!tpu.dma_semaphore, #tpu.memory_space<semaphore_mem>>
        %dma_start3A_1413 = arith.constant 3 : i32
        %dma_start3A_1414 = arith.constant 0 : i32
        %dma_start3A_1415 = arith.constant 0 : i32
        %dma_start3A_1416 = tpu.memref_slice %arg8[%and3A_408, %dma_start3A_1413, %dma_start3A_1414, %dma_start3A_1415] : memref<2x16x8x64xf32, #tpu.memory_space<vmem>> -> memref<1x1x8x64xf32, #tpu.memory_space<vmem>>
        %dma_start3A_1417 = tpu.memref_squeeze %dma_start3A_1416 : memref<1x1x8x64xf32, #tpu.memory_space<vmem>> -> memref<1x8x64xf32, #tpu.memory_space<vmem>>
        %dma_start3A_1418 = tpu.memref_reshape %arg3 : memref<1000000x64xf32, #tpu.memory_space<hbm>> -> memref<125000x8x64xf32, #tpu.memory_space<hbm>>
        %dma_start3A_1419 = arith.constant 0 : i32
        %dma_start3A_1420 = arith.constant 0 : i32
        %dma_start3A_1421 = tpu.memref_slice %dma_start3A_1418[%squeeze3A_1401, %dma_start3A_1419, %dma_start3A_1420] : memref<125000x8x64xf32, #tpu.memory_space<hbm>> -> memref<1x8x64xf32, #tpu.memory_space<hbm>>
        tpu.enqueue_dma source(%dma_start3A_1421 : memref<1x8x64xf32, #tpu.memory_space<hbm>>) target(%dma_start3A_1417 : memref<1x8x64xf32, #tpu.memory_space<vmem>>) target_semaphore(%dma_start3A_1412 : memref<!tpu.dma_semaphore, #tpu.memory_space<semaphore_mem>>)
        %slice3A_1422 = vector.extract_strided_slice %shift_right_logical3A_1333 {offsets = [4], sizes = [1], strides = [1]} : vector<16xi32> to vector<1xi32>
        %squeeze3A_1423 = vector.extract %slice3A_1422[0] : i32 from vector<1xi32>
        %dma_start3A_1424 = arith.constant 4 : i32
        %dma_start3A_1425 = arith.constant 0 : i32
        %dma_start3A_1426 = arith.constant 0 : i32
        %dma_start3A_1427 = tpu.memref_slice %arg8[%and3A_408, %dma_start3A_1424, %dma_start3A_1425, %dma_start3A_1426] : memref<2x16x8x64xf32, #tpu.memory_space<vmem>> -> memref<1x1x8x64xf32, #tpu.memory_space<vmem>>
        %dma_start3A_1428 = tpu.memref_squeeze %dma_start3A_1427 : memref<1x1x8x64xf32, #tpu.memory_space<vmem>> -> memref<1x8x64xf32, #tpu.memory_space<vmem>>
        %dma_start3A_1429 = tpu.memref_reshape %arg3 : memref<1000000x64xf32, #tpu.memory_space<hbm>> -> memref<125000x8x64xf32, #tpu.memory_space<hbm>>
        %dma_start3A_1430 = arith.constant 0 : i32
        %dma_start3A_1431 = arith.constant 0 : i32
        %dma_start3A_1432 = tpu.memref_slice %dma_start3A_1429[%squeeze3A_1423, %dma_start3A_1430, %dma_start3A_1431] : memref<125000x8x64xf32, #tpu.memory_space<hbm>> -> memref<1x8x64xf32, #tpu.memory_space<hbm>>
        %dma_start3A_1433 = tpu.memref_slice %arg11[%and3A_408] : memref<2x!tpu.dma_semaphore, #tpu.memory_space<semaphore_mem>> -> memref<1x!tpu.dma_semaphore, #tpu.memory_space<semaphore_mem>>
        %dma_start3A_1434 = tpu.memref_squeeze %dma_start3A_1433 : memref<1x!tpu.dma_semaphore, #tpu.memory_space<semaphore_mem>> -> memref<!tpu.dma_semaphore, #tpu.memory_space<semaphore_mem>>
        %dma_start3A_1435 = arith.constant 4 : i32
        %dma_start3A_1436 = arith.constant 0 : i32
        %dma_start3A_1437 = arith.constant 0 : i32
        %dma_start3A_1438 = tpu.memref_slice %arg8[%and3A_408, %dma_start3A_1435, %dma_start3A_1436, %dma_start3A_1437] : memref<2x16x8x64xf32, #tpu.memory_space<vmem>> -> memref<1x1x8x64xf32, #tpu.memory_space<vmem>>
        %dma_start3A_1439 = tpu.memref_squeeze %dma_start3A_1438 : memref<1x1x8x64xf32, #tpu.memory_space<vmem>> -> memref<1x8x64xf32, #tpu.memory_space<vmem>>
        %dma_start3A_1440 = tpu.memref_reshape %arg3 : memref<1000000x64xf32, #tpu.memory_space<hbm>> -> memref<125000x8x64xf32, #tpu.memory_space<hbm>>
        %dma_start3A_1441 = arith.constant 0 : i32
        %dma_start3A_1442 = arith.constant 0 : i32
        %dma_start3A_1443 = tpu.memref_slice %dma_start3A_1440[%squeeze3A_1423, %dma_start3A_1441, %dma_start3A_1442] : memref<125000x8x64xf32, #tpu.memory_space<hbm>> -> memref<1x8x64xf32, #tpu.memory_space<hbm>>
        tpu.enqueue_dma source(%dma_start3A_1443 : memref<1x8x64xf32, #tpu.memory_space<hbm>>) target(%dma_start3A_1439 : memref<1x8x64xf32, #tpu.memory_space<vmem>>) target_semaphore(%dma_start3A_1434 : memref<!tpu.dma_semaphore, #tpu.memory_space<semaphore_mem>>)
        %slice3A_1444 = vector.extract_strided_slice %shift_right_logical3A_1333 {offsets = [5], sizes = [1], strides = [1]} : vector<16xi32> to vector<1xi32>
        %squeeze3A_1445 = vector.extract %slice3A_1444[0] : i32 from vector<1xi32>
        %dma_start3A_1446 = arith.constant 5 : i32
        %dma_start3A_1447 = arith.constant 0 : i32
        %dma_start3A_1448 = arith.constant 0 : i32
        %dma_start3A_1449 = tpu.memref_slice %arg8[%and3A_408, %dma_start3A_1446, %dma_start3A_1447, %dma_start3A_1448] : memref<2x16x8x64xf32, #tpu.memory_space<vmem>> -> memref<1x1x8x64xf32, #tpu.memory_space<vmem>>
        %dma_start3A_1450 = tpu.memref_squeeze %dma_start3A_1449 : memref<1x1x8x64xf32, #tpu.memory_space<vmem>> -> memref<1x8x64xf32, #tpu.memory_space<vmem>>
        %dma_start3A_1451 = tpu.memref_reshape %arg3 : memref<1000000x64xf32, #tpu.memory_space<hbm>> -> memref<125000x8x64xf32, #tpu.memory_space<hbm>>
        %dma_start3A_1452 = arith.constant 0 : i32
        %dma_start3A_1453 = arith.constant 0 : i32
        %dma_start3A_1454 = tpu.memref_slice %dma_start3A_1451[%squeeze3A_1445, %dma_start3A_1452, %dma_start3A_1453] : memref<125000x8x64xf32, #tpu.memory_space<hbm>> -> memref<1x8x64xf32, #tpu.memory_space<hbm>>
        %dma_start3A_1455 = tpu.memref_slice %arg11[%and3A_408] : memref<2x!tpu.dma_semaphore, #tpu.memory_space<semaphore_mem>> -> memref<1x!tpu.dma_semaphore, #tpu.memory_space<semaphore_mem>>
        %dma_start3A_1456 = tpu.memref_squeeze %dma_start3A_1455 : memref<1x!tpu.dma_semaphore, #tpu.memory_space<semaphore_mem>> -> memref<!tpu.dma_semaphore, #tpu.memory_space<semaphore_mem>>
        %dma_start3A_1457 = arith.constant 5 : i32
        %dma_start3A_1458 = arith.constant 0 : i32
        %dma_start3A_1459 = arith.constant 0 : i32
        %dma_start3A_1460 = tpu.memref_slice %arg8[%and3A_408, %dma_start3A_1457, %dma_start3A_1458, %dma_start3A_1459] : memref<2x16x8x64xf32, #tpu.memory_space<vmem>> -> memref<1x1x8x64xf32, #tpu.memory_space<vmem>>
        %dma_start3A_1461 = tpu.memref_squeeze %dma_start3A_1460 : memref<1x1x8x64xf32, #tpu.memory_space<vmem>> -> memref<1x8x64xf32, #tpu.memory_space<vmem>>
        %dma_start3A_1462 = tpu.memref_reshape %arg3 : memref<1000000x64xf32, #tpu.memory_space<hbm>> -> memref<125000x8x64xf32, #tpu.memory_space<hbm>>
        %dma_start3A_1463 = arith.constant 0 : i32
        %dma_start3A_1464 = arith.constant 0 : i32
        %dma_start3A_1465 = tpu.memref_slice %dma_start3A_1462[%squeeze3A_1445, %dma_start3A_1463, %dma_start3A_1464] : memref<125000x8x64xf32, #tpu.memory_space<hbm>> -> memref<1x8x64xf32, #tpu.memory_space<hbm>>
        tpu.enqueue_dma source(%dma_start3A_1465 : memref<1x8x64xf32, #tpu.memory_space<hbm>>) target(%dma_start3A_1461 : memref<1x8x64xf32, #tpu.memory_space<vmem>>) target_semaphore(%dma_start3A_1456 : memref<!tpu.dma_semaphore, #tpu.memory_space<semaphore_mem>>)
        %slice3A_1466 = vector.extract_strided_slice %shift_right_logical3A_1333 {offsets = [6], sizes = [1], strides = [1]} : vector<16xi32> to vector<1xi32>
        %squeeze3A_1467 = vector.extract %slice3A_1466[0] : i32 from vector<1xi32>
        %dma_start3A_1468 = arith.constant 6 : i32
        %dma_start3A_1469 = arith.constant 0 : i32
        %dma_start3A_1470 = arith.constant 0 : i32
        %dma_start3A_1471 = tpu.memref_slice %arg8[%and3A_408, %dma_start3A_1468, %dma_start3A_1469, %dma_start3A_1470] : memref<2x16x8x64xf32, #tpu.memory_space<vmem>> -> memref<1x1x8x64xf32, #tpu.memory_space<vmem>>
        %dma_start3A_1472 = tpu.memref_squeeze %dma_start3A_1471 : memref<1x1x8x64xf32, #tpu.memory_space<vmem>> -> memref<1x8x64xf32, #tpu.memory_space<vmem>>
        %dma_start3A_1473 = tpu.memref_reshape %arg3 : memref<1000000x64xf32, #tpu.memory_space<hbm>> -> memref<125000x8x64xf32, #tpu.memory_space<hbm>>
        %dma_start3A_1474 = arith.constant 0 : i32
        %dma_start3A_1475 = arith.constant 0 : i32
        %dma_start3A_1476 = tpu.memref_slice %dma_start3A_1473[%squeeze3A_1467, %dma_start3A_1474, %dma_start3A_1475] : memref<125000x8x64xf32, #tpu.memory_space<hbm>> -> memref<1x8x64xf32, #tpu.memory_space<hbm>>
        %dma_start3A_1477 = tpu.memref_slice %arg11[%and3A_408] : memref<2x!tpu.dma_semaphore, #tpu.memory_space<semaphore_mem>> -> memref<1x!tpu.dma_semaphore, #tpu.memory_space<semaphore_mem>>
        %dma_start3A_1478 = tpu.memref_squeeze %dma_start3A_1477 : memref<1x!tpu.dma_semaphore, #tpu.memory_space<semaphore_mem>> -> memref<!tpu.dma_semaphore, #tpu.memory_space<semaphore_mem>>
        %dma_start3A_1479 = arith.constant 6 : i32
        %dma_start3A_1480 = arith.constant 0 : i32
        %dma_start3A_1481 = arith.constant 0 : i32
        %dma_start3A_1482 = tpu.memref_slice %arg8[%and3A_408, %dma_start3A_1479, %dma_start3A_1480, %dma_start3A_1481] : memref<2x16x8x64xf32, #tpu.memory_space<vmem>> -> memref<1x1x8x64xf32, #tpu.memory_space<vmem>>
        %dma_start3A_1483 = tpu.memref_squeeze %dma_start3A_1482 : memref<1x1x8x64xf32, #tpu.memory_space<vmem>> -> memref<1x8x64xf32, #tpu.memory_space<vmem>>
        %dma_start3A_1484 = tpu.memref_reshape %arg3 : memref<1000000x64xf32, #tpu.memory_space<hbm>> -> memref<125000x8x64xf32, #tpu.memory_space<hbm>>
        %dma_start3A_1485 = arith.constant 0 : i32
        %dma_start3A_1486 = arith.constant 0 : i32
        %dma_start3A_1487 = tpu.memref_slice %dma_start3A_1484[%squeeze3A_1467, %dma_start3A_1485, %dma_start3A_1486] : memref<125000x8x64xf32, #tpu.memory_space<hbm>> -> memref<1x8x64xf32, #tpu.memory_space<hbm>>
        tpu.enqueue_dma source(%dma_start3A_1487 : memref<1x8x64xf32, #tpu.memory_space<hbm>>) target(%dma_start3A_1483 : memref<1x8x64xf32, #tpu.memory_space<vmem>>) target_semaphore(%dma_start3A_1478 : memref<!tpu.dma_semaphore, #tpu.memory_space<semaphore_mem>>)
        %slice3A_1488 = vector.extract_strided_slice %shift_right_logical3A_1333 {offsets = [7], sizes = [1], strides = [1]} : vector<16xi32> to vector<1xi32>
        %squeeze3A_1489 = vector.extract %slice3A_1488[0] : i32 from vector<1xi32>
        %dma_start3A_1490 = arith.constant 7 : i32
        %dma_start3A_1491 = arith.constant 0 : i32
        %dma_start3A_1492 = arith.constant 0 : i32
        %dma_start3A_1493 = tpu.memref_slice %arg8[%and3A_408, %dma_start3A_1490, %dma_start3A_1491, %dma_start3A_1492] : memref<2x16x8x64xf32, #tpu.memory_space<vmem>> -> memref<1x1x8x64xf32, #tpu.memory_space<vmem>>
        %dma_start3A_1494 = tpu.memref_squeeze %dma_start3A_1493 : memref<1x1x8x64xf32, #tpu.memory_space<vmem>> -> memref<1x8x64xf32, #tpu.memory_space<vmem>>
        %dma_start3A_1495 = tpu.memref_reshape %arg3 : memref<1000000x64xf32, #tpu.memory_space<hbm>> -> memref<125000x8x64xf32, #tpu.memory_space<hbm>>
        %dma_start3A_1496 = arith.constant 0 : i32
        %dma_start3A_1497 = arith.constant 0 : i32
        %dma_start3A_1498 = tpu.memref_slice %dma_start3A_1495[%squeeze3A_1489, %dma_start3A_1496, %dma_start3A_1497] : memref<125000x8x64xf32, #tpu.memory_space<hbm>> -> memref<1x8x64xf32, #tpu.memory_space<hbm>>
        %dma_start3A_1499 = tpu.memref_slice %arg11[%and3A_408] : memref<2x!tpu.dma_semaphore, #tpu.memory_space<semaphore_mem>> -> memref<1x!tpu.dma_semaphore, #tpu.memory_space<semaphore_mem>>
        %dma_start3A_1500 = tpu.memref_squeeze %dma_start3A_1499 : memref<1x!tpu.dma_semaphore, #tpu.memory_space<semaphore_mem>> -> memref<!tpu.dma_semaphore, #tpu.memory_space<semaphore_mem>>
        %dma_start3A_1501 = arith.constant 7 : i32
        %dma_start3A_1502 = arith.constant 0 : i32
        %dma_start3A_1503 = arith.constant 0 : i32
        %dma_start3A_1504 = tpu.memref_slice %arg8[%and3A_408, %dma_start3A_1501, %dma_start3A_1502, %dma_start3A_1503] : memref<2x16x8x64xf32, #tpu.memory_space<vmem>> -> memref<1x1x8x64xf32, #tpu.memory_space<vmem>>
        %dma_start3A_1505 = tpu.memref_squeeze %dma_start3A_1504 : memref<1x1x8x64xf32, #tpu.memory_space<vmem>> -> memref<1x8x64xf32, #tpu.memory_space<vmem>>
        %dma_start3A_1506 = tpu.memref_reshape %arg3 : memref<1000000x64xf32, #tpu.memory_space<hbm>> -> memref<125000x8x64xf32, #tpu.memory_space<hbm>>
        %dma_start3A_1507 = arith.constant 0 : i32
        %dma_start3A_1508 = arith.constant 0 : i32
        %dma_start3A_1509 = tpu.memref_slice %dma_start3A_1506[%squeeze3A_1489, %dma_start3A_1507, %dma_start3A_1508] : memref<125000x8x64xf32, #tpu.memory_space<hbm>> -> memref<1x8x64xf32, #tpu.memory_space<hbm>>
        tpu.enqueue_dma source(%dma_start3A_1509 : memref<1x8x64xf32, #tpu.memory_space<hbm>>) target(%dma_start3A_1505 : memref<1x8x64xf32, #tpu.memory_space<vmem>>) target_semaphore(%dma_start3A_1500 : memref<!tpu.dma_semaphore, #tpu.memory_space<semaphore_mem>>)
        %slice3A_1510 = vector.extract_strided_slice %shift_right_logical3A_1333 {offsets = [8], sizes = [1], strides = [1]} : vector<16xi32> to vector<1xi32>
        %squeeze3A_1511 = vector.extract %slice3A_1510[0] : i32 from vector<1xi32>
        %dma_start3A_1512 = arith.constant 8 : i32
        %dma_start3A_1513 = arith.constant 0 : i32
        %dma_start3A_1514 = arith.constant 0 : i32
        %dma_start3A_1515 = tpu.memref_slice %arg8[%and3A_408, %dma_start3A_1512, %dma_start3A_1513, %dma_start3A_1514] : memref<2x16x8x64xf32, #tpu.memory_space<vmem>> -> memref<1x1x8x64xf32, #tpu.memory_space<vmem>>
        %dma_start3A_1516 = tpu.memref_squeeze %dma_start3A_1515 : memref<1x1x8x64xf32, #tpu.memory_space<vmem>> -> memref<1x8x64xf32, #tpu.memory_space<vmem>>
        %dma_start3A_1517 = tpu.memref_reshape %arg3 : memref<1000000x64xf32, #tpu.memory_space<hbm>> -> memref<125000x8x64xf32, #tpu.memory_space<hbm>>
        %dma_start3A_1518 = arith.constant 0 : i32
        %dma_start3A_1519 = arith.constant 0 : i32
        %dma_start3A_1520 = tpu.memref_slice %dma_start3A_1517[%squeeze3A_1511, %dma_start3A_1518, %dma_start3A_1519] : memref<125000x8x64xf32, #tpu.memory_space<hbm>> -> memref<1x8x64xf32, #tpu.memory_space<hbm>>
        %dma_start3A_1521 = tpu.memref_slice %arg11[%and3A_408] : memref<2x!tpu.dma_semaphore, #tpu.memory_space<semaphore_mem>> -> memref<1x!tpu.dma_semaphore, #tpu.memory_space<semaphore_mem>>
        %dma_start3A_1522 = tpu.memref_squeeze %dma_start3A_1521 : memref<1x!tpu.dma_semaphore, #tpu.memory_space<semaphore_mem>> -> memref<!tpu.dma_semaphore, #tpu.memory_space<semaphore_mem>>
        %dma_start3A_1523 = arith.constant 8 : i32
        %dma_start3A_1524 = arith.constant 0 : i32
        %dma_start3A_1525 = arith.constant 0 : i32
        %dma_start3A_1526 = tpu.memref_slice %arg8[%and3A_408, %dma_start3A_1523, %dma_start3A_1524, %dma_start3A_1525] : memref<2x16x8x64xf32, #tpu.memory_space<vmem>> -> memref<1x1x8x64xf32, #tpu.memory_space<vmem>>
        %dma_start3A_1527 = tpu.memref_squeeze %dma_start3A_1526 : memref<1x1x8x64xf32, #tpu.memory_space<vmem>> -> memref<1x8x64xf32, #tpu.memory_space<vmem>>
        %dma_start3A_1528 = tpu.memref_reshape %arg3 : memref<1000000x64xf32, #tpu.memory_space<hbm>> -> memref<125000x8x64xf32, #tpu.memory_space<hbm>>
        %dma_start3A_1529 = arith.constant 0 : i32
        %dma_start3A_1530 = arith.constant 0 : i32
        %dma_start3A_1531 = tpu.memref_slice %dma_start3A_1528[%squeeze3A_1511, %dma_start3A_1529, %dma_start3A_1530] : memref<125000x8x64xf32, #tpu.memory_space<hbm>> -> memref<1x8x64xf32, #tpu.memory_space<hbm>>
        tpu.enqueue_dma source(%dma_start3A_1531 : memref<1x8x64xf32, #tpu.memory_space<hbm>>) target(%dma_start3A_1527 : memref<1x8x64xf32, #tpu.memory_space<vmem>>) target_semaphore(%dma_start3A_1522 : memref<!tpu.dma_semaphore, #tpu.memory_space<semaphore_mem>>)
        %slice3A_1532 = vector.extract_strided_slice %shift_right_logical3A_1333 {offsets = [9], sizes = [1], strides = [1]} : vector<16xi32> to vector<1xi32>
        %squeeze3A_1533 = vector.extract %slice3A_1532[0] : i32 from vector<1xi32>
        %dma_start3A_1534 = arith.constant 9 : i32
        %dma_start3A_1535 = arith.constant 0 : i32
        %dma_start3A_1536 = arith.constant 0 : i32
        %dma_start3A_1537 = tpu.memref_slice %arg8[%and3A_408, %dma_start3A_1534, %dma_start3A_1535, %dma_start3A_1536] : memref<2x16x8x64xf32, #tpu.memory_space<vmem>> -> memref<1x1x8x64xf32, #tpu.memory_space<vmem>>
        %dma_start3A_1538 = tpu.memref_squeeze %dma_start3A_1537 : memref<1x1x8x64xf32, #tpu.memory_space<vmem>> -> memref<1x8x64xf32, #tpu.memory_space<vmem>>
        %dma_start3A_1539 = tpu.memref_reshape %arg3 : memref<1000000x64xf32, #tpu.memory_space<hbm>> -> memref<125000x8x64xf32, #tpu.memory_space<hbm>>
        %dma_start3A_1540 = arith.constant 0 : i32
        %dma_start3A_1541 = arith.constant 0 : i32
        %dma_start3A_1542 = tpu.memref_slice %dma_start3A_1539[%squeeze3A_1533, %dma_start3A_1540, %dma_start3A_1541] : memref<125000x8x64xf32, #tpu.memory_space<hbm>> -> memref<1x8x64xf32, #tpu.memory_space<hbm>>
        %dma_start3A_1543 = tpu.memref_slice %arg11[%and3A_408] : memref<2x!tpu.dma_semaphore, #tpu.memory_space<semaphore_mem>> -> memref<1x!tpu.dma_semaphore, #tpu.memory_space<semaphore_mem>>
        %dma_start3A_1544 = tpu.memref_squeeze %dma_start3A_1543 : memref<1x!tpu.dma_semaphore, #tpu.memory_space<semaphore_mem>> -> memref<!tpu.dma_semaphore, #tpu.memory_space<semaphore_mem>>
        %dma_start3A_1545 = arith.constant 9 : i32
        %dma_start3A_1546 = arith.constant 0 : i32
        %dma_start3A_1547 = arith.constant 0 : i32
        %dma_start3A_1548 = tpu.memref_slice %arg8[%and3A_408, %dma_start3A_1545, %dma_start3A_1546, %dma_start3A_1547] : memref<2x16x8x64xf32, #tpu.memory_space<vmem>> -> memref<1x1x8x64xf32, #tpu.memory_space<vmem>>
        %dma_start3A_1549 = tpu.memref_squeeze %dma_start3A_1548 : memref<1x1x8x64xf32, #tpu.memory_space<vmem>> -> memref<1x8x64xf32, #tpu.memory_space<vmem>>
        %dma_start3A_1550 = tpu.memref_reshape %arg3 : memref<1000000x64xf32, #tpu.memory_space<hbm>> -> memref<125000x8x64xf32, #tpu.memory_space<hbm>>
        %dma_start3A_1551 = arith.constant 0 : i32
        %dma_start3A_1552 = arith.constant 0 : i32
        %dma_start3A_1553 = tpu.memref_slice %dma_start3A_1550[%squeeze3A_1533, %dma_start3A_1551, %dma_start3A_1552] : memref<125000x8x64xf32, #tpu.memory_space<hbm>> -> memref<1x8x64xf32, #tpu.memory_space<hbm>>
        tpu.enqueue_dma source(%dma_start3A_1553 : memref<1x8x64xf32, #tpu.memory_space<hbm>>) target(%dma_start3A_1549 : memref<1x8x64xf32, #tpu.memory_space<vmem>>) target_semaphore(%dma_start3A_1544 : memref<!tpu.dma_semaphore, #tpu.memory_space<semaphore_mem>>)
        %slice3A_1554 = vector.extract_strided_slice %shift_right_logical3A_1333 {offsets = [10], sizes = [1], strides = [1]} : vector<16xi32> to vector<1xi32>
        %squeeze3A_1555 = vector.extract %slice3A_1554[0] : i32 from vector<1xi32>
        %dma_start3A_1556 = arith.constant 10 : i32
        %dma_start3A_1557 = arith.constant 0 : i32
        %dma_start3A_1558 = arith.constant 0 : i32
        %dma_start3A_1559 = tpu.memref_slice %arg8[%and3A_408, %dma_start3A_1556, %dma_start3A_1557, %dma_start3A_1558] : memref<2x16x8x64xf32, #tpu.memory_space<vmem>> -> memref<1x1x8x64xf32, #tpu.memory_space<vmem>>
        %dma_start3A_1560 = tpu.memref_squeeze %dma_start3A_1559 : memref<1x1x8x64xf32, #tpu.memory_space<vmem>> -> memref<1x8x64xf32, #tpu.memory_space<vmem>>
        %dma_start3A_1561 = tpu.memref_reshape %arg3 : memref<1000000x64xf32, #tpu.memory_space<hbm>> -> memref<125000x8x64xf32, #tpu.memory_space<hbm>>
        %dma_start3A_1562 = arith.constant 0 : i32
        %dma_start3A_1563 = arith.constant 0 : i32
        %dma_start3A_1564 = tpu.memref_slice %dma_start3A_1561[%squeeze3A_1555, %dma_start3A_1562, %dma_start3A_1563] : memref<125000x8x64xf32, #tpu.memory_space<hbm>> -> memref<1x8x64xf32, #tpu.memory_space<hbm>>
        %dma_start3A_1565 = tpu.memref_slice %arg11[%and3A_408] : memref<2x!tpu.dma_semaphore, #tpu.memory_space<semaphore_mem>> -> memref<1x!tpu.dma_semaphore, #tpu.memory_space<semaphore_mem>>
        %dma_start3A_1566 = tpu.memref_squeeze %dma_start3A_1565 : memref<1x!tpu.dma_semaphore, #tpu.memory_space<semaphore_mem>> -> memref<!tpu.dma_semaphore, #tpu.memory_space<semaphore_mem>>
        %dma_start3A_1567 = arith.constant 10 : i32
        %dma_start3A_1568 = arith.constant 0 : i32
        %dma_start3A_1569 = arith.constant 0 : i32
        %dma_start3A_1570 = tpu.memref_slice %arg8[%and3A_408, %dma_start3A_1567, %dma_start3A_1568, %dma_start3A_1569] : memref<2x16x8x64xf32, #tpu.memory_space<vmem>> -> memref<1x1x8x64xf32, #tpu.memory_space<vmem>>
        %dma_start3A_1571 = tpu.memref_squeeze %dma_start3A_1570 : memref<1x1x8x64xf32, #tpu.memory_space<vmem>> -> memref<1x8x64xf32, #tpu.memory_space<vmem>>
        %dma_start3A_1572 = tpu.memref_reshape %arg3 : memref<1000000x64xf32, #tpu.memory_space<hbm>> -> memref<125000x8x64xf32, #tpu.memory_space<hbm>>
        %dma_start3A_1573 = arith.constant 0 : i32
        %dma_start3A_1574 = arith.constant 0 : i32
        %dma_start3A_1575 = tpu.memref_slice %dma_start3A_1572[%squeeze3A_1555, %dma_start3A_1573, %dma_start3A_1574] : memref<125000x8x64xf32, #tpu.memory_space<hbm>> -> memref<1x8x64xf32, #tpu.memory_space<hbm>>
        tpu.enqueue_dma source(%dma_start3A_1575 : memref<1x8x64xf32, #tpu.memory_space<hbm>>) target(%dma_start3A_1571 : memref<1x8x64xf32, #tpu.memory_space<vmem>>) target_semaphore(%dma_start3A_1566 : memref<!tpu.dma_semaphore, #tpu.memory_space<semaphore_mem>>)
        %slice3A_1576 = vector.extract_strided_slice %shift_right_logical3A_1333 {offsets = [11], sizes = [1], strides = [1]} : vector<16xi32> to vector<1xi32>
        %squeeze3A_1577 = vector.extract %slice3A_1576[0] : i32 from vector<1xi32>
        %dma_start3A_1578 = arith.constant 11 : i32
        %dma_start3A_1579 = arith.constant 0 : i32
        %dma_start3A_1580 = arith.constant 0 : i32
        %dma_start3A_1581 = tpu.memref_slice %arg8[%and3A_408, %dma_start3A_1578, %dma_start3A_1579, %dma_start3A_1580] : memref<2x16x8x64xf32, #tpu.memory_space<vmem>> -> memref<1x1x8x64xf32, #tpu.memory_space<vmem>>
        %dma_start3A_1582 = tpu.memref_squeeze %dma_start3A_1581 : memref<1x1x8x64xf32, #tpu.memory_space<vmem>> -> memref<1x8x64xf32, #tpu.memory_space<vmem>>
        %dma_start3A_1583 = tpu.memref_reshape %arg3 : memref<1000000x64xf32, #tpu.memory_space<hbm>> -> memref<125000x8x64xf32, #tpu.memory_space<hbm>>
        %dma_start3A_1584 = arith.constant 0 : i32
        %dma_start3A_1585 = arith.constant 0 : i32
        %dma_start3A_1586 = tpu.memref_slice %dma_start3A_1583[%squeeze3A_1577, %dma_start3A_1584, %dma_start3A_1585] : memref<125000x8x64xf32, #tpu.memory_space<hbm>> -> memref<1x8x64xf32, #tpu.memory_space<hbm>>
        %dma_start3A_1587 = tpu.memref_slice %arg11[%and3A_408] : memref<2x!tpu.dma_semaphore, #tpu.memory_space<semaphore_mem>> -> memref<1x!tpu.dma_semaphore, #tpu.memory_space<semaphore_mem>>
        %dma_start3A_1588 = tpu.memref_squeeze %dma_start3A_1587 : memref<1x!tpu.dma_semaphore, #tpu.memory_space<semaphore_mem>> -> memref<!tpu.dma_semaphore, #tpu.memory_space<semaphore_mem>>
        %dma_start3A_1589 = arith.constant 11 : i32
        %dma_start3A_1590 = arith.constant 0 : i32
        %dma_start3A_1591 = arith.constant 0 : i32
        %dma_start3A_1592 = tpu.memref_slice %arg8[%and3A_408, %dma_start3A_1589, %dma_start3A_1590, %dma_start3A_1591] : memref<2x16x8x64xf32, #tpu.memory_space<vmem>> -> memref<1x1x8x64xf32, #tpu.memory_space<vmem>>
        %dma_start3A_1593 = tpu.memref_squeeze %dma_start3A_1592 : memref<1x1x8x64xf32, #tpu.memory_space<vmem>> -> memref<1x8x64xf32, #tpu.memory_space<vmem>>
        %dma_start3A_1594 = tpu.memref_reshape %arg3 : memref<1000000x64xf32, #tpu.memory_space<hbm>> -> memref<125000x8x64xf32, #tpu.memory_space<hbm>>
        %dma_start3A_1595 = arith.constant 0 : i32
        %dma_start3A_1596 = arith.constant 0 : i32
        %dma_start3A_1597 = tpu.memref_slice %dma_start3A_1594[%squeeze3A_1577, %dma_start3A_1595, %dma_start3A_1596] : memref<125000x8x64xf32, #tpu.memory_space<hbm>> -> memref<1x8x64xf32, #tpu.memory_space<hbm>>
        tpu.enqueue_dma source(%dma_start3A_1597 : memref<1x8x64xf32, #tpu.memory_space<hbm>>) target(%dma_start3A_1593 : memref<1x8x64xf32, #tpu.memory_space<vmem>>) target_semaphore(%dma_start3A_1588 : memref<!tpu.dma_semaphore, #tpu.memory_space<semaphore_mem>>)
        %slice3A_1598 = vector.extract_strided_slice %shift_right_logical3A_1333 {offsets = [12], sizes = [1], strides = [1]} : vector<16xi32> to vector<1xi32>
        %squeeze3A_1599 = vector.extract %slice3A_1598[0] : i32 from vector<1xi32>
        %dma_start3A_1600 = arith.constant 12 : i32
        %dma_start3A_1601 = arith.constant 0 : i32
        %dma_start3A_1602 = arith.constant 0 : i32
        %dma_start3A_1603 = tpu.memref_slice %arg8[%and3A_408, %dma_start3A_1600, %dma_start3A_1601, %dma_start3A_1602] : memref<2x16x8x64xf32, #tpu.memory_space<vmem>> -> memref<1x1x8x64xf32, #tpu.memory_space<vmem>>
        %dma_start3A_1604 = tpu.memref_squeeze %dma_start3A_1603 : memref<1x1x8x64xf32, #tpu.memory_space<vmem>> -> memref<1x8x64xf32, #tpu.memory_space<vmem>>
        %dma_start3A_1605 = tpu.memref_reshape %arg3 : memref<1000000x64xf32, #tpu.memory_space<hbm>> -> memref<125000x8x64xf32, #tpu.memory_space<hbm>>
        %dma_start3A_1606 = arith.constant 0 : i32
        %dma_start3A_1607 = arith.constant 0 : i32
        %dma_start3A_1608 = tpu.memref_slice %dma_start3A_1605[%squeeze3A_1599, %dma_start3A_1606, %dma_start3A_1607] : memref<125000x8x64xf32, #tpu.memory_space<hbm>> -> memref<1x8x64xf32, #tpu.memory_space<hbm>>
        %dma_start3A_1609 = tpu.memref_slice %arg11[%and3A_408] : memref<2x!tpu.dma_semaphore, #tpu.memory_space<semaphore_mem>> -> memref<1x!tpu.dma_semaphore, #tpu.memory_space<semaphore_mem>>
        %dma_start3A_1610 = tpu.memref_squeeze %dma_start3A_1609 : memref<1x!tpu.dma_semaphore, #tpu.memory_space<semaphore_mem>> -> memref<!tpu.dma_semaphore, #tpu.memory_space<semaphore_mem>>
        %dma_start3A_1611 = arith.constant 12 : i32
        %dma_start3A_1612 = arith.constant 0 : i32
        %dma_start3A_1613 = arith.constant 0 : i32
        %dma_start3A_1614 = tpu.memref_slice %arg8[%and3A_408, %dma_start3A_1611, %dma_start3A_1612, %dma_start3A_1613] : memref<2x16x8x64xf32, #tpu.memory_space<vmem>> -> memref<1x1x8x64xf32, #tpu.memory_space<vmem>>
        %dma_start3A_1615 = tpu.memref_squeeze %dma_start3A_1614 : memref<1x1x8x64xf32, #tpu.memory_space<vmem>> -> memref<1x8x64xf32, #tpu.memory_space<vmem>>
        %dma_start3A_1616 = tpu.memref_reshape %arg3 : memref<1000000x64xf32, #tpu.memory_space<hbm>> -> memref<125000x8x64xf32, #tpu.memory_space<hbm>>
        %dma_start3A_1617 = arith.constant 0 : i32
        %dma_start3A_1618 = arith.constant 0 : i32
        %dma_start3A_1619 = tpu.memref_slice %dma_start3A_1616[%squeeze3A_1599, %dma_start3A_1617, %dma_start3A_1618] : memref<125000x8x64xf32, #tpu.memory_space<hbm>> -> memref<1x8x64xf32, #tpu.memory_space<hbm>>
        tpu.enqueue_dma source(%dma_start3A_1619 : memref<1x8x64xf32, #tpu.memory_space<hbm>>) target(%dma_start3A_1615 : memref<1x8x64xf32, #tpu.memory_space<vmem>>) target_semaphore(%dma_start3A_1610 : memref<!tpu.dma_semaphore, #tpu.memory_space<semaphore_mem>>)
        %slice3A_1620 = vector.extract_strided_slice %shift_right_logical3A_1333 {offsets = [13], sizes = [1], strides = [1]} : vector<16xi32> to vector<1xi32>
        %squeeze3A_1621 = vector.extract %slice3A_1620[0] : i32 from vector<1xi32>
        %dma_start3A_1622 = arith.constant 13 : i32
        %dma_start3A_1623 = arith.constant 0 : i32
        %dma_start3A_1624 = arith.constant 0 : i32
        %dma_start3A_1625 = tpu.memref_slice %arg8[%and3A_408, %dma_start3A_1622, %dma_start3A_1623, %dma_start3A_1624] : memref<2x16x8x64xf32, #tpu.memory_space<vmem>> -> memref<1x1x8x64xf32, #tpu.memory_space<vmem>>
        %dma_start3A_1626 = tpu.memref_squeeze %dma_start3A_1625 : memref<1x1x8x64xf32, #tpu.memory_space<vmem>> -> memref<1x8x64xf32, #tpu.memory_space<vmem>>
        %dma_start3A_1627 = tpu.memref_reshape %arg3 : memref<1000000x64xf32, #tpu.memory_space<hbm>> -> memref<125000x8x64xf32, #tpu.memory_space<hbm>>
        %dma_start3A_1628 = arith.constant 0 : i32
        %dma_start3A_1629 = arith.constant 0 : i32
        %dma_start3A_1630 = tpu.memref_slice %dma_start3A_1627[%squeeze3A_1621, %dma_start3A_1628, %dma_start3A_1629] : memref<125000x8x64xf32, #tpu.memory_space<hbm>> -> memref<1x8x64xf32, #tpu.memory_space<hbm>>
        %dma_start3A_1631 = tpu.memref_slice %arg11[%and3A_408] : memref<2x!tpu.dma_semaphore, #tpu.memory_space<semaphore_mem>> -> memref<1x!tpu.dma_semaphore, #tpu.memory_space<semaphore_mem>>
        %dma_start3A_1632 = tpu.memref_squeeze %dma_start3A_1631 : memref<1x!tpu.dma_semaphore, #tpu.memory_space<semaphore_mem>> -> memref<!tpu.dma_semaphore, #tpu.memory_space<semaphore_mem>>
        %dma_start3A_1633 = arith.constant 13 : i32
        %dma_start3A_1634 = arith.constant 0 : i32
        %dma_start3A_1635 = arith.constant 0 : i32
        %dma_start3A_1636 = tpu.memref_slice %arg8[%and3A_408, %dma_start3A_1633, %dma_start3A_1634, %dma_start3A_1635] : memref<2x16x8x64xf32, #tpu.memory_space<vmem>> -> memref<1x1x8x64xf32, #tpu.memory_space<vmem>>
        %dma_start3A_1637 = tpu.memref_squeeze %dma_start3A_1636 : memref<1x1x8x64xf32, #tpu.memory_space<vmem>> -> memref<1x8x64xf32, #tpu.memory_space<vmem>>
        %dma_start3A_1638 = tpu.memref_reshape %arg3 : memref<1000000x64xf32, #tpu.memory_space<hbm>> -> memref<125000x8x64xf32, #tpu.memory_space<hbm>>
        %dma_start3A_1639 = arith.constant 0 : i32
        %dma_start3A_1640 = arith.constant 0 : i32
        %dma_start3A_1641 = tpu.memref_slice %dma_start3A_1638[%squeeze3A_1621, %dma_start3A_1639, %dma_start3A_1640] : memref<125000x8x64xf32, #tpu.memory_space<hbm>> -> memref<1x8x64xf32, #tpu.memory_space<hbm>>
        tpu.enqueue_dma source(%dma_start3A_1641 : memref<1x8x64xf32, #tpu.memory_space<hbm>>) target(%dma_start3A_1637 : memref<1x8x64xf32, #tpu.memory_space<vmem>>) target_semaphore(%dma_start3A_1632 : memref<!tpu.dma_semaphore, #tpu.memory_space<semaphore_mem>>)
        %slice3A_1642 = vector.extract_strided_slice %shift_right_logical3A_1333 {offsets = [14], sizes = [1], strides = [1]} : vector<16xi32> to vector<1xi32>
        %squeeze3A_1643 = vector.extract %slice3A_1642[0] : i32 from vector<1xi32>
        %dma_start3A_1644 = arith.constant 14 : i32
        %dma_start3A_1645 = arith.constant 0 : i32
        %dma_start3A_1646 = arith.constant 0 : i32
        %dma_start3A_1647 = tpu.memref_slice %arg8[%and3A_408, %dma_start3A_1644, %dma_start3A_1645, %dma_start3A_1646] : memref<2x16x8x64xf32, #tpu.memory_space<vmem>> -> memref<1x1x8x64xf32, #tpu.memory_space<vmem>>
        %dma_start3A_1648 = tpu.memref_squeeze %dma_start3A_1647 : memref<1x1x8x64xf32, #tpu.memory_space<vmem>> -> memref<1x8x64xf32, #tpu.memory_space<vmem>>
        %dma_start3A_1649 = tpu.memref_reshape %arg3 : memref<1000000x64xf32, #tpu.memory_space<hbm>> -> memref<125000x8x64xf32, #tpu.memory_space<hbm>>
        %dma_start3A_1650 = arith.constant 0 : i32
        %dma_start3A_1651 = arith.constant 0 : i32
        %dma_start3A_1652 = tpu.memref_slice %dma_start3A_1649[%squeeze3A_1643, %dma_start3A_1650, %dma_start3A_1651] : memref<125000x8x64xf32, #tpu.memory_space<hbm>> -> memref<1x8x64xf32, #tpu.memory_space<hbm>>
        %dma_start3A_1653 = tpu.memref_slice %arg11[%and3A_408] : memref<2x!tpu.dma_semaphore, #tpu.memory_space<semaphore_mem>> -> memref<1x!tpu.dma_semaphore, #tpu.memory_space<semaphore_mem>>
        %dma_start3A_1654 = tpu.memref_squeeze %dma_start3A_1653 : memref<1x!tpu.dma_semaphore, #tpu.memory_space<semaphore_mem>> -> memref<!tpu.dma_semaphore, #tpu.memory_space<semaphore_mem>>
        %dma_start3A_1655 = arith.constant 14 : i32
        %dma_start3A_1656 = arith.constant 0 : i32
        %dma_start3A_1657 = arith.constant 0 : i32
        %dma_start3A_1658 = tpu.memref_slice %arg8[%and3A_408, %dma_start3A_1655, %dma_start3A_1656, %dma_start3A_1657] : memref<2x16x8x64xf32, #tpu.memory_space<vmem>> -> memref<1x1x8x64xf32, #tpu.memory_space<vmem>>
        %dma_start3A_1659 = tpu.memref_squeeze %dma_start3A_1658 : memref<1x1x8x64xf32, #tpu.memory_space<vmem>> -> memref<1x8x64xf32, #tpu.memory_space<vmem>>
        %dma_start3A_1660 = tpu.memref_reshape %arg3 : memref<1000000x64xf32, #tpu.memory_space<hbm>> -> memref<125000x8x64xf32, #tpu.memory_space<hbm>>
        %dma_start3A_1661 = arith.constant 0 : i32
        %dma_start3A_1662 = arith.constant 0 : i32
        %dma_start3A_1663 = tpu.memref_slice %dma_start3A_1660[%squeeze3A_1643, %dma_start3A_1661, %dma_start3A_1662] : memref<125000x8x64xf32, #tpu.memory_space<hbm>> -> memref<1x8x64xf32, #tpu.memory_space<hbm>>
        tpu.enqueue_dma source(%dma_start3A_1663 : memref<1x8x64xf32, #tpu.memory_space<hbm>>) target(%dma_start3A_1659 : memref<1x8x64xf32, #tpu.memory_space<vmem>>) target_semaphore(%dma_start3A_1654 : memref<!tpu.dma_semaphore, #tpu.memory_space<semaphore_mem>>)
        %slice3A_1664 = vector.extract_strided_slice %shift_right_logical3A_1333 {offsets = [15], sizes = [1], strides = [1]} : vector<16xi32> to vector<1xi32>
        %squeeze3A_1665 = vector.extract %slice3A_1664[0] : i32 from vector<1xi32>
        %dma_start3A_1666 = arith.constant 15 : i32
        %dma_start3A_1667 = arith.constant 0 : i32
        %dma_start3A_1668 = arith.constant 0 : i32
        %dma_start3A_1669 = tpu.memref_slice %arg8[%and3A_408, %dma_start3A_1666, %dma_start3A_1667, %dma_start3A_1668] : memref<2x16x8x64xf32, #tpu.memory_space<vmem>> -> memref<1x1x8x64xf32, #tpu.memory_space<vmem>>
        %dma_start3A_1670 = tpu.memref_squeeze %dma_start3A_1669 : memref<1x1x8x64xf32, #tpu.memory_space<vmem>> -> memref<1x8x64xf32, #tpu.memory_space<vmem>>
        %dma_start3A_1671 = tpu.memref_reshape %arg3 : memref<1000000x64xf32, #tpu.memory_space<hbm>> -> memref<125000x8x64xf32, #tpu.memory_space<hbm>>
        %dma_start3A_1672 = arith.constant 0 : i32
        %dma_start3A_1673 = arith.constant 0 : i32
        %dma_start3A_1674 = tpu.memref_slice %dma_start3A_1671[%squeeze3A_1665, %dma_start3A_1672, %dma_start3A_1673] : memref<125000x8x64xf32, #tpu.memory_space<hbm>> -> memref<1x8x64xf32, #tpu.memory_space<hbm>>
        %dma_start3A_1675 = tpu.memref_slice %arg11[%and3A_408] : memref<2x!tpu.dma_semaphore, #tpu.memory_space<semaphore_mem>> -> memref<1x!tpu.dma_semaphore, #tpu.memory_space<semaphore_mem>>
        %dma_start3A_1676 = tpu.memref_squeeze %dma_start3A_1675 : memref<1x!tpu.dma_semaphore, #tpu.memory_space<semaphore_mem>> -> memref<!tpu.dma_semaphore, #tpu.memory_space<semaphore_mem>>
        %dma_start3A_1677 = arith.constant 15 : i32
        %dma_start3A_1678 = arith.constant 0 : i32
        %dma_start3A_1679 = arith.constant 0 : i32
        %dma_start3A_1680 = tpu.memref_slice %arg8[%and3A_408, %dma_start3A_1677, %dma_start3A_1678, %dma_start3A_1679] : memref<2x16x8x64xf32, #tpu.memory_space<vmem>> -> memref<1x1x8x64xf32, #tpu.memory_space<vmem>>
        %dma_start3A_1681 = tpu.memref_squeeze %dma_start3A_1680 : memref<1x1x8x64xf32, #tpu.memory_space<vmem>> -> memref<1x8x64xf32, #tpu.memory_space<vmem>>
        %dma_start3A_1682 = tpu.memref_reshape %arg3 : memref<1000000x64xf32, #tpu.memory_space<hbm>> -> memref<125000x8x64xf32, #tpu.memory_space<hbm>>
        %dma_start3A_1683 = arith.constant 0 : i32
        %dma_start3A_1684 = arith.constant 0 : i32
        %dma_start3A_1685 = tpu.memref_slice %dma_start3A_1682[%squeeze3A_1665, %dma_start3A_1683, %dma_start3A_1684] : memref<125000x8x64xf32, #tpu.memory_space<hbm>> -> memref<1x8x64xf32, #tpu.memory_space<hbm>>
        tpu.enqueue_dma source(%dma_start3A_1685 : memref<1x8x64xf32, #tpu.memory_space<hbm>>) target(%dma_start3A_1681 : memref<1x8x64xf32, #tpu.memory_space<vmem>>) target_semaphore(%dma_start3A_1676 : memref<!tpu.dma_semaphore, #tpu.memory_space<semaphore_mem>>)
      } else {
      }
      %scan3A_413 = arith.constant 0 : i32
      %scan3A_414 = arith.constant 0 : i32
      %scan3A_415 = arith.constant 16 : i32
      %scan3A_416 = arith.addi %scan3A_414, %scan3A_415 : i32
      %scan3A_417 = arith.constant 1 : i32
      scf.for %scan3A_1325 = %scan3A_414 to %scan3A_416 step %scan3A_417  : i32 {
        %dma_wait3A_1326 = arith.constant 0 : i32
        %dma_wait3A_1327 = arith.constant 0 : i32
        %dma_wait3A_1328 = arith.constant 0 : i32
        %dma_wait3A_1329 = arith.constant 0 : i32
        %dma_wait3A_1330 = tpu.memref_slice %arg8[%dma_wait3A_1326, %dma_wait3A_1327, %dma_wait3A_1328, %dma_wait3A_1329] : memref<2x16x8x64xf32, #tpu.memory_space<vmem>> -> memref<1x1x8x64xf32, #tpu.memory_space<vmem>>
        %dma_wait3A_1331 = tpu.memref_squeeze %dma_wait3A_1330 : memref<1x1x8x64xf32, #tpu.memory_space<vmem>> -> memref<1x8x64xf32, #tpu.memory_space<vmem>>
        %dma_wait3A_1332 = tpu.memref_reshape %arg3 : memref<1000000x64xf32, #tpu.memory_space<hbm>> -> memref<125000x8x64xf32, #tpu.memory_space<hbm>>
        %dma_wait3A_1333 = arith.constant 0 : i32
        %dma_wait3A_1334 = arith.constant 0 : i32
        %dma_wait3A_1335 = arith.constant 0 : i32
        %dma_wait3A_1336 = tpu.memref_slice %dma_wait3A_1332[%dma_wait3A_1333, %dma_wait3A_1334, %dma_wait3A_1335] : memref<125000x8x64xf32, #tpu.memory_space<hbm>> -> memref<1x8x64xf32, #tpu.memory_space<hbm>>
        %dma_wait3A_1337 = tpu.memref_slice %arg11[%and3A_404] : memref<2x!tpu.dma_semaphore, #tpu.memory_space<semaphore_mem>> -> memref<1x!tpu.dma_semaphore, #tpu.memory_space<semaphore_mem>>
        %dma_wait3A_1338 = tpu.memref_squeeze %dma_wait3A_1337 : memref<1x!tpu.dma_semaphore, #tpu.memory_space<semaphore_mem>> -> memref<!tpu.dma_semaphore, #tpu.memory_space<semaphore_mem>>
        %dma_wait3A_1339 = arith.constant 0 : i32
        %dma_wait3A_1340 = arith.constant 0 : i32
        %dma_wait3A_1341 = arith.constant 0 : i32
        %dma_wait3A_1342 = tpu.memref_slice %arg8[%dma_wait3A_1326, %dma_wait3A_1339, %dma_wait3A_1340, %dma_wait3A_1341] : memref<2x16x8x64xf32, #tpu.memory_space<vmem>> -> memref<1x1x8x64xf32, #tpu.memory_space<vmem>>
        %dma_wait3A_1343 = tpu.memref_squeeze %dma_wait3A_1342 : memref<1x1x8x64xf32, #tpu.memory_space<vmem>> -> memref<1x8x64xf32, #tpu.memory_space<vmem>>
        %dma_wait3A_1344 = tpu.memref_reshape %arg3 : memref<1000000x64xf32, #tpu.memory_space<hbm>> -> memref<125000x8x64xf32, #tpu.memory_space<hbm>>
        %dma_wait3A_1345 = arith.constant 0 : i32
        %dma_wait3A_1346 = arith.constant 0 : i32
        %dma_wait3A_1347 = arith.constant 0 : i32
        %dma_wait3A_1348 = tpu.memref_slice %dma_wait3A_1344[%dma_wait3A_1345, %dma_wait3A_1346, %dma_wait3A_1347] : memref<125000x8x64xf32, #tpu.memory_space<hbm>> -> memref<1x8x64xf32, #tpu.memory_space<hbm>>
        tpu.wait_dma2 semaphore(%dma_wait3A_1338 : memref<!tpu.dma_semaphore, #tpu.memory_space<semaphore_mem>>) src(%dma_wait3A_1348 : memref<1x8x64xf32, #tpu.memory_space<hbm>>) dst(%dma_wait3A_1343 : memref<1x8x64xf32, #tpu.memory_space<vmem>>)
      }
      %scan3A_418 = arith.constant 16 : i32
      %broadcast_in_dim3A = vector.broadcast %and3A_404 : i32 to vector<16xi32>
      %mul3A_419 = arith.constant 16 : i32
      %mul3A_420 = arith.muli %scan3A_403, %mul3A_419 : i32
      %get3A_421 = arith.index_cast %mul3A_420 : i32 to index
      %get3A_422 = tpu.vector_load %arg7[%get3A_421] {strides = array<i32>} : memref<512xi32, #tpu.memory_space<vmem>>, vector<16xi32>,
      %mul3A_423 = arith.constant 16 : i32
      %mul3A_424 = arith.muli %scan3A_403, %mul3A_423 : i32
      %add3A_425 = vector.broadcast %mul3A_424 : i32 to vector<16xi32>
      %add3A_426 = arith.addi %add3A_425, %iota3A : vector<16xi32>
      %broadcast_in_dim3A_427 = arith.constant 0.000000e+00 : f32
      %broadcast_in_dim3A_428 = vector.broadcast %broadcast_in_dim3A_427 : f32 to vector<16xf32>
      %add3A_429 = arith.constant 0 : i32
      %add3A_430 = vector.broadcast %add3A_429 : i32 to vector<16xi32>
      %add3A_431 = arith.addi %iota3A, %add3A_430 : vector<16xi32>
      %and3A_432 = arith.constant 63 : i32
      %and3A_433 = vector.broadcast %and3A_432 : i32 to vector<16xi32>
      %and3A_434 = arith.andi %add3A_431, %and3A_433 : vector<16xi32>
      %gather3A = tpu.vector_load_idx %arg8[%broadcast_in_dim3A, %iota3A, %get3A_422, %and3A_434] : memref<2x16x8x64xf32, #tpu.memory_space<vmem>>[vector<16xi32>, vector<16xi32>, vector<16xi32>, vector<16xi32>], vector<16xf32>,
      %mul3A_435 = arith.constant 64 : i32
      %mul3A_436 = vector.broadcast %mul3A_435 : i32 to vector<16xi32>
      %mul3A_437 = arith.muli %add3A_426, %mul3A_436 : vector<16xi32>
      %add3A_438 = arith.addi %mul3A_437, %and3A_434 : vector<16xi32>
      %gather3A_439 = tpu.vector_load_idx %arg9[%add3A_438] : memref<32768xf32, #tpu.memory_space<vmem>>[vector<16xi32>], vector<16xf32>,
      %mul3A_440 = arith.mulf %gather3A_439, %gather3A : vector<16xf32>
      %add3A_441 = arith.addf %broadcast_in_dim3A_428, %mul3A_440 : vector<16xf32>
      %add3A_442 = arith.constant 1 : i32
      %add3A_443 = vector.broadcast %add3A_442 : i32 to vector<16xi32>
      %add3A_444 = arith.addi %iota3A, %add3A_443 : vector<16xi32>
      %and3A_445 = arith.constant 63 : i32
      %and3A_446 = vector.broadcast %and3A_445 : i32 to vector<16xi32>
      %and3A_447 = arith.andi %add3A_444, %and3A_446 : vector<16xi32>
      %gather3A_448 = tpu.vector_load_idx %arg8[%broadcast_in_dim3A, %iota3A, %get3A_422, %and3A_447] : memref<2x16x8x64xf32, #tpu.memory_space<vmem>>[vector<16xi32>, vector<16xi32>, vector<16xi32>, vector<16xi32>], vector<16xf32>,
      %mul3A_449 = arith.constant 64 : i32
      %mul3A_450 = vector.broadcast %mul3A_449 : i32 to vector<16xi32>
      %mul3A_451 = arith.muli %add3A_426, %mul3A_450 : vector<16xi32>
      %add3A_452 = arith.addi %mul3A_451, %and3A_447 : vector<16xi32>
      %gather3A_453 = tpu.vector_load_idx %arg9[%add3A_452] : memref<32768xf32, #tpu.memory_space<vmem>>[vector<16xi32>], vector<16xf32>,
      %mul3A_454 = arith.mulf %gather3A_453, %gather3A_448 : vector<16xf32>
      %add3A_455 = arith.addf %add3A_441, %mul3A_454 : vector<16xf32>
      %add3A_456 = arith.constant 2 : i32
      %add3A_457 = vector.broadcast %add3A_456 : i32 to vector<16xi32>
      %add3A_458 = arith.addi %iota3A, %add3A_457 : vector<16xi32>
      %and3A_459 = arith.constant 63 : i32
      %and3A_460 = vector.broadcast %and3A_459 : i32 to vector<16xi32>
      %and3A_461 = arith.andi %add3A_458, %and3A_460 : vector<16xi32>
      %gather3A_462 = tpu.vector_load_idx %arg8[%broadcast_in_dim3A, %iota3A, %get3A_422, %and3A_461] : memref<2x16x8x64xf32, #tpu.memory_space<vmem>>[vector<16xi32>, vector<16xi32>, vector<16xi32>, vector<16xi32>], vector<16xf32>,
      %mul3A_463 = arith.constant 64 : i32
      %mul3A_464 = vector.broadcast %mul3A_463 : i32 to vector<16xi32>
      %mul3A_465 = arith.muli %add3A_426, %mul3A_464 : vector<16xi32>
      %add3A_466 = arith.addi %mul3A_465, %and3A_461 : vector<16xi32>
      %gather3A_467 = tpu.vector_load_idx %arg9[%add3A_466] : memref<32768xf32, #tpu.memory_space<vmem>>[vector<16xi32>], vector<16xf32>,
      %mul3A_468 = arith.mulf %gather3A_467, %gather3A_462 : vector<16xf32>
      %add3A_469 = arith.addf %add3A_455, %mul3A_468 : vector<16xf32>
      %add3A_470 = arith.constant 3 : i32
      %add3A_471 = vector.broadcast %add3A_470 : i32 to vector<16xi32>
      %add3A_472 = arith.addi %iota3A, %add3A_471 : vector<16xi32>
      %and3A_473 = arith.constant 63 : i32
      %and3A_474 = vector.broadcast %and3A_473 : i32 to vector<16xi32>
      %and3A_475 = arith.andi %add3A_472, %and3A_474 : vector<16xi32>
      %gather3A_476 = tpu.vector_load_idx %arg8[%broadcast_in_dim3A, %iota3A, %get3A_422, %and3A_475] : memref<2x16x8x64xf32, #tpu.memory_space<vmem>>[vector<16xi32>, vector<16xi32>, vector<16xi32>, vector<16xi32>], vector<16xf32>,
      %mul3A_477 = arith.constant 64 : i32
      %mul3A_478 = vector.broadcast %mul3A_477 : i32 to vector<16xi32>
      %mul3A_479 = arith.muli %add3A_426, %mul3A_478 : vector<16xi32>
      %add3A_480 = arith.addi %mul3A_479, %and3A_475 : vector<16xi32>
      %gather3A_481 = tpu.vector_load_idx %arg9[%add3A_480] : memref<32768xf32, #tpu.memory_space<vmem>>[vector<16xi32>], vector<16xf32>,
      %mul3A_482 = arith.mulf %gather3A_481, %gather3A_476 : vector<16xf32>
      %add3A_483 = arith.addf %add3A_469, %mul3A_482 : vector<16xf32>
      %add3A_484 = arith.constant 4 : i32
      %add3A_485 = vector.broadcast %add3A_484 : i32 to vector<16xi32>
      %add3A_486 = arith.addi %iota3A, %add3A_485 : vector<16xi32>
      %and3A_487 = arith.constant 63 : i32
      %and3A_488 = vector.broadcast %and3A_487 : i32 to vector<16xi32>
      %and3A_489 = arith.andi %add3A_486, %and3A_488 : vector<16xi32>
      %gather3A_490 = tpu.vector_load_idx %arg8[%broadcast_in_dim3A, %iota3A, %get3A_422, %and3A_489] : memref<2x16x8x64xf32, #tpu.memory_space<vmem>>[vector<16xi32>, vector<16xi32>, vector<16xi32>, vector<16xi32>], vector<16xf32>,
      %mul3A_491 = arith.constant 64 : i32
      %mul3A_492 = vector.broadcast %mul3A_491 : i32 to vector<16xi32>
      %mul3A_493 = arith.muli %add3A_426, %mul3A_492 : vector<16xi32>
      %add3A_494 = arith.addi %mul3A_493, %and3A_489 : vector<16xi32>
      %gather3A_495 = tpu.vector_load_idx %arg9[%add3A_494] : memref<32768xf32, #tpu.memory_space<vmem>>[vector<16xi32>], vector<16xf32>,
      %mul3A_496 = arith.mulf %gather3A_495, %gather3A_490 : vector<16xf32>
      %add3A_497 = arith.addf %add3A_483, %mul3A_496 : vector<16xf32>
      %add3A_498 = arith.constant 5 : i32
      %add3A_499 = vector.broadcast %add3A_498 : i32 to vector<16xi32>
      %add3A_500 = arith.addi %iota3A, %add3A_499 : vector<16xi32>
      %and3A_501 = arith.constant 63 : i32
      %and3A_502 = vector.broadcast %and3A_501 : i32 to vector<16xi32>
      %and3A_503 = arith.andi %add3A_500, %and3A_502 : vector<16xi32>
      %gather3A_504 = tpu.vector_load_idx %arg8[%broadcast_in_dim3A, %iota3A, %get3A_422, %and3A_503] : memref<2x16x8x64xf32, #tpu.memory_space<vmem>>[vector<16xi32>, vector<16xi32>, vector<16xi32>, vector<16xi32>], vector<16xf32>,
      %mul3A_505 = arith.constant 64 : i32
      %mul3A_506 = vector.broadcast %mul3A_505 : i32 to vector<16xi32>
      %mul3A_507 = arith.muli %add3A_426, %mul3A_506 : vector<16xi32>
      %add3A_508 = arith.addi %mul3A_507, %and3A_503 : vector<16xi32>
      %gather3A_509 = tpu.vector_load_idx %arg9[%add3A_508] : memref<32768xf32, #tpu.memory_space<vmem>>[vector<16xi32>], vector<16xf32>,
      %mul3A_510 = arith.mulf %gather3A_509, %gather3A_504 : vector<16xf32>
      %add3A_511 = arith.addf %add3A_497, %mul3A_510 : vector<16xf32>
      %add3A_512 = arith.constant 6 : i32
      %add3A_513 = vector.broadcast %add3A_512 : i32 to vector<16xi32>
      %add3A_514 = arith.addi %iota3A, %add3A_513 : vector<16xi32>
      %and3A_515 = arith.constant 63 : i32
      %and3A_516 = vector.broadcast %and3A_515 : i32 to vector<16xi32>
      %and3A_517 = arith.andi %add3A_514, %and3A_516 : vector<16xi32>
      %gather3A_518 = tpu.vector_load_idx %arg8[%broadcast_in_dim3A, %iota3A, %get3A_422, %and3A_517] : memref<2x16x8x64xf32, #tpu.memory_space<vmem>>[vector<16xi32>, vector<16xi32>, vector<16xi32>, vector<16xi32>], vector<16xf32>,
      %mul3A_519 = arith.constant 64 : i32
      %mul3A_520 = vector.broadcast %mul3A_519 : i32 to vector<16xi32>
      %mul3A_521 = arith.muli %add3A_426, %mul3A_520 : vector<16xi32>
      %add3A_522 = arith.addi %mul3A_521, %and3A_517 : vector<16xi32>
      %gather3A_523 = tpu.vector_load_idx %arg9[%add3A_522] : memref<32768xf32, #tpu.memory_space<vmem>>[vector<16xi32>], vector<16xf32>,
      %mul3A_524 = arith.mulf %gather3A_523, %gather3A_518 : vector<16xf32>
      %add3A_525 = arith.addf %add3A_511, %mul3A_524 : vector<16xf32>
      %add3A_526 = arith.constant 7 : i32
      %add3A_527 = vector.broadcast %add3A_526 : i32 to vector<16xi32>
      %add3A_528 = arith.addi %iota3A, %add3A_527 : vector<16xi32>
      %and3A_529 = arith.constant 63 : i32
      %and3A_530 = vector.broadcast %and3A_529 : i32 to vector<16xi32>
      %and3A_531 = arith.andi %add3A_528, %and3A_530 : vector<16xi32>
      %gather3A_532 = tpu.vector_load_idx %arg8[%broadcast_in_dim3A, %iota3A, %get3A_422, %and3A_531] : memref<2x16x8x64xf32, #tpu.memory_space<vmem>>[vector<16xi32>, vector<16xi32>, vector<16xi32>, vector<16xi32>], vector<16xf32>,
      %mul3A_533 = arith.constant 64 : i32
      %mul3A_534 = vector.broadcast %mul3A_533 : i32 to vector<16xi32>
      %mul3A_535 = arith.muli %add3A_426, %mul3A_534 : vector<16xi32>
      %add3A_536 = arith.addi %mul3A_535, %and3A_531 : vector<16xi32>
      %gather3A_537 = tpu.vector_load_idx %arg9[%add3A_536] : memref<32768xf32, #tpu.memory_space<vmem>>[vector<16xi32>], vector<16xf32>,
      %mul3A_538 = arith.mulf %gather3A_537, %gather3A_532 : vector<16xf32>
      %add3A_539 = arith.addf %add3A_525, %mul3A_538 : vector<16xf32>
      %add3A_540 = arith.constant 8 : i32
      %add3A_541 = vector.broadcast %add3A_540 : i32 to vector<16xi32>
      %add3A_542 = arith.addi %iota3A, %add3A_541 : vector<16xi32>
      %and3A_543 = arith.constant 63 : i32
      %and3A_544 = vector.broadcast %and3A_543 : i32 to vector<16xi32>
      %and3A_545 = arith.andi %add3A_542, %and3A_544 : vector<16xi32>
      %gather3A_546 = tpu.vector_load_idx %arg8[%broadcast_in_dim3A, %iota3A, %get3A_422, %and3A_545] : memref<2x16x8x64xf32, #tpu.memory_space<vmem>>[vector<16xi32>, vector<16xi32>, vector<16xi32>, vector<16xi32>], vector<16xf32>,
      %mul3A_547 = arith.constant 64 : i32
      %mul3A_548 = vector.broadcast %mul3A_547 : i32 to vector<16xi32>
      %mul3A_549 = arith.muli %add3A_426, %mul3A_548 : vector<16xi32>
      %add3A_550 = arith.addi %mul3A_549, %and3A_545 : vector<16xi32>
      %gather3A_551 = tpu.vector_load_idx %arg9[%add3A_550] : memref<32768xf32, #tpu.memory_space<vmem>>[vector<16xi32>], vector<16xf32>,
      %mul3A_552 = arith.mulf %gather3A_551, %gather3A_546 : vector<16xf32>
      %add3A_553 = arith.addf %add3A_539, %mul3A_552 : vector<16xf32>
      %add3A_554 = arith.constant 9 : i32
      %add3A_555 = vector.broadcast %add3A_554 : i32 to vector<16xi32>
      %add3A_556 = arith.addi %iota3A, %add3A_555 : vector<16xi32>
      %and3A_557 = arith.constant 63 : i32
      %and3A_558 = vector.broadcast %and3A_557 : i32 to vector<16xi32>
      %and3A_559 = arith.andi %add3A_556, %and3A_558 : vector<16xi32>
      %gather3A_560 = tpu.vector_load_idx %arg8[%broadcast_in_dim3A, %iota3A, %get3A_422, %and3A_559] : memref<2x16x8x64xf32, #tpu.memory_space<vmem>>[vector<16xi32>, vector<16xi32>, vector<16xi32>, vector<16xi32>], vector<16xf32>,
      %mul3A_561 = arith.constant 64 : i32
      %mul3A_562 = vector.broadcast %mul3A_561 : i32 to vector<16xi32>
      %mul3A_563 = arith.muli %add3A_426, %mul3A_562 : vector<16xi32>
      %add3A_564 = arith.addi %mul3A_563, %and3A_559 : vector<16xi32>
      %gather3A_565 = tpu.vector_load_idx %arg9[%add3A_564] : memref<32768xf32, #tpu.memory_space<vmem>>[vector<16xi32>], vector<16xf32>,
      %mul3A_566 = arith.mulf %gather3A_565, %gather3A_560 : vector<16xf32>
      %add3A_567 = arith.addf %add3A_553, %mul3A_566 : vector<16xf32>
      %add3A_568 = arith.constant 10 : i32
      %add3A_569 = vector.broadcast %add3A_568 : i32 to vector<16xi32>
      %add3A_570 = arith.addi %iota3A, %add3A_569 : vector<16xi32>
      %and3A_571 = arith.constant 63 : i32
      %and3A_572 = vector.broadcast %and3A_571 : i32 to vector<16xi32>
      %and3A_573 = arith.andi %add3A_570, %and3A_572 : vector<16xi32>
      %gather3A_574 = tpu.vector_load_idx %arg8[%broadcast_in_dim3A, %iota3A, %get3A_422, %and3A_573] : memref<2x16x8x64xf32, #tpu.memory_space<vmem>>[vector<16xi32>, vector<16xi32>, vector<16xi32>, vector<16xi32>], vector<16xf32>,
      %mul3A_575 = arith.constant 64 : i32
      %mul3A_576 = vector.broadcast %mul3A_575 : i32 to vector<16xi32>
      %mul3A_577 = arith.muli %add3A_426, %mul3A_576 : vector<16xi32>
      %add3A_578 = arith.addi %mul3A_577, %and3A_573 : vector<16xi32>
      %gather3A_579 = tpu.vector_load_idx %arg9[%add3A_578] : memref<32768xf32, #tpu.memory_space<vmem>>[vector<16xi32>], vector<16xf32>,
      %mul3A_580 = arith.mulf %gather3A_579, %gather3A_574 : vector<16xf32>
      %add3A_581 = arith.addf %add3A_567, %mul3A_580 : vector<16xf32>
      %add3A_582 = arith.constant 11 : i32
      %add3A_583 = vector.broadcast %add3A_582 : i32 to vector<16xi32>
      %add3A_584 = arith.addi %iota3A, %add3A_583 : vector<16xi32>
      %and3A_585 = arith.constant 63 : i32
      %and3A_586 = vector.broadcast %and3A_585 : i32 to vector<16xi32>
      %and3A_587 = arith.andi %add3A_584, %and3A_586 : vector<16xi32>
      %gather3A_588 = tpu.vector_load_idx %arg8[%broadcast_in_dim3A, %iota3A, %get3A_422, %and3A_587] : memref<2x16x8x64xf32, #tpu.memory_space<vmem>>[vector<16xi32>, vector<16xi32>, vector<16xi32>, vector<16xi32>], vector<16xf32>,
      %mul3A_589 = arith.constant 64 : i32
      %mul3A_590 = vector.broadcast %mul3A_589 : i32 to vector<16xi32>
      %mul3A_591 = arith.muli %add3A_426, %mul3A_590 : vector<16xi32>
      %add3A_592 = arith.addi %mul3A_591, %and3A_587 : vector<16xi32>
      %gather3A_593 = tpu.vector_load_idx %arg9[%add3A_592] : memref<32768xf32, #tpu.memory_space<vmem>>[vector<16xi32>], vector<16xf32>,
      %mul3A_594 = arith.mulf %gather3A_593, %gather3A_588 : vector<16xf32>
      %add3A_595 = arith.addf %add3A_581, %mul3A_594 : vector<16xf32>
      %add3A_596 = arith.constant 12 : i32
      %add3A_597 = vector.broadcast %add3A_596 : i32 to vector<16xi32>
      %add3A_598 = arith.addi %iota3A, %add3A_597 : vector<16xi32>
      %and3A_599 = arith.constant 63 : i32
      %and3A_600 = vector.broadcast %and3A_599 : i32 to vector<16xi32>
      %and3A_601 = arith.andi %add3A_598, %and3A_600 : vector<16xi32>
      %gather3A_602 = tpu.vector_load_idx %arg8[%broadcast_in_dim3A, %iota3A, %get3A_422, %and3A_601] : memref<2x16x8x64xf32, #tpu.memory_space<vmem>>[vector<16xi32>, vector<16xi32>, vector<16xi32>, vector<16xi32>], vector<16xf32>,
      %mul3A_603 = arith.constant 64 : i32
      %mul3A_604 = vector.broadcast %mul3A_603 : i32 to vector<16xi32>
      %mul3A_605 = arith.muli %add3A_426, %mul3A_604 : vector<16xi32>
      %add3A_606 = arith.addi %mul3A_605, %and3A_601 : vector<16xi32>
      %gather3A_607 = tpu.vector_load_idx %arg9[%add3A_606] : memref<32768xf32, #tpu.memory_space<vmem>>[vector<16xi32>], vector<16xf32>,
      %mul3A_608 = arith.mulf %gather3A_607, %gather3A_602 : vector<16xf32>
      %add3A_609 = arith.addf %add3A_595, %mul3A_608 : vector<16xf32>
      %add3A_610 = arith.constant 13 : i32
      %add3A_611 = vector.broadcast %add3A_610 : i32 to vector<16xi32>
      %add3A_612 = arith.addi %iota3A, %add3A_611 : vector<16xi32>
      %and3A_613 = arith.constant 63 : i32
      %and3A_614 = vector.broadcast %and3A_613 : i32 to vector<16xi32>
      %and3A_615 = arith.andi %add3A_612, %and3A_614 : vector<16xi32>
      %gather3A_616 = tpu.vector_load_idx %arg8[%broadcast_in_dim3A, %iota3A, %get3A_422, %and3A_615] : memref<2x16x8x64xf32, #tpu.memory_space<vmem>>[vector<16xi32>, vector<16xi32>, vector<16xi32>, vector<16xi32>], vector<16xf32>,
      %mul3A_617 = arith.constant 64 : i32
      %mul3A_618 = vector.broadcast %mul3A_617 : i32 to vector<16xi32>
      %mul3A_619 = arith.muli %add3A_426, %mul3A_618 : vector<16xi32>
      %add3A_620 = arith.addi %mul3A_619, %and3A_615 : vector<16xi32>
      %gather3A_621 = tpu.vector_load_idx %arg9[%add3A_620] : memref<32768xf32, #tpu.memory_space<vmem>>[vector<16xi32>], vector<16xf32>,
      %mul3A_622 = arith.mulf %gather3A_621, %gather3A_616 : vector<16xf32>
      %add3A_623 = arith.addf %add3A_609, %mul3A_622 : vector<16xf32>
      %add3A_624 = arith.constant 14 : i32
      %add3A_625 = vector.broadcast %add3A_624 : i32 to vector<16xi32>
      %add3A_626 = arith.addi %iota3A, %add3A_625 : vector<16xi32>
      %and3A_627 = arith.constant 63 : i32
      %and3A_628 = vector.broadcast %and3A_627 : i32 to vector<16xi32>
      %and3A_629 = arith.andi %add3A_626, %and3A_628 : vector<16xi32>
      %gather3A_630 = tpu.vector_load_idx %arg8[%broadcast_in_dim3A, %iota3A, %get3A_422, %and3A_629] : memref<2x16x8x64xf32, #tpu.memory_space<vmem>>[vector<16xi32>, vector<16xi32>, vector<16xi32>, vector<16xi32>], vector<16xf32>,
      %mul3A_631 = arith.constant 64 : i32
      %mul3A_632 = vector.broadcast %mul3A_631 : i32 to vector<16xi32>
      %mul3A_633 = arith.muli %add3A_426, %mul3A_632 : vector<16xi32>
      %add3A_634 = arith.addi %mul3A_633, %and3A_629 : vector<16xi32>
      %gather3A_635 = tpu.vector_load_idx %arg9[%add3A_634] : memref<32768xf32, #tpu.memory_space<vmem>>[vector<16xi32>], vector<16xf32>,
      %mul3A_636 = arith.mulf %gather3A_635, %gather3A_630 : vector<16xf32>
      %add3A_637 = arith.addf %add3A_623, %mul3A_636 : vector<16xf32>
      %add3A_638 = arith.constant 15 : i32
      %add3A_639 = vector.broadcast %add3A_638 : i32 to vector<16xi32>
      %add3A_640 = arith.addi %iota3A, %add3A_639 : vector<16xi32>
      %and3A_641 = arith.constant 63 : i32
      %and3A_642 = vector.broadcast %and3A_641 : i32 to vector<16xi32>
      %and3A_643 = arith.andi %add3A_640, %and3A_642 : vector<16xi32>
      %gather3A_644 = tpu.vector_load_idx %arg8[%broadcast_in_dim3A, %iota3A, %get3A_422, %and3A_643] : memref<2x16x8x64xf32, #tpu.memory_space<vmem>>[vector<16xi32>, vector<16xi32>, vector<16xi32>, vector<16xi32>], vector<16xf32>,
      %mul3A_645 = arith.constant 64 : i32
      %mul3A_646 = vector.broadcast %mul3A_645 : i32 to vector<16xi32>
      %mul3A_647 = arith.muli %add3A_426, %mul3A_646 : vector<16xi32>
      %add3A_648 = arith.addi %mul3A_647, %and3A_643 : vector<16xi32>
      %gather3A_649 = tpu.vector_load_idx %arg9[%add3A_648] : memref<32768xf32, #tpu.memory_space<vmem>>[vector<16xi32>], vector<16xf32>,
      %mul3A_650 = arith.mulf %gather3A_649, %gather3A_644 : vector<16xf32>
      %add3A_651 = arith.addf %add3A_637, %mul3A_650 : vector<16xf32>
      %add3A_652 = arith.constant 16 : i32
      %add3A_653 = vector.broadcast %add3A_652 : i32 to vector<16xi32>
      %add3A_654 = arith.addi %iota3A, %add3A_653 : vector<16xi32>
      %and3A_655 = arith.constant 63 : i32
      %and3A_656 = vector.broadcast %and3A_655 : i32 to vector<16xi32>
      %and3A_657 = arith.andi %add3A_654, %and3A_656 : vector<16xi32>
      %gather3A_658 = tpu.vector_load_idx %arg8[%broadcast_in_dim3A, %iota3A, %get3A_422, %and3A_657] : memref<2x16x8x64xf32, #tpu.memory_space<vmem>>[vector<16xi32>, vector<16xi32>, vector<16xi32>, vector<16xi32>], vector<16xf32>,
      %mul3A_659 = arith.constant 64 : i32
      %mul3A_660 = vector.broadcast %mul3A_659 : i32 to vector<16xi32>
      %mul3A_661 = arith.muli %add3A_426, %mul3A_660 : vector<16xi32>
      %add3A_662 = arith.addi %mul3A_661, %and3A_657 : vector<16xi32>
      %gather3A_663 = tpu.vector_load_idx %arg9[%add3A_662] : memref<32768xf32, #tpu.memory_space<vmem>>[vector<16xi32>], vector<16xf32>,
      %mul3A_664 = arith.mulf %gather3A_663, %gather3A_658 : vector<16xf32>
      %add3A_665 = arith.addf %add3A_651, %mul3A_664 : vector<16xf32>
      %add3A_666 = arith.constant 17 : i32
      %add3A_667 = vector.broadcast %add3A_666 : i32 to vector<16xi32>
      %add3A_668 = arith.addi %iota3A, %add3A_667 : vector<16xi32>
      %and3A_669 = arith.constant 63 : i32
      %and3A_670 = vector.broadcast %and3A_669 : i32 to vector<16xi32>
      %and3A_671 = arith.andi %add3A_668, %and3A_670 : vector<16xi32>
      %gather3A_672 = tpu.vector_load_idx %arg8[%broadcast_in_dim3A, %iota3A, %get3A_422, %and3A_671] : memref<2x16x8x64xf32, #tpu.memory_space<vmem>>[vector<16xi32>, vector<16xi32>, vector<16xi32>, vector<16xi32>], vector<16xf32>,
      %mul3A_673 = arith.constant 64 : i32
      %mul3A_674 = vector.broadcast %mul3A_673 : i32 to vector<16xi32>
      %mul3A_675 = arith.muli %add3A_426, %mul3A_674 : vector<16xi32>
      %add3A_676 = arith.addi %mul3A_675, %and3A_671 : vector<16xi32>
      %gather3A_677 = tpu.vector_load_idx %arg9[%add3A_676] : memref<32768xf32, #tpu.memory_space<vmem>>[vector<16xi32>], vector<16xf32>,
      %mul3A_678 = arith.mulf %gather3A_677, %gather3A_672 : vector<16xf32>
      %add3A_679 = arith.addf %add3A_665, %mul3A_678 : vector<16xf32>
      %add3A_680 = arith.constant 18 : i32
      %add3A_681 = vector.broadcast %add3A_680 : i32 to vector<16xi32>
      %add3A_682 = arith.addi %iota3A, %add3A_681 : vector<16xi32>
      %and3A_683 = arith.constant 63 : i32
      %and3A_684 = vector.broadcast %and3A_683 : i32 to vector<16xi32>
      %and3A_685 = arith.andi %add3A_682, %and3A_684 : vector<16xi32>
      %gather3A_686 = tpu.vector_load_idx %arg8[%broadcast_in_dim3A, %iota3A, %get3A_422, %and3A_685] : memref<2x16x8x64xf32, #tpu.memory_space<vmem>>[vector<16xi32>, vector<16xi32>, vector<16xi32>, vector<16xi32>], vector<16xf32>,
      %mul3A_687 = arith.constant 64 : i32
      %mul3A_688 = vector.broadcast %mul3A_687 : i32 to vector<16xi32>
      %mul3A_689 = arith.muli %add3A_426, %mul3A_688 : vector<16xi32>
      %add3A_690 = arith.addi %mul3A_689, %and3A_685 : vector<16xi32>
      %gather3A_691 = tpu.vector_load_idx %arg9[%add3A_690] : memref<32768xf32, #tpu.memory_space<vmem>>[vector<16xi32>], vector<16xf32>,
      %mul3A_692 = arith.mulf %gather3A_691, %gather3A_686 : vector<16xf32>
      %add3A_693 = arith.addf %add3A_679, %mul3A_692 : vector<16xf32>
      %add3A_694 = arith.constant 19 : i32
      %add3A_695 = vector.broadcast %add3A_694 : i32 to vector<16xi32>
      %add3A_696 = arith.addi %iota3A, %add3A_695 : vector<16xi32>
      %and3A_697 = arith.constant 63 : i32
      %and3A_698 = vector.broadcast %and3A_697 : i32 to vector<16xi32>
      %and3A_699 = arith.andi %add3A_696, %and3A_698 : vector<16xi32>
      %gather3A_700 = tpu.vector_load_idx %arg8[%broadcast_in_dim3A, %iota3A, %get3A_422, %and3A_699] : memref<2x16x8x64xf32, #tpu.memory_space<vmem>>[vector<16xi32>, vector<16xi32>, vector<16xi32>, vector<16xi32>], vector<16xf32>,
      %mul3A_701 = arith.constant 64 : i32
      %mul3A_702 = vector.broadcast %mul3A_701 : i32 to vector<16xi32>
      %mul3A_703 = arith.muli %add3A_426, %mul3A_702 : vector<16xi32>
      %add3A_704 = arith.addi %mul3A_703, %and3A_699 : vector<16xi32>
      %gather3A_705 = tpu.vector_load_idx %arg9[%add3A_704] : memref<32768xf32, #tpu.memory_space<vmem>>[vector<16xi32>], vector<16xf32>,
      %mul3A_706 = arith.mulf %gather3A_705, %gather3A_700 : vector<16xf32>
      %add3A_707 = arith.addf %add3A_693, %mul3A_706 : vector<16xf32>
      %add3A_708 = arith.constant 20 : i32
      %add3A_709 = vector.broadcast %add3A_708 : i32 to vector<16xi32>
      %add3A_710 = arith.addi %iota3A, %add3A_709 : vector<16xi32>
      %and3A_711 = arith.constant 63 : i32
      %and3A_712 = vector.broadcast %and3A_711 : i32 to vector<16xi32>
      %and3A_713 = arith.andi %add3A_710, %and3A_712 : vector<16xi32>
      %gather3A_714 = tpu.vector_load_idx %arg8[%broadcast_in_dim3A, %iota3A, %get3A_422, %and3A_713] : memref<2x16x8x64xf32, #tpu.memory_space<vmem>>[vector<16xi32>, vector<16xi32>, vector<16xi32>, vector<16xi32>], vector<16xf32>,
      %mul3A_715 = arith.constant 64 : i32
      %mul3A_716 = vector.broadcast %mul3A_715 : i32 to vector<16xi32>
      %mul3A_717 = arith.muli %add3A_426, %mul3A_716 : vector<16xi32>
      %add3A_718 = arith.addi %mul3A_717, %and3A_713 : vector<16xi32>
      %gather3A_719 = tpu.vector_load_idx %arg9[%add3A_718] : memref<32768xf32, #tpu.memory_space<vmem>>[vector<16xi32>], vector<16xf32>,
      %mul3A_720 = arith.mulf %gather3A_719, %gather3A_714 : vector<16xf32>
      %add3A_721 = arith.addf %add3A_707, %mul3A_720 : vector<16xf32>
      %add3A_722 = arith.constant 21 : i32
      %add3A_723 = vector.broadcast %add3A_722 : i32 to vector<16xi32>
      %add3A_724 = arith.addi %iota3A, %add3A_723 : vector<16xi32>
      %and3A_725 = arith.constant 63 : i32
      %and3A_726 = vector.broadcast %and3A_725 : i32 to vector<16xi32>
      %and3A_727 = arith.andi %add3A_724, %and3A_726 : vector<16xi32>
      %gather3A_728 = tpu.vector_load_idx %arg8[%broadcast_in_dim3A, %iota3A, %get3A_422, %and3A_727] : memref<2x16x8x64xf32, #tpu.memory_space<vmem>>[vector<16xi32>, vector<16xi32>, vector<16xi32>, vector<16xi32>], vector<16xf32>,
      %mul3A_729 = arith.constant 64 : i32
      %mul3A_730 = vector.broadcast %mul3A_729 : i32 to vector<16xi32>
      %mul3A_731 = arith.muli %add3A_426, %mul3A_730 : vector<16xi32>
      %add3A_732 = arith.addi %mul3A_731, %and3A_727 : vector<16xi32>
      %gather3A_733 = tpu.vector_load_idx %arg9[%add3A_732] : memref<32768xf32, #tpu.memory_space<vmem>>[vector<16xi32>], vector<16xf32>,
      %mul3A_734 = arith.mulf %gather3A_733, %gather3A_728 : vector<16xf32>
      %add3A_735 = arith.addf %add3A_721, %mul3A_734 : vector<16xf32>
      %add3A_736 = arith.constant 22 : i32
      %add3A_737 = vector.broadcast %add3A_736 : i32 to vector<16xi32>
      %add3A_738 = arith.addi %iota3A, %add3A_737 : vector<16xi32>
      %and3A_739 = arith.constant 63 : i32
      %and3A_740 = vector.broadcast %and3A_739 : i32 to vector<16xi32>
      %and3A_741 = arith.andi %add3A_738, %and3A_740 : vector<16xi32>
      %gather3A_742 = tpu.vector_load_idx %arg8[%broadcast_in_dim3A, %iota3A, %get3A_422, %and3A_741] : memref<2x16x8x64xf32, #tpu.memory_space<vmem>>[vector<16xi32>, vector<16xi32>, vector<16xi32>, vector<16xi32>], vector<16xf32>,
      %mul3A_743 = arith.constant 64 : i32
      %mul3A_744 = vector.broadcast %mul3A_743 : i32 to vector<16xi32>
      %mul3A_745 = arith.muli %add3A_426, %mul3A_744 : vector<16xi32>
      %add3A_746 = arith.addi %mul3A_745, %and3A_741 : vector<16xi32>
      %gather3A_747 = tpu.vector_load_idx %arg9[%add3A_746] : memref<32768xf32, #tpu.memory_space<vmem>>[vector<16xi32>], vector<16xf32>,
      %mul3A_748 = arith.mulf %gather3A_747, %gather3A_742 : vector<16xf32>
      %add3A_749 = arith.addf %add3A_735, %mul3A_748 : vector<16xf32>
      %add3A_750 = arith.constant 23 : i32
      %add3A_751 = vector.broadcast %add3A_750 : i32 to vector<16xi32>
      %add3A_752 = arith.addi %iota3A, %add3A_751 : vector<16xi32>
      %and3A_753 = arith.constant 63 : i32
      %and3A_754 = vector.broadcast %and3A_753 : i32 to vector<16xi32>
      %and3A_755 = arith.andi %add3A_752, %and3A_754 : vector<16xi32>
      %gather3A_756 = tpu.vector_load_idx %arg8[%broadcast_in_dim3A, %iota3A, %get3A_422, %and3A_755] : memref<2x16x8x64xf32, #tpu.memory_space<vmem>>[vector<16xi32>, vector<16xi32>, vector<16xi32>, vector<16xi32>], vector<16xf32>,
      %mul3A_757 = arith.constant 64 : i32
      %mul3A_758 = vector.broadcast %mul3A_757 : i32 to vector<16xi32>
      %mul3A_759 = arith.muli %add3A_426, %mul3A_758 : vector<16xi32>
      %add3A_760 = arith.addi %mul3A_759, %and3A_755 : vector<16xi32>
      %gather3A_761 = tpu.vector_load_idx %arg9[%add3A_760] : memref<32768xf32, #tpu.memory_space<vmem>>[vector<16xi32>], vector<16xf32>,
      %mul3A_762 = arith.mulf %gather3A_761, %gather3A_756 : vector<16xf32>
      %add3A_763 = arith.addf %add3A_749, %mul3A_762 : vector<16xf32>
      %add3A_764 = arith.constant 24 : i32
      %add3A_765 = vector.broadcast %add3A_764 : i32 to vector<16xi32>
      %add3A_766 = arith.addi %iota3A, %add3A_765 : vector<16xi32>
      %and3A_767 = arith.constant 63 : i32
      %and3A_768 = vector.broadcast %and3A_767 : i32 to vector<16xi32>
      %and3A_769 = arith.andi %add3A_766, %and3A_768 : vector<16xi32>
      %gather3A_770 = tpu.vector_load_idx %arg8[%broadcast_in_dim3A, %iota3A, %get3A_422, %and3A_769] : memref<2x16x8x64xf32, #tpu.memory_space<vmem>>[vector<16xi32>, vector<16xi32>, vector<16xi32>, vector<16xi32>], vector<16xf32>,
      %mul3A_771 = arith.constant 64 : i32
      %mul3A_772 = vector.broadcast %mul3A_771 : i32 to vector<16xi32>
      %mul3A_773 = arith.muli %add3A_426, %mul3A_772 : vector<16xi32>
      %add3A_774 = arith.addi %mul3A_773, %and3A_769 : vector<16xi32>
      %gather3A_775 = tpu.vector_load_idx %arg9[%add3A_774] : memref<32768xf32, #tpu.memory_space<vmem>>[vector<16xi32>], vector<16xf32>,
      %mul3A_776 = arith.mulf %gather3A_775, %gather3A_770 : vector<16xf32>
      %add3A_777 = arith.addf %add3A_763, %mul3A_776 : vector<16xf32>
      %add3A_778 = arith.constant 25 : i32
      %add3A_779 = vector.broadcast %add3A_778 : i32 to vector<16xi32>
      %add3A_780 = arith.addi %iota3A, %add3A_779 : vector<16xi32>
      %and3A_781 = arith.constant 63 : i32
      %and3A_782 = vector.broadcast %and3A_781 : i32 to vector<16xi32>
      %and3A_783 = arith.andi %add3A_780, %and3A_782 : vector<16xi32>
      %gather3A_784 = tpu.vector_load_idx %arg8[%broadcast_in_dim3A, %iota3A, %get3A_422, %and3A_783] : memref<2x16x8x64xf32, #tpu.memory_space<vmem>>[vector<16xi32>, vector<16xi32>, vector<16xi32>, vector<16xi32>], vector<16xf32>,
      %mul3A_785 = arith.constant 64 : i32
      %mul3A_786 = vector.broadcast %mul3A_785 : i32 to vector<16xi32>
      %mul3A_787 = arith.muli %add3A_426, %mul3A_786 : vector<16xi32>
      %add3A_788 = arith.addi %mul3A_787, %and3A_783 : vector<16xi32>
      %gather3A_789 = tpu.vector_load_idx %arg9[%add3A_788] : memref<32768xf32, #tpu.memory_space<vmem>>[vector<16xi32>], vector<16xf32>,
      %mul3A_790 = arith.mulf %gather3A_789, %gather3A_784 : vector<16xf32>
      %add3A_791 = arith.addf %add3A_777, %mul3A_790 : vector<16xf32>
      %add3A_792 = arith.constant 26 : i32
      %add3A_793 = vector.broadcast %add3A_792 : i32 to vector<16xi32>
      %add3A_794 = arith.addi %iota3A, %add3A_793 : vector<16xi32>
      %and3A_795 = arith.constant 63 : i32
      %and3A_796 = vector.broadcast %and3A_795 : i32 to vector<16xi32>
      %and3A_797 = arith.andi %add3A_794, %and3A_796 : vector<16xi32>
      %gather3A_798 = tpu.vector_load_idx %arg8[%broadcast_in_dim3A, %iota3A, %get3A_422, %and3A_797] : memref<2x16x8x64xf32, #tpu.memory_space<vmem>>[vector<16xi32>, vector<16xi32>, vector<16xi32>, vector<16xi32>], vector<16xf32>,
      %mul3A_799 = arith.constant 64 : i32
      %mul3A_800 = vector.broadcast %mul3A_799 : i32 to vector<16xi32>
      %mul3A_801 = arith.muli %add3A_426, %mul3A_800 : vector<16xi32>
      %add3A_802 = arith.addi %mul3A_801, %and3A_797 : vector<16xi32>
      %gather3A_803 = tpu.vector_load_idx %arg9[%add3A_802] : memref<32768xf32, #tpu.memory_space<vmem>>[vector<16xi32>], vector<16xf32>,
      %mul3A_804 = arith.mulf %gather3A_803, %gather3A_798 : vector<16xf32>
      %add3A_805 = arith.addf %add3A_791, %mul3A_804 : vector<16xf32>
      %add3A_806 = arith.constant 27 : i32
      %add3A_807 = vector.broadcast %add3A_806 : i32 to vector<16xi32>
      %add3A_808 = arith.addi %iota3A, %add3A_807 : vector<16xi32>
      %and3A_809 = arith.constant 63 : i32
      %and3A_810 = vector.broadcast %and3A_809 : i32 to vector<16xi32>
      %and3A_811 = arith.andi %add3A_808, %and3A_810 : vector<16xi32>
      %gather3A_812 = tpu.vector_load_idx %arg8[%broadcast_in_dim3A, %iota3A, %get3A_422, %and3A_811] : memref<2x16x8x64xf32, #tpu.memory_space<vmem>>[vector<16xi32>, vector<16xi32>, vector<16xi32>, vector<16xi32>], vector<16xf32>,
      %mul3A_813 = arith.constant 64 : i32
      %mul3A_814 = vector.broadcast %mul3A_813 : i32 to vector<16xi32>
      %mul3A_815 = arith.muli %add3A_426, %mul3A_814 : vector<16xi32>
      %add3A_816 = arith.addi %mul3A_815, %and3A_811 : vector<16xi32>
      %gather3A_817 = tpu.vector_load_idx %arg9[%add3A_816] : memref<32768xf32, #tpu.memory_space<vmem>>[vector<16xi32>], vector<16xf32>,
      %mul3A_818 = arith.mulf %gather3A_817, %gather3A_812 : vector<16xf32>
      %add3A_819 = arith.addf %add3A_805, %mul3A_818 : vector<16xf32>
      %add3A_820 = arith.constant 28 : i32
      %add3A_821 = vector.broadcast %add3A_820 : i32 to vector<16xi32>
      %add3A_822 = arith.addi %iota3A, %add3A_821 : vector<16xi32>
      %and3A_823 = arith.constant 63 : i32
      %and3A_824 = vector.broadcast %and3A_823 : i32 to vector<16xi32>
      %and3A_825 = arith.andi %add3A_822, %and3A_824 : vector<16xi32>
      %gather3A_826 = tpu.vector_load_idx %arg8[%broadcast_in_dim3A, %iota3A, %get3A_422, %and3A_825] : memref<2x16x8x64xf32, #tpu.memory_space<vmem>>[vector<16xi32>, vector<16xi32>, vector<16xi32>, vector<16xi32>], vector<16xf32>,
      %mul3A_827 = arith.constant 64 : i32
      %mul3A_828 = vector.broadcast %mul3A_827 : i32 to vector<16xi32>
      %mul3A_829 = arith.muli %add3A_426, %mul3A_828 : vector<16xi32>
      %add3A_830 = arith.addi %mul3A_829, %and3A_825 : vector<16xi32>
      %gather3A_831 = tpu.vector_load_idx %arg9[%add3A_830] : memref<32768xf32, #tpu.memory_space<vmem>>[vector<16xi32>], vector<16xf32>,
      %mul3A_832 = arith.mulf %gather3A_831, %gather3A_826 : vector<16xf32>
      %add3A_833 = arith.addf %add3A_819, %mul3A_832 : vector<16xf32>
      %add3A_834 = arith.constant 29 : i32
      %add3A_835 = vector.broadcast %add3A_834 : i32 to vector<16xi32>
      %add3A_836 = arith.addi %iota3A, %add3A_835 : vector<16xi32>
      %and3A_837 = arith.constant 63 : i32
      %and3A_838 = vector.broadcast %and3A_837 : i32 to vector<16xi32>
      %and3A_839 = arith.andi %add3A_836, %and3A_838 : vector<16xi32>
      %gather3A_840 = tpu.vector_load_idx %arg8[%broadcast_in_dim3A, %iota3A, %get3A_422, %and3A_839] : memref<2x16x8x64xf32, #tpu.memory_space<vmem>>[vector<16xi32>, vector<16xi32>, vector<16xi32>, vector<16xi32>], vector<16xf32>,
      %mul3A_841 = arith.constant 64 : i32
      %mul3A_842 = vector.broadcast %mul3A_841 : i32 to vector<16xi32>
      %mul3A_843 = arith.muli %add3A_426, %mul3A_842 : vector<16xi32>
      %add3A_844 = arith.addi %mul3A_843, %and3A_839 : vector<16xi32>
      %gather3A_845 = tpu.vector_load_idx %arg9[%add3A_844] : memref<32768xf32, #tpu.memory_space<vmem>>[vector<16xi32>], vector<16xf32>,
      %mul3A_846 = arith.mulf %gather3A_845, %gather3A_840 : vector<16xf32>
      %add3A_847 = arith.addf %add3A_833, %mul3A_846 : vector<16xf32>
      %add3A_848 = arith.constant 30 : i32
      %add3A_849 = vector.broadcast %add3A_848 : i32 to vector<16xi32>
      %add3A_850 = arith.addi %iota3A, %add3A_849 : vector<16xi32>
      %and3A_851 = arith.constant 63 : i32
      %and3A_852 = vector.broadcast %and3A_851 : i32 to vector<16xi32>
      %and3A_853 = arith.andi %add3A_850, %and3A_852 : vector<16xi32>
      %gather3A_854 = tpu.vector_load_idx %arg8[%broadcast_in_dim3A, %iota3A, %get3A_422, %and3A_853] : memref<2x16x8x64xf32, #tpu.memory_space<vmem>>[vector<16xi32>, vector<16xi32>, vector<16xi32>, vector<16xi32>], vector<16xf32>,
      %mul3A_855 = arith.constant 64 : i32
      %mul3A_856 = vector.broadcast %mul3A_855 : i32 to vector<16xi32>
      %mul3A_857 = arith.muli %add3A_426, %mul3A_856 : vector<16xi32>
      %add3A_858 = arith.addi %mul3A_857, %and3A_853 : vector<16xi32>
      %gather3A_859 = tpu.vector_load_idx %arg9[%add3A_858] : memref<32768xf32, #tpu.memory_space<vmem>>[vector<16xi32>], vector<16xf32>,
      %mul3A_860 = arith.mulf %gather3A_859, %gather3A_854 : vector<16xf32>
      %add3A_861 = arith.addf %add3A_847, %mul3A_860 : vector<16xf32>
      %add3A_862 = arith.constant 31 : i32
      %add3A_863 = vector.broadcast %add3A_862 : i32 to vector<16xi32>
      %add3A_864 = arith.addi %iota3A, %add3A_863 : vector<16xi32>
      %and3A_865 = arith.constant 63 : i32
      %and3A_866 = vector.broadcast %and3A_865 : i32 to vector<16xi32>
      %and3A_867 = arith.andi %add3A_864, %and3A_866 : vector<16xi32>
      %gather3A_868 = tpu.vector_load_idx %arg8[%broadcast_in_dim3A, %iota3A, %get3A_422, %and3A_867] : memref<2x16x8x64xf32, #tpu.memory_space<vmem>>[vector<16xi32>, vector<16xi32>, vector<16xi32>, vector<16xi32>], vector<16xf32>,
      %mul3A_869 = arith.constant 64 : i32
      %mul3A_870 = vector.broadcast %mul3A_869 : i32 to vector<16xi32>
      %mul3A_871 = arith.muli %add3A_426, %mul3A_870 : vector<16xi32>
      %add3A_872 = arith.addi %mul3A_871, %and3A_867 : vector<16xi32>
      %gather3A_873 = tpu.vector_load_idx %arg9[%add3A_872] : memref<32768xf32, #tpu.memory_space<vmem>>[vector<16xi32>], vector<16xf32>,
      %mul3A_874 = arith.mulf %gather3A_873, %gather3A_868 : vector<16xf32>
      %add3A_875 = arith.addf %add3A_861, %mul3A_874 : vector<16xf32>
      %add3A_876 = arith.constant 32 : i32
      %add3A_877 = vector.broadcast %add3A_876 : i32 to vector<16xi32>
      %add3A_878 = arith.addi %iota3A, %add3A_877 : vector<16xi32>
      %and3A_879 = arith.constant 63 : i32
      %and3A_880 = vector.broadcast %and3A_879 : i32 to vector<16xi32>
      %and3A_881 = arith.andi %add3A_878, %and3A_880 : vector<16xi32>
      %gather3A_882 = tpu.vector_load_idx %arg8[%broadcast_in_dim3A, %iota3A, %get3A_422, %and3A_881] : memref<2x16x8x64xf32, #tpu.memory_space<vmem>>[vector<16xi32>, vector<16xi32>, vector<16xi32>, vector<16xi32>], vector<16xf32>,
      %mul3A_883 = arith.constant 64 : i32
      %mul3A_884 = vector.broadcast %mul3A_883 : i32 to vector<16xi32>
      %mul3A_885 = arith.muli %add3A_426, %mul3A_884 : vector<16xi32>
      %add3A_886 = arith.addi %mul3A_885, %and3A_881 : vector<16xi32>
      %gather3A_887 = tpu.vector_load_idx %arg9[%add3A_886] : memref<32768xf32, #tpu.memory_space<vmem>>[vector<16xi32>], vector<16xf32>,
      %mul3A_888 = arith.mulf %gather3A_887, %gather3A_882 : vector<16xf32>
      %add3A_889 = arith.addf %add3A_875, %mul3A_888 : vector<16xf32>
      %add3A_890 = arith.constant 33 : i32
      %add3A_891 = vector.broadcast %add3A_890 : i32 to vector<16xi32>
      %add3A_892 = arith.addi %iota3A, %add3A_891 : vector<16xi32>
      %and3A_893 = arith.constant 63 : i32
      %and3A_894 = vector.broadcast %and3A_893 : i32 to vector<16xi32>
      %and3A_895 = arith.andi %add3A_892, %and3A_894 : vector<16xi32>
      %gather3A_896 = tpu.vector_load_idx %arg8[%broadcast_in_dim3A, %iota3A, %get3A_422, %and3A_895] : memref<2x16x8x64xf32, #tpu.memory_space<vmem>>[vector<16xi32>, vector<16xi32>, vector<16xi32>, vector<16xi32>], vector<16xf32>,
      %mul3A_897 = arith.constant 64 : i32
      %mul3A_898 = vector.broadcast %mul3A_897 : i32 to vector<16xi32>
      %mul3A_899 = arith.muli %add3A_426, %mul3A_898 : vector<16xi32>
      %add3A_900 = arith.addi %mul3A_899, %and3A_895 : vector<16xi32>
      %gather3A_901 = tpu.vector_load_idx %arg9[%add3A_900] : memref<32768xf32, #tpu.memory_space<vmem>>[vector<16xi32>], vector<16xf32>,
      %mul3A_902 = arith.mulf %gather3A_901, %gather3A_896 : vector<16xf32>
      %add3A_903 = arith.addf %add3A_889, %mul3A_902 : vector<16xf32>
      %add3A_904 = arith.constant 34 : i32
      %add3A_905 = vector.broadcast %add3A_904 : i32 to vector<16xi32>
      %add3A_906 = arith.addi %iota3A, %add3A_905 : vector<16xi32>
      %and3A_907 = arith.constant 63 : i32
      %and3A_908 = vector.broadcast %and3A_907 : i32 to vector<16xi32>
      %and3A_909 = arith.andi %add3A_906, %and3A_908 : vector<16xi32>
      %gather3A_910 = tpu.vector_load_idx %arg8[%broadcast_in_dim3A, %iota3A, %get3A_422, %and3A_909] : memref<2x16x8x64xf32, #tpu.memory_space<vmem>>[vector<16xi32>, vector<16xi32>, vector<16xi32>, vector<16xi32>], vector<16xf32>,
      %mul3A_911 = arith.constant 64 : i32
      %mul3A_912 = vector.broadcast %mul3A_911 : i32 to vector<16xi32>
      %mul3A_913 = arith.muli %add3A_426, %mul3A_912 : vector<16xi32>
      %add3A_914 = arith.addi %mul3A_913, %and3A_909 : vector<16xi32>
      %gather3A_915 = tpu.vector_load_idx %arg9[%add3A_914] : memref<32768xf32, #tpu.memory_space<vmem>>[vector<16xi32>], vector<16xf32>,
      %mul3A_916 = arith.mulf %gather3A_915, %gather3A_910 : vector<16xf32>
      %add3A_917 = arith.addf %add3A_903, %mul3A_916 : vector<16xf32>
      %add3A_918 = arith.constant 35 : i32
      %add3A_919 = vector.broadcast %add3A_918 : i32 to vector<16xi32>
      %add3A_920 = arith.addi %iota3A, %add3A_919 : vector<16xi32>
      %and3A_921 = arith.constant 63 : i32
      %and3A_922 = vector.broadcast %and3A_921 : i32 to vector<16xi32>
      %and3A_923 = arith.andi %add3A_920, %and3A_922 : vector<16xi32>
      %gather3A_924 = tpu.vector_load_idx %arg8[%broadcast_in_dim3A, %iota3A, %get3A_422, %and3A_923] : memref<2x16x8x64xf32, #tpu.memory_space<vmem>>[vector<16xi32>, vector<16xi32>, vector<16xi32>, vector<16xi32>], vector<16xf32>,
      %mul3A_925 = arith.constant 64 : i32
      %mul3A_926 = vector.broadcast %mul3A_925 : i32 to vector<16xi32>
      %mul3A_927 = arith.muli %add3A_426, %mul3A_926 : vector<16xi32>
      %add3A_928 = arith.addi %mul3A_927, %and3A_923 : vector<16xi32>
      %gather3A_929 = tpu.vector_load_idx %arg9[%add3A_928] : memref<32768xf32, #tpu.memory_space<vmem>>[vector<16xi32>], vector<16xf32>,
      %mul3A_930 = arith.mulf %gather3A_929, %gather3A_924 : vector<16xf32>
      %add3A_931 = arith.addf %add3A_917, %mul3A_930 : vector<16xf32>
      %add3A_932 = arith.constant 36 : i32
      %add3A_933 = vector.broadcast %add3A_932 : i32 to vector<16xi32>
      %add3A_934 = arith.addi %iota3A, %add3A_933 : vector<16xi32>
      %and3A_935 = arith.constant 63 : i32
      %and3A_936 = vector.broadcast %and3A_935 : i32 to vector<16xi32>
      %and3A_937 = arith.andi %add3A_934, %and3A_936 : vector<16xi32>
      %gather3A_938 = tpu.vector_load_idx %arg8[%broadcast_in_dim3A, %iota3A, %get3A_422, %and3A_937] : memref<2x16x8x64xf32, #tpu.memory_space<vmem>>[vector<16xi32>, vector<16xi32>, vector<16xi32>, vector<16xi32>], vector<16xf32>,
      %mul3A_939 = arith.constant 64 : i32
      %mul3A_940 = vector.broadcast %mul3A_939 : i32 to vector<16xi32>
      %mul3A_941 = arith.muli %add3A_426, %mul3A_940 : vector<16xi32>
      %add3A_942 = arith.addi %mul3A_941, %and3A_937 : vector<16xi32>
      %gather3A_943 = tpu.vector_load_idx %arg9[%add3A_942] : memref<32768xf32, #tpu.memory_space<vmem>>[vector<16xi32>], vector<16xf32>,
      %mul3A_944 = arith.mulf %gather3A_943, %gather3A_938 : vector<16xf32>
      %add3A_945 = arith.addf %add3A_931, %mul3A_944 : vector<16xf32>
      %add3A_946 = arith.constant 37 : i32
      %add3A_947 = vector.broadcast %add3A_946 : i32 to vector<16xi32>
      %add3A_948 = arith.addi %iota3A, %add3A_947 : vector<16xi32>
      %and3A_949 = arith.constant 63 : i32
      %and3A_950 = vector.broadcast %and3A_949 : i32 to vector<16xi32>
      %and3A_951 = arith.andi %add3A_948, %and3A_950 : vector<16xi32>
      %gather3A_952 = tpu.vector_load_idx %arg8[%broadcast_in_dim3A, %iota3A, %get3A_422, %and3A_951] : memref<2x16x8x64xf32, #tpu.memory_space<vmem>>[vector<16xi32>, vector<16xi32>, vector<16xi32>, vector<16xi32>], vector<16xf32>,
      %mul3A_953 = arith.constant 64 : i32
      %mul3A_954 = vector.broadcast %mul3A_953 : i32 to vector<16xi32>
      %mul3A_955 = arith.muli %add3A_426, %mul3A_954 : vector<16xi32>
      %add3A_956 = arith.addi %mul3A_955, %and3A_951 : vector<16xi32>
      %gather3A_957 = tpu.vector_load_idx %arg9[%add3A_956] : memref<32768xf32, #tpu.memory_space<vmem>>[vector<16xi32>], vector<16xf32>,
      %mul3A_958 = arith.mulf %gather3A_957, %gather3A_952 : vector<16xf32>
      %add3A_959 = arith.addf %add3A_945, %mul3A_958 : vector<16xf32>
      %add3A_960 = arith.constant 38 : i32
      %add3A_961 = vector.broadcast %add3A_960 : i32 to vector<16xi32>
      %add3A_962 = arith.addi %iota3A, %add3A_961 : vector<16xi32>
      %and3A_963 = arith.constant 63 : i32
      %and3A_964 = vector.broadcast %and3A_963 : i32 to vector<16xi32>
      %and3A_965 = arith.andi %add3A_962, %and3A_964 : vector<16xi32>
      %gather3A_966 = tpu.vector_load_idx %arg8[%broadcast_in_dim3A, %iota3A, %get3A_422, %and3A_965] : memref<2x16x8x64xf32, #tpu.memory_space<vmem>>[vector<16xi32>, vector<16xi32>, vector<16xi32>, vector<16xi32>], vector<16xf32>,
      %mul3A_967 = arith.constant 64 : i32
      %mul3A_968 = vector.broadcast %mul3A_967 : i32 to vector<16xi32>
      %mul3A_969 = arith.muli %add3A_426, %mul3A_968 : vector<16xi32>
      %add3A_970 = arith.addi %mul3A_969, %and3A_965 : vector<16xi32>
      %gather3A_971 = tpu.vector_load_idx %arg9[%add3A_970] : memref<32768xf32, #tpu.memory_space<vmem>>[vector<16xi32>], vector<16xf32>,
      %mul3A_972 = arith.mulf %gather3A_971, %gather3A_966 : vector<16xf32>
      %add3A_973 = arith.addf %add3A_959, %mul3A_972 : vector<16xf32>
      %add3A_974 = arith.constant 39 : i32
      %add3A_975 = vector.broadcast %add3A_974 : i32 to vector<16xi32>
      %add3A_976 = arith.addi %iota3A, %add3A_975 : vector<16xi32>
      %and3A_977 = arith.constant 63 : i32
      %and3A_978 = vector.broadcast %and3A_977 : i32 to vector<16xi32>
      %and3A_979 = arith.andi %add3A_976, %and3A_978 : vector<16xi32>
      %gather3A_980 = tpu.vector_load_idx %arg8[%broadcast_in_dim3A, %iota3A, %get3A_422, %and3A_979] : memref<2x16x8x64xf32, #tpu.memory_space<vmem>>[vector<16xi32>, vector<16xi32>, vector<16xi32>, vector<16xi32>], vector<16xf32>,
      %mul3A_981 = arith.constant 64 : i32
      %mul3A_982 = vector.broadcast %mul3A_981 : i32 to vector<16xi32>
      %mul3A_983 = arith.muli %add3A_426, %mul3A_982 : vector<16xi32>
      %add3A_984 = arith.addi %mul3A_983, %and3A_979 : vector<16xi32>
      %gather3A_985 = tpu.vector_load_idx %arg9[%add3A_984] : memref<32768xf32, #tpu.memory_space<vmem>>[vector<16xi32>], vector<16xf32>,
      %mul3A_986 = arith.mulf %gather3A_985, %gather3A_980 : vector<16xf32>
      %add3A_987 = arith.addf %add3A_973, %mul3A_986 : vector<16xf32>
      %add3A_988 = arith.constant 40 : i32
      %add3A_989 = vector.broadcast %add3A_988 : i32 to vector<16xi32>
      %add3A_990 = arith.addi %iota3A, %add3A_989 : vector<16xi32>
      %and3A_991 = arith.constant 63 : i32
      %and3A_992 = vector.broadcast %and3A_991 : i32 to vector<16xi32>
      %and3A_993 = arith.andi %add3A_990, %and3A_992 : vector<16xi32>
      %gather3A_994 = tpu.vector_load_idx %arg8[%broadcast_in_dim3A, %iota3A, %get3A_422, %and3A_993] : memref<2x16x8x64xf32, #tpu.memory_space<vmem>>[vector<16xi32>, vector<16xi32>, vector<16xi32>, vector<16xi32>], vector<16xf32>,
      %mul3A_995 = arith.constant 64 : i32
      %mul3A_996 = vector.broadcast %mul3A_995 : i32 to vector<16xi32>
      %mul3A_997 = arith.muli %add3A_426, %mul3A_996 : vector<16xi32>
      %add3A_998 = arith.addi %mul3A_997, %and3A_993 : vector<16xi32>
      %gather3A_999 = tpu.vector_load_idx %arg9[%add3A_998] : memref<32768xf32, #tpu.memory_space<vmem>>[vector<16xi32>], vector<16xf32>,
      %mul3A_1000 = arith.mulf %gather3A_999, %gather3A_994 : vector<16xf32>
      %add3A_1001 = arith.addf %add3A_987, %mul3A_1000 : vector<16xf32>
      %add3A_1002 = arith.constant 41 : i32
      %add3A_1003 = vector.broadcast %add3A_1002 : i32 to vector<16xi32>
      %add3A_1004 = arith.addi %iota3A, %add3A_1003 : vector<16xi32>
      %and3A_1005 = arith.constant 63 : i32
      %and3A_1006 = vector.broadcast %and3A_1005 : i32 to vector<16xi32>
      %and3A_1007 = arith.andi %add3A_1004, %and3A_1006 : vector<16xi32>
      %gather3A_1008 = tpu.vector_load_idx %arg8[%broadcast_in_dim3A, %iota3A, %get3A_422, %and3A_1007] : memref<2x16x8x64xf32, #tpu.memory_space<vmem>>[vector<16xi32>, vector<16xi32>, vector<16xi32>, vector<16xi32>], vector<16xf32>,
      %mul3A_1009 = arith.constant 64 : i32
      %mul3A_1010 = vector.broadcast %mul3A_1009 : i32 to vector<16xi32>
      %mul3A_1011 = arith.muli %add3A_426, %mul3A_1010 : vector<16xi32>
      %add3A_1012 = arith.addi %mul3A_1011, %and3A_1007 : vector<16xi32>
      %gather3A_1013 = tpu.vector_load_idx %arg9[%add3A_1012] : memref<32768xf32, #tpu.memory_space<vmem>>[vector<16xi32>], vector<16xf32>,
      %mul3A_1014 = arith.mulf %gather3A_1013, %gather3A_1008 : vector<16xf32>
      %add3A_1015 = arith.addf %add3A_1001, %mul3A_1014 : vector<16xf32>
      %add3A_1016 = arith.constant 42 : i32
      %add3A_1017 = vector.broadcast %add3A_1016 : i32 to vector<16xi32>
      %add3A_1018 = arith.addi %iota3A, %add3A_1017 : vector<16xi32>
      %and3A_1019 = arith.constant 63 : i32
      %and3A_1020 = vector.broadcast %and3A_1019 : i32 to vector<16xi32>
      %and3A_1021 = arith.andi %add3A_1018, %and3A_1020 : vector<16xi32>
      %gather3A_1022 = tpu.vector_load_idx %arg8[%broadcast_in_dim3A, %iota3A, %get3A_422, %and3A_1021] : memref<2x16x8x64xf32, #tpu.memory_space<vmem>>[vector<16xi32>, vector<16xi32>, vector<16xi32>, vector<16xi32>], vector<16xf32>,
      %mul3A_1023 = arith.constant 64 : i32
      %mul3A_1024 = vector.broadcast %mul3A_1023 : i32 to vector<16xi32>
      %mul3A_1025 = arith.muli %add3A_426, %mul3A_1024 : vector<16xi32>
      %add3A_1026 = arith.addi %mul3A_1025, %and3A_1021 : vector<16xi32>
      %gather3A_1027 = tpu.vector_load_idx %arg9[%add3A_1026] : memref<32768xf32, #tpu.memory_space<vmem>>[vector<16xi32>], vector<16xf32>,
      %mul3A_1028 = arith.mulf %gather3A_1027, %gather3A_1022 : vector<16xf32>
      %add3A_1029 = arith.addf %add3A_1015, %mul3A_1028 : vector<16xf32>
      %add3A_1030 = arith.constant 43 : i32
      %add3A_1031 = vector.broadcast %add3A_1030 : i32 to vector<16xi32>
      %add3A_1032 = arith.addi %iota3A, %add3A_1031 : vector<16xi32>
      %and3A_1033 = arith.constant 63 : i32
      %and3A_1034 = vector.broadcast %and3A_1033 : i32 to vector<16xi32>
      %and3A_1035 = arith.andi %add3A_1032, %and3A_1034 : vector<16xi32>
      %gather3A_1036 = tpu.vector_load_idx %arg8[%broadcast_in_dim3A, %iota3A, %get3A_422, %and3A_1035] : memref<2x16x8x64xf32, #tpu.memory_space<vmem>>[vector<16xi32>, vector<16xi32>, vector<16xi32>, vector<16xi32>], vector<16xf32>,
      %mul3A_1037 = arith.constant 64 : i32
      %mul3A_1038 = vector.broadcast %mul3A_1037 : i32 to vector<16xi32>
      %mul3A_1039 = arith.muli %add3A_426, %mul3A_1038 : vector<16xi32>
      %add3A_1040 = arith.addi %mul3A_1039, %and3A_1035 : vector<16xi32>
      %gather3A_1041 = tpu.vector_load_idx %arg9[%add3A_1040] : memref<32768xf32, #tpu.memory_space<vmem>>[vector<16xi32>], vector<16xf32>,
      %mul3A_1042 = arith.mulf %gather3A_1041, %gather3A_1036 : vector<16xf32>
      %add3A_1043 = arith.addf %add3A_1029, %mul3A_1042 : vector<16xf32>
      %add3A_1044 = arith.constant 44 : i32
      %add3A_1045 = vector.broadcast %add3A_1044 : i32 to vector<16xi32>
      %add3A_1046 = arith.addi %iota3A, %add3A_1045 : vector<16xi32>
      %and3A_1047 = arith.constant 63 : i32
      %and3A_1048 = vector.broadcast %and3A_1047 : i32 to vector<16xi32>
      %and3A_1049 = arith.andi %add3A_1046, %and3A_1048 : vector<16xi32>
      %gather3A_1050 = tpu.vector_load_idx %arg8[%broadcast_in_dim3A, %iota3A, %get3A_422, %and3A_1049] : memref<2x16x8x64xf32, #tpu.memory_space<vmem>>[vector<16xi32>, vector<16xi32>, vector<16xi32>, vector<16xi32>], vector<16xf32>,
      %mul3A_1051 = arith.constant 64 : i32
      %mul3A_1052 = vector.broadcast %mul3A_1051 : i32 to vector<16xi32>
      %mul3A_1053 = arith.muli %add3A_426, %mul3A_1052 : vector<16xi32>
      %add3A_1054 = arith.addi %mul3A_1053, %and3A_1049 : vector<16xi32>
      %gather3A_1055 = tpu.vector_load_idx %arg9[%add3A_1054] : memref<32768xf32, #tpu.memory_space<vmem>>[vector<16xi32>], vector<16xf32>,
      %mul3A_1056 = arith.mulf %gather3A_1055, %gather3A_1050 : vector<16xf32>
      %add3A_1057 = arith.addf %add3A_1043, %mul3A_1056 : vector<16xf32>
      %add3A_1058 = arith.constant 45 : i32
      %add3A_1059 = vector.broadcast %add3A_1058 : i32 to vector<16xi32>
      %add3A_1060 = arith.addi %iota3A, %add3A_1059 : vector<16xi32>
      %and3A_1061 = arith.constant 63 : i32
      %and3A_1062 = vector.broadcast %and3A_1061 : i32 to vector<16xi32>
      %and3A_1063 = arith.andi %add3A_1060, %and3A_1062 : vector<16xi32>
      %gather3A_1064 = tpu.vector_load_idx %arg8[%broadcast_in_dim3A, %iota3A, %get3A_422, %and3A_1063] : memref<2x16x8x64xf32, #tpu.memory_space<vmem>>[vector<16xi32>, vector<16xi32>, vector<16xi32>, vector<16xi32>], vector<16xf32>,
      %mul3A_1065 = arith.constant 64 : i32
      %mul3A_1066 = vector.broadcast %mul3A_1065 : i32 to vector<16xi32>
      %mul3A_1067 = arith.muli %add3A_426, %mul3A_1066 : vector<16xi32>
      %add3A_1068 = arith.addi %mul3A_1067, %and3A_1063 : vector<16xi32>
      %gather3A_1069 = tpu.vector_load_idx %arg9[%add3A_1068] : memref<32768xf32, #tpu.memory_space<vmem>>[vector<16xi32>], vector<16xf32>,
      %mul3A_1070 = arith.mulf %gather3A_1069, %gather3A_1064 : vector<16xf32>
      %add3A_1071 = arith.addf %add3A_1057, %mul3A_1070 : vector<16xf32>
      %add3A_1072 = arith.constant 46 : i32
      %add3A_1073 = vector.broadcast %add3A_1072 : i32 to vector<16xi32>
      %add3A_1074 = arith.addi %iota3A, %add3A_1073 : vector<16xi32>
      %and3A_1075 = arith.constant 63 : i32
      %and3A_1076 = vector.broadcast %and3A_1075 : i32 to vector<16xi32>
      %and3A_1077 = arith.andi %add3A_1074, %and3A_1076 : vector<16xi32>
      %gather3A_1078 = tpu.vector_load_idx %arg8[%broadcast_in_dim3A, %iota3A, %get3A_422, %and3A_1077] : memref<2x16x8x64xf32, #tpu.memory_space<vmem>>[vector<16xi32>, vector<16xi32>, vector<16xi32>, vector<16xi32>], vector<16xf32>,
      %mul3A_1079 = arith.constant 64 : i32
      %mul3A_1080 = vector.broadcast %mul3A_1079 : i32 to vector<16xi32>
      %mul3A_1081 = arith.muli %add3A_426, %mul3A_1080 : vector<16xi32>
      %add3A_1082 = arith.addi %mul3A_1081, %and3A_1077 : vector<16xi32>
      %gather3A_1083 = tpu.vector_load_idx %arg9[%add3A_1082] : memref<32768xf32, #tpu.memory_space<vmem>>[vector<16xi32>], vector<16xf32>,
      %mul3A_1084 = arith.mulf %gather3A_1083, %gather3A_1078 : vector<16xf32>
      %add3A_1085 = arith.addf %add3A_1071, %mul3A_1084 : vector<16xf32>
      %add3A_1086 = arith.constant 47 : i32
      %add3A_1087 = vector.broadcast %add3A_1086 : i32 to vector<16xi32>
      %add3A_1088 = arith.addi %iota3A, %add3A_1087 : vector<16xi32>
      %and3A_1089 = arith.constant 63 : i32
      %and3A_1090 = vector.broadcast %and3A_1089 : i32 to vector<16xi32>
      %and3A_1091 = arith.andi %add3A_1088, %and3A_1090 : vector<16xi32>
      %gather3A_1092 = tpu.vector_load_idx %arg8[%broadcast_in_dim3A, %iota3A, %get3A_422, %and3A_1091] : memref<2x16x8x64xf32, #tpu.memory_space<vmem>>[vector<16xi32>, vector<16xi32>, vector<16xi32>, vector<16xi32>], vector<16xf32>,
      %mul3A_1093 = arith.constant 64 : i32
      %mul3A_1094 = vector.broadcast %mul3A_1093 : i32 to vector<16xi32>
      %mul3A_1095 = arith.muli %add3A_426, %mul3A_1094 : vector<16xi32>
      %add3A_1096 = arith.addi %mul3A_1095, %and3A_1091 : vector<16xi32>
      %gather3A_1097 = tpu.vector_load_idx %arg9[%add3A_1096] : memref<32768xf32, #tpu.memory_space<vmem>>[vector<16xi32>], vector<16xf32>,
      %mul3A_1098 = arith.mulf %gather3A_1097, %gather3A_1092 : vector<16xf32>
      %add3A_1099 = arith.addf %add3A_1085, %mul3A_1098 : vector<16xf32>
      %add3A_1100 = arith.constant 48 : i32
      %add3A_1101 = vector.broadcast %add3A_1100 : i32 to vector<16xi32>
      %add3A_1102 = arith.addi %iota3A, %add3A_1101 : vector<16xi32>
      %and3A_1103 = arith.constant 63 : i32
      %and3A_1104 = vector.broadcast %and3A_1103 : i32 to vector<16xi32>
      %and3A_1105 = arith.andi %add3A_1102, %and3A_1104 : vector<16xi32>
      %gather3A_1106 = tpu.vector_load_idx %arg8[%broadcast_in_dim3A, %iota3A, %get3A_422, %and3A_1105] : memref<2x16x8x64xf32, #tpu.memory_space<vmem>>[vector<16xi32>, vector<16xi32>, vector<16xi32>, vector<16xi32>], vector<16xf32>,
      %mul3A_1107 = arith.constant 64 : i32
      %mul3A_1108 = vector.broadcast %mul3A_1107 : i32 to vector<16xi32>
      %mul3A_1109 = arith.muli %add3A_426, %mul3A_1108 : vector<16xi32>
      %add3A_1110 = arith.addi %mul3A_1109, %and3A_1105 : vector<16xi32>
      %gather3A_1111 = tpu.vector_load_idx %arg9[%add3A_1110] : memref<32768xf32, #tpu.memory_space<vmem>>[vector<16xi32>], vector<16xf32>,
      %mul3A_1112 = arith.mulf %gather3A_1111, %gather3A_1106 : vector<16xf32>
      %add3A_1113 = arith.addf %add3A_1099, %mul3A_1112 : vector<16xf32>
      %add3A_1114 = arith.constant 49 : i32
      %add3A_1115 = vector.broadcast %add3A_1114 : i32 to vector<16xi32>
      %add3A_1116 = arith.addi %iota3A, %add3A_1115 : vector<16xi32>
      %and3A_1117 = arith.constant 63 : i32
      %and3A_1118 = vector.broadcast %and3A_1117 : i32 to vector<16xi32>
      %and3A_1119 = arith.andi %add3A_1116, %and3A_1118 : vector<16xi32>
      %gather3A_1120 = tpu.vector_load_idx %arg8[%broadcast_in_dim3A, %iota3A, %get3A_422, %and3A_1119] : memref<2x16x8x64xf32, #tpu.memory_space<vmem>>[vector<16xi32>, vector<16xi32>, vector<16xi32>, vector<16xi32>], vector<16xf32>,
      %mul3A_1121 = arith.constant 64 : i32
      %mul3A_1122 = vector.broadcast %mul3A_1121 : i32 to vector<16xi32>
      %mul3A_1123 = arith.muli %add3A_426, %mul3A_1122 : vector<16xi32>
      %add3A_1124 = arith.addi %mul3A_1123, %and3A_1119 : vector<16xi32>
      %gather3A_1125 = tpu.vector_load_idx %arg9[%add3A_1124] : memref<32768xf32, #tpu.memory_space<vmem>>[vector<16xi32>], vector<16xf32>,
      %mul3A_1126 = arith.mulf %gather3A_1125, %gather3A_1120 : vector<16xf32>
      %add3A_1127 = arith.addf %add3A_1113, %mul3A_1126 : vector<16xf32>
      %add3A_1128 = arith.constant 50 : i32
      %add3A_1129 = vector.broadcast %add3A_1128 : i32 to vector<16xi32>
      %add3A_1130 = arith.addi %iota3A, %add3A_1129 : vector<16xi32>
      %and3A_1131 = arith.constant 63 : i32
      %and3A_1132 = vector.broadcast %and3A_1131 : i32 to vector<16xi32>
      %and3A_1133 = arith.andi %add3A_1130, %and3A_1132 : vector<16xi32>
      %gather3A_1134 = tpu.vector_load_idx %arg8[%broadcast_in_dim3A, %iota3A, %get3A_422, %and3A_1133] : memref<2x16x8x64xf32, #tpu.memory_space<vmem>>[vector<16xi32>, vector<16xi32>, vector<16xi32>, vector<16xi32>], vector<16xf32>,
      %mul3A_1135 = arith.constant 64 : i32
      %mul3A_1136 = vector.broadcast %mul3A_1135 : i32 to vector<16xi32>
      %mul3A_1137 = arith.muli %add3A_426, %mul3A_1136 : vector<16xi32>
      %add3A_1138 = arith.addi %mul3A_1137, %and3A_1133 : vector<16xi32>
      %gather3A_1139 = tpu.vector_load_idx %arg9[%add3A_1138] : memref<32768xf32, #tpu.memory_space<vmem>>[vector<16xi32>], vector<16xf32>,
      %mul3A_1140 = arith.mulf %gather3A_1139, %gather3A_1134 : vector<16xf32>
      %add3A_1141 = arith.addf %add3A_1127, %mul3A_1140 : vector<16xf32>
      %add3A_1142 = arith.constant 51 : i32
      %add3A_1143 = vector.broadcast %add3A_1142 : i32 to vector<16xi32>
      %add3A_1144 = arith.addi %iota3A, %add3A_1143 : vector<16xi32>
      %and3A_1145 = arith.constant 63 : i32
      %and3A_1146 = vector.broadcast %and3A_1145 : i32 to vector<16xi32>
      %and3A_1147 = arith.andi %add3A_1144, %and3A_1146 : vector<16xi32>
      %gather3A_1148 = tpu.vector_load_idx %arg8[%broadcast_in_dim3A, %iota3A, %get3A_422, %and3A_1147] : memref<2x16x8x64xf32, #tpu.memory_space<vmem>>[vector<16xi32>, vector<16xi32>, vector<16xi32>, vector<16xi32>], vector<16xf32>,
      %mul3A_1149 = arith.constant 64 : i32
      %mul3A_1150 = vector.broadcast %mul3A_1149 : i32 to vector<16xi32>
      %mul3A_1151 = arith.muli %add3A_426, %mul3A_1150 : vector<16xi32>
      %add3A_1152 = arith.addi %mul3A_1151, %and3A_1147 : vector<16xi32>
      %gather3A_1153 = tpu.vector_load_idx %arg9[%add3A_1152] : memref<32768xf32, #tpu.memory_space<vmem>>[vector<16xi32>], vector<16xf32>,
      %mul3A_1154 = arith.mulf %gather3A_1153, %gather3A_1148 : vector<16xf32>
      %add3A_1155 = arith.addf %add3A_1141, %mul3A_1154 : vector<16xf32>
      %add3A_1156 = arith.constant 52 : i32
      %add3A_1157 = vector.broadcast %add3A_1156 : i32 to vector<16xi32>
      %add3A_1158 = arith.addi %iota3A, %add3A_1157 : vector<16xi32>
      %and3A_1159 = arith.constant 63 : i32
      %and3A_1160 = vector.broadcast %and3A_1159 : i32 to vector<16xi32>
      %and3A_1161 = arith.andi %add3A_1158, %and3A_1160 : vector<16xi32>
      %gather3A_1162 = tpu.vector_load_idx %arg8[%broadcast_in_dim3A, %iota3A, %get3A_422, %and3A_1161] : memref<2x16x8x64xf32, #tpu.memory_space<vmem>>[vector<16xi32>, vector<16xi32>, vector<16xi32>, vector<16xi32>], vector<16xf32>,
      %mul3A_1163 = arith.constant 64 : i32
      %mul3A_1164 = vector.broadcast %mul3A_1163 : i32 to vector<16xi32>
      %mul3A_1165 = arith.muli %add3A_426, %mul3A_1164 : vector<16xi32>
      %add3A_1166 = arith.addi %mul3A_1165, %and3A_1161 : vector<16xi32>
      %gather3A_1167 = tpu.vector_load_idx %arg9[%add3A_1166] : memref<32768xf32, #tpu.memory_space<vmem>>[vector<16xi32>], vector<16xf32>,
      %mul3A_1168 = arith.mulf %gather3A_1167, %gather3A_1162 : vector<16xf32>
      %add3A_1169 = arith.addf %add3A_1155, %mul3A_1168 : vector<16xf32>
      %add3A_1170 = arith.constant 53 : i32
      %add3A_1171 = vector.broadcast %add3A_1170 : i32 to vector<16xi32>
      %add3A_1172 = arith.addi %iota3A, %add3A_1171 : vector<16xi32>
      %and3A_1173 = arith.constant 63 : i32
      %and3A_1174 = vector.broadcast %and3A_1173 : i32 to vector<16xi32>
      %and3A_1175 = arith.andi %add3A_1172, %and3A_1174 : vector<16xi32>
      %gather3A_1176 = tpu.vector_load_idx %arg8[%broadcast_in_dim3A, %iota3A, %get3A_422, %and3A_1175] : memref<2x16x8x64xf32, #tpu.memory_space<vmem>>[vector<16xi32>, vector<16xi32>, vector<16xi32>, vector<16xi32>], vector<16xf32>,
      %mul3A_1177 = arith.constant 64 : i32
      %mul3A_1178 = vector.broadcast %mul3A_1177 : i32 to vector<16xi32>
      %mul3A_1179 = arith.muli %add3A_426, %mul3A_1178 : vector<16xi32>
      %add3A_1180 = arith.addi %mul3A_1179, %and3A_1175 : vector<16xi32>
      %gather3A_1181 = tpu.vector_load_idx %arg9[%add3A_1180] : memref<32768xf32, #tpu.memory_space<vmem>>[vector<16xi32>], vector<16xf32>,
      %mul3A_1182 = arith.mulf %gather3A_1181, %gather3A_1176 : vector<16xf32>
      %add3A_1183 = arith.addf %add3A_1169, %mul3A_1182 : vector<16xf32>
      %add3A_1184 = arith.constant 54 : i32
      %add3A_1185 = vector.broadcast %add3A_1184 : i32 to vector<16xi32>
      %add3A_1186 = arith.addi %iota3A, %add3A_1185 : vector<16xi32>
      %and3A_1187 = arith.constant 63 : i32
      %and3A_1188 = vector.broadcast %and3A_1187 : i32 to vector<16xi32>
      %and3A_1189 = arith.andi %add3A_1186, %and3A_1188 : vector<16xi32>
      %gather3A_1190 = tpu.vector_load_idx %arg8[%broadcast_in_dim3A, %iota3A, %get3A_422, %and3A_1189] : memref<2x16x8x64xf32, #tpu.memory_space<vmem>>[vector<16xi32>, vector<16xi32>, vector<16xi32>, vector<16xi32>], vector<16xf32>,
      %mul3A_1191 = arith.constant 64 : i32
      %mul3A_1192 = vector.broadcast %mul3A_1191 : i32 to vector<16xi32>
      %mul3A_1193 = arith.muli %add3A_426, %mul3A_1192 : vector<16xi32>
      %add3A_1194 = arith.addi %mul3A_1193, %and3A_1189 : vector<16xi32>
      %gather3A_1195 = tpu.vector_load_idx %arg9[%add3A_1194] : memref<32768xf32, #tpu.memory_space<vmem>>[vector<16xi32>], vector<16xf32>,
      %mul3A_1196 = arith.mulf %gather3A_1195, %gather3A_1190 : vector<16xf32>
      %add3A_1197 = arith.addf %add3A_1183, %mul3A_1196 : vector<16xf32>
      %add3A_1198 = arith.constant 55 : i32
      %add3A_1199 = vector.broadcast %add3A_1198 : i32 to vector<16xi32>
      %add3A_1200 = arith.addi %iota3A, %add3A_1199 : vector<16xi32>
      %and3A_1201 = arith.constant 63 : i32
      %and3A_1202 = vector.broadcast %and3A_1201 : i32 to vector<16xi32>
      %and3A_1203 = arith.andi %add3A_1200, %and3A_1202 : vector<16xi32>
      %gather3A_1204 = tpu.vector_load_idx %arg8[%broadcast_in_dim3A, %iota3A, %get3A_422, %and3A_1203] : memref<2x16x8x64xf32, #tpu.memory_space<vmem>>[vector<16xi32>, vector<16xi32>, vector<16xi32>, vector<16xi32>], vector<16xf32>,
      %mul3A_1205 = arith.constant 64 : i32
      %mul3A_1206 = vector.broadcast %mul3A_1205 : i32 to vector<16xi32>
      %mul3A_1207 = arith.muli %add3A_426, %mul3A_1206 : vector<16xi32>
      %add3A_1208 = arith.addi %mul3A_1207, %and3A_1203 : vector<16xi32>
      %gather3A_1209 = tpu.vector_load_idx %arg9[%add3A_1208] : memref<32768xf32, #tpu.memory_space<vmem>>[vector<16xi32>], vector<16xf32>,
      %mul3A_1210 = arith.mulf %gather3A_1209, %gather3A_1204 : vector<16xf32>
      %add3A_1211 = arith.addf %add3A_1197, %mul3A_1210 : vector<16xf32>
      %add3A_1212 = arith.constant 56 : i32
      %add3A_1213 = vector.broadcast %add3A_1212 : i32 to vector<16xi32>
      %add3A_1214 = arith.addi %iota3A, %add3A_1213 : vector<16xi32>
      %and3A_1215 = arith.constant 63 : i32
      %and3A_1216 = vector.broadcast %and3A_1215 : i32 to vector<16xi32>
      %and3A_1217 = arith.andi %add3A_1214, %and3A_1216 : vector<16xi32>
      %gather3A_1218 = tpu.vector_load_idx %arg8[%broadcast_in_dim3A, %iota3A, %get3A_422, %and3A_1217] : memref<2x16x8x64xf32, #tpu.memory_space<vmem>>[vector<16xi32>, vector<16xi32>, vector<16xi32>, vector<16xi32>], vector<16xf32>,
      %mul3A_1219 = arith.constant 64 : i32
      %mul3A_1220 = vector.broadcast %mul3A_1219 : i32 to vector<16xi32>
      %mul3A_1221 = arith.muli %add3A_426, %mul3A_1220 : vector<16xi32>
      %add3A_1222 = arith.addi %mul3A_1221, %and3A_1217 : vector<16xi32>
      %gather3A_1223 = tpu.vector_load_idx %arg9[%add3A_1222] : memref<32768xf32, #tpu.memory_space<vmem>>[vector<16xi32>], vector<16xf32>,
      %mul3A_1224 = arith.mulf %gather3A_1223, %gather3A_1218 : vector<16xf32>
      %add3A_1225 = arith.addf %add3A_1211, %mul3A_1224 : vector<16xf32>
      %add3A_1226 = arith.constant 57 : i32
      %add3A_1227 = vector.broadcast %add3A_1226 : i32 to vector<16xi32>
      %add3A_1228 = arith.addi %iota3A, %add3A_1227 : vector<16xi32>
      %and3A_1229 = arith.constant 63 : i32
      %and3A_1230 = vector.broadcast %and3A_1229 : i32 to vector<16xi32>
      %and3A_1231 = arith.andi %add3A_1228, %and3A_1230 : vector<16xi32>
      %gather3A_1232 = tpu.vector_load_idx %arg8[%broadcast_in_dim3A, %iota3A, %get3A_422, %and3A_1231] : memref<2x16x8x64xf32, #tpu.memory_space<vmem>>[vector<16xi32>, vector<16xi32>, vector<16xi32>, vector<16xi32>], vector<16xf32>,
      %mul3A_1233 = arith.constant 64 : i32
      %mul3A_1234 = vector.broadcast %mul3A_1233 : i32 to vector<16xi32>
      %mul3A_1235 = arith.muli %add3A_426, %mul3A_1234 : vector<16xi32>
      %add3A_1236 = arith.addi %mul3A_1235, %and3A_1231 : vector<16xi32>
      %gather3A_1237 = tpu.vector_load_idx %arg9[%add3A_1236] : memref<32768xf32, #tpu.memory_space<vmem>>[vector<16xi32>], vector<16xf32>,
      %mul3A_1238 = arith.mulf %gather3A_1237, %gather3A_1232 : vector<16xf32>
      %add3A_1239 = arith.addf %add3A_1225, %mul3A_1238 : vector<16xf32>
      %add3A_1240 = arith.constant 58 : i32
      %add3A_1241 = vector.broadcast %add3A_1240 : i32 to vector<16xi32>
      %add3A_1242 = arith.addi %iota3A, %add3A_1241 : vector<16xi32>
      %and3A_1243 = arith.constant 63 : i32
      %and3A_1244 = vector.broadcast %and3A_1243 : i32 to vector<16xi32>
      %and3A_1245 = arith.andi %add3A_1242, %and3A_1244 : vector<16xi32>
      %gather3A_1246 = tpu.vector_load_idx %arg8[%broadcast_in_dim3A, %iota3A, %get3A_422, %and3A_1245] : memref<2x16x8x64xf32, #tpu.memory_space<vmem>>[vector<16xi32>, vector<16xi32>, vector<16xi32>, vector<16xi32>], vector<16xf32>,
      %mul3A_1247 = arith.constant 64 : i32
      %mul3A_1248 = vector.broadcast %mul3A_1247 : i32 to vector<16xi32>
      %mul3A_1249 = arith.muli %add3A_426, %mul3A_1248 : vector<16xi32>
      %add3A_1250 = arith.addi %mul3A_1249, %and3A_1245 : vector<16xi32>
      %gather3A_1251 = tpu.vector_load_idx %arg9[%add3A_1250] : memref<32768xf32, #tpu.memory_space<vmem>>[vector<16xi32>], vector<16xf32>,
      %mul3A_1252 = arith.mulf %gather3A_1251, %gather3A_1246 : vector<16xf32>
      %add3A_1253 = arith.addf %add3A_1239, %mul3A_1252 : vector<16xf32>
      %add3A_1254 = arith.constant 59 : i32
      %add3A_1255 = vector.broadcast %add3A_1254 : i32 to vector<16xi32>
      %add3A_1256 = arith.addi %iota3A, %add3A_1255 : vector<16xi32>
      %and3A_1257 = arith.constant 63 : i32
      %and3A_1258 = vector.broadcast %and3A_1257 : i32 to vector<16xi32>
      %and3A_1259 = arith.andi %add3A_1256, %and3A_1258 : vector<16xi32>
      %gather3A_1260 = tpu.vector_load_idx %arg8[%broadcast_in_dim3A, %iota3A, %get3A_422, %and3A_1259] : memref<2x16x8x64xf32, #tpu.memory_space<vmem>>[vector<16xi32>, vector<16xi32>, vector<16xi32>, vector<16xi32>], vector<16xf32>,
      %mul3A_1261 = arith.constant 64 : i32
      %mul3A_1262 = vector.broadcast %mul3A_1261 : i32 to vector<16xi32>
      %mul3A_1263 = arith.muli %add3A_426, %mul3A_1262 : vector<16xi32>
      %add3A_1264 = arith.addi %mul3A_1263, %and3A_1259 : vector<16xi32>
      %gather3A_1265 = tpu.vector_load_idx %arg9[%add3A_1264] : memref<32768xf32, #tpu.memory_space<vmem>>[vector<16xi32>], vector<16xf32>,
      %mul3A_1266 = arith.mulf %gather3A_1265, %gather3A_1260 : vector<16xf32>
      %add3A_1267 = arith.addf %add3A_1253, %mul3A_1266 : vector<16xf32>
      %add3A_1268 = arith.constant 60 : i32
      %add3A_1269 = vector.broadcast %add3A_1268 : i32 to vector<16xi32>
      %add3A_1270 = arith.addi %iota3A, %add3A_1269 : vector<16xi32>
      %and3A_1271 = arith.constant 63 : i32
      %and3A_1272 = vector.broadcast %and3A_1271 : i32 to vector<16xi32>
      %and3A_1273 = arith.andi %add3A_1270, %and3A_1272 : vector<16xi32>
      %gather3A_1274 = tpu.vector_load_idx %arg8[%broadcast_in_dim3A, %iota3A, %get3A_422, %and3A_1273] : memref<2x16x8x64xf32, #tpu.memory_space<vmem>>[vector<16xi32>, vector<16xi32>, vector<16xi32>, vector<16xi32>], vector<16xf32>,
      %mul3A_1275 = arith.constant 64 : i32
      %mul3A_1276 = vector.broadcast %mul3A_1275 : i32 to vector<16xi32>
      %mul3A_1277 = arith.muli %add3A_426, %mul3A_1276 : vector<16xi32>
      %add3A_1278 = arith.addi %mul3A_1277, %and3A_1273 : vector<16xi32>
      %gather3A_1279 = tpu.vector_load_idx %arg9[%add3A_1278] : memref<32768xf32, #tpu.memory_space<vmem>>[vector<16xi32>], vector<16xf32>,
      %mul3A_1280 = arith.mulf %gather3A_1279, %gather3A_1274 : vector<16xf32>
      %add3A_1281 = arith.addf %add3A_1267, %mul3A_1280 : vector<16xf32>
      %add3A_1282 = arith.constant 61 : i32
      %add3A_1283 = vector.broadcast %add3A_1282 : i32 to vector<16xi32>
      %add3A_1284 = arith.addi %iota3A, %add3A_1283 : vector<16xi32>
      %and3A_1285 = arith.constant 63 : i32
      %and3A_1286 = vector.broadcast %and3A_1285 : i32 to vector<16xi32>
      %and3A_1287 = arith.andi %add3A_1284, %and3A_1286 : vector<16xi32>
      %gather3A_1288 = tpu.vector_load_idx %arg8[%broadcast_in_dim3A, %iota3A, %get3A_422, %and3A_1287] : memref<2x16x8x64xf32, #tpu.memory_space<vmem>>[vector<16xi32>, vector<16xi32>, vector<16xi32>, vector<16xi32>], vector<16xf32>,
      %mul3A_1289 = arith.constant 64 : i32
      %mul3A_1290 = vector.broadcast %mul3A_1289 : i32 to vector<16xi32>
      %mul3A_1291 = arith.muli %add3A_426, %mul3A_1290 : vector<16xi32>
      %add3A_1292 = arith.addi %mul3A_1291, %and3A_1287 : vector<16xi32>
      %gather3A_1293 = tpu.vector_load_idx %arg9[%add3A_1292] : memref<32768xf32, #tpu.memory_space<vmem>>[vector<16xi32>], vector<16xf32>,
      %mul3A_1294 = arith.mulf %gather3A_1293, %gather3A_1288 : vector<16xf32>
      %add3A_1295 = arith.addf %add3A_1281, %mul3A_1294 : vector<16xf32>
      %add3A_1296 = arith.constant 62 : i32
      %add3A_1297 = vector.broadcast %add3A_1296 : i32 to vector<16xi32>
      %add3A_1298 = arith.addi %iota3A, %add3A_1297 : vector<16xi32>
      %and3A_1299 = arith.constant 63 : i32
      %and3A_1300 = vector.broadcast %and3A_1299 : i32 to vector<16xi32>
      %and3A_1301 = arith.andi %add3A_1298, %and3A_1300 : vector<16xi32>
      %gather3A_1302 = tpu.vector_load_idx %arg8[%broadcast_in_dim3A, %iota3A, %get3A_422, %and3A_1301] : memref<2x16x8x64xf32, #tpu.memory_space<vmem>>[vector<16xi32>, vector<16xi32>, vector<16xi32>, vector<16xi32>], vector<16xf32>,
      %mul3A_1303 = arith.constant 64 : i32
      %mul3A_1304 = vector.broadcast %mul3A_1303 : i32 to vector<16xi32>
      %mul3A_1305 = arith.muli %add3A_426, %mul3A_1304 : vector<16xi32>
      %add3A_1306 = arith.addi %mul3A_1305, %and3A_1301 : vector<16xi32>
      %gather3A_1307 = tpu.vector_load_idx %arg9[%add3A_1306] : memref<32768xf32, #tpu.memory_space<vmem>>[vector<16xi32>], vector<16xf32>,
      %mul3A_1308 = arith.mulf %gather3A_1307, %gather3A_1302 : vector<16xf32>
      %add3A_1309 = arith.addf %add3A_1295, %mul3A_1308 : vector<16xf32>
      %add3A_1310 = arith.constant 63 : i32
      %add3A_1311 = vector.broadcast %add3A_1310 : i32 to vector<16xi32>
      %add3A_1312 = arith.addi %iota3A, %add3A_1311 : vector<16xi32>
      %and3A_1313 = arith.constant 63 : i32
      %and3A_1314 = vector.broadcast %and3A_1313 : i32 to vector<16xi32>
      %and3A_1315 = arith.andi %add3A_1312, %and3A_1314 : vector<16xi32>
      %gather3A_1316 = tpu.vector_load_idx %arg8[%broadcast_in_dim3A, %iota3A, %get3A_422, %and3A_1315] : memref<2x16x8x64xf32, #tpu.memory_space<vmem>>[vector<16xi32>, vector<16xi32>, vector<16xi32>, vector<16xi32>], vector<16xf32>,
      %mul3A_1317 = arith.constant 64 : i32
      %mul3A_1318 = vector.broadcast %mul3A_1317 : i32 to vector<16xi32>
      %mul3A_1319 = arith.muli %add3A_426, %mul3A_1318 : vector<16xi32>
      %add3A_1320 = arith.addi %mul3A_1319, %and3A_1315 : vector<16xi32>
      %gather3A_1321 = tpu.vector_load_idx %arg9[%add3A_1320] : memref<32768xf32, #tpu.memory_space<vmem>>[vector<16xi32>], vector<16xf32>,
      %mul3A_1322 = arith.mulf %gather3A_1321, %gather3A_1316 : vector<16xf32>
      %add3A_1323 = arith.addf %add3A_1309, %mul3A_1322 : vector<16xf32>
      %swap3A = arith.index_cast %mul3A_420 : i32 to index
      %swap3A_1324 = tpu.vector_load %arg10[%swap3A] {strides = array<i32>} : memref<512xf32, #tpu.memory_space<vmem>>, vector<16xf32>,
      tpu.vector_store %arg10[%swap3A], %add3A_1323 {strides = array<i32>} : memref<512xf32, #tpu.memory_space<vmem>>, vector<16xf32>,
    }
    %scan3A_402 = arith.constant 32 : i32
    "tpu.region"() ({
      %run_scoped3A = tpu.sem_alloc : memref<!tpu.dma_semaphore, #tpu.memory_space<semaphore_mem>>
      %dma_start3A_403 = tpu.memref_slice %arg5[%mul3A_2] : memref<16384xf32, #tpu.memory_space<hbm>> -> memref<512xf32, #tpu.memory_space<hbm>>
      %dma_start3A_404 = tpu.memref_slice %arg5[%mul3A_2] : memref<16384xf32, #tpu.memory_space<hbm>> -> memref<512xf32, #tpu.memory_space<hbm>>
      tpu.enqueue_dma source(%arg10 : memref<512xf32, #tpu.memory_space<vmem>>) target(%dma_start3A_404 : memref<512xf32, #tpu.memory_space<hbm>>) target_semaphore(%run_scoped3A : memref<!tpu.dma_semaphore, #tpu.memory_space<semaphore_mem>>)
      %dma_wait3A_405 = tpu.memref_slice %arg5[%mul3A_2] : memref<16384xf32, #tpu.memory_space<hbm>> -> memref<512xf32, #tpu.memory_space<hbm>>
      %dma_wait3A_406 = tpu.memref_slice %arg5[%mul3A_2] : memref<16384xf32, #tpu.memory_space<hbm>> -> memref<512xf32, #tpu.memory_space<hbm>>
      tpu.wait_dma2 semaphore(%run_scoped3A : memref<!tpu.dma_semaphore, #tpu.memory_space<semaphore_mem>>) src(%arg10 : memref<512xf32, #tpu.memory_space<vmem>>) dst(%dma_wait3A_406 : memref<512xf32, #tpu.memory_space<hbm>>)
      tpu.yield
    }) : () -> ()
    return
  }
}

</mosaic_0001>

<sc_bundles>
// kernel: kernel.4.cloned.1.call-start
scs
__scs_entry_jumppad:
0x0: {  	(pc) =	sbr.rel $0x88, $3  }
0x1: {  	(tag) =	ssettag $0x0;
	lr =	simm.s32 $0x1  }
0x2: {  	[smem:$0x3F9D] =	sst lr;
	_ =	strace $0xD0000000  }
0x3: {  	_ = 	snop  }
0x4: {  	_ = 	snop  }
0x5: {  	_ = 	snop  }
0x6: {  	_ = 	snop  }
0x7: {  	_ = 	snop  }
__scs_overlays_trampoline_lowered:
0x8: {  	[smem:$0x3FAC] =	sst s0  }
0x9: {  	[smem:$0x3FAD] =	sst s1  }
0xa: {  	[smem:$0x3FAE] =	sst s2  }
0xb: {  	[smem:$0x3FAF] =	sst s3  }
0xc: {  	[smem:$0x3FB0] =	sst s4  }
0xd: {  	[smem:$0x3FB1] =	sst s5  }
0xe: {  	[smem:$0x3FB2] =	sst s6  }
0xf: {  	[smem:$0x3FB3] =	sst s7  }
0x10: {  	[smem:$0x3FB4] =	sst s8  }
0x11: {  	[smem:$0x3FB5] =	sst s9;
	s0 =	simm.s32 @!p0 $0x0  }
0x12: {  	s1 =	sld [smem:$0x3F9B];
	s0 =	simm.s32 @p0 $0x1  }
0x13: {  	[smem:$0x3FB6] =	sst s0;
	s0 =	simm.s32 @!p1 $0x0  }
0x14: {  	s2 =	sld [smem:$0x3F9A];
	s0 =	simm.s32 @p1 $0x1  }
0x15: {  	[smem:$0x3FB7] =	sst s0;
	s0 =	simm.s32 @!p2 $0x0  }
0x16: {  	s3 =	sld [smem:$0x3FDB];
	s0 =	simm.s32 @p2 $0x1  }
0x17: {  	s4 =	simm.s32 $0x1BF5;
	[smem:$0x3FB9] =	sst s0  }
0x18: {  	s0 =	sld [smem:$0x3F9C];
	_ =	swait.ge [sflag:s4], $0x0  }
0x19: {  	s7 =	sld [smem:$0x3F9D]  }
0x1a: {  	s8 =	sadd.s32 $0xFFFFE003, lr  }
0x1b: {  	s9 =	sadd.s32 $0xFFFFFEF7, lr;
	s5 =	simm.s32 $0xFFFFFFFF;
	p2 =	slt.u32 s8, $0xFFFFF086  }
0x1c: {  	p1 =	slt.u32 s9, $0xF7A;
	s5 =	simm.s32 @!p2 $0x0  }
0x1d: {  	s5 =	simm.s32 @p1 $0x1;
	p0 =	seq.s32 s7, s2  }
0x1e: {  	s7 =	smul.u32 @!p0 $0xF7A, s2;
	p2 =	seq.s32 @!p0 s5, $0x0  }
0x1f: {  	s9 =	smul.u32 $0xF7A, s1;
	s8 =	simm.s32 @!p0 $0x1BF5;
	p2 =	por !p2, p0  }
0x20: {  	[sflag:s8] =	ssyncset.s32 @!p0 $0xFFFFF086;
	s6 =	sadd.s32 @!p0 s3, s7;
	s7 =	simm.s32 @!p0 $0x108  }
0x21: {  	s3 =	sadd.s32 s3, s9;
	s6 =	sadd.s32 @!p0 $0x88, s6;
	s7 =	simm.s32 @p2 $0x1082  }
0x22: {  	[simem:s7], [sflag:s8] =	dma.local @!p0 [hbm:s6], $0xF7A  }
0x23: {  	s9 =	sor.u32 $0xD0000000, s2;
	s6 =	simm.s32 $0x108;
	_ =	swait.ge @!p0 [sflag:s8], $0x0  }
0x24: {  	s3 =	sadd.s32 $0x88, s3;
	s6 =	simm.s32 @!p1 $0x1082;
	[sflag:s4] =	ssyncset.s32 $0xFFFFF086  }
0x25: {  	[simem:s6], [sflag:s4] =	dma.local [hbm:s3], $0xF7A  }
0x26: {  	[smem:$0x3F9D] =	sst s1;
	(tag) =	ssettag s2;
	_ =	strace s9  }
0x27: {  	s1 =	sld [smem:$0x3FAD]  }
0x28: {  	s2 =	sld [smem:$0x3FAE]  }
0x29: {  	s4 =	sld [smem:$0x3FB0]  }
0x2a: {  	p0 =	seq.s32 s5, $0x0;
	s5 =	sld [smem:$0x3FB1]  }
0x2b: {  	s6 =	sld [smem:$0x3FB2]  }
0x2c: {  	s7 =	sld [smem:$0x3FB3]  }
0x2d: {  	s3 =	simm.s32 $0x108;
	s8 =	sld [smem:$0x3FB4]  }
0x2e: {  	s3 =	simm.s32 @!p0 $0x1082;
	s9 =	sld [smem:$0x3FB5]  }
0x2f: {  	lr =	sadd.s32 s0, s3;
	s0 =	sld [smem:$0x3FAC]  }
0x30: {  	s3 =	sld [smem:$0x3FAF]  }
0x31: {  	[smem:$0x3FB8] =	sst s10  }
0x32: {  	s10 =	sld [smem:$0x3FB6];
	_ =	sdelay $0x3  }
0x33: {  	p0 =	seq.s32 s10, $0x1;
	s10 =	sld [smem:$0x3FB8];
	_ =	sdelay $0x3  }
0x34: {  	[smem:$0x3FB8] =	sst s10  }
0x35: {  	s10 =	sld [smem:$0x3FB7];
	_ =	sdelay $0x3  }
0x36: {  	p1 =	seq.s32 s10, $0x1;
	s10 =	sld [smem:$0x3FB8];
	_ =	sdelay $0x3  }
0x37: {  	[smem:$0x3FB8] =	sst s10  }
0x38: {  	s10 =	sld [smem:$0x3FB9]  }
0x39: {  	_ = 	snop;
	(pc) =	sbr.ind lr, $3  }
0x3a: {  	_ = 	snop  }
0x3b: {  	_ = 	snop  }
0x3c: {  	p2 =	seq.s32 s10, $0x1;
	s10 =	sld [smem:$0x3FB8]  }
0x3d: {  	_ =	shalt  }
0x3e: {  	_ =	shalt  }
0x3f: {  	_ =	shalt  }
0x40: {  	_ =	shalt  }
0x41: {  	_ =	shalt  }
0x42: {  	_ =	shalt  }
0x43: {  	_ =	shalt  }
0x44: {  	_ =	shalt  }
0x45: {  	_ =	shalt  }
0x46: {  	_ =	shalt  }
0x47: {  	_ =	shalt  }
0x48: {  	_ =	shalt  }
0x49: {  	_ =	shalt  }
0x4a: {  	_ =	shalt  }
0x4b: {  	_ =	shalt  }
0x4c: {  	_ =	shalt  }
0x4d: {  	_ =	shalt  }
0x4e: {  	_ =	shalt  }
0x4f: {  	_ =	shalt  }
0x50: {  	_ =	shalt  }
0x51: {  	_ =	shalt  }
0x52: {  	_ =	shalt  }
0x53: {  	_ =	shalt  }
0x54: {  	_ =	shalt  }
0x55: {  	_ =	shalt  }
0x56: {  	_ =	shalt  }
0x57: {  	_ =	shalt  }
0x58: {  	_ =	shalt  }
0x59: {  	_ =	shalt  }
0x5a: {  	_ =	shalt  }
0x5b: {  	_ =	shalt  }
0x5c: {  	_ =	shalt  }
0x5d: {  	_ =	shalt  }
0x5e: {  	_ =	shalt  }
0x5f: {  	_ =	shalt  }
0x60: {  	_ =	shalt  }
0x61: {  	_ =	shalt  }
0x62: {  	_ =	shalt  }
0x63: {  	_ =	shalt  }
0x64: {  	_ =	shalt  }
0x65: {  	_ =	shalt  }
0x66: {  	_ =	shalt  }
0x67: {  	_ =	shalt  }
0x68: {  	_ =	shalt  }
0x69: {  	_ =	shalt  }
0x6a: {  	_ =	shalt  }
0x6b: {  	_ =	shalt  }
0x6c: {  	_ =	shalt  }
0x6d: {  	_ =	shalt  }
0x6e: {  	_ =	shalt  }
0x6f: {  	_ =	shalt  }
0x70: {  	_ =	shalt  }
0x71: {  	_ =	shalt  }
0x72: {  	_ =	shalt  }
0x73: {  	_ =	shalt  }
0x74: {  	_ =	shalt  }
0x75: {  	_ =	shalt  }
0x76: {  	_ =	shalt  }
0x77: {  	_ =	shalt  }
0x78: {  	_ =	shalt  }
0x79: {  	_ =	shalt  }
0x7a: {  	_ =	shalt  }
0x7b: {  	_ =	shalt  }
0x7c: {  	_ =	shalt  }
0x7d: {  	_ =	shalt  }
0x7e: {  	_ =	shalt  }
0x7f: {  	_ =	shalt  }
0x80: {  	_ =	shalt  }
0x81: {  	_ =	shalt  }
0x82: {  	_ =	shalt  }
0x83: {  	_ =	shalt  }
0x84: {  	_ =	shalt  }
0x85: {  	_ =	shalt  }
0x86: {  	_ =	shalt  }
0x87: {  	_ =	shalt  }
.Lfunc_end0:
.L_simem_size_0:
called_computation_lowered:
.L_overlay_start_0:
0x88: {  	s2 =	sld [smem:$0x3FD9]  }
0x89: {  	s3 =	sld [smem:$0x3FFE];
	_ =	sdelay $0x1  }
0x8a: {  	s1 =	srdreg.scid  }
0x8b: {  	s0 =	sand.u32 $0x1, s1  }
0x8c: {  	s17 =	sshll.u32 s0, $0xA;
	s2 =	sadd.s32 s3, s2  }
0x8d: {  	s2 =	sadd.s32 s2, s17  }
0x8e: {  	[smem:$0x3FC4] =	sst s2  }
0x8f: {  	_ = 	snop  }
0x90: {  	s2 =	sld [smem:$0x3FC9];
	(tm) =	ssettm $0x1  }
0x91: {  	s18 =	sld [smem:$0x3FFB];
	_ =	sdelay $0x3  }
0x92: {  	_ =	strace s18  }
0x93: {  	s3 =	sld [smem:$0x3FFC];
	_ =	sdelay $0x3  }
0x94: {  	_ =	strace s3  }
0x95: {  	s3 =	sld [smem:$0x3FFD];
	_ =	sdelay $0x3  }
0x96: {  	_ =	strace s3  }
0x97: {  	_ =	strace $0x8FFFFFFF  }
0x98: {  	s19 =	sld [smem:$0x3FDB];
	_ =	sdelay $0x1  }
0x99: {  	s4 =	simm.s32 $_scs_section_size  }
0x9a: {  	s5 =	simm.s32 $_size__tile_overlayer_lowered;
	s6 =	simm.s32 $_tile_overlayer_lowered  }
0x9b: {  	s22 =	simm.s32 $0x1BFF;
	s21 =	sshll.u32 s6, $0x1;
	s3 =	sadd.s32 s4, s19  }
0x9c: {  	s7 =	simm.s32 $0x0;
	s20 =	sshll.u32 s5, $0x1;
	s5 =	sadd.s32 s21, s3  }
0x9d: {  	[timem:s7], [sflag:s22] =	dma.local [hbm:s5], s20  }
0x9e: {  	_ =	swait.ge [sflag:s22], s20  }
0x9f: {  	s4 =	ssub.s32 $0x0, s20;
	[sflag:s22] =	ssyncset.done $0x0  }
0xa0: {  	[sflag:s22] =	ssyncadd.s32 s4;
	_ =	sdelay $0x1  }
0xa1: {  	s23 =	simm.s32 $0x1B8B  }
0xa2: {  	_ =	swait.ge [sflag:s23], $0x1  }
0xa3: {  	[sflag:s23] =	ssyncset.done $0x0  }
0xa4: {  	s25 =	simm.s32 $0x1B8E;
	s24 =	sld [smem:$0x3FFE];
	[sflag:s23] =	ssyncadd.s32 $0xFFFFFFFF  }
0xa5: {  	s26 =	simm.s32 $execute0_lowered;
	[smem:$0x3FD2] =	sst s25  }
0xa6: {  	s5 =	sshll.u32 s26, $0x1;
	_ =	strace $0x80000046;
	[dreg:$0x1] =	wrdreg $0xFFFFFFFF  }
0xa7: {  	s28 =	simm.s32 $_size_execute0_lowered;
	s3 =	sadd.s32 s3, s5;
	[dreg:$0x0] =	wrdreg $0x0  }
0xa8: {  	s5 =	sshll.u32 s28, $0x1;
	[dreg:$0x2] =	wrdreg s3  }
0xa9: {  	[dreg:$0x3] =	wrdreg s5  }
0xaa: {  	[dreg:$0x4] =	wrdreg $0xC0  }
0xab: {  	_ =	task [dreg:s7], $0x5FFFF  }
0xac: {  	[dreg:$0x1] =	wrdreg $0xFFFFFFFF  }
0xad: {  	[dreg:$0x0] =	wrdreg $0x60  }
0xae: {  	[dreg:$0x2] =	wrdreg s2  }
0xaf: {  	[dreg:$0x3] =	wrdreg s24  }
0xb0: {  	[dreg:$0x4] =	wrdreg $0x9  }
0xb1: {  	_ =	task.clear_ibuf [dreg:s7], $0x5FFFF;
	_ =	strace $0x90000046  }
0xb2: {  	s29 =	simm.s32 $0x9;
	_ =	strace $0x80000048  }
0xb3: {  	_ =	swait.ge [sflag:s29], $0x1  }
0xb4: {  	[sflag:s29] =	ssyncadd.s32 $0xFFFFFFFF  }
0xb5: {  	_ =	strace $0x90000048  }
0xb6: {  	_ =	sfence  }
0xb7: {  	s30 =	sld [smem:$0x0];
	_ =	sdelay $0x2  }
0xb8: {  	s31 =	sshll.u32 s1, $0xD;
	s1 =	sshrl.u32 s1, $0x2  }
0xb9: {  	s3 =	sand.u32 $0x4000, s31;
	s1 =	sadd.s32 s1, s30  }
0xba: {  	s0 =	sor.u32 s3, s0;
	s1 =	sshll.u32 s1, $0x11  }
0xbb: {  	s0 =	sor.u32 s1, s0  }
0xbc: {  	s0 =	sadd.s32 $0x8F2B, s0  }
0xbd: {  	[sflag:s0] =	ssyncadd.remote.s32 $0x1  }
0xbe: {  	_ =	sfence.sel $0xFFFF  }
0xbf: {  	[dreg:$0x0] =	wrdreg $0xFFFFFFFF;
	(pc) =	sbr.abs _section_cstart, $3  }
0xc0: {  	[dreg:$0x1] =	wrdreg $0xFFFFFFFF  }
0xc1: {  	_ =	task.clear_ibuf [dreg:s7], $0x2FFFF;
	_ =	strace $0x9FFFFFFF  }
0xc2: {  	(tm) =	ssettm $0x7FFFFFFF  }
0xc3: {  	_ =	shalt  }
tec
execute0_lowered:
.L_overlay_start_1:
0x0: {  	(tag) =	ssettag $0x1  }
0x1: {  	v4 =	vlaneseq.u32;
	v1 =	vimm.s32 $0x38373635  }
0x2: {  	v2 =	vimm.s32 $0x3C3B3A39;
	v3 =	vimm.s32 $0x3F3E3D;
	vm0 =	vcmask $0x1F10  }
0x3: {  	v56 =	vimm.s32 $0x39383736;
	v37 =	vimm.s32 $0x3D3C3B3A;
	v39 =	vimm.s32 $0x1003F3E  }
0x4: {  	v57 =	vimm.s32 $0x36353433;
	v58 =	vimm.s32 $0x3020100;
	v59 =	vimm.s32 $0x3A393837  }
0x5: {  	v40 =	vimm.s32 $0x201003F;
	v45 =	vimm.s32 $0x3F3E3D3C;
	v46 =	vimm.s32 $0x37363534  }
0x6: {  	v47 =	vimm.s32 $0x3B3A3938;
	v62 =	vimm.s32 $0x4030201;
	v51 =	vimm.s32 $0x87654321  }
0x7: {  	v52 =	vimm.s32 $0x98765432;
	v53 =	vimm.s32 $0x32107654;
	v55 =	vimm.s32 $0x6050403  }
0x8: {  	vm1 =	vcmask $0x2F10;
	vm2 =	vcmask $0x3F30;
	v0 =	vmul.u32 $0x400, v4  }
0x9: {  	v7 =	vadd.s32 $0x4, v4;
	v8 =	vadd.s32 $0x5, v4;
	v9 =	vadd.s32 $0x6, v4  }
0xa: {  	v10 =	vadd.s32 $0x7, v4;
	v11 =	vadd.s32 $0x8, v4;
	v12 =	vadd.s32 $0x9, v4  }
0xb: {  	v13 =	vadd.s32 $0xA, v4;
	v14 =	vadd.s32 $0xB, v4;
	v15 =	vadd.s32 $0xC, v4  }
0xc: {  	v16 =	vadd.s32 $0xD, v4;
	v17 =	vadd.s32 $0xE, v4;
	v18 =	vadd.s32 $0xF, v4  }
0xd: {  	v19 =	vor.u32 $0x10, v4;
	v20 =	vadd.s32 $0x11, v4;
	v21 =	vadd.s32 $0x12, v4  }
0xe: {  	v22 =	vadd.s32 $0x13, v4;
	v23 =	vadd.s32 $0x14, v4;
	v24 =	vadd.s32 $0x15, v4  }
0xf: {  	v25 =	vadd.s32 $0x16, v4;
	v26 =	vadd.s32 $0x17, v4;
	v27 =	vadd.s32 $0x18, v4  }
0x10: {  	v28 =	vadd.s32 $0x19, v4;
	v29 =	vadd.s32 $0x1A, v4;
	v30 =	vadd.s32 $0x1B, v4  }
0x11: {  	v31 =	vadd.s32 $0x1C, v4;
	v32 =	vadd.s32 $0x1D, v4;
	v33 =	vadd.s32 $0x1E, v4  }
0x12: {  	v34 =	vadd.s32 $0x1F, v4;
	v35 =	vor.u32 $0x20, v4;
	[tilespmem:$0x1FEC0] =	vst v0;
	v0 =	vmul.u32 $0x401, v4  }
0x13: {  	v5 =	vunpack.c.0.s8.s32 v1;
	v36 =	vunpack.c.0.s8.s32 v2;
	v1 =	vunpack.c.0.s8.s32 v3  }
0x14: {  	v38 =	vadd.s32 $0x21, v4;
	v2 =	vimm.s32 $0x35343332;
	[tilespmem:$0x1FED0] =	vst v0;
	v0 =	vmul.u32 $0x40, v4  }
0x15: {  	v6 =	vunpack.c.0.s8.s32 v37;
	v41 =	vadd.s32 $0x22, v4;
	v42 =	vadd.s32 $0x23, v4  }
0x16: {  	v37 =	vunpack.c.0.s8.s32 v58;
	v60 =	vunpack.c.0.s8.s32 v46;
	[tilespmem:$0x1FEE0] =	vst v0;
	v0 =	vadd.s32 $0x1, v4  }
0x17: {  	v48 =	vunpack.c.0.s8.s32 v59;
	v50 =	vunpack.c.0.s8.s32 v40;
	[tilespmem:$0x1FEF0] =	vst v0;
	v0 =	vadd.s32 $0x2, v4  }
0x18: {  	v63 =	vunpack.c.0.s8.s32 v62;
	v46 =	vunpack.c.l.s4.s8 v52;
	[tilespmem:$0x1FF00] =	vst v0;
	v0 =	vadd.s32 $0x3, v4  }
0x19: {  	v54 =	vunpack.c.l.s4.s8 v53;
	v58 =	vimm.s32 $0x54329876;
	[tilespmem:$0x1FF10] =	vst v0;
	v0 =	vimm.s32 $0x34333231  }
0x1a: {  	v59 =	vimm.s32 $0xC0B0A09;
	v2 =	vunpack.c.0.s8.s32 v2;
	v0 =	vunpack.c.0.s8.s32 v0  }
0x1b: {  	[tilespmem:$0x1FF30] =	vst v36;
	v3 =	vsel vm0, v1, v36;
	v36 =	vunpack.c.0.s8.s32 v39;
	v46 =	vunpack.c.0.s8.s32 v46  }
0x1c: {  	[tilespmem:$0x1FF20] =	vst v5;
	v39 =	vimm.s32 $0x3E3D3C3B;
	v0 =	vsel vm0, v5, v0;
	v5 =	vunpack.c.0.s8.s32 v56  }
0x1d: {  	v46 =	vand.u32 $0xF, v46;
	v56 =	vimm.s32 $0x43218765;
	v43 =	vcombine.low v0, v3  }
0x1e: {  	[tilespmem:$0x1FF40] =	vst v5;
	v0 =	vsel vm0, v5, v2;
	v2 =	vsel vm0, v36, v6;
	v5 =	vunpack.c.0.s8.s32 v45  }
0x1f: {  	[tilespmem:$0x1FF50] =	vst v6;
	v6 =	vunpack.c.0.s8.s32 v47;
	v47 =	vimm.s32 $0x5040302;
	v45 =	vunpack.c.l.s4.s8 v51  }
0x20: {  	v44 =	vcombine.low v0, v2;
	v0 =	vunpack.c.0.s8.s32 v57;
	v40 =	vunpack.c.0.s8.s32 v47  }
0x21: {  	v47 =	vunpack.c.l.s4.s8 v56;
	v53 =	vcombine.low v2, v46;
	v37 =	vsel vm0, v37, v5  }
0x22: {  	[tilespmem:$0x1FF60] =	vst v6;
	v61 =	vsel vm0, v6, v60;
	v6 =	vsel vm0, v63, v1;
	v45 =	vunpack.c.0.s8.s32 v45  }
0x23: {  	v60 =	vunpack.c.0.s8.s32 v59;
	v63 =	vimm.s32 $0xE0D0C0B;
	v49 =	vcombine.low v61, v37  }
0x24: {  	[tilespmem:$0x1FF70] =	vst v6;
	v6 =	vsel vm0, v40, v36;
	v40 =	vunpack.c.0.s8.s32 v55;
	v37 =	vunpack.c.0.s8.s32 v54  }
0x25: {  	v57 =	vunpack.c.0.s8.s32 v47;
	v61 =	vimm.s32 $0x6543A987;
	v0 =	vsel vm0, v48, v0  }
0x26: {  	v47 =	vadd.s32 $0x2F, v4;
	v45 =	vand.u32 $0xF, v45;
	v46 =	vunpack.c.l.s4.s8 v61  }
0x27: {  	s0 =	rddreg [dreg:$0x0];
	s1 =	simm.s32 $0x0;
	[tilespmem:$0x1FF90] =	vst v5;
	v52 =	vcombine.low v3, v45;
	v2 =	vand.u32 $0xF, v37;
	v3 =	vimm.s32 $0xB0A0908  }
0x28: {  	[smem:$0x7FF] =	sst s1;
	[tilespmem:$0x1FF80] =	vst v6;
	v37 =	vand.u32 $0xF, v57;
	v45 =	vunpack.c.l.s4.s8 v58;
	v58 =	vadd.s32 $0x24, v4  }
0x29: {  	s2 =	rddreg [dreg:$0x1];
	_ =	strace $0x80000047;
	[tilespmem:$0x1FFB0] =	vst v0;
	v0 =	vsel vm0, v40, v50;
	v40 =	vadd.s32 $0x2C, v4;
	v3 =	vunpack.c.0.s8.s32 v3  }
0x2a: {  	s3 =	srdreg.scid;
	s8 =	simm.s32 $0x400;
	s11 =	simm.s32 $0x1000;
	[tilespmem:$0x1FFA0] =	vst v48;
	v48 =	vor.u32 $0x30, v4;
	v2 =	vsel vm1, v2, v5;
	v45 =	vunpack.c.0.s8.s32 v45  }
0x2b: {  	s12 =	simm.s32 $0x1400;
	s13 =	simm.s32 $0x1800;
	s14 =	simm.s32 $0x1C00;
	v1 =	vsel vm1, v37, v1;
	v54 =	vsel vm2, v3, v2;
	v3 =	vimm.s32 $0xD0C0B0A  }
0x2c: {  	s15 =	simm.s32 $0x2000;
	s16 =	simm.s32 $0x2400;
	s17 =	simm.s32 $0x2800;
	v55 =	vsel vm2, v60, v1;
	v1 =	vand.u32 $0xF, v45;
	v3 =	vunpack.c.0.s8.s32 v3  }
0x2d: {  	s18 =	simm.s32 $0x2C00;
	s19 =	simm.s32 $0x3000;
	s20 =	simm.s32 $0x3400;
	v62 =	vunpack.c.0.s8.s32 v46;
	v46 =	vadd.s32 $0x2E, v4;
	v1 =	vsel vm1, v1, v36  }
0x2e: {  	s5 =	stileid.u32;
	s21 =	simm.s32 $0x3800;
	s22 =	simm.s32 $0x3C00;
	v2 =	vimm.s32 $0xA9876543;
	v56 =	vsel vm2, v3, v1;
	v1 =	vimm.s32 $0x76543210  }
0x2f: {  	s23 =	simm.s32 $0x4000;
	s24 =	simm.s32 $0x8400;
	s25 =	simm.s32 $0x0;
	v60 =	vunpack.c.0.s8.s32 v39;
	v2 =	vunpack.c.l.s4.s8 v2;
	v1 =	vunpack.c.l.s4.s8 v1  }
.Ltmp0:
0x30: {  	s4 =	sand.u32 $0x1, s3;
	s5 =	sshll.u32 s5, $0x1;
	v39 =	vadd.s32 $0x2B, v4;
	v37 =	vand.u32 $0xF, v62;
	v36 =	vunpack.c.0.s8.s32 v63;
	(pc) =	sbr.rel .LBB2_1-.Ltmp0, $4  }
0x31: {  	s3 =	sadd.s32 $0x800, s2;
	s5 =	sor.u32 s4, s5;
	s4 =	ssub.s32 $0x2, s4;
	[tilespmem:$0x1FFD0] =	vst v0;
	v3 =	vsel vm1, v37, v50;
	v2 =	vunpack.c.0.s8.s32 v2;
	v0 =	vunpack.c.0.s8.s32 v1  }
0x32: {  	s6 =	sshll.u32 s5, $0xC;
	s7 =	sshrl.u32 s4, $0x1;
	s5 =	sshll.u32 s5, $0x6;
	[tilespmem:$0x1FFC0] =	vst v50;
	v45 =	vadd.s32 $0x2D, v4;
	v37 =	vadd.s32 $0x2A, v4;
	v57 =	vsel vm2, v36, v3  }
0x33: {  	s2 =	sadd.s32 s6, s2;
	s31 =	ssub.s32 s4, s7;
	s4 =	sadd.s32 s0, s5;
	v3 =	vadd.s32 $0x28, v4;
	v36 =	vadd.s32 $0x29, v4;
	[tilespmem:$0x1FFE0] =	vst v0;
	v0 =	vand.u32 $0xF, v2  }
0x34: {  	s7 =	simm.s32 $0x3;
	s5 =	sadd.s32 $0xF42C00, s2;
	s6 =	smax.u32 s31, $0x1;
	v1 =	vadd.s32 $0x26, v4;
	v2 =	vadd.s32 $0x27, v4;
	[tilespmem:$0x1FFF0] =	vst v0;
	v0 =	vadd.s32 $0x25, v4  }
.LBB2_7:
0x35: {  	s25 =	sadd.s32 $0x1, s25  }
0x36: {  	p0 =	sne.s32 s25, s6  }
.Ltmp1:
0x37: {  	_ = 	snop;
	(pc) =	sbr.rel @!p0 .LBB2_8-.Ltmp1, $4  }
0x38: {  	[hbm4b:s5+s1] =	stream.linear.scatter [tilespmem:s24], [sflag:$0x3], $0x8000, $0x38;
	[tilespmem:$0x10400] =	vst v63  }
0x39: {  	_ =	swait.ge [sflag:s7], $0x8000  }
0x3a: {  	[sflag:s7] =	ssyncset.done $0x0  }
0x3b: {  	[sflag:s7] =	ssyncadd.s32 $0xFFFF8000  }
.LBB2_1:
0x3c: {  	[tilespmem:s1], [sflag:$0x3] =	stream.linear.gather [hbm4b:s4+s1], $0x200, $0x38;
	[tilespmem:$0x10400] =	vst v63  }
0x3d: {  	_ =	swait.ge [sflag:s7], $0x200  }
0x3e: {  	[sflag:s7] =	ssyncset.done $0x0  }
0x3f: {  	s0 =	simm.s32 $0x0;
	[sflag:s7] =	ssyncadd.s32 $0xFFFFFE00  }
0x40: {  	s2 =	simm.s32 $0x40;
	v50 =	vld [tilespmem:s0+$0x0]  }
.LBB2_2:
0x41: {  	p0 =	sne.s32 s2, $0x7C0  }
.Ltmp2:
0x42: {  	_ = 	snop;
	(pc) =	sbr.rel @p0 .LBB2_2-.Ltmp2, $3  }
0x43: {  	_ =	sdelay $0x1  }
0x44: {  	s26 =	sshra.s32 s2, $0x2;
	s2 =	sadd.s32 $0x40, s2;
	v51 =	vand.u32 $0x7, v50  }
0x45: {  	v50 =	vld [tilespmem:s26+$0x0];
	[tilespmem:s0+$0x200] =	vst v51;
	s0 =	smov.u32 s26  }
0x46: {  	_ =	sdelay $0x3  }
0x47: {  	v50 =	vand.u32 $0x7, v50  }
0x48: {  	[tilespmem:s0+$0x200] =	vst v50  }
0x49: {  	v50 =	vld [tilespmem:$0x0];
	_ =	sdelay $0x4  }
0x4a: {  	v50 =	vshrl.u32 v50, $0x3  }
0x4b: {  	v50 =	vshll.u32 v50, $0x7  }
0x4c: {  	(v2sf) =	vpush v50, $0x0  }
0x4d: {  	(v2sf) =	vpush v50, $0x1;
	_ =	sdelay $0x5  }
0x4e: {  	(v2sf) =	vpush v50, $0x2;
	_ =	sdelay $0x1  }
0x4f: {  	(v2sf) =	vpush v50, $0x3;
	_ =	sdelay $0x5  }
0x50: {  	s9 =	spop (v2sf);
	(v2sf) =	vpush v50, $0x4  }
0x51: {  	s10 =	spop (v2sf);
	(v2sf) =	vpush v50, $0x5;
	_ =	sdelay $0x4  }
0x52: {  	s0 =	sand.u32 $0x1FFFFF80, s9  }
0x53: {  	s31 =	simm.s32 $0x0;
	s0 =	sadd.s32 s3, s0;
	s26 =	spop (v2sf);
	(v2sf) =	vpush v50, $0x6  }
0x54: {  	[tilespmem:s8], [sflag:$0x1] =	stream.linear.gather [hbm4b:s0+s31], $0x400, $0x38;
	[tilespmem:$0x10400] =	vst v63  }
0x55: {  	s0 =	sand.u32 $0x1FFFFF80, s10;
	s9 =	spop (v2sf);
	(v2sf) =	vpush v50, $0x7  }
0x56: {  	s2 =	simm.s32 $0x800;
	s0 =	sadd.s32 s3, s0  }
0x57: {  	[tilespmem:s2], [sflag:$0x1] =	stream.linear.gather [hbm4b:s0+s31], $0x400, $0x38;
	[tilespmem:$0x10400] =	vst v63  }
0x58: {  	s0 =	sand.u32 $0x1FFFFF80, s26  }
0x59: {  	s30 =	simm.s32 $0xC00;
	s0 =	sadd.s32 s3, s0  }
0x5a: {  	[tilespmem:s30], [sflag:$0x1] =	stream.linear.gather [hbm4b:s0+s31], $0x400, $0x38;
	[tilespmem:$0x10400] =	vst v63  }
0x5b: {  	s0 =	sand.u32 $0x1FFFFF80, s9;
	s10 =	spop (v2sf);
	(v2sf) =	vpush v50, $0x8  }
0x5c: {  	s0 =	sadd.s32 s3, s0;
	s26 =	spop (v2sf);
	(v2sf) =	vpush v50, $0x9  }
0x5d: {  	[tilespmem:s11], [sflag:$0x1] =	stream.linear.gather [hbm4b:s0+s31], $0x400, $0x38;
	[tilespmem:$0x10400] =	vst v63  }
0x5e: {  	s0 =	sand.u32 $0x1FFFFF80, s10;
	(v2sf) =	vpush v50, $0xA  }
0x5f: {  	s0 =	sadd.s32 s3, s0  }
0x60: {  	[tilespmem:s12], [sflag:$0x1] =	stream.linear.gather [hbm4b:s0+s31], $0x400, $0x38;
	[tilespmem:$0x10400] =	vst v63  }
0x61: {  	s0 =	sand.u32 $0x1FFFFF80, s26  }
0x62: {  	s30 =	spop (v2sf);
	s0 =	sadd.s32 s3, s0  }
0x63: {  	(v2sf) =	vpush v50, $0xB;
	[tilespmem:s13], [sflag:$0x1] =	stream.linear.gather [hbm4b:s0+s31], $0x400, $0x38;
	[tilespmem:$0x10400] =	vst v63  }
0x64: {  	s2 =	spop (v2sf);
	(v2sf) =	vpush v50, $0xC;
	s0 =	sand.u32 $0x1FFFFF80, s30  }
0x65: {  	s0 =	sadd.s32 s3, s0  }
0x66: {  	[tilespmem:s14], [sflag:$0x1] =	stream.linear.gather [hbm4b:s0+s31], $0x400, $0x38;
	[tilespmem:$0x10400] =	vst v63  }
0x67: {  	s0 =	sand.u32 $0x1FFFFF80, s2  }
0x68: {  	s0 =	sadd.s32 s3, s0  }
0x69: {  	[tilespmem:s15], [sflag:$0x1] =	stream.linear.gather [hbm4b:s0+s31], $0x400, $0x38;
	[tilespmem:$0x10400] =	vst v63  }
0x6a: {  	s9 =	spop (v2sf);
	(v2sf) =	vpush v50, $0xD  }
0x6b: {  	s10 =	spop (v2sf);
	(v2sf) =	vpush v50, $0xE  }
0x6c: {  	s0 =	sand.u32 $0x1FFFFF80, s9  }
0x6d: {  	s0 =	sadd.s32 s3, s0;
	s26 =	spop (v2sf)  }
0x6e: {  	(v2sf) =	vpush v50, $0xF;
	[tilespmem:s16], [sflag:$0x1] =	stream.linear.gather [hbm4b:s0+s31], $0x400, $0x38;
	[tilespmem:$0x10400] =	vst v63  }
0x6f: {  	s0 =	sand.u32 $0x1FFFFF80, s10  }
0x70: {  	s0 =	sadd.s32 s3, s0  }
0x71: {  	[tilespmem:s17], [sflag:$0x1] =	stream.linear.gather [hbm4b:s0+s31], $0x400, $0x38;
	[tilespmem:$0x10400] =	vst v63  }
0x72: {  	s30 =	spop (v2sf);
	s0 =	sand.u32 $0x1FFFFF80, s26  }
0x73: {  	s9 =	sand.u32 $0x1FFFFF80, s30;
	s10 =	spop (v2sf);
	s0 =	sadd.s32 s3, s0  }
0x74: {  	[tilespmem:s18], [sflag:$0x1] =	stream.linear.gather [hbm4b:s0+s31], $0x400, $0x38;
	[tilespmem:$0x10400] =	vst v63  }
0x75: {  	s26 =	sand.u32 $0x1FFFFF80, s10;
	s0 =	sadd.s32 s3, s9  }
0x76: {  	[tilespmem:s19], [sflag:$0x1] =	stream.linear.gather [hbm4b:s0+s31], $0x400, $0x38;
	[tilespmem:$0x10400] =	vst v63  }
0x77: {  	s0 =	sadd.s32 s3, s26  }
0x78: {  	[tilespmem:s20], [sflag:$0x1] =	stream.linear.gather [hbm4b:s0+s31], $0x400, $0x38;
	[tilespmem:$0x10400] =	vst v63  }
0x79: {  	s30 =	spop (v2sf)  }
0x7a: {  	s9 =	sand.u32 $0x1FFFFF80, s30;
	s10 =	spop (v2sf)  }
0x7b: {  	s0 =	sadd.s32 s3, s9;
	s26 =	sand.u32 $0x1FFFFF80, s10  }
0x7c: {  	[tilespmem:s21], [sflag:$0x1] =	stream.linear.gather [hbm4b:s0+s31], $0x400, $0x38;
	[tilespmem:$0x10400] =	vst v63  }
.Ltmp3:
0x7d: {  	s30 =	spop (v2sf);
	s0 =	sadd.s32 s3, s26;
	(pc) =	sbr.rel .LBB2_4-.Ltmp3, $4  }
0x7e: {  	[tilespmem:s22], [sflag:$0x1] =	stream.linear.gather [hbm4b:s0+s31], $0x400, $0x38;
	[tilespmem:$0x10400] =	vst v63  }
0x7f: {  	s28 =	simm.s32 $0x10;
	s0 =	sand.u32 $0x1FFFFF80, s30  }
0x80: {  	s29 =	simm.s32 $0x0;
	s26 =	simm.s32 $0x200;
	s0 =	sadd.s32 s3, s0  }
0x81: {  	[tilespmem:s23], [sflag:$0x1] =	stream.linear.gather [hbm4b:s0+s31], $0x400, $0x38;
	[tilespmem:$0x10400] =	vst v63  }
.LBB2_6:
0x82: {  	s0 =	sand.u32 $0x1, s31  }
0x83: {  	s2 =	sadd.s32 $0x1, s0  }
0x84: {  	_ =	swait.ge [sflag:s2], $0x400  }
0x85: {  	[sflag:s2] =	ssyncset.done $0x0  }
0x86: {  	[sflag:s2] =	ssyncadd.s32 $0xFFFFFC00  }
0x87: {  	_ =	swait.ge [sflag:s2], $0x400  }
0x88: {  	[sflag:s2] =	ssyncset.done $0x0  }
0x89: {  	[sflag:s2] =	ssyncadd.s32 $0xFFFFFC00  }
0x8a: {  	_ =	swait.ge [sflag:s2], $0x400  }
0x8b: {  	[sflag:s2] =	ssyncset.done $0x0  }
0x8c: {  	[sflag:s2] =	ssyncadd.s32 $0xFFFFFC00  }
0x8d: {  	_ =	swait.ge [sflag:s2], $0x400  }
0x8e: {  	[sflag:s2] =	ssyncset.done $0x0  }
0x8f: {  	[sflag:s2] =	ssyncadd.s32 $0xFFFFFC00  }
0x90: {  	_ =	swait.ge [sflag:s2], $0x400  }
0x91: {  	[sflag:s2] =	ssyncset.done $0x0  }
0x92: {  	[sflag:s2] =	ssyncadd.s32 $0xFFFFFC00  }
0x93: {  	_ =	swait.ge [sflag:s2], $0x400  }
0x94: {  	[sflag:s2] =	ssyncset.done $0x0  }
0x95: {  	[sflag:s2] =	ssyncadd.s32 $0xFFFFFC00  }
0x96: {  	_ =	swait.ge [sflag:s2], $0x400  }
0x97: {  	[sflag:s2] =	ssyncset.done $0x0  }
0x98: {  	[sflag:s2] =	ssyncadd.s32 $0xFFFFFC00  }
0x99: {  	_ =	swait.ge [sflag:s2], $0x400  }
0x9a: {  	[sflag:s2] =	ssyncset.done $0x0  }
0x9b: {  	[sflag:s2] =	ssyncadd.s32 $0xFFFFFC00  }
0x9c: {  	_ =	swait.ge [sflag:s2], $0x400  }
0x9d: {  	[sflag:s2] =	ssyncset.done $0x0  }
0x9e: {  	[sflag:s2] =	ssyncadd.s32 $0xFFFFFC00  }
0x9f: {  	_ =	swait.ge [sflag:s2], $0x400  }
0xa0: {  	[sflag:s2] =	ssyncset.done $0x0  }
0xa1: {  	[sflag:s2] =	ssyncadd.s32 $0xFFFFFC00  }
0xa2: {  	_ =	swait.ge [sflag:s2], $0x400  }
0xa3: {  	[sflag:s2] =	ssyncset.done $0x0  }
0xa4: {  	[sflag:s2] =	ssyncadd.s32 $0xFFFFFC00  }
0xa5: {  	_ =	swait.ge [sflag:s2], $0x400  }
0xa6: {  	[sflag:s2] =	ssyncset.done $0x0  }
0xa7: {  	[sflag:s2] =	ssyncadd.s32 $0xFFFFFC00  }
0xa8: {  	_ =	swait.ge [sflag:s2], $0x400  }
0xa9: {  	[sflag:s2] =	ssyncset.done $0x0  }
0xaa: {  	[sflag:s2] =	ssyncadd.s32 $0xFFFFFC00  }
0xab: {  	_ =	swait.ge [sflag:s2], $0x400  }
0xac: {  	[sflag:s2] =	ssyncset.done $0x0  }
0xad: {  	[sflag:s2] =	ssyncadd.s32 $0xFFFFFC00  }
0xae: {  	_ =	swait.ge [sflag:s2], $0x400  }
0xaf: {  	[sflag:s2] =	ssyncset.done $0x0  }
0xb0: {  	[sflag:s2] =	ssyncadd.s32 $0xFFFFFC00  }
0xb1: {  	_ =	swait.ge [sflag:s2], $0x400  }
0xb2: {  	[sflag:s2] =	ssyncset.done $0x0  }
0xb3: {  	[sflag:s2] =	ssyncadd.s32 $0xFFFFFC00  }
0xb4: {  	v50 =	vld [tilespmem:s26+$0x0];
	_ =	sdelay $0x1  }
0xb5: {  	v4 =	vld [tilespmem:$0x1FED0];
	_ =	sdelay $0x2  }
0xb6: {  	s0 =	sshll.u32 s0, $0xE;
	v50 =	vshll.u32 v50, $0x7  }
0xb7: {  	v51 =	vadd.s32 s0, v50  }
0xb8: {  	v59 =	vadd.s32 v4, v51;
	v4 =	vld [tilespmem:$0x1FEE0];
	_ =	sdelay $0x2  }
0xb9: {  	v63 =	vmov s29  }
0xba: {  	v50 =	vshll.u32 v63, $0x6  }
0xbb: {  	v50 =	vor.u32 v4, v50;
	v4 =	vld [tilespmem:$0x1FEC0];
	_ =	sdelay $0x4  }
0xbc: {  	v51 =	vadd.s32 v4, v51;
	v4 =	vlaneseq.u32  }
0xbd: {  	v61 =	vor.u32 v4, v50;
	v4 =	vld [tilespmem:$0x1FEF0];
	_ =	sdelay $0x3  }
0xbe: {  	v59 =	vld.idx.msk [tilespmem:v59+s8+$0x0], $0xffff  }
0xbf: {  	v62 =	vor.u32 v4, v51;
	_ =	sdelay $0x3  }
0xc0: {  	[tilespmem:v61+s24+$0x0] =	vst.idx.msk $0xffff, v59;
	v61 =	vor.u32 v4, v50;
	v4 =	vld [tilespmem:$0x1FF00]  }
0xc1: {  	v59 =	vld.idx.msk [tilespmem:v62+s8+$0x0], $0xffff;
	_ =	sdelay $0x3  }
0xc2: {  	v62 =	vor.u32 v4, v51  }
0xc3: {  	[tilespmem:v61+s24+$0x0] =	vst.idx.msk $0xffff, v59;
	v61 =	vor.u32 v4, v50;
	v4 =	vld [tilespmem:$0x1FF10];
	_ =	sdelay $0x3  }
0xc4: {  	v59 =	vld.idx.msk [tilespmem:v62+s8+$0x0], $0xffff  }
0xc5: {  	v62 =	vor.u32 v4, v51;
	_ =	sdelay $0x3  }
0xc6: {  	[tilespmem:v61+s24+$0x0] =	vst.idx.msk $0xffff, v59  }
0xc7: {  	v61 =	vor.u32 v4, v50;
	v59 =	vld.idx.msk [tilespmem:v62+s8+$0x0], $0xffff  }
0xc8: {  	v62 =	vor.u32 v7, v51;
	_ =	sdelay $0x3  }
0xc9: {  	[tilespmem:v61+s24+$0x0] =	vst.idx.msk $0xffff, v59  }
0xca: {  	v61 =	vor.u32 v7, v50;
	v59 =	vld.idx.msk [tilespmem:v62+s8+$0x0], $0xffff  }
0xcb: {  	v62 =	vor.u32 v8, v51;
	_ =	sdelay $0x3  }
0xcc: {  	[tilespmem:v61+s24+$0x0] =	vst.idx.msk $0xffff, v59  }
0xcd: {  	v61 =	vor.u32 v8, v50;
	v59 =	vld.idx.msk [tilespmem:v62+s8+$0x0], $0xffff  }
0xce: {  	v62 =	vor.u32 v9, v51;
	_ =	sdelay $0x3  }
0xcf: {  	[tilespmem:v61+s24+$0x0] =	vst.idx.msk $0xffff, v59  }
0xd0: {  	v61 =	vor.u32 v9, v50;
	v59 =	vld.idx.msk [tilespmem:v62+s8+$0x0], $0xffff  }
0xd1: {  	v62 =	vor.u32 v10, v51;
	_ =	sdelay $0x3  }
0xd2: {  	[tilespmem:v61+s24+$0x0] =	vst.idx.msk $0xffff, v59  }
0xd3: {  	v61 =	vor.u32 v10, v50;
	v59 =	vld.idx.msk [tilespmem:v62+s8+$0x0], $0xffff  }
0xd4: {  	v62 =	vor.u32 v11, v51;
	_ =	sdelay $0x3  }
0xd5: {  	[tilespmem:v61+s24+$0x0] =	vst.idx.msk $0xffff, v59  }
0xd6: {  	v61 =	vor.u32 v11, v50;
	v59 =	vld.idx.msk [tilespmem:v62+s8+$0x0], $0xffff  }
0xd7: {  	v62 =	vor.u32 v12, v51;
	_ =	sdelay $0x3  }
0xd8: {  	[tilespmem:v61+s24+$0x0] =	vst.idx.msk $0xffff, v59  }
0xd9: {  	v61 =	vor.u32 v12, v50;
	v59 =	vld.idx.msk [tilespmem:v62+s8+$0x0], $0xffff  }
0xda: {  	v62 =	vor.u32 v13, v51;
	_ =	sdelay $0x3  }
0xdb: {  	[tilespmem:v61+s24+$0x0] =	vst.idx.msk $0xffff, v59  }
0xdc: {  	v61 =	vor.u32 v13, v50;
	v59 =	vld.idx.msk [tilespmem:v62+s8+$0x0], $0xffff  }
0xdd: {  	v62 =	vor.u32 v14, v51;
	_ =	sdelay $0x3  }
0xde: {  	[tilespmem:v61+s24+$0x0] =	vst.idx.msk $0xffff, v59  }
0xdf: {  	v61 =	vor.u32 v14, v50;
	v59 =	vld.idx.msk [tilespmem:v62+s8+$0x0], $0xffff  }
0xe0: {  	v62 =	vor.u32 v15, v51;
	_ =	sdelay $0x3  }
0xe1: {  	[tilespmem:v61+s24+$0x0] =	vst.idx.msk $0xffff, v59  }
0xe2: {  	v61 =	vor.u32 v15, v50;
	v59 =	vld.idx.msk [tilespmem:v62+s8+$0x0], $0xffff  }
0xe3: {  	v62 =	vor.u32 v16, v51;
	_ =	sdelay $0x3  }
0xe4: {  	[tilespmem:v61+s24+$0x0] =	vst.idx.msk $0xffff, v59  }
0xe5: {  	v61 =	vor.u32 v16, v50;
	v59 =	vld.idx.msk [tilespmem:v62+s8+$0x0], $0xffff  }
0xe6: {  	v62 =	vor.u32 v17, v51;
	_ =	sdelay $0x3  }
0xe7: {  	[tilespmem:v61+s24+$0x0] =	vst.idx.msk $0xffff, v59  }
0xe8: {  	v61 =	vor.u32 v17, v50;
	v59 =	vld.idx.msk [tilespmem:v62+s8+$0x0], $0xffff  }
0xe9: {  	v62 =	vor.u32 v18, v51;
	_ =	sdelay $0x3  }
0xea: {  	[tilespmem:v61+s24+$0x0] =	vst.idx.msk $0xffff, v59  }
0xeb: {  	v61 =	vor.u32 v18, v50;
	v59 =	vld.idx.msk [tilespmem:v62+s8+$0x0], $0xffff  }
0xec: {  	v62 =	vor.u32 v19, v51;
	_ =	sdelay $0x3  }
0xed: {  	[tilespmem:v61+s24+$0x0] =	vst.idx.msk $0xffff, v59  }
0xee: {  	v61 =	vor.u32 v19, v50;
	v59 =	vld.idx.msk [tilespmem:v62+s8+$0x0], $0xffff  }
0xef: {  	v62 =	vor.u32 v20, v51;
	_ =	sdelay $0x3  }
0xf0: {  	[tilespmem:v61+s24+$0x0] =	vst.idx.msk $0xffff, v59  }
0xf1: {  	v61 =	vor.u32 v20, v50;
	v59 =	vld.idx.msk [tilespmem:v62+s8+$0x0], $0xffff  }
0xf2: {  	v62 =	vor.u32 v21, v51;
	_ =	sdelay $0x3  }
0xf3: {  	[tilespmem:v61+s24+$0x0] =	vst.idx.msk $0xffff, v59  }
0xf4: {  	v61 =	vor.u32 v21, v50;
	v59 =	vld.idx.msk [tilespmem:v62+s8+$0x0], $0xffff  }
0xf5: {  	v62 =	vor.u32 v22, v51;
	_ =	sdelay $0x3  }
0xf6: {  	[tilespmem:v61+s24+$0x0] =	vst.idx.msk $0xffff, v59  }
0xf7: {  	v61 =	vor.u32 v22, v50;
	v59 =	vld.idx.msk [tilespmem:v62+s8+$0x0], $0xffff  }
0xf8: {  	v62 =	vor.u32 v23, v51;
	_ =	sdelay $0x3  }
0xf9: {  	[tilespmem:v61+s24+$0x0] =	vst.idx.msk $0xffff, v59  }
0xfa: {  	v61 =	vor.u32 v23, v50;
	v59 =	vld.idx.msk [tilespmem:v62+s8+$0x0], $0xffff  }
0xfb: {  	v62 =	vor.u32 v24, v51;
	_ =	sdelay $0x3  }
0xfc: {  	[tilespmem:v61+s24+$0x0] =	vst.idx.msk $0xffff, v59  }
0xfd: {  	v61 =	vor.u32 v24, v50;
	v59 =	vld.idx.msk [tilespmem:v62+s8+$0x0], $0xffff  }
0xfe: {  	v62 =	vor.u32 v25, v51;
	_ =	sdelay $0x3  }
0xff: {  	[tilespmem:v61+s24+$0x0] =	vst.idx.msk $0xffff, v59  }
0x100: {  	v61 =	vor.u32 v25, v50;
	v59 =	vld.idx.msk [tilespmem:v62+s8+$0x0], $0xffff  }
0x101: {  	v62 =	vor.u32 v26, v51;
	_ =	sdelay $0x3  }
0x102: {  	[tilespmem:v61+s24+$0x0] =	vst.idx.msk $0xffff, v59  }
0x103: {  	v61 =	vor.u32 v26, v50;
	v59 =	vld.idx.msk [tilespmem:v62+s8+$0x0], $0xffff  }
0x104: {  	v62 =	vor.u32 v27, v51;
	_ =	sdelay $0x3  }
0x105: {  	[tilespmem:v61+s24+$0x0] =	vst.idx.msk $0xffff, v59  }
0x106: {  	v61 =	vor.u32 v27, v50;
	v59 =	vld.idx.msk [tilespmem:v62+s8+$0x0], $0xffff  }
0x107: {  	v62 =	vor.u32 v28, v51;
	_ =	sdelay $0x3  }
0x108: {  	[tilespmem:v61+s24+$0x0] =	vst.idx.msk $0xffff, v59  }
0x109: {  	v61 =	vor.u32 v28, v50;
	v59 =	vld.idx.msk [tilespmem:v62+s8+$0x0], $0xffff  }
0x10a: {  	v62 =	vor.u32 v29, v51;
	_ =	sdelay $0x3  }
0x10b: {  	[tilespmem:v61+s24+$0x0] =	vst.idx.msk $0xffff, v59  }
0x10c: {  	v61 =	vor.u32 v29, v50;
	v59 =	vld.idx.msk [tilespmem:v62+s8+$0x0], $0xffff  }
0x10d: {  	v62 =	vor.u32 v30, v51;
	_ =	sdelay $0x3  }
0x10e: {  	[tilespmem:v61+s24+$0x0] =	vst.idx.msk $0xffff, v59  }
0x10f: {  	v61 =	vor.u32 v30, v50;
	v59 =	vld.idx.msk [tilespmem:v62+s8+$0x0], $0xffff  }
0x110: {  	v62 =	vor.u32 v31, v51;
	_ =	sdelay $0x3  }
0x111: {  	[tilespmem:v61+s24+$0x0] =	vst.idx.msk $0xffff, v59  }
0x112: {  	v61 =	vor.u32 v31, v50;
	v59 =	vld.idx.msk [tilespmem:v62+s8+$0x0], $0xffff  }
0x113: {  	v62 =	vor.u32 v32, v51;
	_ =	sdelay $0x3  }
0x114: {  	[tilespmem:v61+s24+$0x0] =	vst.idx.msk $0xffff, v59  }
0x115: {  	v61 =	vor.u32 v32, v50;
	v59 =	vld.idx.msk [tilespmem:v62+s8+$0x0], $0xffff  }
0x116: {  	v62 =	vor.u32 v33, v51;
	_ =	sdelay $0x3  }
0x117: {  	[tilespmem:v61+s24+$0x0] =	vst.idx.msk $0xffff, v59  }
0x118: {  	v61 =	vor.u32 v33, v50;
	v59 =	vld.idx.msk [tilespmem:v62+s8+$0x0], $0xffff  }
0x119: {  	v62 =	vor.u32 v34, v51;
	_ =	sdelay $0x3  }
0x11a: {  	[tilespmem:v61+s24+$0x0] =	vst.idx.msk $0xffff, v59  }
0x11b: {  	v61 =	vor.u32 v34, v50;
	v59 =	vld.idx.msk [tilespmem:v62+s8+$0x0], $0xffff  }
0x11c: {  	v62 =	vor.u32 v35, v51;
	_ =	sdelay $0x3  }
0x11d: {  	[tilespmem:v61+s24+$0x0] =	vst.idx.msk $0xffff, v59  }
0x11e: {  	v61 =	vor.u32 v35, v50;
	v59 =	vld.idx.msk [tilespmem:v62+s8+$0x0], $0xffff  }
0x11f: {  	v62 =	vor.u32 v38, v51;
	_ =	sdelay $0x3  }
0x120: {  	[tilespmem:v61+s24+$0x0] =	vst.idx.msk $0xffff, v59  }
0x121: {  	v61 =	vor.u32 v38, v50;
	v59 =	vld.idx.msk [tilespmem:v62+s8+$0x0], $0xffff  }
0x122: {  	v62 =	vor.u32 v41, v51;
	_ =	sdelay $0x3  }
0x123: {  	[tilespmem:v61+s24+$0x0] =	vst.idx.msk $0xffff, v59  }
0x124: {  	v61 =	vor.u32 v41, v50;
	v59 =	vld.idx.msk [tilespmem:v62+s8+$0x0], $0xffff  }
0x125: {  	v62 =	vor.u32 v42, v51;
	_ =	sdelay $0x3  }
0x126: {  	[tilespmem:v61+s24+$0x0] =	vst.idx.msk $0xffff, v59  }
0x127: {  	v61 =	vor.u32 v42, v50;
	v59 =	vld.idx.msk [tilespmem:v62+s8+$0x0], $0xffff  }
0x128: {  	v62 =	vor.u32 v58, v51;
	_ =	sdelay $0x3  }
0x129: {  	[tilespmem:v61+s24+$0x0] =	vst.idx.msk $0xffff, v59  }
0x12a: {  	v61 =	vor.u32 v58, v50;
	v59 =	vld.idx.msk [tilespmem:v62+s8+$0x0], $0xffff  }
0x12b: {  	v62 =	vor.u32 v0, v51;
	_ =	sdelay $0x3  }
0x12c: {  	[tilespmem:v61+s24+$0x0] =	vst.idx.msk $0xffff, v59  }
0x12d: {  	v61 =	vor.u32 v0, v50;
	v59 =	vld.idx.msk [tilespmem:v62+s8+$0x0], $0xffff  }
0x12e: {  	v62 =	vor.u32 v1, v51;
	_ =	sdelay $0x3  }
0x12f: {  	[tilespmem:v61+s24+$0x0] =	vst.idx.msk $0xffff, v59  }
0x130: {  	v61 =	vor.u32 v1, v50;
	v59 =	vld.idx.msk [tilespmem:v62+s8+$0x0], $0xffff  }
0x131: {  	v62 =	vor.u32 v2, v51;
	_ =	sdelay $0x3  }
0x132: {  	[tilespmem:v61+s24+$0x0] =	vst.idx.msk $0xffff, v59  }
0x133: {  	v61 =	vor.u32 v2, v50;
	v59 =	vld.idx.msk [tilespmem:v62+s8+$0x0], $0xffff  }
0x134: {  	v62 =	vor.u32 v3, v51;
	_ =	sdelay $0x3  }
0x135: {  	[tilespmem:v61+s24+$0x0] =	vst.idx.msk $0xffff, v59  }
0x136: {  	v61 =	vor.u32 v3, v50;
	v59 =	vld.idx.msk [tilespmem:v62+s8+$0x0], $0xffff  }
0x137: {  	v62 =	vor.u32 v36, v51;
	_ =	sdelay $0x3  }
0x138: {  	[tilespmem:v61+s24+$0x0] =	vst.idx.msk $0xffff, v59  }
0x139: {  	v61 =	vor.u32 v36, v50;
	v59 =	vld.idx.msk [tilespmem:v62+s8+$0x0], $0xffff  }
0x13a: {  	v62 =	vor.u32 v37, v51;
	_ =	sdelay $0x3  }
0x13b: {  	[tilespmem:v61+s24+$0x0] =	vst.idx.msk $0xffff, v59  }
0x13c: {  	v61 =	vor.u32 v37, v50;
	v59 =	vld.idx.msk [tilespmem:v62+s8+$0x0], $0xffff  }
0x13d: {  	v62 =	vor.u32 v39, v51;
	_ =	sdelay $0x3  }
0x13e: {  	[tilespmem:v61+s24+$0x0] =	vst.idx.msk $0xffff, v59  }
0x13f: {  	v61 =	vor.u32 v39, v50;
	v59 =	vld.idx.msk [tilespmem:v62+s8+$0x0], $0xffff  }
0x140: {  	v62 =	vor.u32 v40, v51;
	_ =	sdelay $0x3  }
0x141: {  	[tilespmem:v61+s24+$0x0] =	vst.idx.msk $0xffff, v59  }
0x142: {  	v61 =	vor.u32 v40, v50;
	v59 =	vld.idx.msk [tilespmem:v62+s8+$0x0], $0xffff  }
0x143: {  	v62 =	vor.u32 v45, v51;
	_ =	sdelay $0x3  }
0x144: {  	[tilespmem:v61+s24+$0x0] =	vst.idx.msk $0xffff, v59  }
0x145: {  	v61 =	vor.u32 v45, v50;
	v59 =	vld.idx.msk [tilespmem:v62+s8+$0x0], $0xffff  }
0x146: {  	v62 =	vor.u32 v46, v51;
	_ =	sdelay $0x3  }
0x147: {  	[tilespmem:v61+s24+$0x0] =	vst.idx.msk $0xffff, v59  }
0x148: {  	v61 =	vor.u32 v46, v50;
	v59 =	vld.idx.msk [tilespmem:v62+s8+$0x0], $0xffff  }
0x149: {  	v62 =	vor.u32 v47, v51;
	_ =	sdelay $0x3  }
0x14a: {  	[tilespmem:v61+s24+$0x0] =	vst.idx.msk $0xffff, v59  }
0x14b: {  	v61 =	vor.u32 v47, v50;
	v59 =	vld.idx.msk [tilespmem:v62+s8+$0x0], $0xffff  }
0x14c: {  	v62 =	vor.u32 v48, v51;
	_ =	sdelay $0x3  }
0x14d: {  	v4 =	vld [tilespmem:$0x1FFC0];
	[tilespmem:v61+s24+$0x0] =	vst.idx.msk $0xffff, v59  }
0x14e: {  	v61 =	vor.u32 v48, v50;
	v59 =	vld.idx.msk [tilespmem:v62+s8+$0x0], $0xffff  }
0x14f: {  	v62 =	vor.u32 v43, v51;
	_ =	sdelay $0x3  }
0x150: {  	v63 =	vsel vm0, v4, v60;
	v4 =	vld [tilespmem:$0x1FFB0];
	[tilespmem:v61+s24+$0x0] =	vst.idx.msk $0xffff, v59  }
0x151: {  	v61 =	vor.u32 v43, v50;
	v59 =	vld.idx.msk [tilespmem:v62+s8+$0x0], $0xffff  }
0x152: {  	v62 =	vor.u32 v44, v51;
	_ =	sdelay $0x3  }
0x153: {  	[tilespmem:v61+s24+$0x0] =	vst.idx.msk $0xffff, v59;
	v59 =	vcombine.low v4, v63  }
0x154: {  	v61 =	vld.idx.msk [tilespmem:v62+s8+$0x0], $0xffff;
	v62 =	vor.u32 v44, v50  }
0x155: {  	v4 =	vor.u32 v59, v51;
	_ =	sdelay $0x3  }
0x156: {  	v5 =	vld [tilespmem:$0x1FF20];
	[tilespmem:v62+s24+$0x0] =	vst.idx.msk $0xffff, v61  }
0x157: {  	v59 =	vor.u32 v59, v50;
	v4 =	vld.idx.msk [tilespmem:v4+s8+$0x0], $0xffff  }
0x158: {  	v62 =	vld [tilespmem:$0x1FF30];
	_ =	sdelay $0x2  }
0x159: {  	v6 =	vld [tilespmem:$0x1FF50]  }
0x15a: {  	v61 =	vor.u32 v49, v51;
	[tilespmem:v59+s24+$0x0] =	vst.idx.msk $0xffff, v4;
	v4 =	vld [tilespmem:$0x1FF70]  }
0x15b: {  	v62 =	vsel vm0, v62, v5;
	v5 =	vld [tilespmem:$0x1FF40];
	_ =	sdelay $0x3  }
0x15c: {  	v59 =	vld.idx.msk [tilespmem:v61+s8+$0x0], $0xffff;
	v4 =	vcombine.low v62, v4  }
0x15d: {  	v61 =	vor.u32 v49, v50;
	v5 =	vsel vm0, v6, v5;
	v6 =	vld [tilespmem:$0x1FF80]  }
0x15e: {  	v62 =	vor.u32 v4, v51;
	_ =	sdelay $0x3  }
0x15f: {  	[tilespmem:v61+s24+$0x0] =	vst.idx.msk $0xffff, v59;
	v5 =	vcombine.low v5, v6  }
0x160: {  	v4 =	vor.u32 v4, v50;
	v59 =	vld.idx.msk [tilespmem:v62+s8+$0x0], $0xffff  }
0x161: {  	v61 =	vor.u32 v5, v51;
	_ =	sdelay $0x2  }
0x162: {  	v6 =	vld [tilespmem:$0x1FFA0]  }
0x163: {  	[tilespmem:v4+s24+$0x0] =	vst.idx.msk $0xffff, v59;
	v4 =	vld [tilespmem:$0x1FFD0]  }
0x164: {  	v5 =	vor.u32 v5, v50;
	v59 =	vld.idx.msk [tilespmem:v61+s8+$0x0], $0xffff;
	_ =	sdelay $0x2  }
0x165: {  	v62 =	vsel vm0, v60, v6;
	v6 =	vld [tilespmem:$0x1FF90]  }
0x166: {  	v4 =	vcombine.low v62, v4;
	v62 =	vld [tilespmem:$0x1FF60]  }
0x167: {  	[tilespmem:v5+s24+$0x0] =	vst.idx.msk $0xffff, v59;
	v5 =	vld [tilespmem:$0x1FFE0]  }
0x168: {  	v61 =	vor.u32 v4, v51;
	_ =	sdelay $0x2  }
0x169: {  	v62 =	vsel vm0, v6, v62  }
0x16a: {  	v5 =	vcombine.low v62, v5  }
0x16b: {  	v4 =	vor.u32 v4, v50;
	v59 =	vld.idx.msk [tilespmem:v61+s8+$0x0], $0xffff  }
0x16c: {  	v61 =	vor.u32 v5, v51;
	_ =	sdelay $0x3  }
0x16d: {  	[tilespmem:v4+s24+$0x0] =	vst.idx.msk $0xffff, v59  }
0x16e: {  	v5 =	vor.u32 v5, v50;
	v4 =	vld.idx.msk [tilespmem:v61+s8+$0x0], $0xffff  }
0x16f: {  	v61 =	vor.u32 v52, v51;
	_ =	sdelay $0x3  }
0x170: {  	[tilespmem:v5+s24+$0x0] =	vst.idx.msk $0xffff, v4  }
0x171: {  	v5 =	vor.u32 v52, v50;
	v4 =	vld.idx.msk [tilespmem:v61+s8+$0x0], $0xffff;
	_ =	sdelay $0x4  }
0x172: {  	[tilespmem:v5+s24+$0x0] =	vst.idx.msk $0xffff, v4;
	v4 =	vld [tilespmem:$0x1FFF0]  }
0x173: {  	v62 =	vor.u32 v53, v51;
	_ =	sdelay $0x3  }
0x174: {  	v4 =	vcombine.low v63, v4  }
0x175: {  	v59 =	vor.u32 v53, v50;
	v5 =	vld.idx.msk [tilespmem:v62+s8+$0x0], $0xffff  }
0x176: {  	v61 =	vor.u32 v4, v51;
	_ =	sdelay $0x3  }
0x177: {  	[tilespmem:v59+s24+$0x0] =	vst.idx.msk $0xffff, v5  }
0x178: {  	v4 =	vor.u32 v4, v50;
	v5 =	vld.idx.msk [tilespmem:v61+s8+$0x0], $0xffff  }
0x179: {  	v61 =	vor.u32 v54, v51;
	_ =	sdelay $0x3  }
0x17a: {  	[tilespmem:v4+s24+$0x0] =	vst.idx.msk $0xffff, v5  }
0x17b: {  	v5 =	vor.u32 v54, v50;
	v4 =	vld.idx.msk [tilespmem:v61+s8+$0x0], $0xffff  }
0x17c: {  	v62 =	vor.u32 v55, v51;
	_ =	sdelay $0x3  }
0x17d: {  	[tilespmem:v5+s24+$0x0] =	vst.idx.msk $0xffff, v4  }
0x17e: {  	v5 =	vor.u32 v55, v50;
	v4 =	vld.idx.msk [tilespmem:v62+s8+$0x0], $0xffff  }
0x17f: {  	v63 =	vor.u32 v56, v51;
	_ =	sdelay $0x3  }
0x180: {  	[tilespmem:v5+s24+$0x0] =	vst.idx.msk $0xffff, v4  }
0x181: {  	v5 =	vor.u32 v56, v50;
	v4 =	vld.idx.msk [tilespmem:v63+s8+$0x0], $0xffff  }
0x182: {  	v51 =	vor.u32 v57, v51;
	_ =	sdelay $0x3  }
0x183: {  	[tilespmem:v5+s24+$0x0] =	vst.idx.msk $0xffff, v4  }
0x184: {  	p0 =	sne.s32 s30, $0x20;
	v5 =	vor.u32 v57, v50;
	v4 =	vld.idx.msk [tilespmem:v51+s8+$0x0], $0xffff  }
.Ltmp4:
0x185: {  	_ = 	snop;
	(pc) =	sbr.rel @!p0 .LBB2_7-.Ltmp4, $3  }
0x186: {  	_ =	sdelay $0x1  }
0x187: {  	s29 =	sadd.s32 $0x10, s29  }
0x188: {  	s28 =	sadd.s32 $0x10, s28;
	s31 =	smov.u32 s30;
	s26 =	sadd.s32 $0x10, s26;
	[tilespmem:v5+s24+$0x0] =	vst.idx.msk $0xffff, v4  }
.LBB2_4:
0x189: {  	p0 =	seq.s32 s31, $0x1F  }
.Ltmp5:
0x18a: {  	_ = 	snop;
	(pc) =	sbr.rel @p0 .LBB2_6-.Ltmp5, $2  }
0x18b: {  	_ =	sdelay $0x2  }
0x18c: {  	s30 =	sadd.s32 $0x1, s31  }
0x18d: {  	v50 =	vld [tilespmem:s28+$0x0];
	_ =	sdelay $0x4  }
0x18e: {  	v50 =	vshrl.u32 v50, $0x3  }
0x18f: {  	v50 =	vshll.u32 v50, $0x7  }
0x190: {  	(v2sf) =	vpush v50, $0x0;
	_ =	sdelay $0x3  }
0x191: {  	(v2sf) =	vpush v50, $0x1;
	_ =	sdelay $0x3  }
0x192: {  	(v2sf) =	vpush v50, $0x2;
	_ =	sdelay $0x3  }
0x193: {  	(v2sf) =	vpush v50, $0x3;
	_ =	sdelay $0x2  }
0x194: {  	s2 =	sand.u32 $0x1, s30;
	s9 =	spop (v2sf)  }
0x195: {  	s0 =	sshll.u32 s2, $0xE;
	(v2sf) =	vpush v50, $0x4;
	s9 =	sand.u32 $0x1FFFFF80, s9  }
0x196: {  	s2 =	sadd.s32 $0x1, s2;
	s10 =	sor.u32 $0x400, s0;
	s9 =	sadd.s32 s3, s9  }
0x197: {  	[tilespmem:s10], [sflag:s2] =	stream.linear.gather [hbm4b:s9+s1], $0x400, $0x38;
	[tilespmem:$0x10400] =	vst v63  }
0x198: {  	s10 =	spop (v2sf)  }
0x199: {  	(v2sf) =	vpush v50, $0x5;
	s9 =	sand.u32 $0x1FFFFF80, s10  }
0x19a: {  	s10 =	sor.u32 $0x800, s0;
	s9 =	sadd.s32 s3, s9  }
0x19b: {  	[tilespmem:s10], [sflag:s2] =	stream.linear.gather [hbm4b:s9+s1], $0x400, $0x38;
	[tilespmem:$0x10400] =	vst v63  }
0x19c: {  	s10 =	spop (v2sf)  }
0x19d: {  	(v2sf) =	vpush v50, $0x6;
	s9 =	sand.u32 $0x1FFFFF80, s10  }
0x19e: {  	s10 =	sor.u32 $0xC00, s0;
	s9 =	sadd.s32 s3, s9  }
0x19f: {  	[tilespmem:s10], [sflag:s2] =	stream.linear.gather [hbm4b:s9+s1], $0x400, $0x38;
	[tilespmem:$0x10400] =	vst v63  }
0x1a0: {  	s10 =	spop (v2sf)  }
0x1a1: {  	(v2sf) =	vpush v50, $0x7;
	s9 =	sand.u32 $0x1FFFFF80, s10  }
0x1a2: {  	s10 =	sor.u32 $0x1000, s0;
	s9 =	sadd.s32 s3, s9  }
0x1a3: {  	[tilespmem:s10], [sflag:s2] =	stream.linear.gather [hbm4b:s9+s1], $0x400, $0x38;
	[tilespmem:$0x10400] =	vst v63  }
0x1a4: {  	s10 =	spop (v2sf)  }
0x1a5: {  	(v2sf) =	vpush v50, $0x8;
	s9 =	sand.u32 $0x1FFFFF80, s10  }
0x1a6: {  	s10 =	sor.u32 $0x1400, s0;
	s9 =	sadd.s32 s3, s9  }
0x1a7: {  	[tilespmem:s10], [sflag:s2] =	stream.linear.gather [hbm4b:s9+s1], $0x400, $0x38;
	[tilespmem:$0x10400] =	vst v63  }
0x1a8: {  	s10 =	spop (v2sf)  }
0x1a9: {  	(v2sf) =	vpush v50, $0x9;
	s9 =	sand.u32 $0x1FFFFF80, s10  }
0x1aa: {  	s10 =	sor.u32 $0x1800, s0;
	s9 =	sadd.s32 s3, s9  }
0x1ab: {  	[tilespmem:s10], [sflag:s2] =	stream.linear.gather [hbm4b:s9+s1], $0x400, $0x38;
	[tilespmem:$0x10400] =	vst v63  }
0x1ac: {  	s10 =	spop (v2sf)  }
0x1ad: {  	(v2sf) =	vpush v50, $0xA;
	s9 =	sand.u32 $0x1FFFFF80, s10  }
0x1ae: {  	s10 =	sor.u32 $0x1C00, s0;
	s9 =	sadd.s32 s3, s9  }
0x1af: {  	[tilespmem:s10], [sflag:s2] =	stream.linear.gather [hbm4b:s9+s1], $0x400, $0x38;
	[tilespmem:$0x10400] =	vst v63  }
0x1b0: {  	s10 =	spop (v2sf)  }
0x1b1: {  	(v2sf) =	vpush v50, $0xB;
	s9 =	sand.u32 $0x1FFFFF80, s10  }
0x1b2: {  	s10 =	sor.u32 $0x2000, s0;
	s9 =	sadd.s32 s3, s9  }
0x1b3: {  	[tilespmem:s10], [sflag:s2] =	stream.linear.gather [hbm4b:s9+s1], $0x400, $0x38;
	[tilespmem:$0x10400] =	vst v63  }
0x1b4: {  	s10 =	spop (v2sf)  }
0x1b5: {  	(v2sf) =	vpush v50, $0xC;
	s9 =	sand.u32 $0x1FFFFF80, s10  }
0x1b6: {  	s10 =	sor.u32 $0x2400, s0;
	s9 =	sadd.s32 s3, s9  }
0x1b7: {  	[tilespmem:s10], [sflag:s2] =	stream.linear.gather [hbm4b:s9+s1], $0x400, $0x38;
	[tilespmem:$0x10400] =	vst v63  }
0x1b8: {  	s10 =	spop (v2sf)  }
0x1b9: {  	(v2sf) =	vpush v50, $0xD;
	s9 =	sand.u32 $0x1FFFFF80, s10  }
0x1ba: {  	s10 =	sor.u32 $0x2800, s0;
	s9 =	sadd.s32 s3, s9  }
0x1bb: {  	[tilespmem:s10], [sflag:s2] =	stream.linear.gather [hbm4b:s9+s1], $0x400, $0x38;
	[tilespmem:$0x10400] =	vst v63  }
0x1bc: {  	s10 =	spop (v2sf)  }
0x1bd: {  	(v2sf) =	vpush v50, $0xE;
	s9 =	sand.u32 $0x1FFFFF80, s10  }
0x1be: {  	s10 =	sor.u32 $0x2C00, s0;
	s9 =	sadd.s32 s3, s9  }
0x1bf: {  	[tilespmem:s10], [sflag:s2] =	stream.linear.gather [hbm4b:s9+s1], $0x400, $0x38;
	[tilespmem:$0x10400] =	vst v63  }
0x1c0: {  	s10 =	spop (v2sf)  }
0x1c1: {  	s9 =	sand.u32 $0x1FFFFF80, s10  }
0x1c2: {  	(v2sf) =	vpush v50, $0xF;
	s10 =	sor.u32 $0x3000, s0;
	s9 =	sadd.s32 s3, s9  }
0x1c3: {  	[tilespmem:s10], [sflag:s2] =	stream.linear.gather [hbm4b:s9+s1], $0x400, $0x38;
	[tilespmem:$0x10400] =	vst v63  }
0x1c4: {  	s10 =	spop (v2sf)  }
0x1c5: {  	s9 =	sand.u32 $0x1FFFFF80, s10  }
0x1c6: {  	s10 =	sor.u32 $0x3400, s0;
	s9 =	sadd.s32 s3, s9  }
0x1c7: {  	[tilespmem:s10], [sflag:s2] =	stream.linear.gather [hbm4b:s9+s1], $0x400, $0x38;
	[tilespmem:$0x10400] =	vst v63  }
0x1c8: {  	s10 =	spop (v2sf)  }
0x1c9: {  	s9 =	sand.u32 $0x1FFFFF80, s10  }
0x1ca: {  	s10 =	sor.u32 $0x3800, s0;
	s9 =	sadd.s32 s3, s9  }
0x1cb: {  	[tilespmem:s10], [sflag:s2] =	stream.linear.gather [hbm4b:s9+s1], $0x400, $0x38;
	[tilespmem:$0x10400] =	vst v63  }
0x1cc: {  	s10 =	spop (v2sf)  }
0x1cd: {  	s9 =	sand.u32 $0x1FFFFF80, s10  }
0x1ce: {  	s10 =	sor.u32 $0x3C00, s0;
	s9 =	sadd.s32 s3, s9  }
0x1cf: {  	[tilespmem:s10], [sflag:s2] =	stream.linear.gather [hbm4b:s9+s1], $0x400, $0x38;
	[tilespmem:$0x10400] =	vst v63  }
.Ltmp6:
0x1d0: {  	_ = 	snop;
	(pc) =	sbr.rel .LBB2_6-.Ltmp6, $4  }
0x1d1: {  	s10 =	spop (v2sf)  }
0x1d2: {  	s9 =	sand.u32 $0x1FFFFF80, s10  }
0x1d3: {  	s0 =	sadd.s32 $0x4000, s0;
	s9 =	sadd.s32 s3, s9  }
0x1d4: {  	[tilespmem:s0], [sflag:s2] =	stream.linear.gather [hbm4b:s9+s1], $0x400, $0x38;
	[tilespmem:$0x10400] =	vst v63  }
.LBB2_8:
0x1d5: {  	_ =	sfence.sel $0x180000  }
0x1d6: {  	[bflag:$0x0] =	sbarrier.arrive $0xFFFF  }
0x1d7: {  	_ =	strace $0x90000047  }
0x1d8: {  	s0 =	stileid.u32;
	[bflag:$0x2] =	sbarrier.arrive $0xFFFF  }
0x1d9: {  	p0 =	sne.s32 s0, $0x0;
	s0 =	rddreg [dreg:$0x2]  }
0x1da: {  	s0 =	sadd.s32 @!p0 $0x100000, s0  }
0x1db: {  	[sflag:s0] =	ssyncadd.tile.s32 @!p0 $0x1;
	_ =	shalt  }
.Lfunc_end2:
_tile_overlayer_lowered:
.L_overlay_start_2:
0x1dc: {  	(tag) =	ssettag $0x2  }
0x1dd: {  	s0 =	rddreg [dreg:$0x0];
	s2 =	stileid.u32  }
0x1de: {  	s1 =	rddreg [dreg:$0x1];
	p0 =	sne.s32 s2, $0x0  }
0x1df: {  	s3 =	rddreg [dreg:$0x2];
	[bflag:$0x3] =	sbarrier.arrive $0xFFFF;
	s2 =	simm.s32 @!p0 $0x1C03  }
0x1e0: {  	[timem:s3], [sflag:s2] =	dma.local @!p0 [hbm:s0], s1  }
0x1e1: {  	s0 =	simm.s32 @!p0 $0x3  }
0x1e2: {  	_ =	swait.ge @!p0 [sflag:s0], s1  }
0x1e3: {  	s1 =	ssub.s32 @!p0 $0x0, s1;
	[sflag:s0] =	ssyncset.done @!p0 $0x0  }
0x1e4: {  	[sflag:s0] =	ssyncadd.s32 @!p0 s1  }
0x1e5: {  	[bflag:$0x3] =	sbarrier.arrive $0xFFFF  }
0x1e6: {  	_ =	shalt  }

// kernel: kernel.7.cloned.1.call-start
scs
__scs_entry_jumppad:
0x0: {  	(pc) =	sbr.rel $0x88, $3  }
0x1: {  	(tag) =	ssettag $0x0;
	lr =	simm.s32 $0x1  }
0x2: {  	[smem:$0x3F9D] =	sst lr;
	_ =	strace $0xD0000000  }
0x3: {  	_ = 	snop  }
0x4: {  	_ = 	snop  }
0x5: {  	_ = 	snop  }
0x6: {  	_ = 	snop  }
0x7: {  	_ = 	snop  }
__scs_overlays_trampoline_lowered:
0x8: {  	[smem:$0x3FAC] =	sst s0  }
0x9: {  	[smem:$0x3FAD] =	sst s1  }
0xa: {  	[smem:$0x3FAE] =	sst s2  }
0xb: {  	[smem:$0x3FAF] =	sst s3  }
0xc: {  	[smem:$0x3FB0] =	sst s4  }
0xd: {  	[smem:$0x3FB1] =	sst s5  }
0xe: {  	[smem:$0x3FB2] =	sst s6  }
0xf: {  	[smem:$0x3FB3] =	sst s7  }
0x10: {  	[smem:$0x3FB4] =	sst s8  }
0x11: {  	[smem:$0x3FB5] =	sst s9;
	s0 =	simm.s32 @!p0 $0x0  }
0x12: {  	s1 =	sld [smem:$0x3F9B];
	s0 =	simm.s32 @p0 $0x1  }
0x13: {  	[smem:$0x3FB6] =	sst s0;
	s0 =	simm.s32 @!p1 $0x0  }
0x14: {  	s2 =	sld [smem:$0x3F9A];
	s0 =	simm.s32 @p1 $0x1  }
0x15: {  	[smem:$0x3FB7] =	sst s0;
	s0 =	simm.s32 @!p2 $0x0  }
0x16: {  	s3 =	sld [smem:$0x3FDB];
	s0 =	simm.s32 @p2 $0x1  }
0x17: {  	s4 =	simm.s32 $0x1BF5;
	[smem:$0x3FB9] =	sst s0  }
0x18: {  	s0 =	sld [smem:$0x3F9C];
	_ =	swait.ge [sflag:s4], $0x0  }
0x19: {  	s7 =	sld [smem:$0x3F9D]  }
0x1a: {  	s8 =	sadd.s32 $0xFFFFE003, lr  }
0x1b: {  	s9 =	sadd.s32 $0xFFFFFEF7, lr;
	s5 =	simm.s32 $0xFFFFFFFF;
	p2 =	slt.u32 s8, $0xFFFFF086  }
0x1c: {  	p1 =	slt.u32 s9, $0xF7A;
	s5 =	simm.s32 @!p2 $0x0  }
0x1d: {  	s5 =	simm.s32 @p1 $0x1;
	p0 =	seq.s32 s7, s2  }
0x1e: {  	s7 =	smul.u32 @!p0 $0xF7A, s2;
	p2 =	seq.s32 @!p0 s5, $0x0  }
0x1f: {  	s9 =	smul.u32 $0xF7A, s1;
	s8 =	simm.s32 @!p0 $0x1BF5;
	p2 =	por !p2, p0  }
0x20: {  	[sflag:s8] =	ssyncset.s32 @!p0 $0xFFFFF086;
	s6 =	sadd.s32 @!p0 s3, s7;
	s7 =	simm.s32 @!p0 $0x108  }
0x21: {  	s3 =	sadd.s32 s3, s9;
	s6 =	sadd.s32 @!p0 $0x88, s6;
	s7 =	simm.s32 @p2 $0x1082  }
0x22: {  	[simem:s7], [sflag:s8] =	dma.local @!p0 [hbm:s6], $0xF7A  }
0x23: {  	s9 =	sor.u32 $0xD0000000, s2;
	s6 =	simm.s32 $0x108;
	_ =	swait.ge @!p0 [sflag:s8], $0x0  }
0x24: {  	s3 =	sadd.s32 $0x88, s3;
	s6 =	simm.s32 @!p1 $0x1082;
	[sflag:s4] =	ssyncset.s32 $0xFFFFF086  }
0x25: {  	[simem:s6], [sflag:s4] =	dma.local [hbm:s3], $0xF7A  }
0x26: {  	[smem:$0x3F9D] =	sst s1;
	(tag) =	ssettag s2;
	_ =	strace s9  }
0x27: {  	s1 =	sld [smem:$0x3FAD]  }
0x28: {  	s2 =	sld [smem:$0x3FAE]  }
0x29: {  	s4 =	sld [smem:$0x3FB0]  }
0x2a: {  	p0 =	seq.s32 s5, $0x0;
	s5 =	sld [smem:$0x3FB1]  }
0x2b: {  	s6 =	sld [smem:$0x3FB2]  }
0x2c: {  	s7 =	sld [smem:$0x3FB3]  }
0x2d: {  	s3 =	simm.s32 $0x108;
	s8 =	sld [smem:$0x3FB4]  }
0x2e: {  	s3 =	simm.s32 @!p0 $0x1082;
	s9 =	sld [smem:$0x3FB5]  }
0x2f: {  	lr =	sadd.s32 s0, s3;
	s0 =	sld [smem:$0x3FAC]  }
0x30: {  	s3 =	sld [smem:$0x3FAF]  }
0x31: {  	[smem:$0x3FB8] =	sst s10  }
0x32: {  	s10 =	sld [smem:$0x3FB6];
	_ =	sdelay $0x3  }
0x33: {  	p0 =	seq.s32 s10, $0x1;
	s10 =	sld [smem:$0x3FB8];
	_ =	sdelay $0x3  }
0x34: {  	[smem:$0x3FB8] =	sst s10  }
0x35: {  	s10 =	sld [smem:$0x3FB7];
	_ =	sdelay $0x3  }
0x36: {  	p1 =	seq.s32 s10, $0x1;
	s10 =	sld [smem:$0x3FB8];
	_ =	sdelay $0x3  }
0x37: {  	[smem:$0x3FB8] =	sst s10  }
0x38: {  	s10 =	sld [smem:$0x3FB9]  }
0x39: {  	_ = 	snop;
	(pc) =	sbr.ind lr, $3  }
0x3a: {  	_ = 	snop  }
0x3b: {  	_ = 	snop  }
0x3c: {  	p2 =	seq.s32 s10, $0x1;
	s10 =	sld [smem:$0x3FB8]  }
0x3d: {  	_ =	shalt  }
0x3e: {  	_ =	shalt  }
0x3f: {  	_ =	shalt  }
0x40: {  	_ =	shalt  }
0x41: {  	_ =	shalt  }
0x42: {  	_ =	shalt  }
0x43: {  	_ =	shalt  }
0x44: {  	_ =	shalt  }
0x45: {  	_ =	shalt  }
0x46: {  	_ =	shalt  }
0x47: {  	_ =	shalt  }
0x48: {  	_ =	shalt  }
0x49: {  	_ =	shalt  }
0x4a: {  	_ =	shalt  }
0x4b: {  	_ =	shalt  }
0x4c: {  	_ =	shalt  }
0x4d: {  	_ =	shalt  }
0x4e: {  	_ =	shalt  }
0x4f: {  	_ =	shalt  }
0x50: {  	_ =	shalt  }
0x51: {  	_ =	shalt  }
0x52: {  	_ =	shalt  }
0x53: {  	_ =	shalt  }
0x54: {  	_ =	shalt  }
0x55: {  	_ =	shalt  }
0x56: {  	_ =	shalt  }
0x57: {  	_ =	shalt  }
0x58: {  	_ =	shalt  }
0x59: {  	_ =	shalt  }
0x5a: {  	_ =	shalt  }
0x5b: {  	_ =	shalt  }
0x5c: {  	_ =	shalt  }
0x5d: {  	_ =	shalt  }
0x5e: {  	_ =	shalt  }
0x5f: {  	_ =	shalt  }
0x60: {  	_ =	shalt  }
0x61: {  	_ =	shalt  }
0x62: {  	_ =	shalt  }
0x63: {  	_ =	shalt  }
0x64: {  	_ =	shalt  }
0x65: {  	_ =	shalt  }
0x66: {  	_ =	shalt  }
0x67: {  	_ =	shalt  }
0x68: {  	_ =	shalt  }
0x69: {  	_ =	shalt  }
0x6a: {  	_ =	shalt  }
0x6b: {  	_ =	shalt  }
0x6c: {  	_ =	shalt  }
0x6d: {  	_ =	shalt  }
0x6e: {  	_ =	shalt  }
0x6f: {  	_ =	shalt  }
0x70: {  	_ =	shalt  }
0x71: {  	_ =	shalt  }
0x72: {  	_ =	shalt  }
0x73: {  	_ =	shalt  }
0x74: {  	_ =	shalt  }
0x75: {  	_ =	shalt  }
0x76: {  	_ =	shalt  }
0x77: {  	_ =	shalt  }
0x78: {  	_ =	shalt  }
0x79: {  	_ =	shalt  }
0x7a: {  	_ =	shalt  }
0x7b: {  	_ =	shalt  }
0x7c: {  	_ =	shalt  }
0x7d: {  	_ =	shalt  }
0x7e: {  	_ =	shalt  }
0x7f: {  	_ =	shalt  }
0x80: {  	_ =	shalt  }
0x81: {  	_ =	shalt  }
0x82: {  	_ =	shalt  }
0x83: {  	_ =	shalt  }
0x84: {  	_ =	shalt  }
0x85: {  	_ =	shalt  }
0x86: {  	_ =	shalt  }
0x87: {  	_ =	shalt  }
.Lfunc_end0:
.L_simem_size_0:
called_computation.1_lowered:
.L_overlay_start_0:
0x88: {  	s2 =	sld [smem:$0x3FD9]  }
0x89: {  	s3 =	sld [smem:$0x3FFE];
	_ =	sdelay $0x1  }
0x8a: {  	s1 =	srdreg.scid  }
0x8b: {  	s0 =	sand.u32 $0x1, s1  }
0x8c: {  	s17 =	sshll.u32 s0, $0xA;
	s2 =	sadd.s32 s3, s2  }
0x8d: {  	s2 =	sadd.s32 s2, s17  }
0x8e: {  	[smem:$0x3FC4] =	sst s2  }
0x8f: {  	_ = 	snop  }
0x90: {  	s2 =	sld [smem:$0x3FC8]  }
0x91: {  	s18 =	sld [smem:$0x3FD0];
	(tm) =	ssettm $0x1  }
0x92: {  	s4 =	sld [smem:$0x3FFB];
	_ =	sdelay $0x3  }
0x93: {  	_ =	strace s4  }
0x94: {  	s4 =	sld [smem:$0x3FFC];
	_ =	sdelay $0x3  }
0x95: {  	_ =	strace s4  }
0x96: {  	s4 =	sld [smem:$0x3FFD];
	_ =	sdelay $0x3  }
0x97: {  	_ =	strace s4  }
0x98: {  	_ =	strace $0x8FFFFFFF  }
0x99: {  	s19 =	sld [smem:$0x3FDB];
	_ =	sdelay $0x1  }
0x9a: {  	s5 =	simm.s32 $_scs_section_size  }
0x9b: {  	s6 =	simm.s32 $_size__tile_overlayer_lowered;
	s7 =	simm.s32 $_tile_overlayer_lowered  }
0x9c: {  	s22 =	simm.s32 $0x1BFF;
	s21 =	sshll.u32 s7, $0x1;
	s4 =	sadd.s32 s5, s19  }
0x9d: {  	s8 =	simm.s32 $0x0;
	s20 =	sshll.u32 s6, $0x1;
	s6 =	sadd.s32 s21, s4  }
0x9e: {  	[timem:s8], [sflag:s22] =	dma.local [hbm:s6], s20  }
0x9f: {  	_ =	swait.ge [sflag:s22], s20  }
0xa0: {  	s5 =	ssub.s32 $0x0, s20;
	[sflag:s22] =	ssyncset.done $0x0  }
0xa1: {  	[sflag:s22] =	ssyncadd.s32 s5;
	_ =	sdelay $0x1  }
0xa2: {  	s23 =	simm.s32 $0x1B8B  }
0xa3: {  	_ =	swait.ge [sflag:s23], $0x1  }
0xa4: {  	[sflag:s23] =	ssyncset.done $0x0  }
0xa5: {  	s25 =	simm.s32 $0x1B8E;
	s24 =	sld [smem:$0x3FFE];
	[sflag:s23] =	ssyncadd.s32 $0xFFFFFFFF  }
0xa6: {  	s26 =	simm.s32 $execute0_lowered;
	[smem:$0x3FD2] =	sst s25  }
0xa7: {  	s6 =	sshll.u32 s26, $0x1;
	_ =	strace $0x80000049;
	[dreg:$0x1] =	wrdreg $0xFFFFFFFF  }
0xa8: {  	s28 =	simm.s32 $_size_execute0_lowered;
	s4 =	sadd.s32 s4, s6;
	[dreg:$0x0] =	wrdreg $0x0  }
0xa9: {  	s6 =	sshll.u32 s28, $0x1;
	[dreg:$0x2] =	wrdreg s4  }
0xaa: {  	[dreg:$0x3] =	wrdreg s6  }
0xab: {  	[dreg:$0x4] =	wrdreg $0xC0  }
0xac: {  	_ =	task [dreg:s8], $0x5FFFF  }
0xad: {  	[dreg:$0x1] =	wrdreg $0xFFFFFFFF  }
0xae: {  	[dreg:$0x0] =	wrdreg $0x60  }
0xaf: {  	[dreg:$0x2] =	wrdreg s2  }
0xb0: {  	[dreg:$0x3] =	wrdreg s24  }
0xb1: {  	[dreg:$0x4] =	wrdreg s18  }
0xb2: {  	[dreg:$0x5] =	wrdreg $0x9  }
0xb3: {  	_ =	task.clear_ibuf [dreg:s8], $0x6FFFF;
	_ =	strace $0x90000049  }
0xb4: {  	s29 =	simm.s32 $0x9;
	_ =	strace $0x8000004B  }
0xb5: {  	_ =	swait.ge [sflag:s29], $0x1  }
0xb6: {  	[sflag:s29] =	ssyncadd.s32 $0xFFFFFFFF  }
0xb7: {  	_ =	strace $0x9000004B  }
0xb8: {  	_ =	sfence  }
0xb9: {  	s30 =	sld [smem:$0x0];
	_ =	sdelay $0x2  }
0xba: {  	s31 =	sshll.u32 s1, $0xD;
	s1 =	sshrl.u32 s1, $0x2  }
0xbb: {  	s3 =	sand.u32 $0x4000, s31;
	s1 =	sadd.s32 s1, s30  }
0xbc: {  	s0 =	sor.u32 s3, s0;
	s1 =	sshll.u32 s1, $0x11  }
0xbd: {  	s0 =	sor.u32 s1, s0  }
0xbe: {  	s0 =	sadd.s32 $0x8F2B, s0  }
0xbf: {  	[sflag:s0] =	ssyncadd.remote.s32 $0x1  }
0xc0: {  	_ =	sfence.sel $0xFFFF  }
0xc1: {  	[dreg:$0x0] =	wrdreg $0xFFFFFFFF;
	(pc) =	sbr.abs _section_cstart, $3  }
0xc2: {  	[dreg:$0x1] =	wrdreg $0xFFFFFFFF  }
0xc3: {  	_ =	task.clear_ibuf [dreg:s8], $0x2FFFF;
	_ =	strace $0x9FFFFFFF  }
0xc4: {  	(tm) =	ssettm $0x7FFFFFFF  }
0xc5: {  	_ =	shalt  }
tec
execute0_lowered:
.L_overlay_start_1:
0x0: {  	(tag) =	ssettag $0x1  }
0x1: {  	v4 =	vlaneseq.u32;
	v1 =	vimm.s32 $0x38373635  }
0x2: {  	v2 =	vimm.s32 $0x3C3B3A39;
	v3 =	vimm.s32 $0x3F3E3D;
	vm0 =	vcmask $0x1F10  }
0x3: {  	v36 =	vimm.s32 $0x39383736;
	v37 =	vimm.s32 $0x3D3C3B3A;
	v39 =	vimm.s32 $0x1003F3E  }
0x4: {  	v59 =	vimm.s32 $0x36353433;
	v60 =	vimm.s32 $0x3020100;
	v61 =	vimm.s32 $0x3A393837  }
0x5: {  	v40 =	vimm.s32 $0x201003F;
	v45 =	vimm.s32 $0x3F3E3D3C;
	v46 =	vimm.s32 $0x37363534  }
0x6: {  	v47 =	vimm.s32 $0x3B3A3938;
	v13 =	vimm.s32 $0x4030201;
	v48 =	vimm.s32 $0x87654321  }
0x7: {  	v50 =	vimm.s32 $0x98765432;
	v51 =	vimm.s32 $0x32107654;
	v55 =	vimm.s32 $0x6050403  }
0x8: {  	v56 =	vimm.s32 $0x43218765;
	vm1 =	vcmask $0x2F10;
	v0 =	vmul.u32 $0x400, v4  }
0x9: {  	vm2 =	vcmask $0x3F30;
	v17 =	vadd.s32 $0xE, v4;
	v18 =	vadd.s32 $0xF, v4  }
0xa: {  	v19 =	vor.u32 $0x10, v4;
	v20 =	vadd.s32 $0x11, v4;
	[tilespmem:$0x1FE20] =	vst v0;
	v0 =	vmul.u32 $0x401, v4  }
0xb: {  	v21 =	vadd.s32 $0x12, v4;
	v22 =	vadd.s32 $0x13, v4;
	v23 =	vadd.s32 $0x14, v4  }
0xc: {  	v24 =	vadd.s32 $0x15, v4;
	v25 =	vadd.s32 $0x16, v4;
	[tilespmem:$0x1FE30] =	vst v0;
	v0 =	vmul.u32 $0x40, v4  }
0xd: {  	v26 =	vadd.s32 $0x17, v4;
	v27 =	vadd.s32 $0x18, v4;
	v28 =	vadd.s32 $0x19, v4  }
0xe: {  	v29 =	vadd.s32 $0x1A, v4;
	v30 =	vadd.s32 $0x1B, v4;
	[tilespmem:$0x1FE40] =	vst v0;
	v0 =	vadd.s32 $0x1, v4  }
0xf: {  	v31 =	vadd.s32 $0x1C, v4;
	v32 =	vadd.s32 $0x1D, v4;
	[tilespmem:$0x1FE50] =	vst v0;
	v0 =	vadd.s32 $0x2, v4  }
0x10: {  	v33 =	vadd.s32 $0x1E, v4;
	v34 =	vadd.s32 $0x1F, v4;
	[tilespmem:$0x1FE60] =	vst v0;
	v0 =	vadd.s32 $0x3, v4  }
0x11: {  	v35 =	vor.u32 $0x20, v4;
	v5 =	vunpack.c.0.s8.s32 v1;
	[tilespmem:$0x1FE70] =	vst v0;
	v0 =	vadd.s32 $0x4, v4  }
0x12: {  	v6 =	vunpack.c.0.s8.s32 v2;
	v1 =	vunpack.c.0.s8.s32 v3;
	[tilespmem:$0x1FE80] =	vst v0;
	v0 =	vadd.s32 $0x5, v4  }
0x13: {  	v38 =	vadd.s32 $0x21, v4;
	v2 =	vimm.s32 $0x35343332;
	[tilespmem:$0x1FE90] =	vst v0;
	v0 =	vadd.s32 $0x6, v4  }
0x14: {  	v58 =	vunpack.c.0.s8.s32 v37;
	v41 =	vadd.s32 $0x22, v4;
	[tilespmem:$0x1FEA0] =	vst v0;
	v0 =	vadd.s32 $0x7, v4  }
0x15: {  	v42 =	vadd.s32 $0x23, v4;
	v37 =	vunpack.c.0.s8.s32 v60;
	[tilespmem:$0x1FEB0] =	vst v0;
	v0 =	vadd.s32 $0x8, v4  }
0x16: {  	v62 =	vunpack.c.0.s8.s32 v46;
	v63 =	vunpack.c.0.s8.s32 v47;
	[tilespmem:$0x1FEC0] =	vst v0;
	v0 =	vadd.s32 $0x9, v4  }
0x17: {  	v7 =	vunpack.c.0.s8.s32 v61;
	v8 =	vunpack.c.0.s8.s32 v40;
	[tilespmem:$0x1FED0] =	vst v0;
	v0 =	vadd.s32 $0xA, v4  }
0x18: {  	v14 =	vunpack.c.0.s8.s32 v13;
	v47 =	vimm.s32 $0x5040302;
	[tilespmem:$0x1FEE0] =	vst v0;
	v0 =	vadd.s32 $0xB, v4  }
0x19: {  	v46 =	vunpack.c.l.s4.s8 v50;
	v54 =	vunpack.c.l.s4.s8 v51;
	[tilespmem:$0x1FEF0] =	vst v0;
	v0 =	vadd.s32 $0xC, v4  }
0x1a: {  	v61 =	vimm.s32 $0x6543A987;
	v2 =	vunpack.c.0.s8.s32 v2;
	[tilespmem:$0x1FF00] =	vst v0;
	v0 =	vadd.s32 $0xD, v4  }
0x1b: {  	v40 =	vunpack.c.0.s8.s32 v47;
	v47 =	vunpack.c.l.s4.s8 v56;
	[tilespmem:$0x1FF10] =	vst v0;
	v0 =	vimm.s32 $0x34333231  }
0x1c: {  	v3 =	vsel vm0, v1, v6;
	v12 =	vsel vm0, v63, v62;
	v0 =	vunpack.c.0.s8.s32 v0  }
0x1d: {  	[tilespmem:$0x1FF60] =	vst v63;
	v52 =	vsel vm0, v14, v1;
	v46 =	vunpack.c.0.s8.s32 v46;
	v63 =	vimm.s32 $0xE0D0C0B  }
0x1e: {  	[tilespmem:$0x1FF20] =	vst v5;
	v57 =	vunpack.c.0.s8.s32 v47;
	v0 =	vsel vm0, v5, v0;
	v5 =	vunpack.c.0.s8.s32 v36  }
0x1f: {  	v47 =	vadd.s32 $0x2F, v4;
	v46 =	vand.u32 $0xF, v46;
	v36 =	vunpack.c.0.s8.s32 v39  }
0x20: {  	v39 =	vimm.s32 $0x3E3D3C3B;
	v43 =	vcombine.low v0, v3;
	v0 =	vsel vm0, v5, v2  }
0x21: {  	[tilespmem:$0x1FF40] =	vst v5;
	v2 =	vsel vm0, v36, v58;
	v5 =	vunpack.c.0.s8.s32 v45;
	v45 =	vunpack.c.l.s4.s8 v48  }
0x22: {  	[tilespmem:$0x1FF50] =	vst v58;
	v53 =	vsel vm0, v40, v36;
	v40 =	vunpack.c.0.s8.s32 v55;
	v58 =	vimm.s32 $0x54329876  }
0x23: {  	v48 =	vor.u32 $0x30, v4;
	v44 =	vcombine.low v0, v2;
	v0 =	vunpack.c.0.s8.s32 v59  }
0x24: {  	[tilespmem:$0x1FF80] =	vst v53;
	v53 =	vcombine.low v2, v46;
	v59 =	vimm.s32 $0xC0B0A09;
	v46 =	vunpack.c.l.s4.s8 v61  }
0x25: {  	s0 =	rddreg [dreg:$0x0];
	v37 =	vsel vm0, v37, v5;
	v45 =	vunpack.c.0.s8.s32 v45;
	v60 =	vunpack.c.0.s8.s32 v59  }
0x26: {  	s2 =	rddreg [dreg:$0x1];
	[tilespmem:$0x1FF30] =	vst v6;
	v49 =	vcombine.low v12, v37;
	v37 =	vunpack.c.0.s8.s32 v54;
	v62 =	vunpack.c.0.s8.s32 v46  }
0x27: {  	s6 =	rddreg [dreg:$0x2];
	s1 =	simm.s32 $0x0;
	[tilespmem:$0x1FF70] =	vst v52;
	v0 =	vsel vm0, v7, v0;
	v46 =	vadd.s32 $0x2E, v4;
	v45 =	vand.u32 $0xF, v45  }
0x28: {  	[smem:$0x7FF] =	sst s1;
	[tilespmem:$0x1FF90] =	vst v5;
	v52 =	vcombine.low v3, v45;
	v3 =	vimm.s32 $0xB0A0908;
	v45 =	vunpack.c.l.s4.s8 v58  }
0x29: {  	s3 =	srdreg.scid;
	s5 =	stileid.u32;
	_ =	strace $0x8000004A;
	[tilespmem:$0x1FFB0] =	vst v0;
	v0 =	vsel vm0, v40, v8;
	v2 =	vand.u32 $0xF, v37;
	v3 =	vunpack.c.0.s8.s32 v3  }
0x2a: {  	s11 =	simm.s32 $0x400;
	s15 =	simm.s32 $0x1400;
	s16 =	simm.s32 $0x1800;
	v37 =	vand.u32 $0xF, v57;
	v2 =	vsel vm1, v2, v5;
	v45 =	vunpack.c.0.s8.s32 v45  }
0x2b: {  	s17 =	simm.s32 $0x1C00;
	s18 =	simm.s32 $0x2000;
	s19 =	simm.s32 $0x2400;
	v1 =	vsel vm1, v37, v1;
	v54 =	vsel vm2, v3, v2;
	v3 =	vimm.s32 $0xD0C0B0A  }
0x2c: {  	s20 =	simm.s32 $0x2800;
	s21 =	simm.s32 $0x2C00;
	s22 =	simm.s32 $0x3000;
	v55 =	vsel vm2, v60, v1;
	v1 =	vand.u32 $0xF, v45;
	v3 =	vunpack.c.0.s8.s32 v3  }
0x2d: {  	s23 =	simm.s32 $0x3400;
	s24 =	simm.s32 $0x3800;
	s25 =	simm.s32 $0x3C00;
	v40 =	vadd.s32 $0x2C, v4;
	v58 =	vadd.s32 $0x24, v4;
	v1 =	vsel vm1, v1, v36  }
0x2e: {  	s10 =	simm.s32 $0x3;
	s26 =	simm.s32 $0x4000;
	s28 =	simm.s32 $0x10400;
	v2 =	vimm.s32 $0xA9876543;
	v56 =	vsel vm2, v3, v1;
	v1 =	vimm.s32 $0x76543210  }
0x2f: {  	s29 =	simm.s32 $0x0;
	s4 =	sand.u32 $0x1, s3;
	s5 =	sshll.u32 s5, $0x1;
	v37 =	vand.u32 $0xF, v62;
	v2 =	vunpack.c.l.s4.s8 v2;
	v1 =	vunpack.c.l.s4.s8 v1  }
.Ltmp0:
0x30: {  	s5 =	sor.u32 s4, s5;
	s4 =	ssub.s32 $0x2, s4;
	[tilespmem:$0x1FFA0] =	vst v7;
	v60 =	vunpack.c.0.s8.s32 v39;
	v39 =	vadd.s32 $0x2B, v4;
	v36 =	vunpack.c.0.s8.s32 v63;
	(pc) =	sbr.rel .LBB2_1-.Ltmp0, $4  }
0x31: {  	s3 =	sadd.s32 $0xF62C00, s2;
	s7 =	sshll.u32 s5, $0xC;
	s8 =	sshrl.u32 s4, $0x1;
	[tilespmem:$0x1FFD0] =	vst v0;
	v3 =	vsel vm1, v37, v8;
	v2 =	vunpack.c.0.s8.s32 v2;
	v0 =	vunpack.c.0.s8.s32 v1  }
0x32: {  	s9 =	sshll.u32 s5, $0x6;
	s2 =	sadd.s32 s7, s2;
	s31 =	ssub.s32 s4, s8;
	[tilespmem:$0x1FFC0] =	vst v8;
	v45 =	vadd.s32 $0x2D, v4;
	v37 =	vadd.s32 $0x2A, v4;
	v57 =	vsel vm2, v36, v3  }
0x33: {  	s4 =	sadd.s32 s0, s9;
	s6 =	sadd.s32 s6, s9;
	s9 =	simm.s32 $0x8400;
	v3 =	vadd.s32 $0x28, v4;
	v36 =	vadd.s32 $0x29, v4;
	[tilespmem:$0x1FFE0] =	vst v0;
	v0 =	vand.u32 $0xF, v2  }
0x34: {  	s8 =	simm.s32 $0x4;
	s5 =	sadd.s32 $0xF42C00, s2;
	s7 =	smax.u32 s31, $0x1;
	v1 =	vadd.s32 $0x26, v4;
	v2 =	vadd.s32 $0x27, v4;
	[tilespmem:$0x1FFF0] =	vst v0;
	v0 =	vadd.s32 $0x25, v4  }
.LBB2_7:
0x35: {  	s29 =	sadd.s32 $0x1, s29  }
0x36: {  	p0 =	sne.s32 s29, s7  }
.Ltmp1:
0x37: {  	_ = 	snop;
	(pc) =	sbr.rel @!p0 .LBB2_8-.Ltmp1, $4  }
0x38: {  	[hbm4b:s6+s1] =	stream.linear.scatter [tilespmem:s28], [sflag:$0x4], $0x200, $0x38;
	[tilespmem:$0x10600] =	vst v63  }
0x39: {  	_ =	swait.ge [sflag:s8], $0x200  }
0x3a: {  	[sflag:s8] =	ssyncset.done $0x0  }
0x3b: {  	[sflag:s8] =	ssyncadd.s32 $0xFFFFFE00  }
.LBB2_1:
0x3c: {  	[tilespmem:s1], [sflag:$0x4] =	stream.linear.gather [hbm4b:s4+s1], $0x200, $0x38;
	[tilespmem:$0x10600] =	vst v63  }
0x3d: {  	_ =	swait.ge [sflag:s8], $0x200  }
0x3e: {  	[sflag:s8] =	ssyncset.done $0x0  }
0x3f: {  	s0 =	simm.s32 $0x0;
	[sflag:s8] =	ssyncadd.s32 $0xFFFFFE00  }
0x40: {  	[tilespmem:s9], [sflag:$0x3] =	stream.linear.gather [hbm4b:s5+s1], $0x8000, $0x38;
	[tilespmem:$0x10600] =	vst v63  }
0x41: {  	s2 =	simm.s32 $0x40;
	v50 =	vld [tilespmem:s0+$0x0]  }
.LBB2_2:
0x42: {  	p0 =	sne.s32 s2, $0x7C0  }
.Ltmp2:
0x43: {  	_ = 	snop;
	(pc) =	sbr.rel @p0 .LBB2_2-.Ltmp2, $3  }
0x44: {  	_ =	sdelay $0x1  }
0x45: {  	s12 =	sshra.s32 s2, $0x2;
	s2 =	sadd.s32 $0x40, s2;
	v51 =	vand.u32 $0x7, v50  }
0x46: {  	v50 =	vld [tilespmem:s12+$0x0];
	[tilespmem:s0+$0x200] =	vst v51;
	s0 =	smov.u32 s12  }
0x47: {  	_ =	sdelay $0x3  }
0x48: {  	v50 =	vand.u32 $0x7, v50  }
0x49: {  	[tilespmem:s0+$0x200] =	vst v50  }
0x4a: {  	_ =	swait.ge [sflag:s10], $0x8000  }
0x4b: {  	[sflag:s10] =	ssyncset.done $0x0  }
0x4c: {  	[sflag:s10] =	ssyncadd.s32 $0xFFFF8000  }
0x4d: {  	v63 =	vld [tilespmem:$0x0];
	_ =	sdelay $0x4  }
0x4e: {  	v50 =	vshrl.u32 v63, $0x3  }
0x4f: {  	v50 =	vshll.u32 v50, $0x7  }
0x50: {  	(v2sf) =	vpush v50, $0x0  }
0x51: {  	(v2sf) =	vpush v50, $0x1;
	_ =	sdelay $0x6  }
0x52: {  	(v2sf) =	vpush v50, $0x2  }
0x53: {  	(v2sf) =	vpush v50, $0x3;
	_ =	sdelay $0x5  }
0x54: {  	s13 =	spop (v2sf);
	(v2sf) =	vpush v50, $0x4  }
0x55: {  	s14 =	spop (v2sf);
	(v2sf) =	vpush v50, $0x5  }
0x56: {  	s0 =	sand.u32 $0x1FFFFF80, s13  }
0x57: {  	s30 =	simm.s32 $0x0;
	s0 =	sadd.s32 s3, s0  }
0x58: {  	[tilespmem:s11], [sflag:$0x1] =	stream.linear.gather [hbm4b:s0+s30], $0x400, $0x38;
	[tilespmem:$0x10600] =	vst v63  }
0x59: {  	s0 =	sand.u32 $0x1FFFFF80, s14  }
0x5a: {  	s2 =	simm.s32 $0x800;
	s0 =	sadd.s32 s3, s0  }
0x5b: {  	(v2sf) =	vpush v50, $0x6;
	[tilespmem:s2], [sflag:$0x1] =	stream.linear.gather [hbm4b:s0+s30], $0x400, $0x38;
	[tilespmem:$0x10600] =	vst v63  }
0x5c: {  	s2 =	spop (v2sf)  }
0x5d: {  	s13 =	spop (v2sf);
	(v2sf) =	vpush v50, $0x7;
	_ =	sdelay $0x2  }
0x5e: {  	s0 =	sand.u32 $0x1FFFFF80, s2  }
0x5f: {  	s12 =	simm.s32 $0xC00;
	s0 =	sadd.s32 s3, s0  }
0x60: {  	[tilespmem:s12], [sflag:$0x1] =	stream.linear.gather [hbm4b:s0+s30], $0x400, $0x38;
	[tilespmem:$0x10600] =	vst v63  }
0x61: {  	s0 =	sand.u32 $0x1FFFFF80, s13;
	s2 =	spop (v2sf);
	(v2sf) =	vpush v50, $0x8  }
0x62: {  	s14 =	simm.s32 $0x1000;
	s0 =	sadd.s32 s3, s0;
	s12 =	spop (v2sf);
	(v2sf) =	vpush v50, $0x9  }
0x63: {  	[tilespmem:s14], [sflag:$0x1] =	stream.linear.gather [hbm4b:s0+s30], $0x400, $0x38;
	[tilespmem:$0x10600] =	vst v63  }
0x64: {  	s0 =	sand.u32 $0x1FFFFF80, s2  }
0x65: {  	s0 =	sadd.s32 s3, s0  }
0x66: {  	[tilespmem:s15], [sflag:$0x1] =	stream.linear.gather [hbm4b:s0+s30], $0x400, $0x38;
	[tilespmem:$0x10600] =	vst v63  }
0x67: {  	(v2sf) =	vpush v50, $0xA;
	s0 =	sand.u32 $0x1FFFFF80, s12  }
0x68: {  	s13 =	spop (v2sf);
	s0 =	sadd.s32 s3, s0  }
0x69: {  	(v2sf) =	vpush v50, $0xB;
	[tilespmem:s16], [sflag:$0x1] =	stream.linear.gather [hbm4b:s0+s30], $0x400, $0x38;
	[tilespmem:$0x10600] =	vst v63  }
0x6a: {  	s0 =	sand.u32 $0x1FFFFF80, s13;
	s14 =	spop (v2sf);
	(v2sf) =	vpush v50, $0xC  }
0x6b: {  	s0 =	sadd.s32 s3, s0  }
0x6c: {  	[tilespmem:s17], [sflag:$0x1] =	stream.linear.gather [hbm4b:s0+s30], $0x400, $0x38;
	[tilespmem:$0x10600] =	vst v63  }
0x6d: {  	s0 =	sand.u32 $0x1FFFFF80, s14  }
0x6e: {  	s0 =	sadd.s32 s3, s0  }
0x6f: {  	[tilespmem:s18], [sflag:$0x1] =	stream.linear.gather [hbm4b:s0+s30], $0x400, $0x38;
	[tilespmem:$0x10600] =	vst v63  }
0x70: {  	s2 =	spop (v2sf);
	(v2sf) =	vpush v50, $0xD  }
0x71: {  	s12 =	spop (v2sf);
	(v2sf) =	vpush v50, $0xE  }
0x72: {  	s0 =	sand.u32 $0x1FFFFF80, s2  }
0x73: {  	s0 =	sadd.s32 s3, s0  }
0x74: {  	[tilespmem:s19], [sflag:$0x1] =	stream.linear.gather [hbm4b:s0+s30], $0x400, $0x38;
	[tilespmem:$0x10600] =	vst v63  }
0x75: {  	s0 =	sand.u32 $0x1FFFFF80, s12  }
0x76: {  	s13 =	spop (v2sf);
	(v2sf) =	vpush v50, $0xF;
	s0 =	sadd.s32 s3, s0  }
0x77: {  	[tilespmem:s20], [sflag:$0x1] =	stream.linear.gather [hbm4b:s0+s30], $0x400, $0x38;
	[tilespmem:$0x10600] =	vst v63  }
0x78: {  	s14 =	spop (v2sf);
	s0 =	sand.u32 $0x1FFFFF80, s13  }
0x79: {  	s2 =	sand.u32 $0x1FFFFF80, s14;
	s0 =	sadd.s32 s3, s0;
	s12 =	spop (v2sf)  }
0x7a: {  	[tilespmem:s21], [sflag:$0x1] =	stream.linear.gather [hbm4b:s0+s30], $0x400, $0x38;
	[tilespmem:$0x10600] =	vst v63  }
0x7b: {  	s0 =	sadd.s32 s3, s2;
	s13 =	sand.u32 $0x1FFFFF80, s12  }
0x7c: {  	[tilespmem:s22], [sflag:$0x1] =	stream.linear.gather [hbm4b:s0+s30], $0x400, $0x38;
	[tilespmem:$0x10600] =	vst v63  }
0x7d: {  	s0 =	sadd.s32 s3, s13  }
0x7e: {  	[tilespmem:s23], [sflag:$0x1] =	stream.linear.gather [hbm4b:s0+s30], $0x400, $0x38;
	[tilespmem:$0x10600] =	vst v63  }
0x7f: {  	s14 =	spop (v2sf)  }
0x80: {  	s2 =	sand.u32 $0x1FFFFF80, s14;
	s12 =	spop (v2sf)  }
0x81: {  	s0 =	sadd.s32 s3, s2;
	s13 =	sand.u32 $0x1FFFFF80, s12  }
0x82: {  	[tilespmem:s24], [sflag:$0x1] =	stream.linear.gather [hbm4b:s0+s30], $0x400, $0x38;
	[tilespmem:$0x10600] =	vst v63  }
0x83: {  	s0 =	sadd.s32 s3, s13  }
0x84: {  	[tilespmem:s25], [sflag:$0x1] =	stream.linear.gather [hbm4b:s0+s30], $0x400, $0x38;
	[tilespmem:$0x10600] =	vst v63  }
.Ltmp3:
0x85: {  	s14 =	spop (v2sf);
	(pc) =	sbr.rel .LBB2_4-.Ltmp3, $4  }
0x86: {  	s0 =	sand.u32 $0x1FFFFF80, s14  }
0x87: {  	s0 =	sadd.s32 s3, s0  }
0x88: {  	[tilespmem:s26], [sflag:$0x1] =	stream.linear.gather [hbm4b:s0+s30], $0x400, $0x38;
	[tilespmem:$0x10600] =	vst v63  }
0x89: {  	s31 =	simm.s32 $0x1;
	s0 =	simm.s32 $0x0  }
.LBB2_6:
0x8a: {  	s2 =	sadd.s32 $0xFFFFFFFF, s31  }
0x8b: {  	s12 =	sand.u32 $0x1, s2  }
0x8c: {  	s2 =	sadd.s32 $0x1, s12  }
0x8d: {  	_ =	swait.ge [sflag:s2], $0x400  }
0x8e: {  	[sflag:s2] =	ssyncset.done $0x0  }
0x8f: {  	[sflag:s2] =	ssyncadd.s32 $0xFFFFFC00  }
0x90: {  	_ =	swait.ge [sflag:s2], $0x400  }
0x91: {  	[sflag:s2] =	ssyncset.done $0x0  }
0x92: {  	[sflag:s2] =	ssyncadd.s32 $0xFFFFFC00  }
0x93: {  	_ =	swait.ge [sflag:s2], $0x400  }
0x94: {  	[sflag:s2] =	ssyncset.done $0x0  }
0x95: {  	[sflag:s2] =	ssyncadd.s32 $0xFFFFFC00  }
0x96: {  	_ =	swait.ge [sflag:s2], $0x400  }
0x97: {  	[sflag:s2] =	ssyncset.done $0x0  }
0x98: {  	[sflag:s2] =	ssyncadd.s32 $0xFFFFFC00  }
0x99: {  	_ =	swait.ge [sflag:s2], $0x400  }
0x9a: {  	[sflag:s2] =	ssyncset.done $0x0  }
0x9b: {  	[sflag:s2] =	ssyncadd.s32 $0xFFFFFC00  }
0x9c: {  	_ =	swait.ge [sflag:s2], $0x400  }
0x9d: {  	[sflag:s2] =	ssyncset.done $0x0  }
0x9e: {  	[sflag:s2] =	ssyncadd.s32 $0xFFFFFC00  }
0x9f: {  	_ =	swait.ge [sflag:s2], $0x400  }
0xa0: {  	[sflag:s2] =	ssyncset.done $0x0  }
0xa1: {  	[sflag:s2] =	ssyncadd.s32 $0xFFFFFC00  }
0xa2: {  	_ =	swait.ge [sflag:s2], $0x400  }
0xa3: {  	[sflag:s2] =	ssyncset.done $0x0  }
0xa4: {  	[sflag:s2] =	ssyncadd.s32 $0xFFFFFC00  }
0xa5: {  	_ =	swait.ge [sflag:s2], $0x400  }
0xa6: {  	[sflag:s2] =	ssyncset.done $0x0  }
0xa7: {  	[sflag:s2] =	ssyncadd.s32 $0xFFFFFC00  }
0xa8: {  	_ =	swait.ge [sflag:s2], $0x400  }
0xa9: {  	[sflag:s2] =	ssyncset.done $0x0  }
0xaa: {  	[sflag:s2] =	ssyncadd.s32 $0xFFFFFC00  }
0xab: {  	_ =	swait.ge [sflag:s2], $0x400  }
0xac: {  	[sflag:s2] =	ssyncset.done $0x0  }
0xad: {  	[sflag:s2] =	ssyncadd.s32 $0xFFFFFC00  }
0xae: {  	_ =	swait.ge [sflag:s2], $0x400  }
0xaf: {  	[sflag:s2] =	ssyncset.done $0x0  }
0xb0: {  	[sflag:s2] =	ssyncadd.s32 $0xFFFFFC00  }
0xb1: {  	_ =	swait.ge [sflag:s2], $0x400  }
0xb2: {  	[sflag:s2] =	ssyncset.done $0x0  }
0xb3: {  	[sflag:s2] =	ssyncadd.s32 $0xFFFFFC00  }
0xb4: {  	_ =	swait.ge [sflag:s2], $0x400  }
0xb5: {  	[sflag:s2] =	ssyncset.done $0x0  }
0xb6: {  	[sflag:s2] =	ssyncadd.s32 $0xFFFFFC00  }
0xb7: {  	_ =	swait.ge [sflag:s2], $0x400  }
0xb8: {  	[sflag:s2] =	ssyncset.done $0x0  }
0xb9: {  	[sflag:s2] =	ssyncadd.s32 $0xFFFFFC00  }
0xba: {  	_ =	swait.ge [sflag:s2], $0x400  }
0xbb: {  	[sflag:s2] =	ssyncset.done $0x0  }
0xbc: {  	s14 =	sshra.s32 s0, $0x2;
	[sflag:s2] =	ssyncadd.s32 $0xFFFFFC00  }
0xbd: {  	v50 =	vld [tilespmem:s14+$0x200];
	_ =	sdelay $0x1  }
0xbe: {  	v4 =	vld [tilespmem:$0x1FE30];
	_ =	sdelay $0x2  }
0xbf: {  	s12 =	sshll.u32 s12, $0xE;
	v50 =	vshll.u32 v50, $0x7  }
0xc0: {  	v59 =	vadd.s32 s12, v50  }
0xc1: {  	v61 =	vadd.s32 v4, v59;
	v4 =	vld [tilespmem:$0x1FE40];
	_ =	sdelay $0x2  }
0xc2: {  	v51 =	vmov s30  }
0xc3: {  	v51 =	vshll.u32 v51, $0x6  }
0xc4: {  	v50 =	vor.u32 v4, v51;
	v4 =	vld [tilespmem:$0x1FE20];
	_ =	sdelay $0x4  }
0xc5: {  	v51 =	vadd.s32 v4, v59;
	v4 =	vlaneseq.u32  }
0xc6: {  	v13 =	vor.u32 v4, v50;
	v4 =	vld [tilespmem:$0x1FE50];
	_ =	sdelay $0x1  }
0xc7: {  	v5 =	vld [tilespmem:$0x1FE60];
	_ =	sdelay $0x1  }
0xc8: {  	v7 =	vld [tilespmem:$0x1FE70]  }
0xc9: {  	v9 =	vld [tilespmem:$0x1FE80];
	v62 =	vor.u32 v4, v51  }
0xca: {  	v11 =	vld [tilespmem:$0x1FE90];
	v63 =	vor.u32 v4, v50  }
0xcb: {  	v12 =	vld [tilespmem:$0x1FEA0];
	v4 =	vor.u32 v5, v51  }
0xcc: {  	v61 =	vld.idx.msk [tilespmem:v61+s11+$0x0], $0xffff;
	v5 =	vor.u32 v5, v50  }
0xcd: {  	v59 =	vld.idx.msk [tilespmem:v13+s9+$0x0], $0xffff  }
0xce: {  	v62 =	vld.idx.msk [tilespmem:v62+s11+$0x0], $0xffff  }
0xcf: {  	v6 =	vor.u32 v7, v51;
	v63 =	vld.idx.msk [tilespmem:v63+s9+$0x0], $0xffff  }
0xd0: {  	v7 =	vor.u32 v7, v50;
	v4 =	vld.idx.msk [tilespmem:v4+s11+$0x0], $0xffff  }
0xd1: {  	v10 =	vor.u32 v11, v51;
	v5 =	vld.idx.msk [tilespmem:v5+s9+$0x0], $0xffff  }
0xd2: {  	v13 =	vld [tilespmem:$0x1FEB0];
	_ =	sdelay $0x1  }
0xd3: {  	v8 =	vor.u32 v9, v51;
	v6 =	vld.idx.msk [tilespmem:v6+s11+$0x0], $0xffff  }
0xd4: {  	v9 =	vor.u32 v9, v50;
	v7 =	vld.idx.msk [tilespmem:v7+s9+$0x0], $0xffff;
	v59 =	vmul.f32 v59, v61;
	v61 =	vor.u32 v11, v50  }
0xd5: {  	v11 =	vor.u32 v12, v51;
	v62 =	vmul.f32 v63, v62;
	v4 =	vmul.f32 v5, v4;
	v5 =	vld.idx.msk [tilespmem:v10+s11+$0x0], $0xffff  }
0xd6: {  	v63 =	vor.u32 v12, v50;
	v12 =	vor.u32 v13, v51;
	v10 =	vor.u32 v13, v50;
	v13 =	vld [tilespmem:$0x1FEC0];
	_ =	sdelay $0x1  }
0xd7: {  	v8 =	vld.idx.msk [tilespmem:v8+s11+$0x0], $0xffff  }
0xd8: {  	v9 =	vld.idx.msk [tilespmem:v9+s9+$0x0], $0xffff;
	v59 =	vadd.f32 $0.0e+00, v59  }
0xd9: {  	v6 =	vmul.f32 v7, v6;
	v7 =	vld.idx.msk [tilespmem:v11+s11+$0x0], $0xffff  }
0xda: {  	v59 =	vadd.f32 v62, v59;
	v62 =	vor.u32 v13, v51;
	v11 =	vor.u32 v13, v50;
	v13 =	vld [tilespmem:$0x1FED0];
	_ =	sdelay $0x1  }
0xdb: {  	v4 =	vadd.f32 v4, v59  }
0xdc: {  	v61 =	vld.idx.msk [tilespmem:v61+s9+$0x0], $0xffff  }
0xdd: {  	v59 =	vld.idx.msk [tilespmem:v63+s9+$0x0], $0xffff;
	v4 =	vadd.f32 v6, v4  }
0xde: {  	v6 =	vmul.f32 v9, v8;
	v63 =	vor.u32 v13, v51;
	v9 =	vor.u32 v13, v50;
	v13 =	vld [tilespmem:$0x1FEE0];
	_ =	sdelay $0x3  }
0xdf: {  	v8 =	vld.idx.msk [tilespmem:v12+s11+$0x0], $0xffff  }
0xe0: {  	v5 =	vmul.f32 v61, v5;
	v12 =	vor.u32 v13, v51;
	v61 =	vor.u32 v13, v50;
	v13 =	vld [tilespmem:$0x1FEF0];
	_ =	sdelay $0x1  }
0xe1: {  	v4 =	vadd.f32 v6, v4  }
0xe2: {  	v10 =	vld.idx.msk [tilespmem:v10+s9+$0x0], $0xffff  }
0xe3: {  	v6 =	vld.idx.msk [tilespmem:v62+s11+$0x0], $0xffff;
	v4 =	vadd.f32 v5, v4  }
0xe4: {  	v5 =	vmul.f32 v59, v7;
	v62 =	vor.u32 v13, v51;
	v59 =	vor.u32 v13, v50;
	v13 =	vld [tilespmem:$0x1FF00];
	_ =	sdelay $0x2  }
0xe5: {  	v11 =	vld.idx.msk [tilespmem:v11+s9+$0x0], $0xffff  }
0xe6: {  	v4 =	vadd.f32 v5, v4;
	v7 =	vld.idx.msk [tilespmem:v63+s11+$0x0], $0xffff  }
0xe7: {  	v5 =	vmul.f32 v10, v8;
	v63 =	vor.u32 v13, v51;
	v10 =	vor.u32 v13, v50;
	v13 =	vld [tilespmem:$0x1FF10];
	_ =	sdelay $0x1  }
0xe8: {  	v9 =	vld.idx.msk [tilespmem:v9+s9+$0x0], $0xffff  }
0xe9: {  	v8 =	vld.idx.msk [tilespmem:v12+s11+$0x0], $0xffff  }
0xea: {  	v12 =	vld.idx.msk [tilespmem:v61+s9+$0x0], $0xffff  }
0xeb: {  	v4 =	vadd.f32 v5, v4;
	v5 =	vmul.f32 v11, v6;
	v6 =	vld.idx.msk [tilespmem:v62+s11+$0x0], $0xffff;
	v14 =	vor.u32 v13, v51  }
0xec: {  	v59 =	vld.idx.msk [tilespmem:v59+s9+$0x0], $0xffff;
	v11 =	vor.u32 v13, v50  }
0xed: {  	v4 =	vadd.f32 v5, v4;
	v5 =	vmul.f32 v9, v7;
	v9 =	vor.u32 v17, v50;
	v7 =	vld.idx.msk [tilespmem:v63+s11+$0x0], $0xffff  }
0xee: {  	v62 =	vor.u32 v17, v51;
	v10 =	vld.idx.msk [tilespmem:v10+s9+$0x0], $0xffff  }
0xef: {  	v4 =	vadd.f32 v5, v4;
	v5 =	vmul.f32 v12, v8;
	v12 =	vor.u32 v18, v50  }
0xf0: {  	v63 =	vor.u32 v18, v51;
	v8 =	vld.idx.msk [tilespmem:v14+s11+$0x0], $0xffff  }
0xf1: {  	v4 =	vadd.f32 v5, v4;
	v5 =	vmul.f32 v59, v6;
	v59 =	vor.u32 v19, v50;
	v11 =	vld.idx.msk [tilespmem:v11+s9+$0x0], $0xffff  }
0xf2: {  	v61 =	vor.u32 v19, v51;
	v9 =	vld.idx.msk [tilespmem:v9+s9+$0x0], $0xffff  }
0xf3: {  	v6 =	vld.idx.msk [tilespmem:v62+s11+$0x0], $0xffff;
	v4 =	vadd.f32 v5, v4;
	v5 =	vmul.f32 v10, v7;
	v10 =	vor.u32 v20, v50  }
0xf4: {  	v62 =	vor.u32 v20, v51;
	v12 =	vld.idx.msk [tilespmem:v12+s9+$0x0], $0xffff  }
0xf5: {  	v13 =	vor.u32 v21, v51;
	v7 =	vld.idx.msk [tilespmem:v63+s11+$0x0], $0xffff  }
0xf6: {  	v59 =	vld.idx.msk [tilespmem:v59+s9+$0x0], $0xffff;
	v4 =	vadd.f32 v5, v4;
	v5 =	vmul.f32 v11, v8;
	v11 =	vor.u32 v21, v50  }
0xf7: {  	v8 =	vld.idx.msk [tilespmem:v61+s11+$0x0], $0xffff;
	v61 =	vor.u32 v22, v51  }
0xf8: {  	v10 =	vld.idx.msk [tilespmem:v10+s9+$0x0], $0xffff;
	v4 =	vadd.f32 v5, v4;
	v5 =	vmul.f32 v9, v6;
	v9 =	vor.u32 v22, v50  }
0xf9: {  	v6 =	vld.idx.msk [tilespmem:v62+s11+$0x0], $0xffff;
	v62 =	vor.u32 v23, v51  }
0xfa: {  	v4 =	vadd.f32 v5, v4;
	v5 =	vmul.f32 v12, v7;
	v7 =	vld.idx.msk [tilespmem:v13+s11+$0x0], $0xffff;
	v12 =	vor.u32 v23, v50  }
0xfb: {  	v63 =	vor.u32 v24, v51;
	v11 =	vld.idx.msk [tilespmem:v11+s9+$0x0], $0xffff  }
0xfc: {  	v4 =	vadd.f32 v5, v4;
	v5 =	vmul.f32 v59, v8;
	v8 =	vld.idx.msk [tilespmem:v61+s11+$0x0], $0xffff;
	v59 =	vor.u32 v24, v50  }
0xfd: {  	v61 =	vor.u32 v25, v51;
	v9 =	vld.idx.msk [tilespmem:v9+s9+$0x0], $0xffff  }
0xfe: {  	v4 =	vadd.f32 v5, v4;
	v5 =	vmul.f32 v10, v6;
	v6 =	vld.idx.msk [tilespmem:v62+s11+$0x0], $0xffff;
	v10 =	vor.u32 v25, v50  }
0xff: {  	v14 =	vor.u32 v26, v51;
	v12 =	vld.idx.msk [tilespmem:v12+s9+$0x0], $0xffff  }
0x100: {  	v4 =	vadd.f32 v5, v4;
	v5 =	vmul.f32 v11, v7;
	v7 =	vld.idx.msk [tilespmem:v63+s11+$0x0], $0xffff;
	v11 =	vor.u32 v26, v50  }
0x101: {  	v63 =	vor.u32 v27, v51;
	v59 =	vld.idx.msk [tilespmem:v59+s9+$0x0], $0xffff  }
0x102: {  	v4 =	vadd.f32 v5, v4;
	v5 =	vmul.f32 v9, v8;
	v8 =	vld.idx.msk [tilespmem:v61+s11+$0x0], $0xffff;
	v9 =	vor.u32 v27, v50  }
0x103: {  	v61 =	vor.u32 v28, v51;
	v10 =	vld.idx.msk [tilespmem:v10+s9+$0x0], $0xffff  }
0x104: {  	v4 =	vadd.f32 v5, v4;
	v5 =	vmul.f32 v12, v6;
	v6 =	vld.idx.msk [tilespmem:v14+s11+$0x0], $0xffff;
	v12 =	vor.u32 v28, v50  }
0x105: {  	v62 =	vor.u32 v29, v51;
	v11 =	vld.idx.msk [tilespmem:v11+s9+$0x0], $0xffff  }
0x106: {  	v4 =	vadd.f32 v5, v4;
	v5 =	vmul.f32 v59, v7;
	v7 =	vld.idx.msk [tilespmem:v63+s11+$0x0], $0xffff;
	v59 =	vor.u32 v29, v50  }
0x107: {  	v63 =	vor.u32 v30, v51;
	v9 =	vld.idx.msk [tilespmem:v9+s9+$0x0], $0xffff  }
0x108: {  	v4 =	vadd.f32 v5, v4;
	v5 =	vmul.f32 v10, v8;
	v8 =	vld.idx.msk [tilespmem:v61+s11+$0x0], $0xffff;
	v10 =	vor.u32 v30, v50  }
0x109: {  	v13 =	vor.u32 v31, v51;
	v12 =	vld.idx.msk [tilespmem:v12+s9+$0x0], $0xffff  }
0x10a: {  	v4 =	vadd.f32 v5, v4;
	v5 =	vmul.f32 v11, v6;
	v6 =	vld.idx.msk [tilespmem:v62+s11+$0x0], $0xffff;
	v11 =	vor.u32 v31, v50  }
0x10b: {  	v62 =	vor.u32 v32, v51;
	v59 =	vld.idx.msk [tilespmem:v59+s9+$0x0], $0xffff  }
0x10c: {  	v4 =	vadd.f32 v5, v4;
	v5 =	vmul.f32 v9, v7;
	v7 =	vld.idx.msk [tilespmem:v63+s11+$0x0], $0xffff;
	v9 =	vor.u32 v32, v50  }
0x10d: {  	v63 =	vor.u32 v33, v51;
	v10 =	vld.idx.msk [tilespmem:v10+s9+$0x0], $0xffff  }
0x10e: {  	v4 =	vadd.f32 v5, v4;
	v5 =	vmul.f32 v12, v8;
	v8 =	vld.idx.msk [tilespmem:v13+s11+$0x0], $0xffff;
	v12 =	vor.u32 v33, v50  }
0x10f: {  	v61 =	vor.u32 v34, v51;
	v11 =	vld.idx.msk [tilespmem:v11+s9+$0x0], $0xffff  }
0x110: {  	v4 =	vadd.f32 v5, v4;
	v5 =	vmul.f32 v59, v6;
	v6 =	vld.idx.msk [tilespmem:v62+s11+$0x0], $0xffff;
	v59 =	vor.u32 v34, v50  }
0x111: {  	v62 =	vor.u32 v35, v51;
	v9 =	vld.idx.msk [tilespmem:v9+s9+$0x0], $0xffff  }
0x112: {  	v4 =	vadd.f32 v5, v4;
	v5 =	vmul.f32 v10, v7;
	v7 =	vld.idx.msk [tilespmem:v63+s11+$0x0], $0xffff;
	v10 =	vor.u32 v35, v50  }
0x113: {  	v14 =	vor.u32 v38, v51;
	v12 =	vld.idx.msk [tilespmem:v12+s9+$0x0], $0xffff  }
0x114: {  	v4 =	vadd.f32 v5, v4;
	v5 =	vmul.f32 v11, v8;
	v8 =	vld.idx.msk [tilespmem:v61+s11+$0x0], $0xffff;
	v11 =	vor.u32 v38, v50  }
0x115: {  	v61 =	vor.u32 v41, v51;
	v59 =	vld.idx.msk [tilespmem:v59+s9+$0x0], $0xffff  }
0x116: {  	v4 =	vadd.f32 v5, v4;
	v5 =	vmul.f32 v9, v6;
	v6 =	vld.idx.msk [tilespmem:v62+s11+$0x0], $0xffff;
	v9 =	vor.u32 v41, v50  }
0x117: {  	v62 =	vor.u32 v42, v51;
	v10 =	vld.idx.msk [tilespmem:v10+s9+$0x0], $0xffff  }
0x118: {  	v4 =	vadd.f32 v5, v4;
	v5 =	vmul.f32 v12, v7;
	v7 =	vld.idx.msk [tilespmem:v14+s11+$0x0], $0xffff;
	v12 =	vor.u32 v42, v50  }
0x119: {  	v63 =	vor.u32 v58, v51;
	v11 =	vld.idx.msk [tilespmem:v11+s9+$0x0], $0xffff  }
0x11a: {  	v4 =	vadd.f32 v5, v4;
	v5 =	vmul.f32 v59, v8;
	v8 =	vld.idx.msk [tilespmem:v61+s11+$0x0], $0xffff;
	v59 =	vor.u32 v58, v50  }
0x11b: {  	v61 =	vor.u32 v0, v51;
	v9 =	vld.idx.msk [tilespmem:v9+s9+$0x0], $0xffff  }
0x11c: {  	v4 =	vadd.f32 v5, v4;
	v5 =	vmul.f32 v10, v6;
	v6 =	vld.idx.msk [tilespmem:v62+s11+$0x0], $0xffff;
	v10 =	vor.u32 v0, v50  }
0x11d: {  	v13 =	vor.u32 v1, v51;
	v12 =	vld.idx.msk [tilespmem:v12+s9+$0x0], $0xffff  }
0x11e: {  	v4 =	vadd.f32 v5, v4;
	v5 =	vmul.f32 v11, v7;
	v7 =	vld.idx.msk [tilespmem:v63+s11+$0x0], $0xffff;
	v11 =	vor.u32 v1, v50  }
0x11f: {  	v63 =	vor.u32 v2, v51;
	v59 =	vld.idx.msk [tilespmem:v59+s9+$0x0], $0xffff  }
0x120: {  	v4 =	vadd.f32 v5, v4;
	v5 =	vmul.f32 v9, v8;
	v8 =	vld.idx.msk [tilespmem:v61+s11+$0x0], $0xffff;
	v9 =	vor.u32 v2, v50  }
0x121: {  	v61 =	vor.u32 v3, v51;
	v10 =	vld.idx.msk [tilespmem:v10+s9+$0x0], $0xffff  }
0x122: {  	v4 =	vadd.f32 v5, v4;
	v5 =	vmul.f32 v12, v6;
	v6 =	vld.idx.msk [tilespmem:v13+s11+$0x0], $0xffff;
	v12 =	vor.u32 v3, v50  }
0x123: {  	v62 =	vor.u32 v36, v51;
	v11 =	vld.idx.msk [tilespmem:v11+s9+$0x0], $0xffff  }
0x124: {  	v4 =	vadd.f32 v5, v4;
	v5 =	vmul.f32 v59, v7;
	v7 =	vld.idx.msk [tilespmem:v63+s11+$0x0], $0xffff;
	v59 =	vor.u32 v36, v50  }
0x125: {  	v9 =	vld.idx.msk [tilespmem:v9+s9+$0x0], $0xffff  }
0x126: {  	v63 =	vor.u32 v37, v51;
	v4 =	vadd.f32 v5, v4;
	v5 =	vmul.f32 v10, v8;
	v8 =	vld.idx.msk [tilespmem:v61+s11+$0x0], $0xffff  }
0x127: {  	v10 =	vor.u32 v37, v50;
	v12 =	vld.idx.msk [tilespmem:v12+s9+$0x0], $0xffff  }
0x128: {  	v14 =	vor.u32 v39, v51;
	v4 =	vadd.f32 v5, v4;
	v5 =	vmul.f32 v11, v6;
	v6 =	vld.idx.msk [tilespmem:v62+s11+$0x0], $0xffff  }
0x129: {  	v11 =	vor.u32 v39, v50;
	v59 =	vld.idx.msk [tilespmem:v59+s9+$0x0], $0xffff  }
0x12a: {  	v62 =	vor.u32 v40, v51;
	v4 =	vadd.f32 v5, v4;
	v5 =	vmul.f32 v9, v7  }
0x12b: {  	v7 =	vld.idx.msk [tilespmem:v63+s11+$0x0], $0xffff;
	v9 =	vor.u32 v40, v50  }
0x12c: {  	v63 =	vor.u32 v45, v51;
	v10 =	vld.idx.msk [tilespmem:v10+s9+$0x0], $0xffff;
	v4 =	vadd.f32 v5, v4;
	v5 =	vmul.f32 v12, v8  }
0x12d: {  	v61 =	vor.u32 v46, v50;
	v8 =	vld.idx.msk [tilespmem:v14+s11+$0x0], $0xffff  }
0x12e: {  	v11 =	vld.idx.msk [tilespmem:v11+s9+$0x0], $0xffff;
	v4 =	vadd.f32 v5, v4;
	v5 =	vmul.f32 v59, v6;
	v59 =	vor.u32 v46, v51  }
0x12f: {  	v12 =	vor.u32 v45, v50;
	v6 =	vld.idx.msk [tilespmem:v62+s11+$0x0], $0xffff  }
0x130: {  	v9 =	vld.idx.msk [tilespmem:v9+s9+$0x0], $0xffff  }
0x131: {  	v62 =	vor.u32 v47, v50;
	v4 =	vadd.f32 v5, v4;
	v5 =	vmul.f32 v10, v7;
	v7 =	vld.idx.msk [tilespmem:v63+s11+$0x0], $0xffff  }
0x132: {  	v63 =	vld.idx.msk [tilespmem:v61+s9+$0x0], $0xffff  }
0x133: {  	v4 =	vadd.f32 v5, v4;
	v5 =	vmul.f32 v11, v8;
	v11 =	vld.idx.msk [tilespmem:v59+s11+$0x0], $0xffff  }
0x134: {  	v10 =	vld.idx.msk [tilespmem:v12+s9+$0x0], $0xffff;
	v12 =	vor.u32 v47, v51;
	_ =	sdelay $0x1  }
0x135: {  	v8 =	vld.idx.msk [tilespmem:v62+s9+$0x0], $0xffff  }
0x136: {  	v61 =	vor.u32 v48, v51;
	v62 =	vld [tilespmem:$0x1FFC0];
	v4 =	vadd.f32 v5, v4;
	v5 =	vmul.f32 v9, v6  }
0x137: {  	v6 =	vmul.f32 v63, v11;
	v63 =	vld [tilespmem:$0x1FFB0]  }
0x138: {  	v4 =	vadd.f32 v5, v4;
	v5 =	vmul.f32 v10, v7;
	v7 =	vld.idx.msk [tilespmem:v12+s11+$0x0], $0xffff;
	v10 =	vor.u32 v43, v51;
	_ =	sdelay $0x2  }
0x139: {  	v9 =	vld.idx.msk [tilespmem:v61+s11+$0x0], $0xffff;
	v12 =	vsel vm0, v62, v60  }
0x13a: {  	v61 =	vld [tilespmem:$0x1FF20];
	v4 =	vadd.f32 v5, v4;
	v14 =	vcombine.low v63, v12  }
0x13b: {  	v7 =	vmul.f32 v8, v7;
	v8 =	vld.idx.msk [tilespmem:v10+s11+$0x0], $0xffff  }
0x13c: {  	v4 =	vadd.f32 v6, v4;
	v6 =	vor.u32 v14, v51;
	v10 =	vor.u32 v14, v50;
	v14 =	vld [tilespmem:$0x1FF30]  }
0x13d: {  	v13 =	vld [tilespmem:$0x1FF70];
	_ =	sdelay $0x3  }
0x13e: {  	v61 =	vsel vm0, v14, v61;
	v14 =	vld [tilespmem:$0x1FF50]  }
0x13f: {  	v61 =	vcombine.low v61, v13;
	v13 =	vld [tilespmem:$0x1FF40];
	_ =	sdelay $0x3  }
0x140: {  	v5 =	vor.u32 v43, v50  }
0x141: {  	v13 =	vsel vm0, v14, v13;
	v14 =	vld [tilespmem:$0x1FF80];
	_ =	sdelay $0x1  }
0x142: {  	v59 =	vor.u32 v48, v50  }
0x143: {  	v15 =	vld [tilespmem:$0x1FFD0];
	v11 =	vor.u32 v44, v51  }
0x144: {  	v5 =	vld.idx.msk [tilespmem:v5+s9+$0x0], $0xffff;
	v63 =	vor.u32 v49, v51  }
0x145: {  	v13 =	vcombine.low v13, v14;
	v14 =	vld [tilespmem:$0x1FFA0]  }
0x146: {  	v16 =	vld [tilespmem:$0x1FFE0]  }
0x147: {  	v59 =	vld.idx.msk [tilespmem:v59+s9+$0x0], $0xffff;
	v62 =	vor.u32 v44, v50  }
0x148: {  	v4 =	vadd.f32 v7, v4;
	v7 =	vld.idx.msk [tilespmem:v11+s11+$0x0], $0xffff  }
0x149: {  	v5 =	vmul.f32 v5, v8;
	v8 =	vld.idx.msk [tilespmem:v63+s11+$0x0], $0xffff  }
0x14a: {  	v63 =	vld [tilespmem:$0x1FF60];
	v14 =	vsel vm0, v60, v14  }
0x14b: {  	v11 =	vor.u32 v49, v50;
	v14 =	vcombine.low v14, v15;
	v15 =	vld [tilespmem:$0x1FF90]  }
0x14c: {  	v9 =	vmul.f32 v59, v9;
	v59 =	vld.idx.msk [tilespmem:v62+s9+$0x0], $0xffff;
	v62 =	vor.u32 v61, v51  }
0x14d: {  	v6 =	vld.idx.msk [tilespmem:v6+s11+$0x0], $0xffff  }
0x14e: {  	v4 =	vadd.f32 v9, v4;
	v9 =	vld.idx.msk [tilespmem:v10+s9+$0x0], $0xffff;
	v61 =	vor.u32 v61, v50  }
0x14f: {  	v10 =	vor.u32 v13, v51  }
0x150: {  	v11 =	vld.idx.msk [tilespmem:v11+s9+$0x0], $0xffff;
	v4 =	vadd.f32 v5, v4;
	v13 =	vor.u32 v13, v50;
	v63 =	vsel vm0, v15, v63  }
0x151: {  	v5 =	vmul.f32 v59, v7;
	v7 =	vld.idx.msk [tilespmem:v62+s11+$0x0], $0xffff;
	v15 =	vor.u32 v14, v51;
	v63 =	vcombine.low v63, v16  }
0x152: {  	v14 =	vor.u32 v14, v50;
	v16 =	vld [tilespmem:$0x1FFF0]  }
0x153: {  	v4 =	vadd.f32 v5, v4;
	v5 =	vmul.f32 v9, v6;
	v59 =	vld.idx.msk [tilespmem:v61+s9+$0x0], $0xffff;
	v61 =	vor.u32 v63, v51  }
0x154: {  	v6 =	vld.idx.msk [tilespmem:v10+s11+$0x0], $0xffff;
	v63 =	vor.u32 v63, v50  }
0x155: {  	v4 =	vadd.f32 v5, v4;
	v5 =	vmul.f32 v11, v8;
	v11 =	vor.u32 v52, v50;
	v10 =	vld.idx.msk [tilespmem:v13+s9+$0x0], $0xffff  }
0x156: {  	v13 =	vor.u32 v52, v51;
	v8 =	vld.idx.msk [tilespmem:v15+s11+$0x0], $0xffff  }
0x157: {  	v14 =	vld.idx.msk [tilespmem:v14+s9+$0x0], $0xffff;
	v15 =	vor.u32 v53, v51;
	v12 =	vcombine.low v12, v16  }
0x158: {  	v4 =	vadd.f32 v5, v4;
	v5 =	vmul.f32 v59, v7;
	v59 =	vor.u32 v53, v50;
	v7 =	vld.idx.msk [tilespmem:v61+s11+$0x0], $0xffff  }
0x159: {  	v9 =	vld.idx.msk [tilespmem:v63+s9+$0x0], $0xffff;
	v61 =	vor.u32 v12, v51  }
0x15a: {  	v11 =	vld.idx.msk [tilespmem:v11+s9+$0x0], $0xffff;
	v4 =	vadd.f32 v5, v4;
	v5 =	vmul.f32 v10, v6;
	v10 =	vor.u32 v12, v50  }
0x15b: {  	v62 =	vor.u32 v54, v51;
	v6 =	vld.idx.msk [tilespmem:v13+s11+$0x0], $0xffff  }
0x15c: {  	v4 =	vadd.f32 v5, v4;
	v63 =	vor.u32 v54, v50;
	v5 =	vmul.f32 v14, v8;
	v8 =	vld.idx.msk [tilespmem:v15+s11+$0x0], $0xffff  }
0x15d: {  	v14 =	vld.idx.msk [tilespmem:v59+s9+$0x0], $0xffff;
	v15 =	vor.u32 v55, v51  }
0x15e: {  	v4 =	vadd.f32 v5, v4;
	v5 =	vmul.f32 v9, v7;
	v7 =	vld.idx.msk [tilespmem:v61+s11+$0x0], $0xffff;
	v9 =	vor.u32 v55, v50  }
0x15f: {  	v59 =	vor.u32 v56, v51;
	v10 =	vld.idx.msk [tilespmem:v10+s9+$0x0], $0xffff  }
0x160: {  	v61 =	vor.u32 v56, v50;
	v4 =	vadd.f32 v5, v4;
	v5 =	vmul.f32 v11, v6;
	v6 =	vld.idx.msk [tilespmem:v62+s11+$0x0], $0xffff  }
0x161: {  	v62 =	vld.idx.msk [tilespmem:v63+s9+$0x0], $0xffff;
	v63 =	vor.u32 v57, v51  }
0x162: {  	v51 =	vor.u32 v57, v50;
	v4 =	vadd.f32 v5, v4;
	v5 =	vmul.f32 v14, v8;
	v8 =	vld.idx.msk [tilespmem:v15+s11+$0x0], $0xffff  }
0x163: {  	v9 =	vld.idx.msk [tilespmem:v9+s9+$0x0], $0xffff  }
0x164: {  	v59 =	vld.idx.msk [tilespmem:v59+s11+$0x0], $0xffff;
	v4 =	vadd.f32 v5, v4;
	v5 =	vmul.f32 v10, v7  }
0x165: {  	v61 =	vld.idx.msk [tilespmem:v61+s9+$0x0], $0xffff  }
0x166: {  	v4 =	vadd.f32 v5, v4;
	v5 =	vmul.f32 v62, v6;
	v62 =	vld.idx.msk [tilespmem:v63+s11+$0x0], $0xffff  }
0x167: {  	v63 =	vld.idx.msk [tilespmem:v51+s9+$0x0], $0xffff  }
0x168: {  	v4 =	vadd.f32 v5, v4;
	v5 =	vmul.f32 v9, v8;
	_ =	sdelay $0x1  }
0x169: {  	s0 =	sadd.s32 $0x40, s0;
	v4 =	vadd.f32 v5, v4;
	v5 =	vmul.f32 v61, v59  }
0x16a: {  	p0 =	sne.s32 s0, $0x800  }
.Ltmp4:
0x16b: {  	v4 =	vadd.f32 v5, v4;
	v5 =	vmul.f32 v63, v62;
	(pc) =	sbr.rel @!p0 .LBB2_7-.Ltmp4, $3  }
0x16c: {  	_ = 	snop  }
0x16d: {  	v4 =	vadd.f32 v5, v4;
	_ =	sdelay $0x1  }
0x16e: {  	s30 =	sadd.s32 $0x10, s30;
	s31 =	sadd.s32 $0x1, s31;
	[tilespmem:s14+$0x10400] =	vst v4  }
.LBB2_4:
0x16f: {  	p0 =	seq.s32 s0, $0x7C0  }
.Ltmp5:
0x170: {  	_ = 	snop;
	(pc) =	sbr.rel @p0 .LBB2_6-.Ltmp5, $1  }
0x171: {  	_ =	sdelay $0x3  }
0x172: {  	s2 =	sshra.s32 s0, $0x2  }
0x173: {  	v50 =	vld [tilespmem:s2+$0x10];
	_ =	sdelay $0x4  }
0x174: {  	v50 =	vshrl.u32 v50, $0x3  }
0x175: {  	v50 =	vshll.u32 v50, $0x7  }
0x176: {  	(v2sf) =	vpush v50, $0x0;
	_ =	sdelay $0x3  }
0x177: {  	(v2sf) =	vpush v50, $0x1;
	_ =	sdelay $0x3  }
0x178: {  	(v2sf) =	vpush v50, $0x2;
	_ =	sdelay $0x3  }
0x179: {  	(v2sf) =	vpush v50, $0x3;
	_ =	sdelay $0x2  }
0x17a: {  	s12 =	sand.u32 $0x1, s31;
	s13 =	spop (v2sf)  }
0x17b: {  	s2 =	sshll.u32 s12, $0xE;
	(v2sf) =	vpush v50, $0x4;
	s13 =	sand.u32 $0x1FFFFF80, s13  }
0x17c: {  	s12 =	sadd.s32 $0x1, s12;
	s14 =	sor.u32 $0x400, s2;
	s13 =	sadd.s32 s3, s13  }
0x17d: {  	[tilespmem:s14], [sflag:s12] =	stream.linear.gather [hbm4b:s13+s1], $0x400, $0x38;
	[tilespmem:$0x10600] =	vst v63  }
0x17e: {  	s14 =	spop (v2sf)  }
0x17f: {  	(v2sf) =	vpush v50, $0x5;
	s13 =	sand.u32 $0x1FFFFF80, s14  }
0x180: {  	s14 =	sor.u32 $0x800, s2;
	s13 =	sadd.s32 s3, s13  }
0x181: {  	[tilespmem:s14], [sflag:s12] =	stream.linear.gather [hbm4b:s13+s1], $0x400, $0x38;
	[tilespmem:$0x10600] =	vst v63  }
0x182: {  	s14 =	spop (v2sf)  }
0x183: {  	(v2sf) =	vpush v50, $0x6;
	s13 =	sand.u32 $0x1FFFFF80, s14  }
0x184: {  	s14 =	sor.u32 $0xC00, s2;
	s13 =	sadd.s32 s3, s13  }
0x185: {  	[tilespmem:s14], [sflag:s12] =	stream.linear.gather [hbm4b:s13+s1], $0x400, $0x38;
	[tilespmem:$0x10600] =	vst v63  }
0x186: {  	s14 =	spop (v2sf)  }
0x187: {  	(v2sf) =	vpush v50, $0x7;
	s13 =	sand.u32 $0x1FFFFF80, s14  }
0x188: {  	s14 =	sor.u32 $0x1000, s2;
	s13 =	sadd.s32 s3, s13  }
0x189: {  	[tilespmem:s14], [sflag:s12] =	stream.linear.gather [hbm4b:s13+s1], $0x400, $0x38;
	[tilespmem:$0x10600] =	vst v63  }
0x18a: {  	s14 =	spop (v2sf)  }
0x18b: {  	(v2sf) =	vpush v50, $0x8;
	s13 =	sand.u32 $0x1FFFFF80, s14  }
0x18c: {  	s14 =	sor.u32 $0x1400, s2;
	s13 =	sadd.s32 s3, s13  }
0x18d: {  	[tilespmem:s14], [sflag:s12] =	stream.linear.gather [hbm4b:s13+s1], $0x400, $0x38;
	[tilespmem:$0x10600] =	vst v63  }
0x18e: {  	s14 =	spop (v2sf)  }
0x18f: {  	(v2sf) =	vpush v50, $0x9;
	s13 =	sand.u32 $0x1FFFFF80, s14  }
0x190: {  	s14 =	sor.u32 $0x1800, s2;
	s13 =	sadd.s32 s3, s13  }
0x191: {  	[tilespmem:s14], [sflag:s12] =	stream.linear.gather [hbm4b:s13+s1], $0x400, $0x38;
	[tilespmem:$0x10600] =	vst v63  }
0x192: {  	s14 =	spop (v2sf)  }
0x193: {  	(v2sf) =	vpush v50, $0xA;
	s13 =	sand.u32 $0x1FFFFF80, s14  }
0x194: {  	s14 =	sor.u32 $0x1C00, s2;
	s13 =	sadd.s32 s3, s13  }
0x195: {  	[tilespmem:s14], [sflag:s12] =	stream.linear.gather [hbm4b:s13+s1], $0x400, $0x38;
	[tilespmem:$0x10600] =	vst v63  }
0x196: {  	s14 =	spop (v2sf)  }
0x197: {  	(v2sf) =	vpush v50, $0xB;
	s13 =	sand.u32 $0x1FFFFF80, s14  }
0x198: {  	s14 =	sor.u32 $0x2000, s2;
	s13 =	sadd.s32 s3, s13  }
0x199: {  	[tilespmem:s14], [sflag:s12] =	stream.linear.gather [hbm4b:s13+s1], $0x400, $0x38;
	[tilespmem:$0x10600] =	vst v63  }
0x19a: {  	s14 =	spop (v2sf)  }
0x19b: {  	(v2sf) =	vpush v50, $0xC;
	s13 =	sand.u32 $0x1FFFFF80, s14  }
0x19c: {  	s14 =	sor.u32 $0x2400, s2;
	s13 =	sadd.s32 s3, s13  }
0x19d: {  	[tilespmem:s14], [sflag:s12] =	stream.linear.gather [hbm4b:s13+s1], $0x400, $0x38;
	[tilespmem:$0x10600] =	vst v63  }
0x19e: {  	s14 =	spop (v2sf)  }
0x19f: {  	(v2sf) =	vpush v50, $0xD;
	s13 =	sand.u32 $0x1FFFFF80, s14  }
0x1a0: {  	s14 =	sor.u32 $0x2800, s2;
	s13 =	sadd.s32 s3, s13  }
0x1a1: {  	[tilespmem:s14], [sflag:s12] =	stream.linear.gather [hbm4b:s13+s1], $0x400, $0x38;
	[tilespmem:$0x10600] =	vst v63  }
0x1a2: {  	s14 =	spop (v2sf)  }
0x1a3: {  	(v2sf) =	vpush v50, $0xE;
	s13 =	sand.u32 $0x1FFFFF80, s14  }
0x1a4: {  	s14 =	sor.u32 $0x2C00, s2;
	s13 =	sadd.s32 s3, s13  }
0x1a5: {  	[tilespmem:s14], [sflag:s12] =	stream.linear.gather [hbm4b:s13+s1], $0x400, $0x38;
	[tilespmem:$0x10600] =	vst v63  }
0x1a6: {  	s14 =	spop (v2sf)  }
0x1a7: {  	s13 =	sand.u32 $0x1FFFFF80, s14  }
0x1a8: {  	(v2sf) =	vpush v50, $0xF;
	s14 =	sor.u32 $0x3000, s2;
	s13 =	sadd.s32 s3, s13  }
0x1a9: {  	[tilespmem:s14], [sflag:s12] =	stream.linear.gather [hbm4b:s13+s1], $0x400, $0x38;
	[tilespmem:$0x10600] =	vst v63  }
0x1aa: {  	s14 =	spop (v2sf)  }
0x1ab: {  	s13 =	sand.u32 $0x1FFFFF80, s14  }
0x1ac: {  	s14 =	sor.u32 $0x3400, s2;
	s13 =	sadd.s32 s3, s13  }
0x1ad: {  	[tilespmem:s14], [sflag:s12] =	stream.linear.gather [hbm4b:s13+s1], $0x400, $0x38;
	[tilespmem:$0x10600] =	vst v63  }
0x1ae: {  	s14 =	spop (v2sf)  }
0x1af: {  	s13 =	sand.u32 $0x1FFFFF80, s14  }
0x1b0: {  	s14 =	sor.u32 $0x3800, s2;
	s13 =	sadd.s32 s3, s13  }
0x1b1: {  	[tilespmem:s14], [sflag:s12] =	stream.linear.gather [hbm4b:s13+s1], $0x400, $0x38;
	[tilespmem:$0x10600] =	vst v63  }
0x1b2: {  	s14 =	spop (v2sf)  }
0x1b3: {  	s13 =	sand.u32 $0x1FFFFF80, s14  }
0x1b4: {  	s14 =	sor.u32 $0x3C00, s2;
	s13 =	sadd.s32 s3, s13  }
0x1b5: {  	[tilespmem:s14], [sflag:s12] =	stream.linear.gather [hbm4b:s13+s1], $0x400, $0x38;
	[tilespmem:$0x10600] =	vst v63  }
.Ltmp6:
0x1b6: {  	_ = 	snop;
	(pc) =	sbr.rel .LBB2_6-.Ltmp6, $4  }
0x1b7: {  	s14 =	spop (v2sf)  }
0x1b8: {  	s13 =	sand.u32 $0x1FFFFF80, s14  }
0x1b9: {  	s2 =	sadd.s32 $0x4000, s2;
	s13 =	sadd.s32 s3, s13  }
0x1ba: {  	[tilespmem:s2], [sflag:s12] =	stream.linear.gather [hbm4b:s13+s1], $0x400, $0x38;
	[tilespmem:$0x10600] =	vst v63  }
.LBB2_8:
0x1bb: {  	_ =	sfence.sel $0x180000  }
0x1bc: {  	[bflag:$0x0] =	sbarrier.arrive $0xFFFF  }
0x1bd: {  	_ =	strace $0x9000004A  }
0x1be: {  	s0 =	stileid.u32;
	[bflag:$0x2] =	sbarrier.arrive $0xFFFF  }
0x1bf: {  	p0 =	sne.s32 s0, $0x0;
	s0 =	rddreg [dreg:$0x3]  }
0x1c0: {  	s0 =	sadd.s32 @!p0 $0x100000, s0  }
0x1c1: {  	[sflag:s0] =	ssyncadd.tile.s32 @!p0 $0x1;
	_ =	shalt  }
.Lfunc_end2:
_tile_overlayer_lowered:
.L_overlay_start_2:
0x1c2: {  	(tag) =	ssettag $0x2  }
0x1c3: {  	s0 =	rddreg [dreg:$0x0];
	s2 =	stileid.u32  }
0x1c4: {  	s1 =	rddreg [dreg:$0x1];
	p0 =	sne.s32 s2, $0x0  }
0x1c5: {  	s3 =	rddreg [dreg:$0x2];
	[bflag:$0x3] =	sbarrier.arrive $0xFFFF;
	s2 =	simm.s32 @!p0 $0x1C04  }
0x1c6: {  	[timem:s3], [sflag:s2] =	dma.local @!p0 [hbm:s0], s1  }
0x1c7: {  	s0 =	simm.s32 @!p0 $0x4  }
0x1c8: {  	_ =	swait.ge @!p0 [sflag:s0], s1  }
0x1c9: {  	s1 =	ssub.s32 @!p0 $0x0, s1;
	[sflag:s0] =	ssyncset.done @!p0 $0x0  }
0x1ca: {  	[sflag:s0] =	ssyncadd.s32 @!p0 s1  }
0x1cb: {  	[bflag:$0x3] =	sbarrier.arrive $0xFFFF  }
0x1cc: {  	_ =	shalt  }

</sc_bundles>
